<compile_context>
chip_gen: v7x
topology: tpu7x:2x2x1
jax: 0.10.2.dev20260603
libtpu: 0.0.44.dev20260713+nightly
codegen_flags: <defaults>
</compile_context>

<pallas_src>
import jax
import jax.numpy as jnp
from jax import lax
from jax.experimental import pallas as pl
from jax.experimental.pallas import tpu as pltpu
from jax.experimental.pallas import tpu_sc as plsc

_B, _N, _D = 4, 8193, 1024
_G = 2048
_NC, _NS, _L = 2, 16, 16
_NW = _NC * _NS
_GPW = _G // _NW
_C = 2
_NGRP = _GPW // 8
_NCHUNK = _GPW // _C
_SLAB = _D // _L
_CT = _D // 128


def _body(hv_hbm, out_hbm, chbuf, rtbuf, obuf, sem_g, sem_o):
    cid = lax.axis_index("c")
    sid = lax.axis_index("s")
    wid = sid * _NC + cid
    g0w = wid * _GPW

    def gather_descs(s, cg):
        gbase = g0w + cg * _C
        return (
            pltpu.make_async_copy(
                hv_hbm.at[pl.ds(4 * gbase + 1, 4 * _C)], chbuf[s], sem_g[s]),
            pltpu.make_async_copy(
                hv_hbm.at[pl.ds(gbase, _C)], rtbuf[s], sem_g[s]),
        )

    def issue_gather(s, cg):
        for d in gather_descs(s, cg):
            d.start()

    def wait_gather(s, cg):
        for d in gather_descs(s, cg):
            d.wait()

    def scatter_descs(gidx):
        gb8 = g0w + gidx * 8
        return [
            pltpu.make_async_copy(
                obuf.at[pl.ds(b * 8, 8)],
                out_hbm.at[b, pl.ds(gb8, 8)], sem_o)
            for b in range(_B)
        ]

    def compute(s, cidx):
        ch = chbuf[s]
        rt = rtbuf[s]

        def iter_bc(m, carry):
            b = m // _CT
            ct = m % _CT
            row = ct * 4 + b
            cb = ct * 128
            for gl in range(_C):
                orow = b * 8 + cidx * _C + gl
                for lg4 in range(0, 8, 4):
                    loads = [[ch[4 * gl + j, row,
                                 pl.ds((lg4 + u) * _L, _L)]
                              for j in range(4)]
                             + [rt[gl, row, pl.ds((lg4 + u) * _L, _L)]]
                             for u in range(4)]
                    for u in range(4):
                        l = loads[u]
                        v = (l[0] + l[1]) + (l[2] + l[3])
                        obuf[orow, pl.ds(cb + (lg4 + u) * _L, _L)] = (
                            (v + l[4]) * 0.2)
            return carry

        lax.fori_loop(0, _B * _CT, iter_bc, 0)

    for s in range(2):
        issue_gather(s, jnp.int32(s))

    def group(gidx, carry):
        @pl.when(gidx >= 1)
        def _():
            for d in scatter_descs(gidx - 1):
                d.wait()

        for cidx in range(4):
            cg = gidx * 4 + cidx
            s = cidx % 2
            wait_gather(s, cg)
            compute(s, cidx)

            @pl.when(cg + 2 < _NCHUNK)
            def _():
                issue_gather(s, cg + 2)

        for d in scatter_descs(gidx):
            d.start()
        return carry

    lax.fori_loop(0, _NGRP, group, 0)
    for d in scatter_descs(jnp.int32(_NGRP - 1)):
        d.wait()


@jax.jit
def _run(h):
    hv = h.transpose(1, 0, 2).reshape(_N, _B, _CT, 128)
    hv = hv.transpose(0, 2, 1, 3).reshape(_N, _B * _CT, 128)
    call = pl.kernel(
        _body,
        out_type=jax.ShapeDtypeStruct((_B, _G, _D), jnp.float32),
        mesh=plsc.VectorSubcoreMesh(
            core_axis_name="c", subcore_axis_name="s",
            num_cores=_NC, num_subcores=_NS),
        scratch_types=[
            [pltpu.VMEM((4 * _C, _B * _CT, 128), jnp.float32)
             for _ in range(2)],
            [pltpu.VMEM((_C, _B * _CT, 128), jnp.float32)
             for _ in range(2)],
            pltpu.VMEM((4 * 8, _D), jnp.float32),
            [pltpu.SemaphoreType.DMA for _ in range(2)],
            pltpu.SemaphoreType.DMA,
        ],
    )
    return call(hv)


def kernel(h):
    return _run(h)

# --- scband reference (transcript-rebuilt; emitter-appended) ---
"""Pipeline reference for scband-sub-graph-avg-pool-80367428043175 (READ-ONLY COPY).

The authoritative reference and input builder live on the scoring server;
editing this copy changes nothing except your own understanding.
"""

import jax, jax.numpy as jnp
import numpy as np

M = 4


def _generate_graph(m, num_nodes):
    now = 0
    graph = []
    while now * m + 1 < num_nodes:
        col = [now] + [node for node in range(now * m + 1, now * m + 1 + m)]
        graph.append(np.asarray(col, dtype=np.int64)[:, None])
        now += 1
    return np.concatenate(graph, axis=-1)  # shape (m+1, G)


def setup_inputs(seed: int = 0) -> dict:
    key = jax.random.key(seed)
    h = jax.random.normal(key, (4, 8193, 1024), dtype=jnp.float32)
    return {"h": h}


def reference(h):
    m = M
    conv_graph = _generate_graph(m, h.shape[1])  # (m+1, G), all indices < N
    # gather: h[:, conv_graph, :] -> [B, m+1, G, d]
    sub_graph = jnp.take(h, jnp.asarray(conv_graph), axis=1)
    # permute (0, 3, 1, 2) -> [B, d, m+1, G]
    perm = jnp.transpose(sub_graph, (0, 3, 1, 2))
    # AvgPool2d with kernel (m+1, 1) == mean over axis 2
    pooled = jnp.mean(perm, axis=2, keepdims=True)  # [B, d, 1, G]
    output = jnp.squeeze(pooled)
    if output.ndim == 3:
        output = jnp.transpose(output, (0, 2, 1))  # [B, G, d]
    else:
        output = output[:, None, ...]
    return output

if __name__ == "__main__":
    import jax
    _d = setup_inputs()
    print(jax.jit(kernel)(*tuple(_d.values())))

</pallas_src>

<mosaic_0001>
#map = affine_map<(d0, d1) -> (0, 0, 0)>
module attributes {stable_mosaic.version = 14 : i64} {
  func.func @_body(%arg0: i32, %arg1: i32, %arg2: memref<8193x32x128xf32, #tpu.memory_space<hbm>>, %arg3: memref<4x2048x1024xf32, #tpu.memory_space<hbm>>, %arg4: memref<8x32x128xf32, #tpu.memory_space<vmem>>, %arg5: memref<8x32x128xf32, #tpu.memory_space<vmem>>, %arg6: memref<2x32x128xf32, #tpu.memory_space<vmem>>, %arg7: memref<2x32x128xf32, #tpu.memory_space<vmem>>, %arg8: memref<32x1024xf32, #tpu.memory_space<vmem>>, %arg9: memref<!tpu.dma_semaphore, #tpu.memory_space<semaphore_mem>>, %arg10: memref<!tpu.dma_semaphore, #tpu.memory_space<semaphore_mem>>, %arg11: memref<!tpu.dma_semaphore, #tpu.memory_space<semaphore_mem>>) attributes {dimension_semantics = [#tpu.dimension_semantics<core_parallel>, #tpu.dimension_semantics<subcore_parallel>], iteration_bounds = array<i64: 2, 16>, scalar_prefetch = 0 : i64, scratch_operands = 8 : i64, tpu.core_type = #tpu.core_type<sc_vector_subcore>, window_params = [{transform_indices = #map}, {transform_indices = #map}]} {
    %mul3A = arith.constant 2 : i32
    %mul3A_0 = arith.muli %arg1, %mul3A : i32
    %add3A = arith.addi %mul3A_0, %arg0 : i32
    %mul3A_1 = arith.constant 64 : i32
    %mul3A_2 = arith.muli %add3A, %mul3A_1 : i32
    %mul3A_3 = arith.constant 0 : i32
    %mul3A_4 = arith.constant 2 : i32
    %mul3A_5 = arith.muli %mul3A_3, %mul3A_4 : i32
    %add3A_6 = arith.addi %mul3A_2, %mul3A_5 : i32
    %mul3A_7 = arith.constant 4 : i32
    %mul3A_8 = arith.muli %mul3A_7, %add3A_6 : i32
    %add3A_9 = arith.constant 1 : i32
    %add3A_10 = arith.addi %mul3A_8, %add3A_9 : i32
    %dma_start3A = arith.constant 0 : i32
    %dma_start3A_11 = arith.constant 0 : i32
    %dma_start3A_12 = tpu.memref_slice %arg2[%add3A_10, %dma_start3A, %dma_start3A_11] : memref<8193x32x128xf32, #tpu.memory_space<hbm>> -> memref<8x32x128xf32, #tpu.memory_space<hbm>>
    %dma_start3A_13 = arith.constant 0 : i32
    %dma_start3A_14 = arith.constant 0 : i32
    %dma_start3A_15 = tpu.memref_slice %arg2[%add3A_10, %dma_start3A_13, %dma_start3A_14] : memref<8193x32x128xf32, #tpu.memory_space<hbm>> -> memref<8x32x128xf32, #tpu.memory_space<hbm>>
    tpu.enqueue_dma source(%dma_start3A_15 : memref<8x32x128xf32, #tpu.memory_space<hbm>>) target(%arg4 : memref<8x32x128xf32, #tpu.memory_space<vmem>>) target_semaphore(%arg9 : memref<!tpu.dma_semaphore, #tpu.memory_space<semaphore_mem>>)
    %dma_start3A_16 = arith.constant 0 : i32
    %dma_start3A_17 = arith.constant 0 : i32
    %dma_start3A_18 = tpu.memref_slice %arg2[%add3A_6, %dma_start3A_16, %dma_start3A_17] : memref<8193x32x128xf32, #tpu.memory_space<hbm>> -> memref<2x32x128xf32, #tpu.memory_space<hbm>>
    %dma_start3A_19 = arith.constant 0 : i32
    %dma_start3A_20 = arith.constant 0 : i32
    %dma_start3A_21 = tpu.memref_slice %arg2[%add3A_6, %dma_start3A_19, %dma_start3A_20] : memref<8193x32x128xf32, #tpu.memory_space<hbm>> -> memref<2x32x128xf32, #tpu.memory_space<hbm>>
    tpu.enqueue_dma source(%dma_start3A_21 : memref<2x32x128xf32, #tpu.memory_space<hbm>>) target(%arg6 : memref<2x32x128xf32, #tpu.memory_space<vmem>>) target_semaphore(%arg9 : memref<!tpu.dma_semaphore, #tpu.memory_space<semaphore_mem>>)
    %mul3A_22 = arith.constant 1 : i32
    %mul3A_23 = arith.constant 2 : i32
    %mul3A_24 = arith.muli %mul3A_22, %mul3A_23 : i32
    %add3A_25 = arith.addi %mul3A_2, %mul3A_24 : i32
    %mul3A_26 = arith.constant 4 : i32
    %mul3A_27 = arith.muli %mul3A_26, %add3A_25 : i32
    %add3A_28 = arith.constant 1 : i32
    %add3A_29 = arith.addi %mul3A_27, %add3A_28 : i32
    %dma_start3A_30 = arith.constant 0 : i32
    %dma_start3A_31 = arith.constant 0 : i32
    %dma_start3A_32 = tpu.memref_slice %arg2[%add3A_29, %dma_start3A_30, %dma_start3A_31] : memref<8193x32x128xf32, #tpu.memory_space<hbm>> -> memref<8x32x128xf32, #tpu.memory_space<hbm>>
    %dma_start3A_33 = arith.constant 0 : i32
    %dma_start3A_34 = arith.constant 0 : i32
    %dma_start3A_35 = tpu.memref_slice %arg2[%add3A_29, %dma_start3A_33, %dma_start3A_34] : memref<8193x32x128xf32, #tpu.memory_space<hbm>> -> memref<8x32x128xf32, #tpu.memory_space<hbm>>
    tpu.enqueue_dma source(%dma_start3A_35 : memref<8x32x128xf32, #tpu.memory_space<hbm>>) target(%arg5 : memref<8x32x128xf32, #tpu.memory_space<vmem>>) target_semaphore(%arg10 : memref<!tpu.dma_semaphore, #tpu.memory_space<semaphore_mem>>)
    %dma_start3A_36 = arith.constant 0 : i32
    %dma_start3A_37 = arith.constant 0 : i32
    %dma_start3A_38 = tpu.memref_slice %arg2[%add3A_25, %dma_start3A_36, %dma_start3A_37] : memref<8193x32x128xf32, #tpu.memory_space<hbm>> -> memref<2x32x128xf32, #tpu.memory_space<hbm>>
    %dma_start3A_39 = arith.constant 0 : i32
    %dma_start3A_40 = arith.constant 0 : i32
    %dma_start3A_41 = tpu.memref_slice %arg2[%add3A_25, %dma_start3A_39, %dma_start3A_40] : memref<8193x32x128xf32, #tpu.memory_space<hbm>> -> memref<2x32x128xf32, #tpu.memory_space<hbm>>
    tpu.enqueue_dma source(%dma_start3A_41 : memref<2x32x128xf32, #tpu.memory_space<hbm>>) target(%arg7 : memref<2x32x128xf32, #tpu.memory_space<vmem>>) target_semaphore(%arg10 : memref<!tpu.dma_semaphore, #tpu.memory_space<semaphore_mem>>)
    %scan3A = arith.constant 0 : i32
    %scan3A_42 = arith.constant 0 : i32
    %scan3A_43 = arith.constant 8 : i32
    %scan3A_44 = arith.addi %scan3A_42, %scan3A_43 : i32
    %scan3A_45 = arith.constant 1 : i32
    scf.for %scan3A_102 = %scan3A_42 to %scan3A_44 step %scan3A_45  : i32 {
      %ge3A = arith.constant 1 : i32
      %ge3A_103 = arith.cmpi sge, %scan3A_102, %ge3A : i32
      %convert_element_type3A = arith.extui %ge3A_103 : i1 to i32
      %cond3A = arith.constant 0 : i32
      %cond3A_104 = arith.cmpi ne, %convert_element_type3A, %cond3A : i32
      scf.if %cond3A_104 {
        %sub3A = arith.constant 1 : i32
        %sub3A_303 = arith.subi %scan3A_102, %sub3A : i32
        %mul3A_304 = arith.constant 8 : i32
        %mul3A_305 = arith.muli %sub3A_303, %mul3A_304 : i32
        %add3A_306 = arith.addi %mul3A_2, %mul3A_305 : i32
        %dma_wait3A_307 = arith.constant 0 : i32
        %dma_wait3A_308 = arith.constant 0 : i32
        %dma_wait3A_309 = arith.constant 0 : i32
        %dma_wait3A_310 = tpu.memref_slice %arg8[%dma_wait3A_308, %dma_wait3A_309] : memref<32x1024xf32, #tpu.memory_space<vmem>> -> memref<8x1024xf32, #tpu.memory_space<vmem>>
        %dma_wait3A_311 = arith.constant 0 : i32
        %dma_wait3A_312 = tpu.memref_slice %arg3[%dma_wait3A_307, %add3A_306, %dma_wait3A_311] : memref<4x2048x1024xf32, #tpu.memory_space<hbm>> -> memref<1x8x1024xf32, #tpu.memory_space<hbm>>
        %dma_wait3A_313 = tpu.memref_squeeze %dma_wait3A_312 : memref<1x8x1024xf32, #tpu.memory_space<hbm>> -> memref<8x1024xf32, #tpu.memory_space<hbm>>
        %dma_wait3A_314 = arith.constant 0 : i32
        %dma_wait3A_315 = tpu.memref_slice %arg3[%dma_wait3A_307, %add3A_306, %dma_wait3A_314] : memref<4x2048x1024xf32, #tpu.memory_space<hbm>> -> memref<1x8x1024xf32, #tpu.memory_space<hbm>>
        %dma_wait3A_316 = tpu.memref_squeeze %dma_wait3A_315 : memref<1x8x1024xf32, #tpu.memory_space<hbm>> -> memref<8x1024xf32, #tpu.memory_space<hbm>>
        %dma_wait3A_317 = arith.constant 0 : i32
        %dma_wait3A_318 = arith.constant 0 : i32
        %dma_wait3A_319 = tpu.memref_slice %arg8[%dma_wait3A_317, %dma_wait3A_318] : memref<32x1024xf32, #tpu.memory_space<vmem>> -> memref<8x1024xf32, #tpu.memory_space<vmem>>
        tpu.wait_dma2 semaphore(%arg11 : memref<!tpu.dma_semaphore, #tpu.memory_space<semaphore_mem>>) src(%dma_wait3A_319 : memref<8x1024xf32, #tpu.memory_space<vmem>>) dst(%dma_wait3A_316 : memref<8x1024xf32, #tpu.memory_space<hbm>>)
        %dma_wait3A_320 = arith.constant 1 : i32
        %dma_wait3A_321 = arith.constant 8 : i32
        %dma_wait3A_322 = arith.constant 0 : i32
        %dma_wait3A_323 = tpu.memref_slice %arg8[%dma_wait3A_321, %dma_wait3A_322] : memref<32x1024xf32, #tpu.memory_space<vmem>> -> memref<8x1024xf32, #tpu.memory_space<vmem>>
        %dma_wait3A_324 = arith.constant 0 : i32
        %dma_wait3A_325 = tpu.memref_slice %arg3[%dma_wait3A_320, %add3A_306, %dma_wait3A_324] : memref<4x2048x1024xf32, #tpu.memory_space<hbm>> -> memref<1x8x1024xf32, #tpu.memory_space<hbm>>
        %dma_wait3A_326 = tpu.memref_squeeze %dma_wait3A_325 : memref<1x8x1024xf32, #tpu.memory_space<hbm>> -> memref<8x1024xf32, #tpu.memory_space<hbm>>
        %dma_wait3A_327 = arith.constant 0 : i32
        %dma_wait3A_328 = tpu.memref_slice %arg3[%dma_wait3A_320, %add3A_306, %dma_wait3A_327] : memref<4x2048x1024xf32, #tpu.memory_space<hbm>> -> memref<1x8x1024xf32, #tpu.memory_space<hbm>>
        %dma_wait3A_329 = tpu.memref_squeeze %dma_wait3A_328 : memref<1x8x1024xf32, #tpu.memory_space<hbm>> -> memref<8x1024xf32, #tpu.memory_space<hbm>>
        %dma_wait3A_330 = arith.constant 8 : i32
        %dma_wait3A_331 = arith.constant 0 : i32
        %dma_wait3A_332 = tpu.memref_slice %arg8[%dma_wait3A_330, %dma_wait3A_331] : memref<32x1024xf32, #tpu.memory_space<vmem>> -> memref<8x1024xf32, #tpu.memory_space<vmem>>
        tpu.wait_dma2 semaphore(%arg11 : memref<!tpu.dma_semaphore, #tpu.memory_space<semaphore_mem>>) src(%dma_wait3A_332 : memref<8x1024xf32, #tpu.memory_space<vmem>>) dst(%dma_wait3A_329 : memref<8x1024xf32, #tpu.memory_space<hbm>>)
        %dma_wait3A_333 = arith.constant 2 : i32
        %dma_wait3A_334 = arith.constant 16 : i32
        %dma_wait3A_335 = arith.constant 0 : i32
        %dma_wait3A_336 = tpu.memref_slice %arg8[%dma_wait3A_334, %dma_wait3A_335] : memref<32x1024xf32, #tpu.memory_space<vmem>> -> memref<8x1024xf32, #tpu.memory_space<vmem>>
        %dma_wait3A_337 = arith.constant 0 : i32
        %dma_wait3A_338 = tpu.memref_slice %arg3[%dma_wait3A_333, %add3A_306, %dma_wait3A_337] : memref<4x2048x1024xf32, #tpu.memory_space<hbm>> -> memref<1x8x1024xf32, #tpu.memory_space<hbm>>
        %dma_wait3A_339 = tpu.memref_squeeze %dma_wait3A_338 : memref<1x8x1024xf32, #tpu.memory_space<hbm>> -> memref<8x1024xf32, #tpu.memory_space<hbm>>
        %dma_wait3A_340 = arith.constant 0 : i32
        %dma_wait3A_341 = tpu.memref_slice %arg3[%dma_wait3A_333, %add3A_306, %dma_wait3A_340] : memref<4x2048x1024xf32, #tpu.memory_space<hbm>> -> memref<1x8x1024xf32, #tpu.memory_space<hbm>>
        %dma_wait3A_342 = tpu.memref_squeeze %dma_wait3A_341 : memref<1x8x1024xf32, #tpu.memory_space<hbm>> -> memref<8x1024xf32, #tpu.memory_space<hbm>>
        %dma_wait3A_343 = arith.constant 16 : i32
        %dma_wait3A_344 = arith.constant 0 : i32
        %dma_wait3A_345 = tpu.memref_slice %arg8[%dma_wait3A_343, %dma_wait3A_344] : memref<32x1024xf32, #tpu.memory_space<vmem>> -> memref<8x1024xf32, #tpu.memory_space<vmem>>
        tpu.wait_dma2 semaphore(%arg11 : memref<!tpu.dma_semaphore, #tpu.memory_space<semaphore_mem>>) src(%dma_wait3A_345 : memref<8x1024xf32, #tpu.memory_space<vmem>>) dst(%dma_wait3A_342 : memref<8x1024xf32, #tpu.memory_space<hbm>>)
        %dma_wait3A_346 = arith.constant 3 : i32
        %dma_wait3A_347 = arith.constant 24 : i32
        %dma_wait3A_348 = arith.constant 0 : i32
        %dma_wait3A_349 = tpu.memref_slice %arg8[%dma_wait3A_347, %dma_wait3A_348] : memref<32x1024xf32, #tpu.memory_space<vmem>> -> memref<8x1024xf32, #tpu.memory_space<vmem>>
        %dma_wait3A_350 = arith.constant 0 : i32
        %dma_wait3A_351 = tpu.memref_slice %arg3[%dma_wait3A_346, %add3A_306, %dma_wait3A_350] : memref<4x2048x1024xf32, #tpu.memory_space<hbm>> -> memref<1x8x1024xf32, #tpu.memory_space<hbm>>
        %dma_wait3A_352 = tpu.memref_squeeze %dma_wait3A_351 : memref<1x8x1024xf32, #tpu.memory_space<hbm>> -> memref<8x1024xf32, #tpu.memory_space<hbm>>
        %dma_wait3A_353 = arith.constant 0 : i32
        %dma_wait3A_354 = tpu.memref_slice %arg3[%dma_wait3A_346, %add3A_306, %dma_wait3A_353] : memref<4x2048x1024xf32, #tpu.memory_space<hbm>> -> memref<1x8x1024xf32, #tpu.memory_space<hbm>>
        %dma_wait3A_355 = tpu.memref_squeeze %dma_wait3A_354 : memref<1x8x1024xf32, #tpu.memory_space<hbm>> -> memref<8x1024xf32, #tpu.memory_space<hbm>>
        %dma_wait3A_356 = arith.constant 24 : i32
        %dma_wait3A_357 = arith.constant 0 : i32
        %dma_wait3A_358 = tpu.memref_slice %arg8[%dma_wait3A_356, %dma_wait3A_357] : memref<32x1024xf32, #tpu.memory_space<vmem>> -> memref<8x1024xf32, #tpu.memory_space<vmem>>
        tpu.wait_dma2 semaphore(%arg11 : memref<!tpu.dma_semaphore, #tpu.memory_space<semaphore_mem>>) src(%dma_wait3A_358 : memref<8x1024xf32, #tpu.memory_space<vmem>>) dst(%dma_wait3A_355 : memref<8x1024xf32, #tpu.memory_space<hbm>>)
      } else {
      }
      %mul3A_105 = arith.constant 4 : i32
      %mul3A_106 = arith.muli %scan3A_102, %mul3A_105 : i32
      %add3A_107 = arith.constant 0 : i32
      %add3A_108 = arith.addi %mul3A_106, %add3A_107 : i32
      %mul3A_109 = arith.constant 2 : i32
      %mul3A_110 = arith.muli %add3A_108, %mul3A_109 : i32
      %add3A_111 = arith.addi %mul3A_2, %mul3A_110 : i32
      %mul3A_112 = arith.constant 4 : i32
      %mul3A_113 = arith.muli %mul3A_112, %add3A_111 : i32
      %add3A_114 = arith.constant 1 : i32
      %add3A_115 = arith.addi %mul3A_113, %add3A_114 : i32
      %dma_wait3A_116 = arith.constant 0 : i32
      %dma_wait3A_117 = arith.constant 0 : i32
      %dma_wait3A_118 = tpu.memref_slice %arg2[%add3A_115, %dma_wait3A_116, %dma_wait3A_117] : memref<8193x32x128xf32, #tpu.memory_space<hbm>> -> memref<8x32x128xf32, #tpu.memory_space<hbm>>
      %dma_wait3A_119 = arith.constant 0 : i32
      %dma_wait3A_120 = arith.constant 0 : i32
      %dma_wait3A_121 = tpu.memref_slice %arg2[%add3A_115, %dma_wait3A_119, %dma_wait3A_120] : memref<8193x32x128xf32, #tpu.memory_space<hbm>> -> memref<8x32x128xf32, #tpu.memory_space<hbm>>
      tpu.wait_dma2 semaphore(%arg9 : memref<!tpu.dma_semaphore, #tpu.memory_space<semaphore_mem>>) src(%dma_wait3A_121 : memref<8x32x128xf32, #tpu.memory_space<hbm>>) dst(%arg4 : memref<8x32x128xf32, #tpu.memory_space<vmem>>)
      %dma_wait3A_122 = arith.constant 0 : i32
      %dma_wait3A_123 = arith.constant 0 : i32
      %dma_wait3A_124 = tpu.memref_slice %arg2[%add3A_111, %dma_wait3A_122, %dma_wait3A_123] : memref<8193x32x128xf32, #tpu.memory_space<hbm>> -> memref<2x32x128xf32, #tpu.memory_space<hbm>>
      %dma_wait3A_125 = arith.constant 0 : i32
      %dma_wait3A_126 = arith.constant 0 : i32
      %dma_wait3A_127 = tpu.memref_slice %arg2[%add3A_111, %dma_wait3A_125, %dma_wait3A_126] : memref<8193x32x128xf32, #tpu.memory_space<hbm>> -> memref<2x32x128xf32, #tpu.memory_space<hbm>>
      tpu.wait_dma2 semaphore(%arg9 : memref<!tpu.dma_semaphore, #tpu.memory_space<semaphore_mem>>) src(%dma_wait3A_127 : memref<2x32x128xf32, #tpu.memory_space<hbm>>) dst(%arg6 : memref<2x32x128xf32, #tpu.memory_space<vmem>>)
      %scan3A_128 = arith.constant 0 : i32
      %scan3A_129 = arith.constant 0 : i32
      %scan3A_130 = arith.constant 32 : i32
      %scan3A_131 = arith.addi %scan3A_129, %scan3A_130 : i32
      %scan3A_132 = arith.constant 1 : i32
      scf.for %scan3A_303 = %scan3A_129 to %scan3A_131 step %scan3A_132  : i32 {
        %jit3A = arith.constant 8 : i32
        %div3A = arith.divsi %scan3A_303, %jit3A : i32
        %sign3A = arith.constant 0 : i32
        %sign3A_304 = arith.cmpi sgt, %scan3A_303, %sign3A : i32
        %sign3A_305 = arith.extui %sign3A_304 : i1 to i32
        %sign3A_306 = arith.constant 0 : i32
        %sign3A_307 = arith.cmpi slt, %scan3A_303, %sign3A_306 : i32
        %sign3A_308 = arith.extui %sign3A_307 : i1 to i32
        %sign3A_309 = arith.subi %sign3A_305, %sign3A_308 : i32
        %sign3A_310 = arith.constant 0 : i32
        %sign3A_311 = arith.cmpi sgt, %jit3A, %sign3A_310 : i32
        %sign3A_312 = arith.extui %sign3A_311 : i1 to i32
        %sign3A_313 = arith.constant 0 : i32
        %sign3A_314 = arith.cmpi slt, %jit3A, %sign3A_313 : i32
        %sign3A_315 = arith.extui %sign3A_314 : i1 to i32
        %sign3A_316 = arith.subi %sign3A_312, %sign3A_315 : i32
        %ne3A = arith.cmpi ne, %sign3A_309, %sign3A_316 : i32
        %rem3A = arith.remsi %scan3A_303, %jit3A : i32
        %ne3A_317 = arith.constant 0 : i32
        %ne3A_318 = arith.cmpi ne, %rem3A, %ne3A_317 : i32
        %and3A = arith.andi %ne3A, %ne3A_318 : i1
        %sub3A = arith.constant 1 : i32
        %sub3A_319 = arith.subi %div3A, %sub3A : i32
        %select_n3A = arith.select %and3A, %sub3A_319, %div3A : i32
        %jit3A_320 = arith.constant 8 : i32
        %eq3A = arith.constant 0 : i32
        %eq3A_321 = arith.cmpi eq, %jit3A_320, %eq3A : i32
        %jit3A_322 = arith.constant 1 : i32
        %select_n3A_323 = arith.select %eq3A_321, %jit3A_322, %jit3A_320 : i32
        %rem3A_324 = arith.remsi %scan3A_303, %select_n3A_323 : i32
        %ne3A_325 = arith.constant 0 : i32
        %ne3A_326 = arith.cmpi ne, %rem3A_324, %ne3A_325 : i32
        %lt3A_327 = arith.constant 0 : i32
        %lt3A_328 = arith.cmpi slt, %rem3A_324, %lt3A_327 : i32
        %lt3A_329 = arith.constant 0 : i32
        %lt3A_330 = arith.cmpi slt, %select_n3A_323, %lt3A_329 : i32
        %ne3A_331 = arith.xori %lt3A_328, %lt3A_330 : i1
        %and3A_332 = arith.andi %ne3A_331, %ne3A_326 : i1
        %add3A_333 = arith.addi %rem3A_324, %select_n3A_323 : i32
        %select_n3A_334 = arith.select %and3A_332, %add3A_333, %rem3A_324 : i32
        %mul3A_335 = arith.constant 4 : i32
        %mul3A_336 = arith.muli %select_n3A_334, %mul3A_335 : i32
        %add3A_337 = arith.addi %mul3A_336, %select_n3A : i32
        %mul3A_338 = arith.constant 128 : i32
        %mul3A_339 = arith.muli %select_n3A_334, %mul3A_338 : i32
        %mul3A_340 = arith.constant 8 : i32
        %mul3A_341 = arith.muli %select_n3A, %mul3A_340 : i32
        %add3A_342 = arith.constant 0 : i32
        %add3A_343 = arith.addi %mul3A_341, %add3A_342 : i32
        %add3A_344 = arith.constant 0 : i32
        %add3A_345 = arith.addi %add3A_343, %add3A_344 : i32
        %get3A = arith.constant 0 : i32
        %get3A_346 = arith.index_cast %get3A : i32 to index
        %get3A_347 = arith.index_cast %add3A_337 : i32 to index
        %get3A_348 = arith.constant 0 : index
        %get3A_349 = tpu.vector_load %arg4[%get3A_346, %get3A_347, %get3A_348] {strides = array<i32>} : memref<8x32x128xf32, #tpu.memory_space<vmem>>, vector<1x1x16xf32>,
        %get3A_350 = vector.shape_cast %get3A_349 : vector<1x1x16xf32> to vector<16xf32>
        %get3A_351 = arith.constant 1 : i32
        %get3A_352 = arith.index_cast %get3A_351 : i32 to index
        %get3A_353 = arith.index_cast %add3A_337 : i32 to index
        %get3A_354 = arith.constant 0 : index
        %get3A_355 = tpu.vector_load %arg4[%get3A_352, %get3A_353, %get3A_354] {strides = array<i32>} : memref<8x32x128xf32, #tpu.memory_space<vmem>>, vector<1x1x16xf32>,
        %get3A_356 = vector.shape_cast %get3A_355 : vector<1x1x16xf32> to vector<16xf32>
        %get3A_357 = arith.constant 2 : i32
        %get3A_358 = arith.index_cast %get3A_357 : i32 to index
        %get3A_359 = arith.index_cast %add3A_337 : i32 to index
        %get3A_360 = arith.constant 0 : index
        %get3A_361 = tpu.vector_load %arg4[%get3A_358, %get3A_359, %get3A_360] {strides = array<i32>} : memref<8x32x128xf32, #tpu.memory_space<vmem>>, vector<1x1x16xf32>,
        %get3A_362 = vector.shape_cast %get3A_361 : vector<1x1x16xf32> to vector<16xf32>
        %get3A_363 = arith.constant 3 : i32
        %get3A_364 = arith.index_cast %get3A_363 : i32 to index
        %get3A_365 = arith.index_cast %add3A_337 : i32 to index
        %get3A_366 = arith.constant 0 : index
        %get3A_367 = tpu.vector_load %arg4[%get3A_364, %get3A_365, %get3A_366] {strides = array<i32>} : memref<8x32x128xf32, #tpu.memory_space<vmem>>, vector<1x1x16xf32>,
        %get3A_368 = vector.shape_cast %get3A_367 : vector<1x1x16xf32> to vector<16xf32>
        %get3A_369 = arith.constant 0 : i32
        %get3A_370 = arith.index_cast %get3A_369 : i32 to index
        %get3A_371 = arith.index_cast %add3A_337 : i32 to index
        %get3A_372 = arith.constant 0 : index
        %get3A_373 = tpu.vector_load %arg6[%get3A_370, %get3A_371, %get3A_372] {strides = array<i32>} : memref<2x32x128xf32, #tpu.memory_space<vmem>>, vector<1x1x16xf32>,
        %get3A_374 = vector.shape_cast %get3A_373 : vector<1x1x16xf32> to vector<16xf32>
        %get3A_375 = arith.constant 0 : i32
        %get3A_376 = arith.index_cast %get3A_375 : i32 to index
        %get3A_377 = arith.index_cast %add3A_337 : i32 to index
        %get3A_378 = arith.constant 16 : index
        %get3A_379 = tpu.vector_load %arg4[%get3A_376, %get3A_377, %get3A_378] {strides = array<i32>} : memref<8x32x128xf32, #tpu.memory_space<vmem>>, vector<1x1x16xf32>,
        %get3A_380 = vector.shape_cast %get3A_379 : vector<1x1x16xf32> to vector<16xf32>
        %get3A_381 = arith.constant 1 : i32
        %get3A_382 = arith.index_cast %get3A_381 : i32 to index
        %get3A_383 = arith.index_cast %add3A_337 : i32 to index
        %get3A_384 = arith.constant 16 : index
        %get3A_385 = tpu.vector_load %arg4[%get3A_382, %get3A_383, %get3A_384] {strides = array<i32>} : memref<8x32x128xf32, #tpu.memory_space<vmem>>, vector<1x1x16xf32>,
        %get3A_386 = vector.shape_cast %get3A_385 : vector<1x1x16xf32> to vector<16xf32>
        %get3A_387 = arith.constant 2 : i32
        %get3A_388 = arith.index_cast %get3A_387 : i32 to index
        %get3A_389 = arith.index_cast %add3A_337 : i32 to index
        %get3A_390 = arith.constant 16 : index
        %get3A_391 = tpu.vector_load %arg4[%get3A_388, %get3A_389, %get3A_390] {strides = array<i32>} : memref<8x32x128xf32, #tpu.memory_space<vmem>>, vector<1x1x16xf32>,
        %get3A_392 = vector.shape_cast %get3A_391 : vector<1x1x16xf32> to vector<16xf32>
        %get3A_393 = arith.constant 3 : i32
        %get3A_394 = arith.index_cast %get3A_393 : i32 to index
        %get3A_395 = arith.index_cast %add3A_337 : i32 to index
        %get3A_396 = arith.constant 16 : index
        %get3A_397 = tpu.vector_load %arg4[%get3A_394, %get3A_395, %get3A_396] {strides = array<i32>} : memref<8x32x128xf32, #tpu.memory_space<vmem>>, vector<1x1x16xf32>,
        %get3A_398 = vector.shape_cast %get3A_397 : vector<1x1x16xf32> to vector<16xf32>
        %get3A_399 = arith.constant 0 : i32
        %get3A_400 = arith.index_cast %get3A_399 : i32 to index
        %get3A_401 = arith.index_cast %add3A_337 : i32 to index
        %get3A_402 = arith.constant 16 : index
        %get3A_403 = tpu.vector_load %arg6[%get3A_400, %get3A_401, %get3A_402] {strides = array<i32>} : memref<2x32x128xf32, #tpu.memory_space<vmem>>, vector<1x1x16xf32>,
        %get3A_404 = vector.shape_cast %get3A_403 : vector<1x1x16xf32> to vector<16xf32>
        %get3A_405 = arith.constant 0 : i32
        %get3A_406 = arith.index_cast %get3A_405 : i32 to index
        %get3A_407 = arith.index_cast %add3A_337 : i32 to index
        %get3A_408 = arith.constant 32 : index
        %get3A_409 = tpu.vector_load %arg4[%get3A_406, %get3A_407, %get3A_408] {strides = array<i32>} : memref<8x32x128xf32, #tpu.memory_space<vmem>>, vector<1x1x16xf32>,
        %get3A_410 = vector.shape_cast %get3A_409 : vector<1x1x16xf32> to vector<16xf32>
        %get3A_411 = arith.constant 1 : i32
        %get3A_412 = arith.index_cast %get3A_411 : i32 to index
        %get3A_413 = arith.index_cast %add3A_337 : i32 to index
        %get3A_414 = arith.constant 32 : index
        %get3A_415 = tpu.vector_load %arg4[%get3A_412, %get3A_413, %get3A_414] {strides = array<i32>} : memref<8x32x128xf32, #tpu.memory_space<vmem>>, vector<1x1x16xf32>,
        %get3A_416 = vector.shape_cast %get3A_415 : vector<1x1x16xf32> to vector<16xf32>
        %get3A_417 = arith.constant 2 : i32
        %get3A_418 = arith.index_cast %get3A_417 : i32 to index
        %get3A_419 = arith.index_cast %add3A_337 : i32 to index
        %get3A_420 = arith.constant 32 : index
        %get3A_421 = tpu.vector_load %arg4[%get3A_418, %get3A_419, %get3A_420] {strides = array<i32>} : memref<8x32x128xf32, #tpu.memory_space<vmem>>, vector<1x1x16xf32>,
        %get3A_422 = vector.shape_cast %get3A_421 : vector<1x1x16xf32> to vector<16xf32>
        %get3A_423 = arith.constant 3 : i32
        %get3A_424 = arith.index_cast %get3A_423 : i32 to index
        %get3A_425 = arith.index_cast %add3A_337 : i32 to index
        %get3A_426 = arith.constant 32 : index
        %get3A_427 = tpu.vector_load %arg4[%get3A_424, %get3A_425, %get3A_426] {strides = array<i32>} : memref<8x32x128xf32, #tpu.memory_space<vmem>>, vector<1x1x16xf32>,
        %get3A_428 = vector.shape_cast %get3A_427 : vector<1x1x16xf32> to vector<16xf32>
        %get3A_429 = arith.constant 0 : i32
        %get3A_430 = arith.index_cast %get3A_429 : i32 to index
        %get3A_431 = arith.index_cast %add3A_337 : i32 to index
        %get3A_432 = arith.constant 32 : index
        %get3A_433 = tpu.vector_load %arg6[%get3A_430, %get3A_431, %get3A_432] {strides = array<i32>} : memref<2x32x128xf32, #tpu.memory_space<vmem>>, vector<1x1x16xf32>,
        %get3A_434 = vector.shape_cast %get3A_433 : vector<1x1x16xf32> to vector<16xf32>
        %get3A_435 = arith.constant 0 : i32
        %get3A_436 = arith.index_cast %get3A_435 : i32 to index
        %get3A_437 = arith.index_cast %add3A_337 : i32 to index
        %get3A_438 = arith.constant 48 : index
        %get3A_439 = tpu.vector_load %arg4[%get3A_436, %get3A_437, %get3A_438] {strides = array<i32>} : memref<8x32x128xf32, #tpu.memory_space<vmem>>, vector<1x1x16xf32>,
        %get3A_440 = vector.shape_cast %get3A_439 : vector<1x1x16xf32> to vector<16xf32>
        %get3A_441 = arith.constant 1 : i32
        %get3A_442 = arith.index_cast %get3A_441 : i32 to index
        %get3A_443 = arith.index_cast %add3A_337 : i32 to index
        %get3A_444 = arith.constant 48 : index
        %get3A_445 = tpu.vector_load %arg4[%get3A_442, %get3A_443, %get3A_444] {strides = array<i32>} : memref<8x32x128xf32, #tpu.memory_space<vmem>>, vector<1x1x16xf32>,
        %get3A_446 = vector.shape_cast %get3A_445 : vector<1x1x16xf32> to vector<16xf32>
        %get3A_447 = arith.constant 2 : i32
        %get3A_448 = arith.index_cast %get3A_447 : i32 to index
        %get3A_449 = arith.index_cast %add3A_337 : i32 to index
        %get3A_450 = arith.constant 48 : index
        %get3A_451 = tpu.vector_load %arg4[%get3A_448, %get3A_449, %get3A_450] {strides = array<i32>} : memref<8x32x128xf32, #tpu.memory_space<vmem>>, vector<1x1x16xf32>,
        %get3A_452 = vector.shape_cast %get3A_451 : vector<1x1x16xf32> to vector<16xf32>
        %get3A_453 = arith.constant 3 : i32
        %get3A_454 = arith.index_cast %get3A_453 : i32 to index
        %get3A_455 = arith.index_cast %add3A_337 : i32 to index
        %get3A_456 = arith.constant 48 : index
        %get3A_457 = tpu.vector_load %arg4[%get3A_454, %get3A_455, %get3A_456] {strides = array<i32>} : memref<8x32x128xf32, #tpu.memory_space<vmem>>, vector<1x1x16xf32>,
        %get3A_458 = vector.shape_cast %get3A_457 : vector<1x1x16xf32> to vector<16xf32>
        %get3A_459 = arith.constant 0 : i32
        %get3A_460 = arith.index_cast %get3A_459 : i32 to index
        %get3A_461 = arith.index_cast %add3A_337 : i32 to index
        %get3A_462 = arith.constant 48 : index
        %get3A_463 = tpu.vector_load %arg6[%get3A_460, %get3A_461, %get3A_462] {strides = array<i32>} : memref<2x32x128xf32, #tpu.memory_space<vmem>>, vector<1x1x16xf32>,
        %get3A_464 = vector.shape_cast %get3A_463 : vector<1x1x16xf32> to vector<16xf32>
        %add3A_465 = arith.addf %get3A_350, %get3A_356 : vector<16xf32>
        %add3A_466 = arith.addf %get3A_362, %get3A_368 : vector<16xf32>
        %add3A_467 = arith.addf %add3A_465, %add3A_466 : vector<16xf32>
        %add3A_468 = arith.addf %add3A_467, %get3A_374 : vector<16xf32>
        %mul3A_469 = arith.constant 2.000000e-01 : f32
        %mul3A_470 = vector.broadcast %mul3A_469 : f32 to vector<16xf32>
        %mul3A_471 = arith.mulf %add3A_468, %mul3A_470 : vector<16xf32>
        %add3A_472 = arith.constant 0 : i32
        %add3A_473 = arith.addi %mul3A_339, %add3A_472 : i32
        %swap3A = arith.index_cast %add3A_345 : i32 to index
        %swap3A_474 = arith.index_cast %add3A_473 : i32 to index
        %swap3A_475 = tpu.vector_load %arg8[%swap3A, %swap3A_474] {strides = array<i32>} : memref<32x1024xf32, #tpu.memory_space<vmem>>, vector<1x16xf32>,
        %swap3A_476 = vector.shape_cast %swap3A_475 : vector<1x16xf32> to vector<16xf32>
        %swap3A_477 = vector.shape_cast %mul3A_471 : vector<16xf32> to vector<1x16xf32>
        tpu.vector_store %arg8[%swap3A, %swap3A_474], %swap3A_477 {strides = array<i32>} : memref<32x1024xf32, #tpu.memory_space<vmem>>, vector<1x16xf32>,
        %add3A_478 = arith.addf %get3A_380, %get3A_386 : vector<16xf32>
        %add3A_479 = arith.addf %get3A_392, %get3A_398 : vector<16xf32>
        %add3A_480 = arith.addf %add3A_478, %add3A_479 : vector<16xf32>
        %add3A_481 = arith.addf %add3A_480, %get3A_404 : vector<16xf32>
        %mul3A_482 = arith.constant 2.000000e-01 : f32
        %mul3A_483 = vector.broadcast %mul3A_482 : f32 to vector<16xf32>
        %mul3A_484 = arith.mulf %add3A_481, %mul3A_483 : vector<16xf32>
        %add3A_485 = arith.constant 16 : i32
        %add3A_486 = arith.addi %mul3A_339, %add3A_485 : i32
        %swap3A_487 = arith.index_cast %add3A_345 : i32 to index
        %swap3A_488 = arith.index_cast %add3A_486 : i32 to index
        %swap3A_489 = tpu.vector_load %arg8[%swap3A_487, %swap3A_488] {strides = array<i32>} : memref<32x1024xf32, #tpu.memory_space<vmem>>, vector<1x16xf32>,
        %swap3A_490 = vector.shape_cast %swap3A_489 : vector<1x16xf32> to vector<16xf32>
        %swap3A_491 = vector.shape_cast %mul3A_484 : vector<16xf32> to vector<1x16xf32>
        tpu.vector_store %arg8[%swap3A_487, %swap3A_488], %swap3A_491 {strides = array<i32>} : memref<32x1024xf32, #tpu.memory_space<vmem>>, vector<1x16xf32>,
        %add3A_492 = arith.addf %get3A_410, %get3A_416 : vector<16xf32>
        %add3A_493 = arith.addf %get3A_422, %get3A_428 : vector<16xf32>
        %add3A_494 = arith.addf %add3A_492, %add3A_493 : vector<16xf32>
        %add3A_495 = arith.addf %add3A_494, %get3A_434 : vector<16xf32>
        %mul3A_496 = arith.constant 2.000000e-01 : f32
        %mul3A_497 = vector.broadcast %mul3A_496 : f32 to vector<16xf32>
        %mul3A_498 = arith.mulf %add3A_495, %mul3A_497 : vector<16xf32>
        %add3A_499 = arith.constant 32 : i32
        %add3A_500 = arith.addi %mul3A_339, %add3A_499 : i32
        %swap3A_501 = arith.index_cast %add3A_345 : i32 to index
        %swap3A_502 = arith.index_cast %add3A_500 : i32 to index
        %swap3A_503 = tpu.vector_load %arg8[%swap3A_501, %swap3A_502] {strides = array<i32>} : memref<32x1024xf32, #tpu.memory_space<vmem>>, vector<1x16xf32>,
        %swap3A_504 = vector.shape_cast %swap3A_503 : vector<1x16xf32> to vector<16xf32>
        %swap3A_505 = vector.shape_cast %mul3A_498 : vector<16xf32> to vector<1x16xf32>
        tpu.vector_store %arg8[%swap3A_501, %swap3A_502], %swap3A_505 {strides = array<i32>} : memref<32x1024xf32, #tpu.memory_space<vmem>>, vector<1x16xf32>,
        %add3A_506 = arith.addf %get3A_440, %get3A_446 : vector<16xf32>
        %add3A_507 = arith.addf %get3A_452, %get3A_458 : vector<16xf32>
        %add3A_508 = arith.addf %add3A_506, %add3A_507 : vector<16xf32>
        %add3A_509 = arith.addf %add3A_508, %get3A_464 : vector<16xf32>
        %mul3A_510 = arith.constant 2.000000e-01 : f32
        %mul3A_511 = vector.broadcast %mul3A_510 : f32 to vector<16xf32>
        %mul3A_512 = arith.mulf %add3A_509, %mul3A_511 : vector<16xf32>
        %add3A_513 = arith.constant 48 : i32
        %add3A_514 = arith.addi %mul3A_339, %add3A_513 : i32
        %swap3A_515 = arith.index_cast %add3A_345 : i32 to index
        %swap3A_516 = arith.index_cast %add3A_514 : i32 to index
        %swap3A_517 = tpu.vector_load %arg8[%swap3A_515, %swap3A_516] {strides = array<i32>} : memref<32x1024xf32, #tpu.memory_space<vmem>>, vector<1x16xf32>,
        %swap3A_518 = vector.shape_cast %swap3A_517 : vector<1x16xf32> to vector<16xf32>
        %swap3A_519 = vector.shape_cast %mul3A_512 : vector<16xf32> to vector<1x16xf32>
        tpu.vector_store %arg8[%swap3A_515, %swap3A_516], %swap3A_519 {strides = array<i32>} : memref<32x1024xf32, #tpu.memory_space<vmem>>, vector<1x16xf32>,
        %get3A_520 = arith.constant 0 : i32
        %get3A_521 = arith.index_cast %get3A_520 : i32 to index
        %get3A_522 = arith.index_cast %add3A_337 : i32 to index
        %get3A_523 = arith.constant 64 : index
        %get3A_524 = tpu.vector_load %arg4[%get3A_521, %get3A_522, %get3A_523] {strides = array<i32>} : memref<8x32x128xf32, #tpu.memory_space<vmem>>, vector<1x1x16xf32>,
        %get3A_525 = vector.shape_cast %get3A_524 : vector<1x1x16xf32> to vector<16xf32>
        %get3A_526 = arith.constant 1 : i32
        %get3A_527 = arith.index_cast %get3A_526 : i32 to index
        %get3A_528 = arith.index_cast %add3A_337 : i32 to index
        %get3A_529 = arith.constant 64 : index
        %get3A_530 = tpu.vector_load %arg4[%get3A_527, %get3A_528, %get3A_529] {strides = array<i32>} : memref<8x32x128xf32, #tpu.memory_space<vmem>>, vector<1x1x16xf32>,
        %get3A_531 = vector.shape_cast %get3A_530 : vector<1x1x16xf32> to vector<16xf32>
        %get3A_532 = arith.constant 2 : i32
        %get3A_533 = arith.index_cast %get3A_532 : i32 to index
        %get3A_534 = arith.index_cast %add3A_337 : i32 to index
        %get3A_535 = arith.constant 64 : index
        %get3A_536 = tpu.vector_load %arg4[%get3A_533, %get3A_534, %get3A_535] {strides = array<i32>} : memref<8x32x128xf32, #tpu.memory_space<vmem>>, vector<1x1x16xf32>,
        %get3A_537 = vector.shape_cast %get3A_536 : vector<1x1x16xf32> to vector<16xf32>
        %get3A_538 = arith.constant 3 : i32
        %get3A_539 = arith.index_cast %get3A_538 : i32 to index
        %get3A_540 = arith.index_cast %add3A_337 : i32 to index
        %get3A_541 = arith.constant 64 : index
        %get3A_542 = tpu.vector_load %arg4[%get3A_539, %get3A_540, %get3A_541] {strides = array<i32>} : memref<8x32x128xf32, #tpu.memory_space<vmem>>, vector<1x1x16xf32>,
        %get3A_543 = vector.shape_cast %get3A_542 : vector<1x1x16xf32> to vector<16xf32>
        %get3A_544 = arith.constant 0 : i32
        %get3A_545 = arith.index_cast %get3A_544 : i32 to index
        %get3A_546 = arith.index_cast %add3A_337 : i32 to index
        %get3A_547 = arith.constant 64 : index
        %get3A_548 = tpu.vector_load %arg6[%get3A_545, %get3A_546, %get3A_547] {strides = array<i32>} : memref<2x32x128xf32, #tpu.memory_space<vmem>>, vector<1x1x16xf32>,
        %get3A_549 = vector.shape_cast %get3A_548 : vector<1x1x16xf32> to vector<16xf32>
        %get3A_550 = arith.constant 0 : i32
        %get3A_551 = arith.index_cast %get3A_550 : i32 to index
        %get3A_552 = arith.index_cast %add3A_337 : i32 to index
        %get3A_553 = arith.constant 80 : index
        %get3A_554 = tpu.vector_load %arg4[%get3A_551, %get3A_552, %get3A_553] {strides = array<i32>} : memref<8x32x128xf32, #tpu.memory_space<vmem>>, vector<1x1x16xf32>,
        %get3A_555 = vector.shape_cast %get3A_554 : vector<1x1x16xf32> to vector<16xf32>
        %get3A_556 = arith.constant 1 : i32
        %get3A_557 = arith.index_cast %get3A_556 : i32 to index
        %get3A_558 = arith.index_cast %add3A_337 : i32 to index
        %get3A_559 = arith.constant 80 : index
        %get3A_560 = tpu.vector_load %arg4[%get3A_557, %get3A_558, %get3A_559] {strides = array<i32>} : memref<8x32x128xf32, #tpu.memory_space<vmem>>, vector<1x1x16xf32>,
        %get3A_561 = vector.shape_cast %get3A_560 : vector<1x1x16xf32> to vector<16xf32>
        %get3A_562 = arith.constant 2 : i32
        %get3A_563 = arith.index_cast %get3A_562 : i32 to index
        %get3A_564 = arith.index_cast %add3A_337 : i32 to index
        %get3A_565 = arith.constant 80 : index
        %get3A_566 = tpu.vector_load %arg4[%get3A_563, %get3A_564, %get3A_565] {strides = array<i32>} : memref<8x32x128xf32, #tpu.memory_space<vmem>>, vector<1x1x16xf32>,
        %get3A_567 = vector.shape_cast %get3A_566 : vector<1x1x16xf32> to vector<16xf32>
        %get3A_568 = arith.constant 3 : i32
        %get3A_569 = arith.index_cast %get3A_568 : i32 to index
        %get3A_570 = arith.index_cast %add3A_337 : i32 to index
        %get3A_571 = arith.constant 80 : index
        %get3A_572 = tpu.vector_load %arg4[%get3A_569, %get3A_570, %get3A_571] {strides = array<i32>} : memref<8x32x128xf32, #tpu.memory_space<vmem>>, vector<1x1x16xf32>,
        %get3A_573 = vector.shape_cast %get3A_572 : vector<1x1x16xf32> to vector<16xf32>
        %get3A_574 = arith.constant 0 : i32
        %get3A_575 = arith.index_cast %get3A_574 : i32 to index
        %get3A_576 = arith.index_cast %add3A_337 : i32 to index
        %get3A_577 = arith.constant 80 : index
        %get3A_578 = tpu.vector_load %arg6[%get3A_575, %get3A_576, %get3A_577] {strides = array<i32>} : memref<2x32x128xf32, #tpu.memory_space<vmem>>, vector<1x1x16xf32>,
        %get3A_579 = vector.shape_cast %get3A_578 : vector<1x1x16xf32> to vector<16xf32>
        %get3A_580 = arith.constant 0 : i32
        %get3A_581 = arith.index_cast %get3A_580 : i32 to index
        %get3A_582 = arith.index_cast %add3A_337 : i32 to index
        %get3A_583 = arith.constant 96 : index
        %get3A_584 = tpu.vector_load %arg4[%get3A_581, %get3A_582, %get3A_583] {strides = array<i32>} : memref<8x32x128xf32, #tpu.memory_space<vmem>>, vector<1x1x16xf32>,
        %get3A_585 = vector.shape_cast %get3A_584 : vector<1x1x16xf32> to vector<16xf32>
        %get3A_586 = arith.constant 1 : i32
        %get3A_587 = arith.index_cast %get3A_586 : i32 to index
        %get3A_588 = arith.index_cast %add3A_337 : i32 to index
        %get3A_589 = arith.constant 96 : index
        %get3A_590 = tpu.vector_load %arg4[%get3A_587, %get3A_588, %get3A_589] {strides = array<i32>} : memref<8x32x128xf32, #tpu.memory_space<vmem>>, vector<1x1x16xf32>,
        %get3A_591 = vector.shape_cast %get3A_590 : vector<1x1x16xf32> to vector<16xf32>
        %get3A_592 = arith.constant 2 : i32
        %get3A_593 = arith.index_cast %get3A_592 : i32 to index
        %get3A_594 = arith.index_cast %add3A_337 : i32 to index
        %get3A_595 = arith.constant 96 : index
        %get3A_596 = tpu.vector_load %arg4[%get3A_593, %get3A_594, %get3A_595] {strides = array<i32>} : memref<8x32x128xf32, #tpu.memory_space<vmem>>, vector<1x1x16xf32>,
        %get3A_597 = vector.shape_cast %get3A_596 : vector<1x1x16xf32> to vector<16xf32>
        %get3A_598 = arith.constant 3 : i32
        %get3A_599 = arith.index_cast %get3A_598 : i32 to index
        %get3A_600 = arith.index_cast %add3A_337 : i32 to index
        %get3A_601 = arith.constant 96 : index
        %get3A_602 = tpu.vector_load %arg4[%get3A_599, %get3A_600, %get3A_601] {strides = array<i32>} : memref<8x32x128xf32, #tpu.memory_space<vmem>>, vector<1x1x16xf32>,
        %get3A_603 = vector.shape_cast %get3A_602 : vector<1x1x16xf32> to vector<16xf32>
        %get3A_604 = arith.constant 0 : i32
        %get3A_605 = arith.index_cast %get3A_604 : i32 to index
        %get3A_606 = arith.index_cast %add3A_337 : i32 to index
        %get3A_607 = arith.constant 96 : index
        %get3A_608 = tpu.vector_load %arg6[%get3A_605, %get3A_606, %get3A_607] {strides = array<i32>} : memref<2x32x128xf32, #tpu.memory_space<vmem>>, vector<1x1x16xf32>,
        %get3A_609 = vector.shape_cast %get3A_608 : vector<1x1x16xf32> to vector<16xf32>
        %get3A_610 = arith.constant 0 : i32
        %get3A_611 = arith.index_cast %get3A_610 : i32 to index
        %get3A_612 = arith.index_cast %add3A_337 : i32 to index
        %get3A_613 = arith.constant 112 : index
        %get3A_614 = tpu.vector_load %arg4[%get3A_611, %get3A_612, %get3A_613] {strides = array<i32>} : memref<8x32x128xf32, #tpu.memory_space<vmem>>, vector<1x1x16xf32>,
        %get3A_615 = vector.shape_cast %get3A_614 : vector<1x1x16xf32> to vector<16xf32>
        %get3A_616 = arith.constant 1 : i32
        %get3A_617 = arith.index_cast %get3A_616 : i32 to index
        %get3A_618 = arith.index_cast %add3A_337 : i32 to index
        %get3A_619 = arith.constant 112 : index
        %get3A_620 = tpu.vector_load %arg4[%get3A_617, %get3A_618, %get3A_619] {strides = array<i32>} : memref<8x32x128xf32, #tpu.memory_space<vmem>>, vector<1x1x16xf32>,
        %get3A_621 = vector.shape_cast %get3A_620 : vector<1x1x16xf32> to vector<16xf32>
        %get3A_622 = arith.constant 2 : i32
        %get3A_623 = arith.index_cast %get3A_622 : i32 to index
        %get3A_624 = arith.index_cast %add3A_337 : i32 to index
        %get3A_625 = arith.constant 112 : index
        %get3A_626 = tpu.vector_load %arg4[%get3A_623, %get3A_624, %get3A_625] {strides = array<i32>} : memref<8x32x128xf32, #tpu.memory_space<vmem>>, vector<1x1x16xf32>,
        %get3A_627 = vector.shape_cast %get3A_626 : vector<1x1x16xf32> to vector<16xf32>
        %get3A_628 = arith.constant 3 : i32
        %get3A_629 = arith.index_cast %get3A_628 : i32 to index
        %get3A_630 = arith.index_cast %add3A_337 : i32 to index
        %get3A_631 = arith.constant 112 : index
        %get3A_632 = tpu.vector_load %arg4[%get3A_629, %get3A_630, %get3A_631] {strides = array<i32>} : memref<8x32x128xf32, #tpu.memory_space<vmem>>, vector<1x1x16xf32>,
        %get3A_633 = vector.shape_cast %get3A_632 : vector<1x1x16xf32> to vector<16xf32>
        %get3A_634 = arith.constant 0 : i32
        %get3A_635 = arith.index_cast %get3A_634 : i32 to index
        %get3A_636 = arith.index_cast %add3A_337 : i32 to index
        %get3A_637 = arith.constant 112 : index
        %get3A_638 = tpu.vector_load %arg6[%get3A_635, %get3A_636, %get3A_637] {strides = array<i32>} : memref<2x32x128xf32, #tpu.memory_space<vmem>>, vector<1x1x16xf32>,
        %get3A_639 = vector.shape_cast %get3A_638 : vector<1x1x16xf32> to vector<16xf32>
        %add3A_640 = arith.addf %get3A_525, %get3A_531 : vector<16xf32>
        %add3A_641 = arith.addf %get3A_537, %get3A_543 : vector<16xf32>
        %add3A_642 = arith.addf %add3A_640, %add3A_641 : vector<16xf32>
        %add3A_643 = arith.addf %add3A_642, %get3A_549 : vector<16xf32>
        %mul3A_644 = arith.constant 2.000000e-01 : f32
        %mul3A_645 = vector.broadcast %mul3A_644 : f32 to vector<16xf32>
        %mul3A_646 = arith.mulf %add3A_643, %mul3A_645 : vector<16xf32>
        %add3A_647 = arith.constant 64 : i32
        %add3A_648 = arith.addi %mul3A_339, %add3A_647 : i32
        %swap3A_649 = arith.index_cast %add3A_345 : i32 to index
        %swap3A_650 = arith.index_cast %add3A_648 : i32 to index
        %swap3A_651 = tpu.vector_load %arg8[%swap3A_649, %swap3A_650] {strides = array<i32>} : memref<32x1024xf32, #tpu.memory_space<vmem>>, vector<1x16xf32>,
        %swap3A_652 = vector.shape_cast %swap3A_651 : vector<1x16xf32> to vector<16xf32>
        %swap3A_653 = vector.shape_cast %mul3A_646 : vector<16xf32> to vector<1x16xf32>
        tpu.vector_store %arg8[%swap3A_649, %swap3A_650], %swap3A_653 {strides = array<i32>} : memref<32x1024xf32, #tpu.memory_space<vmem>>, vector<1x16xf32>,
        %add3A_654 = arith.addf %get3A_555, %get3A_561 : vector<16xf32>
        %add3A_655 = arith.addf %get3A_567, %get3A_573 : vector<16xf32>
        %add3A_656 = arith.addf %add3A_654, %add3A_655 : vector<16xf32>
        %add3A_657 = arith.addf %add3A_656, %get3A_579 : vector<16xf32>
        %mul3A_658 = arith.constant 2.000000e-01 : f32
        %mul3A_659 = vector.broadcast %mul3A_658 : f32 to vector<16xf32>
        %mul3A_660 = arith.mulf %add3A_657, %mul3A_659 : vector<16xf32>
        %add3A_661 = arith.constant 80 : i32
        %add3A_662 = arith.addi %mul3A_339, %add3A_661 : i32
        %swap3A_663 = arith.index_cast %add3A_345 : i32 to index
        %swap3A_664 = arith.index_cast %add3A_662 : i32 to index
        %swap3A_665 = tpu.vector_load %arg8[%swap3A_663, %swap3A_664] {strides = array<i32>} : memref<32x1024xf32, #tpu.memory_space<vmem>>, vector<1x16xf32>,
        %swap3A_666 = vector.shape_cast %swap3A_665 : vector<1x16xf32> to vector<16xf32>
        %swap3A_667 = vector.shape_cast %mul3A_660 : vector<16xf32> to vector<1x16xf32>
        tpu.vector_store %arg8[%swap3A_663, %swap3A_664], %swap3A_667 {strides = array<i32>} : memref<32x1024xf32, #tpu.memory_space<vmem>>, vector<1x16xf32>,
        %add3A_668 = arith.addf %get3A_585, %get3A_591 : vector<16xf32>
        %add3A_669 = arith.addf %get3A_597, %get3A_603 : vector<16xf32>
        %add3A_670 = arith.addf %add3A_668, %add3A_669 : vector<16xf32>
        %add3A_671 = arith.addf %add3A_670, %get3A_609 : vector<16xf32>
        %mul3A_672 = arith.constant 2.000000e-01 : f32
        %mul3A_673 = vector.broadcast %mul3A_672 : f32 to vector<16xf32>
        %mul3A_674 = arith.mulf %add3A_671, %mul3A_673 : vector<16xf32>
        %add3A_675 = arith.constant 96 : i32
        %add3A_676 = arith.addi %mul3A_339, %add3A_675 : i32
        %swap3A_677 = arith.index_cast %add3A_345 : i32 to index
        %swap3A_678 = arith.index_cast %add3A_676 : i32 to index
        %swap3A_679 = tpu.vector_load %arg8[%swap3A_677, %swap3A_678] {strides = array<i32>} : memref<32x1024xf32, #tpu.memory_space<vmem>>, vector<1x16xf32>,
        %swap3A_680 = vector.shape_cast %swap3A_679 : vector<1x16xf32> to vector<16xf32>
        %swap3A_681 = vector.shape_cast %mul3A_674 : vector<16xf32> to vector<1x16xf32>
        tpu.vector_store %arg8[%swap3A_677, %swap3A_678], %swap3A_681 {strides = array<i32>} : memref<32x1024xf32, #tpu.memory_space<vmem>>, vector<1x16xf32>,
        %add3A_682 = arith.addf %get3A_615, %get3A_621 : vector<16xf32>
        %add3A_683 = arith.addf %get3A_627, %get3A_633 : vector<16xf32>
        %add3A_684 = arith.addf %add3A_682, %add3A_683 : vector<16xf32>
        %add3A_685 = arith.addf %add3A_684, %get3A_639 : vector<16xf32>
        %mul3A_686 = arith.constant 2.000000e-01 : f32
        %mul3A_687 = vector.broadcast %mul3A_686 : f32 to vector<16xf32>
        %mul3A_688 = arith.mulf %add3A_685, %mul3A_687 : vector<16xf32>
        %add3A_689 = arith.constant 112 : i32
        %add3A_690 = arith.addi %mul3A_339, %add3A_689 : i32
        %swap3A_691 = arith.index_cast %add3A_345 : i32 to index
        %swap3A_692 = arith.index_cast %add3A_690 : i32 to index
        %swap3A_693 = tpu.vector_load %arg8[%swap3A_691, %swap3A_692] {strides = array<i32>} : memref<32x1024xf32, #tpu.memory_space<vmem>>, vector<1x16xf32>,
        %swap3A_694 = vector.shape_cast %swap3A_693 : vector<1x16xf32> to vector<16xf32>
        %swap3A_695 = vector.shape_cast %mul3A_688 : vector<16xf32> to vector<1x16xf32>
        tpu.vector_store %arg8[%swap3A_691, %swap3A_692], %swap3A_695 {strides = array<i32>} : memref<32x1024xf32, #tpu.memory_space<vmem>>, vector<1x16xf32>,
        %mul3A_696 = arith.constant 8 : i32
        %mul3A_697 = arith.muli %select_n3A, %mul3A_696 : i32
        %add3A_698 = arith.constant 0 : i32
        %add3A_699 = arith.addi %mul3A_697, %add3A_698 : i32
        %add3A_700 = arith.constant 1 : i32
        %add3A_701 = arith.addi %add3A_699, %add3A_700 : i32
        %get3A_702 = arith.constant 4 : i32
        %get3A_703 = arith.index_cast %get3A_702 : i32 to index
        %get3A_704 = arith.index_cast %add3A_337 : i32 to index
        %get3A_705 = arith.constant 0 : index
        %get3A_706 = tpu.vector_load %arg4[%get3A_703, %get3A_704, %get3A_705] {strides = array<i32>} : memref<8x32x128xf32, #tpu.memory_space<vmem>>, vector<1x1x16xf32>,
        %get3A_707 = vector.shape_cast %get3A_706 : vector<1x1x16xf32> to vector<16xf32>
        %get3A_708 = arith.constant 5 : i32
        %get3A_709 = arith.index_cast %get3A_708 : i32 to index
        %get3A_710 = arith.index_cast %add3A_337 : i32 to index
        %get3A_711 = arith.constant 0 : index
        %get3A_712 = tpu.vector_load %arg4[%get3A_709, %get3A_710, %get3A_711] {strides = array<i32>} : memref<8x32x128xf32, #tpu.memory_space<vmem>>, vector<1x1x16xf32>,
        %get3A_713 = vector.shape_cast %get3A_712 : vector<1x1x16xf32> to vector<16xf32>
        %get3A_714 = arith.constant 6 : i32
        %get3A_715 = arith.index_cast %get3A_714 : i32 to index
        %get3A_716 = arith.index_cast %add3A_337 : i32 to index
        %get3A_717 = arith.constant 0 : index
        %get3A_718 = tpu.vector_load %arg4[%get3A_715, %get3A_716, %get3A_717] {strides = array<i32>} : memref<8x32x128xf32, #tpu.memory_space<vmem>>, vector<1x1x16xf32>,
        %get3A_719 = vector.shape_cast %get3A_718 : vector<1x1x16xf32> to vector<16xf32>
        %get3A_720 = arith.constant 7 : i32
        %get3A_721 = arith.index_cast %get3A_720 : i32 to index
        %get3A_722 = arith.index_cast %add3A_337 : i32 to index
        %get3A_723 = arith.constant 0 : index
        %get3A_724 = tpu.vector_load %arg4[%get3A_721, %get3A_722, %get3A_723] {strides = array<i32>} : memref<8x32x128xf32, #tpu.memory_space<vmem>>, vector<1x1x16xf32>,
        %get3A_725 = vector.shape_cast %get3A_724 : vector<1x1x16xf32> to vector<16xf32>
        %get3A_726 = arith.constant 1 : i32
        %get3A_727 = arith.index_cast %get3A_726 : i32 to index
        %get3A_728 = arith.index_cast %add3A_337 : i32 to index
        %get3A_729 = arith.constant 0 : index
        %get3A_730 = tpu.vector_load %arg6[%get3A_727, %get3A_728, %get3A_729] {strides = array<i32>} : memref<2x32x128xf32, #tpu.memory_space<vmem>>, vector<1x1x16xf32>,
        %get3A_731 = vector.shape_cast %get3A_730 : vector<1x1x16xf32> to vector<16xf32>
        %get3A_732 = arith.constant 4 : i32
        %get3A_733 = arith.index_cast %get3A_732 : i32 to index
        %get3A_734 = arith.index_cast %add3A_337 : i32 to index
        %get3A_735 = arith.constant 16 : index
        %get3A_736 = tpu.vector_load %arg4[%get3A_733, %get3A_734, %get3A_735] {strides = array<i32>} : memref<8x32x128xf32, #tpu.memory_space<vmem>>, vector<1x1x16xf32>,
        %get3A_737 = vector.shape_cast %get3A_736 : vector<1x1x16xf32> to vector<16xf32>
        %get3A_738 = arith.constant 5 : i32
        %get3A_739 = arith.index_cast %get3A_738 : i32 to index
        %get3A_740 = arith.index_cast %add3A_337 : i32 to index
        %get3A_741 = arith.constant 16 : index
        %get3A_742 = tpu.vector_load %arg4[%get3A_739, %get3A_740, %get3A_741] {strides = array<i32>} : memref<8x32x128xf32, #tpu.memory_space<vmem>>, vector<1x1x16xf32>,
        %get3A_743 = vector.shape_cast %get3A_742 : vector<1x1x16xf32> to vector<16xf32>
        %get3A_744 = arith.constant 6 : i32
        %get3A_745 = arith.index_cast %get3A_744 : i32 to index
        %get3A_746 = arith.index_cast %add3A_337 : i32 to index
        %get3A_747 = arith.constant 16 : index
        %get3A_748 = tpu.vector_load %arg4[%get3A_745, %get3A_746, %get3A_747] {strides = array<i32>} : memref<8x32x128xf32, #tpu.memory_space<vmem>>, vector<1x1x16xf32>,
        %get3A_749 = vector.shape_cast %get3A_748 : vector<1x1x16xf32> to vector<16xf32>
        %get3A_750 = arith.constant 7 : i32
        %get3A_751 = arith.index_cast %get3A_750 : i32 to index
        %get3A_752 = arith.index_cast %add3A_337 : i32 to index
        %get3A_753 = arith.constant 16 : index
        %get3A_754 = tpu.vector_load %arg4[%get3A_751, %get3A_752, %get3A_753] {strides = array<i32>} : memref<8x32x128xf32, #tpu.memory_space<vmem>>, vector<1x1x16xf32>,
        %get3A_755 = vector.shape_cast %get3A_754 : vector<1x1x16xf32> to vector<16xf32>
        %get3A_756 = arith.constant 1 : i32
        %get3A_757 = arith.index_cast %get3A_756 : i32 to index
        %get3A_758 = arith.index_cast %add3A_337 : i32 to index
        %get3A_759 = arith.constant 16 : index
        %get3A_760 = tpu.vector_load %arg6[%get3A_757, %get3A_758, %get3A_759] {strides = array<i32>} : memref<2x32x128xf32, #tpu.memory_space<vmem>>, vector<1x1x16xf32>,
        %get3A_761 = vector.shape_cast %get3A_760 : vector<1x1x16xf32> to vector<16xf32>
        %get3A_762 = arith.constant 4 : i32
        %get3A_763 = arith.index_cast %get3A_762 : i32 to index
        %get3A_764 = arith.index_cast %add3A_337 : i32 to index
        %get3A_765 = arith.constant 32 : index
        %get3A_766 = tpu.vector_load %arg4[%get3A_763, %get3A_764, %get3A_765] {strides = array<i32>} : memref<8x32x128xf32, #tpu.memory_space<vmem>>, vector<1x1x16xf32>,
        %get3A_767 = vector.shape_cast %get3A_766 : vector<1x1x16xf32> to vector<16xf32>
        %get3A_768 = arith.constant 5 : i32
        %get3A_769 = arith.index_cast %get3A_768 : i32 to index
        %get3A_770 = arith.index_cast %add3A_337 : i32 to index
        %get3A_771 = arith.constant 32 : index
        %get3A_772 = tpu.vector_load %arg4[%get3A_769, %get3A_770, %get3A_771] {strides = array<i32>} : memref<8x32x128xf32, #tpu.memory_space<vmem>>, vector<1x1x16xf32>,
        %get3A_773 = vector.shape_cast %get3A_772 : vector<1x1x16xf32> to vector<16xf32>
        %get3A_774 = arith.constant 6 : i32
        %get3A_775 = arith.index_cast %get3A_774 : i32 to index
        %get3A_776 = arith.index_cast %add3A_337 : i32 to index
        %get3A_777 = arith.constant 32 : index
        %get3A_778 = tpu.vector_load %arg4[%get3A_775, %get3A_776, %get3A_777] {strides = array<i32>} : memref<8x32x128xf32, #tpu.memory_space<vmem>>, vector<1x1x16xf32>,
        %get3A_779 = vector.shape_cast %get3A_778 : vector<1x1x16xf32> to vector<16xf32>
        %get3A_780 = arith.constant 7 : i32
        %get3A_781 = arith.index_cast %get3A_780 : i32 to index
        %get3A_782 = arith.index_cast %add3A_337 : i32 to index
        %get3A_783 = arith.constant 32 : index
        %get3A_784 = tpu.vector_load %arg4[%get3A_781, %get3A_782, %get3A_783] {strides = array<i32>} : memref<8x32x128xf32, #tpu.memory_space<vmem>>, vector<1x1x16xf32>,
        %get3A_785 = vector.shape_cast %get3A_784 : vector<1x1x16xf32> to vector<16xf32>
        %get3A_786 = arith.constant 1 : i32
        %get3A_787 = arith.index_cast %get3A_786 : i32 to index
        %get3A_788 = arith.index_cast %add3A_337 : i32 to index
        %get3A_789 = arith.constant 32 : index
        %get3A_790 = tpu.vector_load %arg6[%get3A_787, %get3A_788, %get3A_789] {strides = array<i32>} : memref<2x32x128xf32, #tpu.memory_space<vmem>>, vector<1x1x16xf32>,
        %get3A_791 = vector.shape_cast %get3A_790 : vector<1x1x16xf32> to vector<16xf32>
        %get3A_792 = arith.constant 4 : i32
        %get3A_793 = arith.index_cast %get3A_792 : i32 to index
        %get3A_794 = arith.index_cast %add3A_337 : i32 to index
        %get3A_795 = arith.constant 48 : index
        %get3A_796 = tpu.vector_load %arg4[%get3A_793, %get3A_794, %get3A_795] {strides = array<i32>} : memref<8x32x128xf32, #tpu.memory_space<vmem>>, vector<1x1x16xf32>,
        %get3A_797 = vector.shape_cast %get3A_796 : vector<1x1x16xf32> to vector<16xf32>
        %get3A_798 = arith.constant 5 : i32
        %get3A_799 = arith.index_cast %get3A_798 : i32 to index
        %get3A_800 = arith.index_cast %add3A_337 : i32 to index
        %get3A_801 = arith.constant 48 : index
        %get3A_802 = tpu.vector_load %arg4[%get3A_799, %get3A_800, %get3A_801] {strides = array<i32>} : memref<8x32x128xf32, #tpu.memory_space<vmem>>, vector<1x1x16xf32>,
        %get3A_803 = vector.shape_cast %get3A_802 : vector<1x1x16xf32> to vector<16xf32>
        %get3A_804 = arith.constant 6 : i32
        %get3A_805 = arith.index_cast %get3A_804 : i32 to index
        %get3A_806 = arith.index_cast %add3A_337 : i32 to index
        %get3A_807 = arith.constant 48 : index
        %get3A_808 = tpu.vector_load %arg4[%get3A_805, %get3A_806, %get3A_807] {strides = array<i32>} : memref<8x32x128xf32, #tpu.memory_space<vmem>>, vector<1x1x16xf32>,
        %get3A_809 = vector.shape_cast %get3A_808 : vector<1x1x16xf32> to vector<16xf32>
        %get3A_810 = arith.constant 7 : i32
        %get3A_811 = arith.index_cast %get3A_810 : i32 to index
        %get3A_812 = arith.index_cast %add3A_337 : i32 to index
        %get3A_813 = arith.constant 48 : index
        %get3A_814 = tpu.vector_load %arg4[%get3A_811, %get3A_812, %get3A_813] {strides = array<i32>} : memref<8x32x128xf32, #tpu.memory_space<vmem>>, vector<1x1x16xf32>,
        %get3A_815 = vector.shape_cast %get3A_814 : vector<1x1x16xf32> to vector<16xf32>
        %get3A_816 = arith.constant 1 : i32
        %get3A_817 = arith.index_cast %get3A_816 : i32 to index
        %get3A_818 = arith.index_cast %add3A_337 : i32 to index
        %get3A_819 = arith.constant 48 : index
        %get3A_820 = tpu.vector_load %arg6[%get3A_817, %get3A_818, %get3A_819] {strides = array<i32>} : memref<2x32x128xf32, #tpu.memory_space<vmem>>, vector<1x1x16xf32>,
        %get3A_821 = vector.shape_cast %get3A_820 : vector<1x1x16xf32> to vector<16xf32>
        %add3A_822 = arith.addf %get3A_707, %get3A_713 : vector<16xf32>
        %add3A_823 = arith.addf %get3A_719, %get3A_725 : vector<16xf32>
        %add3A_824 = arith.addf %add3A_822, %add3A_823 : vector<16xf32>
        %add3A_825 = arith.addf %add3A_824, %get3A_731 : vector<16xf32>
        %mul3A_826 = arith.constant 2.000000e-01 : f32
        %mul3A_827 = vector.broadcast %mul3A_826 : f32 to vector<16xf32>
        %mul3A_828 = arith.mulf %add3A_825, %mul3A_827 : vector<16xf32>
        %add3A_829 = arith.constant 0 : i32
        %add3A_830 = arith.addi %mul3A_339, %add3A_829 : i32
        %swap3A_831 = arith.index_cast %add3A_701 : i32 to index
        %swap3A_832 = arith.index_cast %add3A_830 : i32 to index
        %swap3A_833 = tpu.vector_load %arg8[%swap3A_831, %swap3A_832] {strides = array<i32>} : memref<32x1024xf32, #tpu.memory_space<vmem>>, vector<1x16xf32>,
        %swap3A_834 = vector.shape_cast %swap3A_833 : vector<1x16xf32> to vector<16xf32>
        %swap3A_835 = vector.shape_cast %mul3A_828 : vector<16xf32> to vector<1x16xf32>
        tpu.vector_store %arg8[%swap3A_831, %swap3A_832], %swap3A_835 {strides = array<i32>} : memref<32x1024xf32, #tpu.memory_space<vmem>>, vector<1x16xf32>,
        %add3A_836 = arith.addf %get3A_737, %get3A_743 : vector<16xf32>
        %add3A_837 = arith.addf %get3A_749, %get3A_755 : vector<16xf32>
        %add3A_838 = arith.addf %add3A_836, %add3A_837 : vector<16xf32>
        %add3A_839 = arith.addf %add3A_838, %get3A_761 : vector<16xf32>
        %mul3A_840 = arith.constant 2.000000e-01 : f32
        %mul3A_841 = vector.broadcast %mul3A_840 : f32 to vector<16xf32>
        %mul3A_842 = arith.mulf %add3A_839, %mul3A_841 : vector<16xf32>
        %add3A_843 = arith.constant 16 : i32
        %add3A_844 = arith.addi %mul3A_339, %add3A_843 : i32
        %swap3A_845 = arith.index_cast %add3A_701 : i32 to index
        %swap3A_846 = arith.index_cast %add3A_844 : i32 to index
        %swap3A_847 = tpu.vector_load %arg8[%swap3A_845, %swap3A_846] {strides = array<i32>} : memref<32x1024xf32, #tpu.memory_space<vmem>>, vector<1x16xf32>,
        %swap3A_848 = vector.shape_cast %swap3A_847 : vector<1x16xf32> to vector<16xf32>
        %swap3A_849 = vector.shape_cast %mul3A_842 : vector<16xf32> to vector<1x16xf32>
        tpu.vector_store %arg8[%swap3A_845, %swap3A_846], %swap3A_849 {strides = array<i32>} : memref<32x1024xf32, #tpu.memory_space<vmem>>, vector<1x16xf32>,
        %add3A_850 = arith.addf %get3A_767, %get3A_773 : vector<16xf32>
        %add3A_851 = arith.addf %get3A_779, %get3A_785 : vector<16xf32>
        %add3A_852 = arith.addf %add3A_850, %add3A_851 : vector<16xf32>
        %add3A_853 = arith.addf %add3A_852, %get3A_791 : vector<16xf32>
        %mul3A_854 = arith.constant 2.000000e-01 : f32
        %mul3A_855 = vector.broadcast %mul3A_854 : f32 to vector<16xf32>
        %mul3A_856 = arith.mulf %add3A_853, %mul3A_855 : vector<16xf32>
        %add3A_857 = arith.constant 32 : i32
        %add3A_858 = arith.addi %mul3A_339, %add3A_857 : i32
        %swap3A_859 = arith.index_cast %add3A_701 : i32 to index
        %swap3A_860 = arith.index_cast %add3A_858 : i32 to index
        %swap3A_861 = tpu.vector_load %arg8[%swap3A_859, %swap3A_860] {strides = array<i32>} : memref<32x1024xf32, #tpu.memory_space<vmem>>, vector<1x16xf32>,
        %swap3A_862 = vector.shape_cast %swap3A_861 : vector<1x16xf32> to vector<16xf32>
        %swap3A_863 = vector.shape_cast %mul3A_856 : vector<16xf32> to vector<1x16xf32>
        tpu.vector_store %arg8[%swap3A_859, %swap3A_860], %swap3A_863 {strides = array<i32>} : memref<32x1024xf32, #tpu.memory_space<vmem>>, vector<1x16xf32>,
        %add3A_864 = arith.addf %get3A_797, %get3A_803 : vector<16xf32>
        %add3A_865 = arith.addf %get3A_809, %get3A_815 : vector<16xf32>
        %add3A_866 = arith.addf %add3A_864, %add3A_865 : vector<16xf32>
        %add3A_867 = arith.addf %add3A_866, %get3A_821 : vector<16xf32>
        %mul3A_868 = arith.constant 2.000000e-01 : f32
        %mul3A_869 = vector.broadcast %mul3A_868 : f32 to vector<16xf32>
        %mul3A_870 = arith.mulf %add3A_867, %mul3A_869 : vector<16xf32>
        %add3A_871 = arith.constant 48 : i32
        %add3A_872 = arith.addi %mul3A_339, %add3A_871 : i32
        %swap3A_873 = arith.index_cast %add3A_701 : i32 to index
        %swap3A_874 = arith.index_cast %add3A_872 : i32 to index
        %swap3A_875 = tpu.vector_load %arg8[%swap3A_873, %swap3A_874] {strides = array<i32>} : memref<32x1024xf32, #tpu.memory_space<vmem>>, vector<1x16xf32>,
        %swap3A_876 = vector.shape_cast %swap3A_875 : vector<1x16xf32> to vector<16xf32>
        %swap3A_877 = vector.shape_cast %mul3A_870 : vector<16xf32> to vector<1x16xf32>
        tpu.vector_store %arg8[%swap3A_873, %swap3A_874], %swap3A_877 {strides = array<i32>} : memref<32x1024xf32, #tpu.memory_space<vmem>>, vector<1x16xf32>,
        %get3A_878 = arith.constant 4 : i32
        %get3A_879 = arith.index_cast %get3A_878 : i32 to index
        %get3A_880 = arith.index_cast %add3A_337 : i32 to index
        %get3A_881 = arith.constant 64 : index
        %get3A_882 = tpu.vector_load %arg4[%get3A_879, %get3A_880, %get3A_881] {strides = array<i32>} : memref<8x32x128xf32, #tpu.memory_space<vmem>>, vector<1x1x16xf32>,
        %get3A_883 = vector.shape_cast %get3A_882 : vector<1x1x16xf32> to vector<16xf32>
        %get3A_884 = arith.constant 5 : i32
        %get3A_885 = arith.index_cast %get3A_884 : i32 to index
        %get3A_886 = arith.index_cast %add3A_337 : i32 to index
        %get3A_887 = arith.constant 64 : index
        %get3A_888 = tpu.vector_load %arg4[%get3A_885, %get3A_886, %get3A_887] {strides = array<i32>} : memref<8x32x128xf32, #tpu.memory_space<vmem>>, vector<1x1x16xf32>,
        %get3A_889 = vector.shape_cast %get3A_888 : vector<1x1x16xf32> to vector<16xf32>
        %get3A_890 = arith.constant 6 : i32
        %get3A_891 = arith.index_cast %get3A_890 : i32 to index
        %get3A_892 = arith.index_cast %add3A_337 : i32 to index
        %get3A_893 = arith.constant 64 : index
        %get3A_894 = tpu.vector_load %arg4[%get3A_891, %get3A_892, %get3A_893] {strides = array<i32>} : memref<8x32x128xf32, #tpu.memory_space<vmem>>, vector<1x1x16xf32>,
        %get3A_895 = vector.shape_cast %get3A_894 : vector<1x1x16xf32> to vector<16xf32>
        %get3A_896 = arith.constant 7 : i32
        %get3A_897 = arith.index_cast %get3A_896 : i32 to index
        %get3A_898 = arith.index_cast %add3A_337 : i32 to index
        %get3A_899 = arith.constant 64 : index
        %get3A_900 = tpu.vector_load %arg4[%get3A_897, %get3A_898, %get3A_899] {strides = array<i32>} : memref<8x32x128xf32, #tpu.memory_space<vmem>>, vector<1x1x16xf32>,
        %get3A_901 = vector.shape_cast %get3A_900 : vector<1x1x16xf32> to vector<16xf32>
        %get3A_902 = arith.constant 1 : i32
        %get3A_903 = arith.index_cast %get3A_902 : i32 to index
        %get3A_904 = arith.index_cast %add3A_337 : i32 to index
        %get3A_905 = arith.constant 64 : index
        %get3A_906 = tpu.vector_load %arg6[%get3A_903, %get3A_904, %get3A_905] {strides = array<i32>} : memref<2x32x128xf32, #tpu.memory_space<vmem>>, vector<1x1x16xf32>,
        %get3A_907 = vector.shape_cast %get3A_906 : vector<1x1x16xf32> to vector<16xf32>
        %get3A_908 = arith.constant 4 : i32
        %get3A_909 = arith.index_cast %get3A_908 : i32 to index
        %get3A_910 = arith.index_cast %add3A_337 : i32 to index
        %get3A_911 = arith.constant 80 : index
        %get3A_912 = tpu.vector_load %arg4[%get3A_909, %get3A_910, %get3A_911] {strides = array<i32>} : memref<8x32x128xf32, #tpu.memory_space<vmem>>, vector<1x1x16xf32>,
        %get3A_913 = vector.shape_cast %get3A_912 : vector<1x1x16xf32> to vector<16xf32>
        %get3A_914 = arith.constant 5 : i32
        %get3A_915 = arith.index_cast %get3A_914 : i32 to index
        %get3A_916 = arith.index_cast %add3A_337 : i32 to index
        %get3A_917 = arith.constant 80 : index
        %get3A_918 = tpu.vector_load %arg4[%get3A_915, %get3A_916, %get3A_917] {strides = array<i32>} : memref<8x32x128xf32, #tpu.memory_space<vmem>>, vector<1x1x16xf32>,
        %get3A_919 = vector.shape_cast %get3A_918 : vector<1x1x16xf32> to vector<16xf32>
        %get3A_920 = arith.constant 6 : i32
        %get3A_921 = arith.index_cast %get3A_920 : i32 to index
        %get3A_922 = arith.index_cast %add3A_337 : i32 to index
        %get3A_923 = arith.constant 80 : index
        %get3A_924 = tpu.vector_load %arg4[%get3A_921, %get3A_922, %get3A_923] {strides = array<i32>} : memref<8x32x128xf32, #tpu.memory_space<vmem>>, vector<1x1x16xf32>,
        %get3A_925 = vector.shape_cast %get3A_924 : vector<1x1x16xf32> to vector<16xf32>
        %get3A_926 = arith.constant 7 : i32
        %get3A_927 = arith.index_cast %get3A_926 : i32 to index
        %get3A_928 = arith.index_cast %add3A_337 : i32 to index
        %get3A_929 = arith.constant 80 : index
        %get3A_930 = tpu.vector_load %arg4[%get3A_927, %get3A_928, %get3A_929] {strides = array<i32>} : memref<8x32x128xf32, #tpu.memory_space<vmem>>, vector<1x1x16xf32>,
        %get3A_931 = vector.shape_cast %get3A_930 : vector<1x1x16xf32> to vector<16xf32>
        %get3A_932 = arith.constant 1 : i32
        %get3A_933 = arith.index_cast %get3A_932 : i32 to index
        %get3A_934 = arith.index_cast %add3A_337 : i32 to index
        %get3A_935 = arith.constant 80 : index
        %get3A_936 = tpu.vector_load %arg6[%get3A_933, %get3A_934, %get3A_935] {strides = array<i32>} : memref<2x32x128xf32, #tpu.memory_space<vmem>>, vector<1x1x16xf32>,
        %get3A_937 = vector.shape_cast %get3A_936 : vector<1x1x16xf32> to vector<16xf32>
        %get3A_938 = arith.constant 4 : i32
        %get3A_939 = arith.index_cast %get3A_938 : i32 to index
        %get3A_940 = arith.index_cast %add3A_337 : i32 to index
        %get3A_941 = arith.constant 96 : index
        %get3A_942 = tpu.vector_load %arg4[%get3A_939, %get3A_940, %get3A_941] {strides = array<i32>} : memref<8x32x128xf32, #tpu.memory_space<vmem>>, vector<1x1x16xf32>,
        %get3A_943 = vector.shape_cast %get3A_942 : vector<1x1x16xf32> to vector<16xf32>
        %get3A_944 = arith.constant 5 : i32
        %get3A_945 = arith.index_cast %get3A_944 : i32 to index
        %get3A_946 = arith.index_cast %add3A_337 : i32 to index
        %get3A_947 = arith.constant 96 : index
        %get3A_948 = tpu.vector_load %arg4[%get3A_945, %get3A_946, %get3A_947] {strides = array<i32>} : memref<8x32x128xf32, #tpu.memory_space<vmem>>, vector<1x1x16xf32>,
        %get3A_949 = vector.shape_cast %get3A_948 : vector<1x1x16xf32> to vector<16xf32>
        %get3A_950 = arith.constant 6 : i32
        %get3A_951 = arith.index_cast %get3A_950 : i32 to index
        %get3A_952 = arith.index_cast %add3A_337 : i32 to index
        %get3A_953 = arith.constant 96 : index
        %get3A_954 = tpu.vector_load %arg4[%get3A_951, %get3A_952, %get3A_953] {strides = array<i32>} : memref<8x32x128xf32, #tpu.memory_space<vmem>>, vector<1x1x16xf32>,
        %get3A_955 = vector.shape_cast %get3A_954 : vector<1x1x16xf32> to vector<16xf32>
        %get3A_956 = arith.constant 7 : i32
        %get3A_957 = arith.index_cast %get3A_956 : i32 to index
        %get3A_958 = arith.index_cast %add3A_337 : i32 to index
        %get3A_959 = arith.constant 96 : index
        %get3A_960 = tpu.vector_load %arg4[%get3A_957, %get3A_958, %get3A_959] {strides = array<i32>} : memref<8x32x128xf32, #tpu.memory_space<vmem>>, vector<1x1x16xf32>,
        %get3A_961 = vector.shape_cast %get3A_960 : vector<1x1x16xf32> to vector<16xf32>
        %get3A_962 = arith.constant 1 : i32
        %get3A_963 = arith.index_cast %get3A_962 : i32 to index
        %get3A_964 = arith.index_cast %add3A_337 : i32 to index
        %get3A_965 = arith.constant 96 : index
        %get3A_966 = tpu.vector_load %arg6[%get3A_963, %get3A_964, %get3A_965] {strides = array<i32>} : memref<2x32x128xf32, #tpu.memory_space<vmem>>, vector<1x1x16xf32>,
        %get3A_967 = vector.shape_cast %get3A_966 : vector<1x1x16xf32> to vector<16xf32>
        %get3A_968 = arith.constant 4 : i32
        %get3A_969 = arith.index_cast %get3A_968 : i32 to index
        %get3A_970 = arith.index_cast %add3A_337 : i32 to index
        %get3A_971 = arith.constant 112 : index
        %get3A_972 = tpu.vector_load %arg4[%get3A_969, %get3A_970, %get3A_971] {strides = array<i32>} : memref<8x32x128xf32, #tpu.memory_space<vmem>>, vector<1x1x16xf32>,
        %get3A_973 = vector.shape_cast %get3A_972 : vector<1x1x16xf32> to vector<16xf32>
        %get3A_974 = arith.constant 5 : i32
        %get3A_975 = arith.index_cast %get3A_974 : i32 to index
        %get3A_976 = arith.index_cast %add3A_337 : i32 to index
        %get3A_977 = arith.constant 112 : index
        %get3A_978 = tpu.vector_load %arg4[%get3A_975, %get3A_976, %get3A_977] {strides = array<i32>} : memref<8x32x128xf32, #tpu.memory_space<vmem>>, vector<1x1x16xf32>,
        %get3A_979 = vector.shape_cast %get3A_978 : vector<1x1x16xf32> to vector<16xf32>
        %get3A_980 = arith.constant 6 : i32
        %get3A_981 = arith.index_cast %get3A_980 : i32 to index
        %get3A_982 = arith.index_cast %add3A_337 : i32 to index
        %get3A_983 = arith.constant 112 : index
        %get3A_984 = tpu.vector_load %arg4[%get3A_981, %get3A_982, %get3A_983] {strides = array<i32>} : memref<8x32x128xf32, #tpu.memory_space<vmem>>, vector<1x1x16xf32>,
        %get3A_985 = vector.shape_cast %get3A_984 : vector<1x1x16xf32> to vector<16xf32>
        %get3A_986 = arith.constant 7 : i32
        %get3A_987 = arith.index_cast %get3A_986 : i32 to index
        %get3A_988 = arith.index_cast %add3A_337 : i32 to index
        %get3A_989 = arith.constant 112 : index
        %get3A_990 = tpu.vector_load %arg4[%get3A_987, %get3A_988, %get3A_989] {strides = array<i32>} : memref<8x32x128xf32, #tpu.memory_space<vmem>>, vector<1x1x16xf32>,
        %get3A_991 = vector.shape_cast %get3A_990 : vector<1x1x16xf32> to vector<16xf32>
        %get3A_992 = arith.constant 1 : i32
        %get3A_993 = arith.index_cast %get3A_992 : i32 to index
        %get3A_994 = arith.index_cast %add3A_337 : i32 to index
        %get3A_995 = arith.constant 112 : index
        %get3A_996 = tpu.vector_load %arg6[%get3A_993, %get3A_994, %get3A_995] {strides = array<i32>} : memref<2x32x128xf32, #tpu.memory_space<vmem>>, vector<1x1x16xf32>,
        %get3A_997 = vector.shape_cast %get3A_996 : vector<1x1x16xf32> to vector<16xf32>
        %add3A_998 = arith.addf %get3A_883, %get3A_889 : vector<16xf32>
        %add3A_999 = arith.addf %get3A_895, %get3A_901 : vector<16xf32>
        %add3A_1000 = arith.addf %add3A_998, %add3A_999 : vector<16xf32>
        %add3A_1001 = arith.addf %add3A_1000, %get3A_907 : vector<16xf32>
        %mul3A_1002 = arith.constant 2.000000e-01 : f32
        %mul3A_1003 = vector.broadcast %mul3A_1002 : f32 to vector<16xf32>
        %mul3A_1004 = arith.mulf %add3A_1001, %mul3A_1003 : vector<16xf32>
        %add3A_1005 = arith.constant 64 : i32
        %add3A_1006 = arith.addi %mul3A_339, %add3A_1005 : i32
        %swap3A_1007 = arith.index_cast %add3A_701 : i32 to index
        %swap3A_1008 = arith.index_cast %add3A_1006 : i32 to index
        %swap3A_1009 = tpu.vector_load %arg8[%swap3A_1007, %swap3A_1008] {strides = array<i32>} : memref<32x1024xf32, #tpu.memory_space<vmem>>, vector<1x16xf32>,
        %swap3A_1010 = vector.shape_cast %swap3A_1009 : vector<1x16xf32> to vector<16xf32>
        %swap3A_1011 = vector.shape_cast %mul3A_1004 : vector<16xf32> to vector<1x16xf32>
        tpu.vector_store %arg8[%swap3A_1007, %swap3A_1008], %swap3A_1011 {strides = array<i32>} : memref<32x1024xf32, #tpu.memory_space<vmem>>, vector<1x16xf32>,
        %add3A_1012 = arith.addf %get3A_913, %get3A_919 : vector<16xf32>
        %add3A_1013 = arith.addf %get3A_925, %get3A_931 : vector<16xf32>
        %add3A_1014 = arith.addf %add3A_1012, %add3A_1013 : vector<16xf32>
        %add3A_1015 = arith.addf %add3A_1014, %get3A_937 : vector<16xf32>
        %mul3A_1016 = arith.constant 2.000000e-01 : f32
        %mul3A_1017 = vector.broadcast %mul3A_1016 : f32 to vector<16xf32>
        %mul3A_1018 = arith.mulf %add3A_1015, %mul3A_1017 : vector<16xf32>
        %add3A_1019 = arith.constant 80 : i32
        %add3A_1020 = arith.addi %mul3A_339, %add3A_1019 : i32
        %swap3A_1021 = arith.index_cast %add3A_701 : i32 to index
        %swap3A_1022 = arith.index_cast %add3A_1020 : i32 to index
        %swap3A_1023 = tpu.vector_load %arg8[%swap3A_1021, %swap3A_1022] {strides = array<i32>} : memref<32x1024xf32, #tpu.memory_space<vmem>>, vector<1x16xf32>,
        %swap3A_1024 = vector.shape_cast %swap3A_1023 : vector<1x16xf32> to vector<16xf32>
        %swap3A_1025 = vector.shape_cast %mul3A_1018 : vector<16xf32> to vector<1x16xf32>
        tpu.vector_store %arg8[%swap3A_1021, %swap3A_1022], %swap3A_1025 {strides = array<i32>} : memref<32x1024xf32, #tpu.memory_space<vmem>>, vector<1x16xf32>,
        %add3A_1026 = arith.addf %get3A_943, %get3A_949 : vector<16xf32>
        %add3A_1027 = arith.addf %get3A_955, %get3A_961 : vector<16xf32>
        %add3A_1028 = arith.addf %add3A_1026, %add3A_1027 : vector<16xf32>
        %add3A_1029 = arith.addf %add3A_1028, %get3A_967 : vector<16xf32>
        %mul3A_1030 = arith.constant 2.000000e-01 : f32
        %mul3A_1031 = vector.broadcast %mul3A_1030 : f32 to vector<16xf32>
        %mul3A_1032 = arith.mulf %add3A_1029, %mul3A_1031 : vector<16xf32>
        %add3A_1033 = arith.constant 96 : i32
        %add3A_1034 = arith.addi %mul3A_339, %add3A_1033 : i32
        %swap3A_1035 = arith.index_cast %add3A_701 : i32 to index
        %swap3A_1036 = arith.index_cast %add3A_1034 : i32 to index
        %swap3A_1037 = tpu.vector_load %arg8[%swap3A_1035, %swap3A_1036] {strides = array<i32>} : memref<32x1024xf32, #tpu.memory_space<vmem>>, vector<1x16xf32>,
        %swap3A_1038 = vector.shape_cast %swap3A_1037 : vector<1x16xf32> to vector<16xf32>
        %swap3A_1039 = vector.shape_cast %mul3A_1032 : vector<16xf32> to vector<1x16xf32>
        tpu.vector_store %arg8[%swap3A_1035, %swap3A_1036], %swap3A_1039 {strides = array<i32>} : memref<32x1024xf32, #tpu.memory_space<vmem>>, vector<1x16xf32>,
        %add3A_1040 = arith.addf %get3A_973, %get3A_979 : vector<16xf32>
        %add3A_1041 = arith.addf %get3A_985, %get3A_991 : vector<16xf32>
        %add3A_1042 = arith.addf %add3A_1040, %add3A_1041 : vector<16xf32>
        %add3A_1043 = arith.addf %add3A_1042, %get3A_997 : vector<16xf32>
        %mul3A_1044 = arith.constant 2.000000e-01 : f32
        %mul3A_1045 = vector.broadcast %mul3A_1044 : f32 to vector<16xf32>
        %mul3A_1046 = arith.mulf %add3A_1043, %mul3A_1045 : vector<16xf32>
        %add3A_1047 = arith.constant 112 : i32
        %add3A_1048 = arith.addi %mul3A_339, %add3A_1047 : i32
        %swap3A_1049 = arith.index_cast %add3A_701 : i32 to index
        %swap3A_1050 = arith.index_cast %add3A_1048 : i32 to index
        %swap3A_1051 = tpu.vector_load %arg8[%swap3A_1049, %swap3A_1050] {strides = array<i32>} : memref<32x1024xf32, #tpu.memory_space<vmem>>, vector<1x16xf32>,
        %swap3A_1052 = vector.shape_cast %swap3A_1051 : vector<1x16xf32> to vector<16xf32>
        %swap3A_1053 = vector.shape_cast %mul3A_1046 : vector<16xf32> to vector<1x16xf32>
        tpu.vector_store %arg8[%swap3A_1049, %swap3A_1050], %swap3A_1053 {strides = array<i32>} : memref<32x1024xf32, #tpu.memory_space<vmem>>, vector<1x16xf32>,
      }
      %scan3A_133 = arith.constant 32 : i32
      %add3A_134 = arith.constant 2 : i32
      %add3A_135 = arith.addi %add3A_108, %add3A_134 : i32
      %lt3A = arith.constant 32 : i32
      %lt3A_136 = arith.cmpi slt, %add3A_135, %lt3A : i32
      %convert_element_type3A_137 = arith.extui %lt3A_136 : i1 to i32
      %cond3A_138 = arith.constant 0 : i32
      %cond3A_139 = arith.cmpi ne, %convert_element_type3A_137, %cond3A_138 : i32
      scf.if %cond3A_139 {
        %add3A_303 = arith.constant 2 : i32
        %add3A_304 = arith.addi %add3A_108, %add3A_303 : i32
        %mul3A_305 = arith.constant 2 : i32
        %mul3A_306 = arith.muli %add3A_304, %mul3A_305 : i32
        %add3A_307 = arith.addi %mul3A_2, %mul3A_306 : i32
        %mul3A_308 = arith.constant 4 : i32
        %mul3A_309 = arith.muli %mul3A_308, %add3A_307 : i32
        %add3A_310 = arith.constant 1 : i32
        %add3A_311 = arith.addi %mul3A_309, %add3A_310 : i32
        %dma_start3A_312 = arith.constant 0 : i32
        %dma_start3A_313 = arith.constant 0 : i32
        %dma_start3A_314 = tpu.memref_slice %arg2[%add3A_311, %dma_start3A_312, %dma_start3A_313] : memref<8193x32x128xf32, #tpu.memory_space<hbm>> -> memref<8x32x128xf32, #tpu.memory_space<hbm>>
        %dma_start3A_315 = arith.constant 0 : i32
        %dma_start3A_316 = arith.constant 0 : i32
        %dma_start3A_317 = tpu.memref_slice %arg2[%add3A_311, %dma_start3A_315, %dma_start3A_316] : memref<8193x32x128xf32, #tpu.memory_space<hbm>> -> memref<8x32x128xf32, #tpu.memory_space<hbm>>
        tpu.enqueue_dma source(%dma_start3A_317 : memref<8x32x128xf32, #tpu.memory_space<hbm>>) target(%arg4 : memref<8x32x128xf32, #tpu.memory_space<vmem>>) target_semaphore(%arg9 : memref<!tpu.dma_semaphore, #tpu.memory_space<semaphore_mem>>)
        %dma_start3A_318 = arith.constant 0 : i32
        %dma_start3A_319 = arith.constant 0 : i32
        %dma_start3A_320 = tpu.memref_slice %arg2[%add3A_307, %dma_start3A_318, %dma_start3A_319] : memref<8193x32x128xf32, #tpu.memory_space<hbm>> -> memref<2x32x128xf32, #tpu.memory_space<hbm>>
        %dma_start3A_321 = arith.constant 0 : i32
        %dma_start3A_322 = arith.constant 0 : i32
        %dma_start3A_323 = tpu.memref_slice %arg2[%add3A_307, %dma_start3A_321, %dma_start3A_322] : memref<8193x32x128xf32, #tpu.memory_space<hbm>> -> memref<2x32x128xf32, #tpu.memory_space<hbm>>
        tpu.enqueue_dma source(%dma_start3A_323 : memref<2x32x128xf32, #tpu.memory_space<hbm>>) target(%arg6 : memref<2x32x128xf32, #tpu.memory_space<vmem>>) target_semaphore(%arg9 : memref<!tpu.dma_semaphore, #tpu.memory_space<semaphore_mem>>)
      } else {
      }
      %mul3A_140 = arith.constant 4 : i32
      %mul3A_141 = arith.muli %scan3A_102, %mul3A_140 : i32
      %add3A_142 = arith.constant 1 : i32
      %add3A_143 = arith.addi %mul3A_141, %add3A_142 : i32
      %mul3A_144 = arith.constant 2 : i32
      %mul3A_145 = arith.muli %add3A_143, %mul3A_144 : i32
      %add3A_146 = arith.addi %mul3A_2, %mul3A_145 : i32
      %mul3A_147 = arith.constant 4 : i32
      %mul3A_148 = arith.muli %mul3A_147, %add3A_146 : i32
      %add3A_149 = arith.constant 1 : i32
      %add3A_150 = arith.addi %mul3A_148, %add3A_149 : i32
      %dma_wait3A_151 = arith.constant 0 : i32
      %dma_wait3A_152 = arith.constant 0 : i32
      %dma_wait3A_153 = tpu.memref_slice %arg2[%add3A_150, %dma_wait3A_151, %dma_wait3A_152] : memref<8193x32x128xf32, #tpu.memory_space<hbm>> -> memref<8x32x128xf32, #tpu.memory_space<hbm>>
      %dma_wait3A_154 = arith.constant 0 : i32
      %dma_wait3A_155 = arith.constant 0 : i32
      %dma_wait3A_156 = tpu.memref_slice %arg2[%add3A_150, %dma_wait3A_154, %dma_wait3A_155] : memref<8193x32x128xf32, #tpu.memory_space<hbm>> -> memref<8x32x128xf32, #tpu.memory_space<hbm>>
      tpu.wait_dma2 semaphore(%arg10 : memref<!tpu.dma_semaphore, #tpu.memory_space<semaphore_mem>>) src(%dma_wait3A_156 : memref<8x32x128xf32, #tpu.memory_space<hbm>>) dst(%arg5 : memref<8x32x128xf32, #tpu.memory_space<vmem>>)
      %dma_wait3A_157 = arith.constant 0 : i32
      %dma_wait3A_158 = arith.constant 0 : i32
      %dma_wait3A_159 = tpu.memref_slice %arg2[%add3A_146, %dma_wait3A_157, %dma_wait3A_158] : memref<8193x32x128xf32, #tpu.memory_space<hbm>> -> memref<2x32x128xf32, #tpu.memory_space<hbm>>
      %dma_wait3A_160 = arith.constant 0 : i32
      %dma_wait3A_161 = arith.constant 0 : i32
      %dma_wait3A_162 = tpu.memref_slice %arg2[%add3A_146, %dma_wait3A_160, %dma_wait3A_161] : memref<8193x32x128xf32, #tpu.memory_space<hbm>> -> memref<2x32x128xf32, #tpu.memory_space<hbm>>
      tpu.wait_dma2 semaphore(%arg10 : memref<!tpu.dma_semaphore, #tpu.memory_space<semaphore_mem>>) src(%dma_wait3A_162 : memref<2x32x128xf32, #tpu.memory_space<hbm>>) dst(%arg7 : memref<2x32x128xf32, #tpu.memory_space<vmem>>)
      %scan3A_163 = arith.constant 0 : i32
      %scan3A_164 = arith.constant 0 : i32
      %scan3A_165 = arith.constant 32 : i32
      %scan3A_166 = arith.addi %scan3A_164, %scan3A_165 : i32
      %scan3A_167 = arith.constant 1 : i32
      scf.for %scan3A_303 = %scan3A_164 to %scan3A_166 step %scan3A_167  : i32 {
        %jit3A = arith.constant 8 : i32
        %div3A = arith.divsi %scan3A_303, %jit3A : i32
        %sign3A = arith.constant 0 : i32
        %sign3A_304 = arith.cmpi sgt, %scan3A_303, %sign3A : i32
        %sign3A_305 = arith.extui %sign3A_304 : i1 to i32
        %sign3A_306 = arith.constant 0 : i32
        %sign3A_307 = arith.cmpi slt, %scan3A_303, %sign3A_306 : i32
        %sign3A_308 = arith.extui %sign3A_307 : i1 to i32
        %sign3A_309 = arith.subi %sign3A_305, %sign3A_308 : i32
        %sign3A_310 = arith.constant 0 : i32
        %sign3A_311 = arith.cmpi sgt, %jit3A, %sign3A_310 : i32
        %sign3A_312 = arith.extui %sign3A_311 : i1 to i32
        %sign3A_313 = arith.constant 0 : i32
        %sign3A_314 = arith.cmpi slt, %jit3A, %sign3A_313 : i32
        %sign3A_315 = arith.extui %sign3A_314 : i1 to i32
        %sign3A_316 = arith.subi %sign3A_312, %sign3A_315 : i32
        %ne3A = arith.cmpi ne, %sign3A_309, %sign3A_316 : i32
        %rem3A = arith.remsi %scan3A_303, %jit3A : i32
        %ne3A_317 = arith.constant 0 : i32
        %ne3A_318 = arith.cmpi ne, %rem3A, %ne3A_317 : i32
        %and3A = arith.andi %ne3A, %ne3A_318 : i1
        %sub3A = arith.constant 1 : i32
        %sub3A_319 = arith.subi %div3A, %sub3A : i32
        %select_n3A = arith.select %and3A, %sub3A_319, %div3A : i32
        %jit3A_320 = arith.constant 8 : i32
        %eq3A = arith.constant 0 : i32
        %eq3A_321 = arith.cmpi eq, %jit3A_320, %eq3A : i32
        %jit3A_322 = arith.constant 1 : i32
        %select_n3A_323 = arith.select %eq3A_321, %jit3A_322, %jit3A_320 : i32
        %rem3A_324 = arith.remsi %scan3A_303, %select_n3A_323 : i32
        %ne3A_325 = arith.constant 0 : i32
        %ne3A_326 = arith.cmpi ne, %rem3A_324, %ne3A_325 : i32
        %lt3A_327 = arith.constant 0 : i32
        %lt3A_328 = arith.cmpi slt, %rem3A_324, %lt3A_327 : i32
        %lt3A_329 = arith.constant 0 : i32
        %lt3A_330 = arith.cmpi slt, %select_n3A_323, %lt3A_329 : i32
        %ne3A_331 = arith.xori %lt3A_328, %lt3A_330 : i1
        %and3A_332 = arith.andi %ne3A_331, %ne3A_326 : i1
        %add3A_333 = arith.addi %rem3A_324, %select_n3A_323 : i32
        %select_n3A_334 = arith.select %and3A_332, %add3A_333, %rem3A_324 : i32
        %mul3A_335 = arith.constant 4 : i32
        %mul3A_336 = arith.muli %select_n3A_334, %mul3A_335 : i32
        %add3A_337 = arith.addi %mul3A_336, %select_n3A : i32
        %mul3A_338 = arith.constant 128 : i32
        %mul3A_339 = arith.muli %select_n3A_334, %mul3A_338 : i32
        %mul3A_340 = arith.constant 8 : i32
        %mul3A_341 = arith.muli %select_n3A, %mul3A_340 : i32
        %add3A_342 = arith.constant 2 : i32
        %add3A_343 = arith.addi %mul3A_341, %add3A_342 : i32
        %add3A_344 = arith.constant 0 : i32
        %add3A_345 = arith.addi %add3A_343, %add3A_344 : i32
        %get3A = arith.constant 0 : i32
        %get3A_346 = arith.index_cast %get3A : i32 to index
        %get3A_347 = arith.index_cast %add3A_337 : i32 to index
        %get3A_348 = arith.constant 0 : index
        %get3A_349 = tpu.vector_load %arg5[%get3A_346, %get3A_347, %get3A_348] {strides = array<i32>} : memref<8x32x128xf32, #tpu.memory_space<vmem>>, vector<1x1x16xf32>,
        %get3A_350 = vector.shape_cast %get3A_349 : vector<1x1x16xf32> to vector<16xf32>
        %get3A_351 = arith.constant 1 : i32
        %get3A_352 = arith.index_cast %get3A_351 : i32 to index
        %get3A_353 = arith.index_cast %add3A_337 : i32 to index
        %get3A_354 = arith.constant 0 : index
        %get3A_355 = tpu.vector_load %arg5[%get3A_352, %get3A_353, %get3A_354] {strides = array<i32>} : memref<8x32x128xf32, #tpu.memory_space<vmem>>, vector<1x1x16xf32>,
        %get3A_356 = vector.shape_cast %get3A_355 : vector<1x1x16xf32> to vector<16xf32>
        %get3A_357 = arith.constant 2 : i32
        %get3A_358 = arith.index_cast %get3A_357 : i32 to index
        %get3A_359 = arith.index_cast %add3A_337 : i32 to index
        %get3A_360 = arith.constant 0 : index
        %get3A_361 = tpu.vector_load %arg5[%get3A_358, %get3A_359, %get3A_360] {strides = array<i32>} : memref<8x32x128xf32, #tpu.memory_space<vmem>>, vector<1x1x16xf32>,
        %get3A_362 = vector.shape_cast %get3A_361 : vector<1x1x16xf32> to vector<16xf32>
        %get3A_363 = arith.constant 3 : i32
        %get3A_364 = arith.index_cast %get3A_363 : i32 to index
        %get3A_365 = arith.index_cast %add3A_337 : i32 to index
        %get3A_366 = arith.constant 0 : index
        %get3A_367 = tpu.vector_load %arg5[%get3A_364, %get3A_365, %get3A_366] {strides = array<i32>} : memref<8x32x128xf32, #tpu.memory_space<vmem>>, vector<1x1x16xf32>,
        %get3A_368 = vector.shape_cast %get3A_367 : vector<1x1x16xf32> to vector<16xf32>
        %get3A_369 = arith.constant 0 : i32
        %get3A_370 = arith.index_cast %get3A_369 : i32 to index
        %get3A_371 = arith.index_cast %add3A_337 : i32 to index
        %get3A_372 = arith.constant 0 : index
        %get3A_373 = tpu.vector_load %arg7[%get3A_370, %get3A_371, %get3A_372] {strides = array<i32>} : memref<2x32x128xf32, #tpu.memory_space<vmem>>, vector<1x1x16xf32>,
        %get3A_374 = vector.shape_cast %get3A_373 : vector<1x1x16xf32> to vector<16xf32>
        %get3A_375 = arith.constant 0 : i32
        %get3A_376 = arith.index_cast %get3A_375 : i32 to index
        %get3A_377 = arith.index_cast %add3A_337 : i32 to index
        %get3A_378 = arith.constant 16 : index
        %get3A_379 = tpu.vector_load %arg5[%get3A_376, %get3A_377, %get3A_378] {strides = array<i32>} : memref<8x32x128xf32, #tpu.memory_space<vmem>>, vector<1x1x16xf32>,
        %get3A_380 = vector.shape_cast %get3A_379 : vector<1x1x16xf32> to vector<16xf32>
        %get3A_381 = arith.constant 1 : i32
        %get3A_382 = arith.index_cast %get3A_381 : i32 to index
        %get3A_383 = arith.index_cast %add3A_337 : i32 to index
        %get3A_384 = arith.constant 16 : index
        %get3A_385 = tpu.vector_load %arg5[%get3A_382, %get3A_383, %get3A_384] {strides = array<i32>} : memref<8x32x128xf32, #tpu.memory_space<vmem>>, vector<1x1x16xf32>,
        %get3A_386 = vector.shape_cast %get3A_385 : vector<1x1x16xf32> to vector<16xf32>
        %get3A_387 = arith.constant 2 : i32
        %get3A_388 = arith.index_cast %get3A_387 : i32 to index
        %get3A_389 = arith.index_cast %add3A_337 : i32 to index
        %get3A_390 = arith.constant 16 : index
        %get3A_391 = tpu.vector_load %arg5[%get3A_388, %get3A_389, %get3A_390] {strides = array<i32>} : memref<8x32x128xf32, #tpu.memory_space<vmem>>, vector<1x1x16xf32>,
        %get3A_392 = vector.shape_cast %get3A_391 : vector<1x1x16xf32> to vector<16xf32>
        %get3A_393 = arith.constant 3 : i32
        %get3A_394 = arith.index_cast %get3A_393 : i32 to index
        %get3A_395 = arith.index_cast %add3A_337 : i32 to index
        %get3A_396 = arith.constant 16 : index
        %get3A_397 = tpu.vector_load %arg5[%get3A_394, %get3A_395, %get3A_396] {strides = array<i32>} : memref<8x32x128xf32, #tpu.memory_space<vmem>>, vector<1x1x16xf32>,
        %get3A_398 = vector.shape_cast %get3A_397 : vector<1x1x16xf32> to vector<16xf32>
        %get3A_399 = arith.constant 0 : i32
        %get3A_400 = arith.index_cast %get3A_399 : i32 to index
        %get3A_401 = arith.index_cast %add3A_337 : i32 to index
        %get3A_402 = arith.constant 16 : index
        %get3A_403 = tpu.vector_load %arg7[%get3A_400, %get3A_401, %get3A_402] {strides = array<i32>} : memref<2x32x128xf32, #tpu.memory_space<vmem>>, vector<1x1x16xf32>,
        %get3A_404 = vector.shape_cast %get3A_403 : vector<1x1x16xf32> to vector<16xf32>
        %get3A_405 = arith.constant 0 : i32
        %get3A_406 = arith.index_cast %get3A_405 : i32 to index
        %get3A_407 = arith.index_cast %add3A_337 : i32 to index
        %get3A_408 = arith.constant 32 : index
        %get3A_409 = tpu.vector_load %arg5[%get3A_406, %get3A_407, %get3A_408] {strides = array<i32>} : memref<8x32x128xf32, #tpu.memory_space<vmem>>, vector<1x1x16xf32>,
        %get3A_410 = vector.shape_cast %get3A_409 : vector<1x1x16xf32> to vector<16xf32>
        %get3A_411 = arith.constant 1 : i32
        %get3A_412 = arith.index_cast %get3A_411 : i32 to index
        %get3A_413 = arith.index_cast %add3A_337 : i32 to index
        %get3A_414 = arith.constant 32 : index
        %get3A_415 = tpu.vector_load %arg5[%get3A_412, %get3A_413, %get3A_414] {strides = array<i32>} : memref<8x32x128xf32, #tpu.memory_space<vmem>>, vector<1x1x16xf32>,
        %get3A_416 = vector.shape_cast %get3A_415 : vector<1x1x16xf32> to vector<16xf32>
        %get3A_417 = arith.constant 2 : i32
        %get3A_418 = arith.index_cast %get3A_417 : i32 to index
        %get3A_419 = arith.index_cast %add3A_337 : i32 to index
        %get3A_420 = arith.constant 32 : index
        %get3A_421 = tpu.vector_load %arg5[%get3A_418, %get3A_419, %get3A_420] {strides = array<i32>} : memref<8x32x128xf32, #tpu.memory_space<vmem>>, vector<1x1x16xf32>,
        %get3A_422 = vector.shape_cast %get3A_421 : vector<1x1x16xf32> to vector<16xf32>
        %get3A_423 = arith.constant 3 : i32
        %get3A_424 = arith.index_cast %get3A_423 : i32 to index
        %get3A_425 = arith.index_cast %add3A_337 : i32 to index
        %get3A_426 = arith.constant 32 : index
        %get3A_427 = tpu.vector_load %arg5[%get3A_424, %get3A_425, %get3A_426] {strides = array<i32>} : memref<8x32x128xf32, #tpu.memory_space<vmem>>, vector<1x1x16xf32>,
        %get3A_428 = vector.shape_cast %get3A_427 : vector<1x1x16xf32> to vector<16xf32>
        %get3A_429 = arith.constant 0 : i32
        %get3A_430 = arith.index_cast %get3A_429 : i32 to index
        %get3A_431 = arith.index_cast %add3A_337 : i32 to index
        %get3A_432 = arith.constant 32 : index
        %get3A_433 = tpu.vector_load %arg7[%get3A_430, %get3A_431, %get3A_432] {strides = array<i32>} : memref<2x32x128xf32, #tpu.memory_space<vmem>>, vector<1x1x16xf32>,
        %get3A_434 = vector.shape_cast %get3A_433 : vector<1x1x16xf32> to vector<16xf32>
        %get3A_435 = arith.constant 0 : i32
        %get3A_436 = arith.index_cast %get3A_435 : i32 to index
        %get3A_437 = arith.index_cast %add3A_337 : i32 to index
        %get3A_438 = arith.constant 48 : index
        %get3A_439 = tpu.vector_load %arg5[%get3A_436, %get3A_437, %get3A_438] {strides = array<i32>} : memref<8x32x128xf32, #tpu.memory_space<vmem>>, vector<1x1x16xf32>,
        %get3A_440 = vector.shape_cast %get3A_439 : vector<1x1x16xf32> to vector<16xf32>
        %get3A_441 = arith.constant 1 : i32
        %get3A_442 = arith.index_cast %get3A_441 : i32 to index
        %get3A_443 = arith.index_cast %add3A_337 : i32 to index
        %get3A_444 = arith.constant 48 : index
        %get3A_445 = tpu.vector_load %arg5[%get3A_442, %get3A_443, %get3A_444] {strides = array<i32>} : memref<8x32x128xf32, #tpu.memory_space<vmem>>, vector<1x1x16xf32>,
        %get3A_446 = vector.shape_cast %get3A_445 : vector<1x1x16xf32> to vector<16xf32>
        %get3A_447 = arith.constant 2 : i32
        %get3A_448 = arith.index_cast %get3A_447 : i32 to index
        %get3A_449 = arith.index_cast %add3A_337 : i32 to index
        %get3A_450 = arith.constant 48 : index
        %get3A_451 = tpu.vector_load %arg5[%get3A_448, %get3A_449, %get3A_450] {strides = array<i32>} : memref<8x32x128xf32, #tpu.memory_space<vmem>>, vector<1x1x16xf32>,
        %get3A_452 = vector.shape_cast %get3A_451 : vector<1x1x16xf32> to vector<16xf32>
        %get3A_453 = arith.constant 3 : i32
        %get3A_454 = arith.index_cast %get3A_453 : i32 to index
        %get3A_455 = arith.index_cast %add3A_337 : i32 to index
        %get3A_456 = arith.constant 48 : index
        %get3A_457 = tpu.vector_load %arg5[%get3A_454, %get3A_455, %get3A_456] {strides = array<i32>} : memref<8x32x128xf32, #tpu.memory_space<vmem>>, vector<1x1x16xf32>,
        %get3A_458 = vector.shape_cast %get3A_457 : vector<1x1x16xf32> to vector<16xf32>
        %get3A_459 = arith.constant 0 : i32
        %get3A_460 = arith.index_cast %get3A_459 : i32 to index
        %get3A_461 = arith.index_cast %add3A_337 : i32 to index
        %get3A_462 = arith.constant 48 : index
        %get3A_463 = tpu.vector_load %arg7[%get3A_460, %get3A_461, %get3A_462] {strides = array<i32>} : memref<2x32x128xf32, #tpu.memory_space<vmem>>, vector<1x1x16xf32>,
        %get3A_464 = vector.shape_cast %get3A_463 : vector<1x1x16xf32> to vector<16xf32>
        %add3A_465 = arith.addf %get3A_350, %get3A_356 : vector<16xf32>
        %add3A_466 = arith.addf %get3A_362, %get3A_368 : vector<16xf32>
        %add3A_467 = arith.addf %add3A_465, %add3A_466 : vector<16xf32>
        %add3A_468 = arith.addf %add3A_467, %get3A_374 : vector<16xf32>
        %mul3A_469 = arith.constant 2.000000e-01 : f32
        %mul3A_470 = vector.broadcast %mul3A_469 : f32 to vector<16xf32>
        %mul3A_471 = arith.mulf %add3A_468, %mul3A_470 : vector<16xf32>
        %add3A_472 = arith.constant 0 : i32
        %add3A_473 = arith.addi %mul3A_339, %add3A_472 : i32
        %swap3A = arith.index_cast %add3A_345 : i32 to index
        %swap3A_474 = arith.index_cast %add3A_473 : i32 to index
        %swap3A_475 = tpu.vector_load %arg8[%swap3A, %swap3A_474] {strides = array<i32>} : memref<32x1024xf32, #tpu.memory_space<vmem>>, vector<1x16xf32>,
        %swap3A_476 = vector.shape_cast %swap3A_475 : vector<1x16xf32> to vector<16xf32>
        %swap3A_477 = vector.shape_cast %mul3A_471 : vector<16xf32> to vector<1x16xf32>
        tpu.vector_store %arg8[%swap3A, %swap3A_474], %swap3A_477 {strides = array<i32>} : memref<32x1024xf32, #tpu.memory_space<vmem>>, vector<1x16xf32>,
        %add3A_478 = arith.addf %get3A_380, %get3A_386 : vector<16xf32>
        %add3A_479 = arith.addf %get3A_392, %get3A_398 : vector<16xf32>
        %add3A_480 = arith.addf %add3A_478, %add3A_479 : vector<16xf32>
        %add3A_481 = arith.addf %add3A_480, %get3A_404 : vector<16xf32>
        %mul3A_482 = arith.constant 2.000000e-01 : f32
        %mul3A_483 = vector.broadcast %mul3A_482 : f32 to vector<16xf32>
        %mul3A_484 = arith.mulf %add3A_481, %mul3A_483 : vector<16xf32>
        %add3A_485 = arith.constant 16 : i32
        %add3A_486 = arith.addi %mul3A_339, %add3A_485 : i32
        %swap3A_487 = arith.index_cast %add3A_345 : i32 to index
        %swap3A_488 = arith.index_cast %add3A_486 : i32 to index
        %swap3A_489 = tpu.vector_load %arg8[%swap3A_487, %swap3A_488] {strides = array<i32>} : memref<32x1024xf32, #tpu.memory_space<vmem>>, vector<1x16xf32>,
        %swap3A_490 = vector.shape_cast %swap3A_489 : vector<1x16xf32> to vector<16xf32>
        %swap3A_491 = vector.shape_cast %mul3A_484 : vector<16xf32> to vector<1x16xf32>
        tpu.vector_store %arg8[%swap3A_487, %swap3A_488], %swap3A_491 {strides = array<i32>} : memref<32x1024xf32, #tpu.memory_space<vmem>>, vector<1x16xf32>,
        %add3A_492 = arith.addf %get3A_410, %get3A_416 : vector<16xf32>
        %add3A_493 = arith.addf %get3A_422, %get3A_428 : vector<16xf32>
        %add3A_494 = arith.addf %add3A_492, %add3A_493 : vector<16xf32>
        %add3A_495 = arith.addf %add3A_494, %get3A_434 : vector<16xf32>
        %mul3A_496 = arith.constant 2.000000e-01 : f32
        %mul3A_497 = vector.broadcast %mul3A_496 : f32 to vector<16xf32>
        %mul3A_498 = arith.mulf %add3A_495, %mul3A_497 : vector<16xf32>
        %add3A_499 = arith.constant 32 : i32
        %add3A_500 = arith.addi %mul3A_339, %add3A_499 : i32
        %swap3A_501 = arith.index_cast %add3A_345 : i32 to index
        %swap3A_502 = arith.index_cast %add3A_500 : i32 to index
        %swap3A_503 = tpu.vector_load %arg8[%swap3A_501, %swap3A_502] {strides = array<i32>} : memref<32x1024xf32, #tpu.memory_space<vmem>>, vector<1x16xf32>,
        %swap3A_504 = vector.shape_cast %swap3A_503 : vector<1x16xf32> to vector<16xf32>
        %swap3A_505 = vector.shape_cast %mul3A_498 : vector<16xf32> to vector<1x16xf32>
        tpu.vector_store %arg8[%swap3A_501, %swap3A_502], %swap3A_505 {strides = array<i32>} : memref<32x1024xf32, #tpu.memory_space<vmem>>, vector<1x16xf32>,
        %add3A_506 = arith.addf %get3A_440, %get3A_446 : vector<16xf32>
        %add3A_507 = arith.addf %get3A_452, %get3A_458 : vector<16xf32>
        %add3A_508 = arith.addf %add3A_506, %add3A_507 : vector<16xf32>
        %add3A_509 = arith.addf %add3A_508, %get3A_464 : vector<16xf32>
        %mul3A_510 = arith.constant 2.000000e-01 : f32
        %mul3A_511 = vector.broadcast %mul3A_510 : f32 to vector<16xf32>
        %mul3A_512 = arith.mulf %add3A_509, %mul3A_511 : vector<16xf32>
        %add3A_513 = arith.constant 48 : i32
        %add3A_514 = arith.addi %mul3A_339, %add3A_513 : i32
        %swap3A_515 = arith.index_cast %add3A_345 : i32 to index
        %swap3A_516 = arith.index_cast %add3A_514 : i32 to index
        %swap3A_517 = tpu.vector_load %arg8[%swap3A_515, %swap3A_516] {strides = array<i32>} : memref<32x1024xf32, #tpu.memory_space<vmem>>, vector<1x16xf32>,
        %swap3A_518 = vector.shape_cast %swap3A_517 : vector<1x16xf32> to vector<16xf32>
        %swap3A_519 = vector.shape_cast %mul3A_512 : vector<16xf32> to vector<1x16xf32>
        tpu.vector_store %arg8[%swap3A_515, %swap3A_516], %swap3A_519 {strides = array<i32>} : memref<32x1024xf32, #tpu.memory_space<vmem>>, vector<1x16xf32>,
        %get3A_520 = arith.constant 0 : i32
        %get3A_521 = arith.index_cast %get3A_520 : i32 to index
        %get3A_522 = arith.index_cast %add3A_337 : i32 to index
        %get3A_523 = arith.constant 64 : index
        %get3A_524 = tpu.vector_load %arg5[%get3A_521, %get3A_522, %get3A_523] {strides = array<i32>} : memref<8x32x128xf32, #tpu.memory_space<vmem>>, vector<1x1x16xf32>,
        %get3A_525 = vector.shape_cast %get3A_524 : vector<1x1x16xf32> to vector<16xf32>
        %get3A_526 = arith.constant 1 : i32
        %get3A_527 = arith.index_cast %get3A_526 : i32 to index
        %get3A_528 = arith.index_cast %add3A_337 : i32 to index
        %get3A_529 = arith.constant 64 : index
        %get3A_530 = tpu.vector_load %arg5[%get3A_527, %get3A_528, %get3A_529] {strides = array<i32>} : memref<8x32x128xf32, #tpu.memory_space<vmem>>, vector<1x1x16xf32>,
        %get3A_531 = vector.shape_cast %get3A_530 : vector<1x1x16xf32> to vector<16xf32>
        %get3A_532 = arith.constant 2 : i32
        %get3A_533 = arith.index_cast %get3A_532 : i32 to index
        %get3A_534 = arith.index_cast %add3A_337 : i32 to index
        %get3A_535 = arith.constant 64 : index
        %get3A_536 = tpu.vector_load %arg5[%get3A_533, %get3A_534, %get3A_535] {strides = array<i32>} : memref<8x32x128xf32, #tpu.memory_space<vmem>>, vector<1x1x16xf32>,
        %get3A_537 = vector.shape_cast %get3A_536 : vector<1x1x16xf32> to vector<16xf32>
        %get3A_538 = arith.constant 3 : i32
        %get3A_539 = arith.index_cast %get3A_538 : i32 to index
        %get3A_540 = arith.index_cast %add3A_337 : i32 to index
        %get3A_541 = arith.constant 64 : index
        %get3A_542 = tpu.vector_load %arg5[%get3A_539, %get3A_540, %get3A_541] {strides = array<i32>} : memref<8x32x128xf32, #tpu.memory_space<vmem>>, vector<1x1x16xf32>,
        %get3A_543 = vector.shape_cast %get3A_542 : vector<1x1x16xf32> to vector<16xf32>
        %get3A_544 = arith.constant 0 : i32
        %get3A_545 = arith.index_cast %get3A_544 : i32 to index
        %get3A_546 = arith.index_cast %add3A_337 : i32 to index
        %get3A_547 = arith.constant 64 : index
        %get3A_548 = tpu.vector_load %arg7[%get3A_545, %get3A_546, %get3A_547] {strides = array<i32>} : memref<2x32x128xf32, #tpu.memory_space<vmem>>, vector<1x1x16xf32>,
        %get3A_549 = vector.shape_cast %get3A_548 : vector<1x1x16xf32> to vector<16xf32>
        %get3A_550 = arith.constant 0 : i32
        %get3A_551 = arith.index_cast %get3A_550 : i32 to index
        %get3A_552 = arith.index_cast %add3A_337 : i32 to index
        %get3A_553 = arith.constant 80 : index
        %get3A_554 = tpu.vector_load %arg5[%get3A_551, %get3A_552, %get3A_553] {strides = array<i32>} : memref<8x32x128xf32, #tpu.memory_space<vmem>>, vector<1x1x16xf32>,
        %get3A_555 = vector.shape_cast %get3A_554 : vector<1x1x16xf32> to vector<16xf32>
        %get3A_556 = arith.constant 1 : i32
        %get3A_557 = arith.index_cast %get3A_556 : i32 to index
        %get3A_558 = arith.index_cast %add3A_337 : i32 to index
        %get3A_559 = arith.constant 80 : index
        %get3A_560 = tpu.vector_load %arg5[%get3A_557, %get3A_558, %get3A_559] {strides = array<i32>} : memref<8x32x128xf32, #tpu.memory_space<vmem>>, vector<1x1x16xf32>,
        %get3A_561 = vector.shape_cast %get3A_560 : vector<1x1x16xf32> to vector<16xf32>
        %get3A_562 = arith.constant 2 : i32
        %get3A_563 = arith.index_cast %get3A_562 : i32 to index
        %get3A_564 = arith.index_cast %add3A_337 : i32 to index
        %get3A_565 = arith.constant 80 : index
        %get3A_566 = tpu.vector_load %arg5[%get3A_563, %get3A_564, %get3A_565] {strides = array<i32>} : memref<8x32x128xf32, #tpu.memory_space<vmem>>, vector<1x1x16xf32>,
        %get3A_567 = vector.shape_cast %get3A_566 : vector<1x1x16xf32> to vector<16xf32>
        %get3A_568 = arith.constant 3 : i32
        %get3A_569 = arith.index_cast %get3A_568 : i32 to index
        %get3A_570 = arith.index_cast %add3A_337 : i32 to index
        %get3A_571 = arith.constant 80 : index
        %get3A_572 = tpu.vector_load %arg5[%get3A_569, %get3A_570, %get3A_571] {strides = array<i32>} : memref<8x32x128xf32, #tpu.memory_space<vmem>>, vector<1x1x16xf32>,
        %get3A_573 = vector.shape_cast %get3A_572 : vector<1x1x16xf32> to vector<16xf32>
        %get3A_574 = arith.constant 0 : i32
        %get3A_575 = arith.index_cast %get3A_574 : i32 to index
        %get3A_576 = arith.index_cast %add3A_337 : i32 to index
        %get3A_577 = arith.constant 80 : index
        %get3A_578 = tpu.vector_load %arg7[%get3A_575, %get3A_576, %get3A_577] {strides = array<i32>} : memref<2x32x128xf32, #tpu.memory_space<vmem>>, vector<1x1x16xf32>,
        %get3A_579 = vector.shape_cast %get3A_578 : vector<1x1x16xf32> to vector<16xf32>
        %get3A_580 = arith.constant 0 : i32
        %get3A_581 = arith.index_cast %get3A_580 : i32 to index
        %get3A_582 = arith.index_cast %add3A_337 : i32 to index
        %get3A_583 = arith.constant 96 : index
        %get3A_584 = tpu.vector_load %arg5[%get3A_581, %get3A_582, %get3A_583] {strides = array<i32>} : memref<8x32x128xf32, #tpu.memory_space<vmem>>, vector<1x1x16xf32>,
        %get3A_585 = vector.shape_cast %get3A_584 : vector<1x1x16xf32> to vector<16xf32>
        %get3A_586 = arith.constant 1 : i32
        %get3A_587 = arith.index_cast %get3A_586 : i32 to index
        %get3A_588 = arith.index_cast %add3A_337 : i32 to index
        %get3A_589 = arith.constant 96 : index
        %get3A_590 = tpu.vector_load %arg5[%get3A_587, %get3A_588, %get3A_589] {strides = array<i32>} : memref<8x32x128xf32, #tpu.memory_space<vmem>>, vector<1x1x16xf32>,
        %get3A_591 = vector.shape_cast %get3A_590 : vector<1x1x16xf32> to vector<16xf32>
        %get3A_592 = arith.constant 2 : i32
        %get3A_593 = arith.index_cast %get3A_592 : i32 to index
        %get3A_594 = arith.index_cast %add3A_337 : i32 to index
        %get3A_595 = arith.constant 96 : index
        %get3A_596 = tpu.vector_load %arg5[%get3A_593, %get3A_594, %get3A_595] {strides = array<i32>} : memref<8x32x128xf32, #tpu.memory_space<vmem>>, vector<1x1x16xf32>,
        %get3A_597 = vector.shape_cast %get3A_596 : vector<1x1x16xf32> to vector<16xf32>
        %get3A_598 = arith.constant 3 : i32
        %get3A_599 = arith.index_cast %get3A_598 : i32 to index
        %get3A_600 = arith.index_cast %add3A_337 : i32 to index
        %get3A_601 = arith.constant 96 : index
        %get3A_602 = tpu.vector_load %arg5[%get3A_599, %get3A_600, %get3A_601] {strides = array<i32>} : memref<8x32x128xf32, #tpu.memory_space<vmem>>, vector<1x1x16xf32>,
        %get3A_603 = vector.shape_cast %get3A_602 : vector<1x1x16xf32> to vector<16xf32>
        %get3A_604 = arith.constant 0 : i32
        %get3A_605 = arith.index_cast %get3A_604 : i32 to index
        %get3A_606 = arith.index_cast %add3A_337 : i32 to index
        %get3A_607 = arith.constant 96 : index
        %get3A_608 = tpu.vector_load %arg7[%get3A_605, %get3A_606, %get3A_607] {strides = array<i32>} : memref<2x32x128xf32, #tpu.memory_space<vmem>>, vector<1x1x16xf32>,
        %get3A_609 = vector.shape_cast %get3A_608 : vector<1x1x16xf32> to vector<16xf32>
        %get3A_610 = arith.constant 0 : i32
        %get3A_611 = arith.index_cast %get3A_610 : i32 to index
        %get3A_612 = arith.index_cast %add3A_337 : i32 to index
        %get3A_613 = arith.constant 112 : index
        %get3A_614 = tpu.vector_load %arg5[%get3A_611, %get3A_612, %get3A_613] {strides = array<i32>} : memref<8x32x128xf32, #tpu.memory_space<vmem>>, vector<1x1x16xf32>,
        %get3A_615 = vector.shape_cast %get3A_614 : vector<1x1x16xf32> to vector<16xf32>
        %get3A_616 = arith.constant 1 : i32
        %get3A_617 = arith.index_cast %get3A_616 : i32 to index
        %get3A_618 = arith.index_cast %add3A_337 : i32 to index
        %get3A_619 = arith.constant 112 : index
        %get3A_620 = tpu.vector_load %arg5[%get3A_617, %get3A_618, %get3A_619] {strides = array<i32>} : memref<8x32x128xf32, #tpu.memory_space<vmem>>, vector<1x1x16xf32>,
        %get3A_621 = vector.shape_cast %get3A_620 : vector<1x1x16xf32> to vector<16xf32>
        %get3A_622 = arith.constant 2 : i32
        %get3A_623 = arith.index_cast %get3A_622 : i32 to index
        %get3A_624 = arith.index_cast %add3A_337 : i32 to index
        %get3A_625 = arith.constant 112 : index
        %get3A_626 = tpu.vector_load %arg5[%get3A_623, %get3A_624, %get3A_625] {strides = array<i32>} : memref<8x32x128xf32, #tpu.memory_space<vmem>>, vector<1x1x16xf32>,
        %get3A_627 = vector.shape_cast %get3A_626 : vector<1x1x16xf32> to vector<16xf32>
        %get3A_628 = arith.constant 3 : i32
        %get3A_629 = arith.index_cast %get3A_628 : i32 to index
        %get3A_630 = arith.index_cast %add3A_337 : i32 to index
        %get3A_631 = arith.constant 112 : index
        %get3A_632 = tpu.vector_load %arg5[%get3A_629, %get3A_630, %get3A_631] {strides = array<i32>} : memref<8x32x128xf32, #tpu.memory_space<vmem>>, vector<1x1x16xf32>,
        %get3A_633 = vector.shape_cast %get3A_632 : vector<1x1x16xf32> to vector<16xf32>
        %get3A_634 = arith.constant 0 : i32
        %get3A_635 = arith.index_cast %get3A_634 : i32 to index
        %get3A_636 = arith.index_cast %add3A_337 : i32 to index
        %get3A_637 = arith.constant 112 : index
        %get3A_638 = tpu.vector_load %arg7[%get3A_635, %get3A_636, %get3A_637] {strides = array<i32>} : memref<2x32x128xf32, #tpu.memory_space<vmem>>, vector<1x1x16xf32>,
        %get3A_639 = vector.shape_cast %get3A_638 : vector<1x1x16xf32> to vector<16xf32>
        %add3A_640 = arith.addf %get3A_525, %get3A_531 : vector<16xf32>
        %add3A_641 = arith.addf %get3A_537, %get3A_543 : vector<16xf32>
        %add3A_642 = arith.addf %add3A_640, %add3A_641 : vector<16xf32>
        %add3A_643 = arith.addf %add3A_642, %get3A_549 : vector<16xf32>
        %mul3A_644 = arith.constant 2.000000e-01 : f32
        %mul3A_645 = vector.broadcast %mul3A_644 : f32 to vector<16xf32>
        %mul3A_646 = arith.mulf %add3A_643, %mul3A_645 : vector<16xf32>
        %add3A_647 = arith.constant 64 : i32
        %add3A_648 = arith.addi %mul3A_339, %add3A_647 : i32
        %swap3A_649 = arith.index_cast %add3A_345 : i32 to index
        %swap3A_650 = arith.index_cast %add3A_648 : i32 to index
        %swap3A_651 = tpu.vector_load %arg8[%swap3A_649, %swap3A_650] {strides = array<i32>} : memref<32x1024xf32, #tpu.memory_space<vmem>>, vector<1x16xf32>,
        %swap3A_652 = vector.shape_cast %swap3A_651 : vector<1x16xf32> to vector<16xf32>
        %swap3A_653 = vector.shape_cast %mul3A_646 : vector<16xf32> to vector<1x16xf32>
        tpu.vector_store %arg8[%swap3A_649, %swap3A_650], %swap3A_653 {strides = array<i32>} : memref<32x1024xf32, #tpu.memory_space<vmem>>, vector<1x16xf32>,
        %add3A_654 = arith.addf %get3A_555, %get3A_561 : vector<16xf32>
        %add3A_655 = arith.addf %get3A_567, %get3A_573 : vector<16xf32>
        %add3A_656 = arith.addf %add3A_654, %add3A_655 : vector<16xf32>
        %add3A_657 = arith.addf %add3A_656, %get3A_579 : vector<16xf32>
        %mul3A_658 = arith.constant 2.000000e-01 : f32
        %mul3A_659 = vector.broadcast %mul3A_658 : f32 to vector<16xf32>
        %mul3A_660 = arith.mulf %add3A_657, %mul3A_659 : vector<16xf32>
        %add3A_661 = arith.constant 80 : i32
        %add3A_662 = arith.addi %mul3A_339, %add3A_661 : i32
        %swap3A_663 = arith.index_cast %add3A_345 : i32 to index
        %swap3A_664 = arith.index_cast %add3A_662 : i32 to index
        %swap3A_665 = tpu.vector_load %arg8[%swap3A_663, %swap3A_664] {strides = array<i32>} : memref<32x1024xf32, #tpu.memory_space<vmem>>, vector<1x16xf32>,
        %swap3A_666 = vector.shape_cast %swap3A_665 : vector<1x16xf32> to vector<16xf32>
        %swap3A_667 = vector.shape_cast %mul3A_660 : vector<16xf32> to vector<1x16xf32>
        tpu.vector_store %arg8[%swap3A_663, %swap3A_664], %swap3A_667 {strides = array<i32>} : memref<32x1024xf32, #tpu.memory_space<vmem>>, vector<1x16xf32>,
        %add3A_668 = arith.addf %get3A_585, %get3A_591 : vector<16xf32>
        %add3A_669 = arith.addf %get3A_597, %get3A_603 : vector<16xf32>
        %add3A_670 = arith.addf %add3A_668, %add3A_669 : vector<16xf32>
        %add3A_671 = arith.addf %add3A_670, %get3A_609 : vector<16xf32>
        %mul3A_672 = arith.constant 2.000000e-01 : f32
        %mul3A_673 = vector.broadcast %mul3A_672 : f32 to vector<16xf32>
        %mul3A_674 = arith.mulf %add3A_671, %mul3A_673 : vector<16xf32>
        %add3A_675 = arith.constant 96 : i32
        %add3A_676 = arith.addi %mul3A_339, %add3A_675 : i32
        %swap3A_677 = arith.index_cast %add3A_345 : i32 to index
        %swap3A_678 = arith.index_cast %add3A_676 : i32 to index
        %swap3A_679 = tpu.vector_load %arg8[%swap3A_677, %swap3A_678] {strides = array<i32>} : memref<32x1024xf32, #tpu.memory_space<vmem>>, vector<1x16xf32>,
        %swap3A_680 = vector.shape_cast %swap3A_679 : vector<1x16xf32> to vector<16xf32>
        %swap3A_681 = vector.shape_cast %mul3A_674 : vector<16xf32> to vector<1x16xf32>
        tpu.vector_store %arg8[%swap3A_677, %swap3A_678], %swap3A_681 {strides = array<i32>} : memref<32x1024xf32, #tpu.memory_space<vmem>>, vector<1x16xf32>,
        %add3A_682 = arith.addf %get3A_615, %get3A_621 : vector<16xf32>
        %add3A_683 = arith.addf %get3A_627, %get3A_633 : vector<16xf32>
        %add3A_684 = arith.addf %add3A_682, %add3A_683 : vector<16xf32>
        %add3A_685 = arith.addf %add3A_684, %get3A_639 : vector<16xf32>
        %mul3A_686 = arith.constant 2.000000e-01 : f32
        %mul3A_687 = vector.broadcast %mul3A_686 : f32 to vector<16xf32>
        %mul3A_688 = arith.mulf %add3A_685, %mul3A_687 : vector<16xf32>
        %add3A_689 = arith.constant 112 : i32
        %add3A_690 = arith.addi %mul3A_339, %add3A_689 : i32
        %swap3A_691 = arith.index_cast %add3A_345 : i32 to index
        %swap3A_692 = arith.index_cast %add3A_690 : i32 to index
        %swap3A_693 = tpu.vector_load %arg8[%swap3A_691, %swap3A_692] {strides = array<i32>} : memref<32x1024xf32, #tpu.memory_space<vmem>>, vector<1x16xf32>,
        %swap3A_694 = vector.shape_cast %swap3A_693 : vector<1x16xf32> to vector<16xf32>
        %swap3A_695 = vector.shape_cast %mul3A_688 : vector<16xf32> to vector<1x16xf32>
        tpu.vector_store %arg8[%swap3A_691, %swap3A_692], %swap3A_695 {strides = array<i32>} : memref<32x1024xf32, #tpu.memory_space<vmem>>, vector<1x16xf32>,
        %mul3A_696 = arith.constant 8 : i32
        %mul3A_697 = arith.muli %select_n3A, %mul3A_696 : i32
        %add3A_698 = arith.constant 2 : i32
        %add3A_699 = arith.addi %mul3A_697, %add3A_698 : i32
        %add3A_700 = arith.constant 1 : i32
        %add3A_701 = arith.addi %add3A_699, %add3A_700 : i32
        %get3A_702 = arith.constant 4 : i32
        %get3A_703 = arith.index_cast %get3A_702 : i32 to index
        %get3A_704 = arith.index_cast %add3A_337 : i32 to index
        %get3A_705 = arith.constant 0 : index
        %get3A_706 = tpu.vector_load %arg5[%get3A_703, %get3A_704, %get3A_705] {strides = array<i32>} : memref<8x32x128xf32, #tpu.memory_space<vmem>>, vector<1x1x16xf32>,
        %get3A_707 = vector.shape_cast %get3A_706 : vector<1x1x16xf32> to vector<16xf32>
        %get3A_708 = arith.constant 5 : i32
        %get3A_709 = arith.index_cast %get3A_708 : i32 to index
        %get3A_710 = arith.index_cast %add3A_337 : i32 to index
        %get3A_711 = arith.constant 0 : index
        %get3A_712 = tpu.vector_load %arg5[%get3A_709, %get3A_710, %get3A_711] {strides = array<i32>} : memref<8x32x128xf32, #tpu.memory_space<vmem>>, vector<1x1x16xf32>,
        %get3A_713 = vector.shape_cast %get3A_712 : vector<1x1x16xf32> to vector<16xf32>
        %get3A_714 = arith.constant 6 : i32
        %get3A_715 = arith.index_cast %get3A_714 : i32 to index
        %get3A_716 = arith.index_cast %add3A_337 : i32 to index
        %get3A_717 = arith.constant 0 : index
        %get3A_718 = tpu.vector_load %arg5[%get3A_715, %get3A_716, %get3A_717] {strides = array<i32>} : memref<8x32x128xf32, #tpu.memory_space<vmem>>, vector<1x1x16xf32>,
        %get3A_719 = vector.shape_cast %get3A_718 : vector<1x1x16xf32> to vector<16xf32>
        %get3A_720 = arith.constant 7 : i32
        %get3A_721 = arith.index_cast %get3A_720 : i32 to index
        %get3A_722 = arith.index_cast %add3A_337 : i32 to index
        %get3A_723 = arith.constant 0 : index
        %get3A_724 = tpu.vector_load %arg5[%get3A_721, %get3A_722, %get3A_723] {strides = array<i32>} : memref<8x32x128xf32, #tpu.memory_space<vmem>>, vector<1x1x16xf32>,
        %get3A_725 = vector.shape_cast %get3A_724 : vector<1x1x16xf32> to vector<16xf32>
        %get3A_726 = arith.constant 1 : i32
        %get3A_727 = arith.index_cast %get3A_726 : i32 to index
        %get3A_728 = arith.index_cast %add3A_337 : i32 to index
        %get3A_729 = arith.constant 0 : index
        %get3A_730 = tpu.vector_load %arg7[%get3A_727, %get3A_728, %get3A_729] {strides = array<i32>} : memref<2x32x128xf32, #tpu.memory_space<vmem>>, vector<1x1x16xf32>,
        %get3A_731 = vector.shape_cast %get3A_730 : vector<1x1x16xf32> to vector<16xf32>
        %get3A_732 = arith.constant 4 : i32
        %get3A_733 = arith.index_cast %get3A_732 : i32 to index
        %get3A_734 = arith.index_cast %add3A_337 : i32 to index
        %get3A_735 = arith.constant 16 : index
        %get3A_736 = tpu.vector_load %arg5[%get3A_733, %get3A_734, %get3A_735] {strides = array<i32>} : memref<8x32x128xf32, #tpu.memory_space<vmem>>, vector<1x1x16xf32>,
        %get3A_737 = vector.shape_cast %get3A_736 : vector<1x1x16xf32> to vector<16xf32>
        %get3A_738 = arith.constant 5 : i32
        %get3A_739 = arith.index_cast %get3A_738 : i32 to index
        %get3A_740 = arith.index_cast %add3A_337 : i32 to index
        %get3A_741 = arith.constant 16 : index
        %get3A_742 = tpu.vector_load %arg5[%get3A_739, %get3A_740, %get3A_741] {strides = array<i32>} : memref<8x32x128xf32, #tpu.memory_space<vmem>>, vector<1x1x16xf32>,
        %get3A_743 = vector.shape_cast %get3A_742 : vector<1x1x16xf32> to vector<16xf32>
        %get3A_744 = arith.constant 6 : i32
        %get3A_745 = arith.index_cast %get3A_744 : i32 to index
        %get3A_746 = arith.index_cast %add3A_337 : i32 to index
        %get3A_747 = arith.constant 16 : index
        %get3A_748 = tpu.vector_load %arg5[%get3A_745, %get3A_746, %get3A_747] {strides = array<i32>} : memref<8x32x128xf32, #tpu.memory_space<vmem>>, vector<1x1x16xf32>,
        %get3A_749 = vector.shape_cast %get3A_748 : vector<1x1x16xf32> to vector<16xf32>
        %get3A_750 = arith.constant 7 : i32
        %get3A_751 = arith.index_cast %get3A_750 : i32 to index
        %get3A_752 = arith.index_cast %add3A_337 : i32 to index
        %get3A_753 = arith.constant 16 : index
        %get3A_754 = tpu.vector_load %arg5[%get3A_751, %get3A_752, %get3A_753] {strides = array<i32>} : memref<8x32x128xf32, #tpu.memory_space<vmem>>, vector<1x1x16xf32>,
        %get3A_755 = vector.shape_cast %get3A_754 : vector<1x1x16xf32> to vector<16xf32>
        %get3A_756 = arith.constant 1 : i32
        %get3A_757 = arith.index_cast %get3A_756 : i32 to index
        %get3A_758 = arith.index_cast %add3A_337 : i32 to index
        %get3A_759 = arith.constant 16 : index
        %get3A_760 = tpu.vector_load %arg7[%get3A_757, %get3A_758, %get3A_759] {strides = array<i32>} : memref<2x32x128xf32, #tpu.memory_space<vmem>>, vector<1x1x16xf32>,
        %get3A_761 = vector.shape_cast %get3A_760 : vector<1x1x16xf32> to vector<16xf32>
        %get3A_762 = arith.constant 4 : i32
        %get3A_763 = arith.index_cast %get3A_762 : i32 to index
        %get3A_764 = arith.index_cast %add3A_337 : i32 to index
        %get3A_765 = arith.constant 32 : index
        %get3A_766 = tpu.vector_load %arg5[%get3A_763, %get3A_764, %get3A_765] {strides = array<i32>} : memref<8x32x128xf32, #tpu.memory_space<vmem>>, vector<1x1x16xf32>,
        %get3A_767 = vector.shape_cast %get3A_766 : vector<1x1x16xf32> to vector<16xf32>
        %get3A_768 = arith.constant 5 : i32
        %get3A_769 = arith.index_cast %get3A_768 : i32 to index
        %get3A_770 = arith.index_cast %add3A_337 : i32 to index
        %get3A_771 = arith.constant 32 : index
        %get3A_772 = tpu.vector_load %arg5[%get3A_769, %get3A_770, %get3A_771] {strides = array<i32>} : memref<8x32x128xf32, #tpu.memory_space<vmem>>, vector<1x1x16xf32>,
        %get3A_773 = vector.shape_cast %get3A_772 : vector<1x1x16xf32> to vector<16xf32>
        %get3A_774 = arith.constant 6 : i32
        %get3A_775 = arith.index_cast %get3A_774 : i32 to index
        %get3A_776 = arith.index_cast %add3A_337 : i32 to index
        %get3A_777 = arith.constant 32 : index
        %get3A_778 = tpu.vector_load %arg5[%get3A_775, %get3A_776, %get3A_777] {strides = array<i32>} : memref<8x32x128xf32, #tpu.memory_space<vmem>>, vector<1x1x16xf32>,
        %get3A_779 = vector.shape_cast %get3A_778 : vector<1x1x16xf32> to vector<16xf32>
        %get3A_780 = arith.constant 7 : i32
        %get3A_781 = arith.index_cast %get3A_780 : i32 to index
        %get3A_782 = arith.index_cast %add3A_337 : i32 to index
        %get3A_783 = arith.constant 32 : index
        %get3A_784 = tpu.vector_load %arg5[%get3A_781, %get3A_782, %get3A_783] {strides = array<i32>} : memref<8x32x128xf32, #tpu.memory_space<vmem>>, vector<1x1x16xf32>,
        %get3A_785 = vector.shape_cast %get3A_784 : vector<1x1x16xf32> to vector<16xf32>
        %get3A_786 = arith.constant 1 : i32
        %get3A_787 = arith.index_cast %get3A_786 : i32 to index
        %get3A_788 = arith.index_cast %add3A_337 : i32 to index
        %get3A_789 = arith.constant 32 : index
        %get3A_790 = tpu.vector_load %arg7[%get3A_787, %get3A_788, %get3A_789] {strides = array<i32>} : memref<2x32x128xf32, #tpu.memory_space<vmem>>, vector<1x1x16xf32>,
        %get3A_791 = vector.shape_cast %get3A_790 : vector<1x1x16xf32> to vector<16xf32>
        %get3A_792 = arith.constant 4 : i32
        %get3A_793 = arith.index_cast %get3A_792 : i32 to index
        %get3A_794 = arith.index_cast %add3A_337 : i32 to index
        %get3A_795 = arith.constant 48 : index
        %get3A_796 = tpu.vector_load %arg5[%get3A_793, %get3A_794, %get3A_795] {strides = array<i32>} : memref<8x32x128xf32, #tpu.memory_space<vmem>>, vector<1x1x16xf32>,
        %get3A_797 = vector.shape_cast %get3A_796 : vector<1x1x16xf32> to vector<16xf32>
        %get3A_798 = arith.constant 5 : i32
        %get3A_799 = arith.index_cast %get3A_798 : i32 to index
        %get3A_800 = arith.index_cast %add3A_337 : i32 to index
        %get3A_801 = arith.constant 48 : index
        %get3A_802 = tpu.vector_load %arg5[%get3A_799, %get3A_800, %get3A_801] {strides = array<i32>} : memref<8x32x128xf32, #tpu.memory_space<vmem>>, vector<1x1x16xf32>,
        %get3A_803 = vector.shape_cast %get3A_802 : vector<1x1x16xf32> to vector<16xf32>
        %get3A_804 = arith.constant 6 : i32
        %get3A_805 = arith.index_cast %get3A_804 : i32 to index
        %get3A_806 = arith.index_cast %add3A_337 : i32 to index
        %get3A_807 = arith.constant 48 : index
        %get3A_808 = tpu.vector_load %arg5[%get3A_805, %get3A_806, %get3A_807] {strides = array<i32>} : memref<8x32x128xf32, #tpu.memory_space<vmem>>, vector<1x1x16xf32>,
        %get3A_809 = vector.shape_cast %get3A_808 : vector<1x1x16xf32> to vector<16xf32>
        %get3A_810 = arith.constant 7 : i32
        %get3A_811 = arith.index_cast %get3A_810 : i32 to index
        %get3A_812 = arith.index_cast %add3A_337 : i32 to index
        %get3A_813 = arith.constant 48 : index
        %get3A_814 = tpu.vector_load %arg5[%get3A_811, %get3A_812, %get3A_813] {strides = array<i32>} : memref<8x32x128xf32, #tpu.memory_space<vmem>>, vector<1x1x16xf32>,
        %get3A_815 = vector.shape_cast %get3A_814 : vector<1x1x16xf32> to vector<16xf32>
        %get3A_816 = arith.constant 1 : i32
        %get3A_817 = arith.index_cast %get3A_816 : i32 to index
        %get3A_818 = arith.index_cast %add3A_337 : i32 to index
        %get3A_819 = arith.constant 48 : index
        %get3A_820 = tpu.vector_load %arg7[%get3A_817, %get3A_818, %get3A_819] {strides = array<i32>} : memref<2x32x128xf32, #tpu.memory_space<vmem>>, vector<1x1x16xf32>,
        %get3A_821 = vector.shape_cast %get3A_820 : vector<1x1x16xf32> to vector<16xf32>
        %add3A_822 = arith.addf %get3A_707, %get3A_713 : vector<16xf32>
        %add3A_823 = arith.addf %get3A_719, %get3A_725 : vector<16xf32>
        %add3A_824 = arith.addf %add3A_822, %add3A_823 : vector<16xf32>
        %add3A_825 = arith.addf %add3A_824, %get3A_731 : vector<16xf32>
        %mul3A_826 = arith.constant 2.000000e-01 : f32
        %mul3A_827 = vector.broadcast %mul3A_826 : f32 to vector<16xf32>
        %mul3A_828 = arith.mulf %add3A_825, %mul3A_827 : vector<16xf32>
        %add3A_829 = arith.constant 0 : i32
        %add3A_830 = arith.addi %mul3A_339, %add3A_829 : i32
        %swap3A_831 = arith.index_cast %add3A_701 : i32 to index
        %swap3A_832 = arith.index_cast %add3A_830 : i32 to index
        %swap3A_833 = tpu.vector_load %arg8[%swap3A_831, %swap3A_832] {strides = array<i32>} : memref<32x1024xf32, #tpu.memory_space<vmem>>, vector<1x16xf32>,
        %swap3A_834 = vector.shape_cast %swap3A_833 : vector<1x16xf32> to vector<16xf32>
        %swap3A_835 = vector.shape_cast %mul3A_828 : vector<16xf32> to vector<1x16xf32>
        tpu.vector_store %arg8[%swap3A_831, %swap3A_832], %swap3A_835 {strides = array<i32>} : memref<32x1024xf32, #tpu.memory_space<vmem>>, vector<1x16xf32>,
        %add3A_836 = arith.addf %get3A_737, %get3A_743 : vector<16xf32>
        %add3A_837 = arith.addf %get3A_749, %get3A_755 : vector<16xf32>
        %add3A_838 = arith.addf %add3A_836, %add3A_837 : vector<16xf32>
        %add3A_839 = arith.addf %add3A_838, %get3A_761 : vector<16xf32>
        %mul3A_840 = arith.constant 2.000000e-01 : f32
        %mul3A_841 = vector.broadcast %mul3A_840 : f32 to vector<16xf32>
        %mul3A_842 = arith.mulf %add3A_839, %mul3A_841 : vector<16xf32>
        %add3A_843 = arith.constant 16 : i32
        %add3A_844 = arith.addi %mul3A_339, %add3A_843 : i32
        %swap3A_845 = arith.index_cast %add3A_701 : i32 to index
        %swap3A_846 = arith.index_cast %add3A_844 : i32 to index
        %swap3A_847 = tpu.vector_load %arg8[%swap3A_845, %swap3A_846] {strides = array<i32>} : memref<32x1024xf32, #tpu.memory_space<vmem>>, vector<1x16xf32>,
        %swap3A_848 = vector.shape_cast %swap3A_847 : vector<1x16xf32> to vector<16xf32>
        %swap3A_849 = vector.shape_cast %mul3A_842 : vector<16xf32> to vector<1x16xf32>
        tpu.vector_store %arg8[%swap3A_845, %swap3A_846], %swap3A_849 {strides = array<i32>} : memref<32x1024xf32, #tpu.memory_space<vmem>>, vector<1x16xf32>,
        %add3A_850 = arith.addf %get3A_767, %get3A_773 : vector<16xf32>
        %add3A_851 = arith.addf %get3A_779, %get3A_785 : vector<16xf32>
        %add3A_852 = arith.addf %add3A_850, %add3A_851 : vector<16xf32>
        %add3A_853 = arith.addf %add3A_852, %get3A_791 : vector<16xf32>
        %mul3A_854 = arith.constant 2.000000e-01 : f32
        %mul3A_855 = vector.broadcast %mul3A_854 : f32 to vector<16xf32>
        %mul3A_856 = arith.mulf %add3A_853, %mul3A_855 : vector<16xf32>
        %add3A_857 = arith.constant 32 : i32
        %add3A_858 = arith.addi %mul3A_339, %add3A_857 : i32
        %swap3A_859 = arith.index_cast %add3A_701 : i32 to index
        %swap3A_860 = arith.index_cast %add3A_858 : i32 to index
        %swap3A_861 = tpu.vector_load %arg8[%swap3A_859, %swap3A_860] {strides = array<i32>} : memref<32x1024xf32, #tpu.memory_space<vmem>>, vector<1x16xf32>,
        %swap3A_862 = vector.shape_cast %swap3A_861 : vector<1x16xf32> to vector<16xf32>
        %swap3A_863 = vector.shape_cast %mul3A_856 : vector<16xf32> to vector<1x16xf32>
        tpu.vector_store %arg8[%swap3A_859, %swap3A_860], %swap3A_863 {strides = array<i32>} : memref<32x1024xf32, #tpu.memory_space<vmem>>, vector<1x16xf32>,
        %add3A_864 = arith.addf %get3A_797, %get3A_803 : vector<16xf32>
        %add3A_865 = arith.addf %get3A_809, %get3A_815 : vector<16xf32>
        %add3A_866 = arith.addf %add3A_864, %add3A_865 : vector<16xf32>
        %add3A_867 = arith.addf %add3A_866, %get3A_821 : vector<16xf32>
        %mul3A_868 = arith.constant 2.000000e-01 : f32
        %mul3A_869 = vector.broadcast %mul3A_868 : f32 to vector<16xf32>
        %mul3A_870 = arith.mulf %add3A_867, %mul3A_869 : vector<16xf32>
        %add3A_871 = arith.constant 48 : i32
        %add3A_872 = arith.addi %mul3A_339, %add3A_871 : i32
        %swap3A_873 = arith.index_cast %add3A_701 : i32 to index
        %swap3A_874 = arith.index_cast %add3A_872 : i32 to index
        %swap3A_875 = tpu.vector_load %arg8[%swap3A_873, %swap3A_874] {strides = array<i32>} : memref<32x1024xf32, #tpu.memory_space<vmem>>, vector<1x16xf32>,
        %swap3A_876 = vector.shape_cast %swap3A_875 : vector<1x16xf32> to vector<16xf32>
        %swap3A_877 = vector.shape_cast %mul3A_870 : vector<16xf32> to vector<1x16xf32>
        tpu.vector_store %arg8[%swap3A_873, %swap3A_874], %swap3A_877 {strides = array<i32>} : memref<32x1024xf32, #tpu.memory_space<vmem>>, vector<1x16xf32>,
        %get3A_878 = arith.constant 4 : i32
        %get3A_879 = arith.index_cast %get3A_878 : i32 to index
        %get3A_880 = arith.index_cast %add3A_337 : i32 to index
        %get3A_881 = arith.constant 64 : index
        %get3A_882 = tpu.vector_load %arg5[%get3A_879, %get3A_880, %get3A_881] {strides = array<i32>} : memref<8x32x128xf32, #tpu.memory_space<vmem>>, vector<1x1x16xf32>,
        %get3A_883 = vector.shape_cast %get3A_882 : vector<1x1x16xf32> to vector<16xf32>
        %get3A_884 = arith.constant 5 : i32
        %get3A_885 = arith.index_cast %get3A_884 : i32 to index
        %get3A_886 = arith.index_cast %add3A_337 : i32 to index
        %get3A_887 = arith.constant 64 : index
        %get3A_888 = tpu.vector_load %arg5[%get3A_885, %get3A_886, %get3A_887] {strides = array<i32>} : memref<8x32x128xf32, #tpu.memory_space<vmem>>, vector<1x1x16xf32>,
        %get3A_889 = vector.shape_cast %get3A_888 : vector<1x1x16xf32> to vector<16xf32>
        %get3A_890 = arith.constant 6 : i32
        %get3A_891 = arith.index_cast %get3A_890 : i32 to index
        %get3A_892 = arith.index_cast %add3A_337 : i32 to index
        %get3A_893 = arith.constant 64 : index
        %get3A_894 = tpu.vector_load %arg5[%get3A_891, %get3A_892, %get3A_893] {strides = array<i32>} : memref<8x32x128xf32, #tpu.memory_space<vmem>>, vector<1x1x16xf32>,
        %get3A_895 = vector.shape_cast %get3A_894 : vector<1x1x16xf32> to vector<16xf32>
        %get3A_896 = arith.constant 7 : i32
        %get3A_897 = arith.index_cast %get3A_896 : i32 to index
        %get3A_898 = arith.index_cast %add3A_337 : i32 to index
        %get3A_899 = arith.constant 64 : index
        %get3A_900 = tpu.vector_load %arg5[%get3A_897, %get3A_898, %get3A_899] {strides = array<i32>} : memref<8x32x128xf32, #tpu.memory_space<vmem>>, vector<1x1x16xf32>,
        %get3A_901 = vector.shape_cast %get3A_900 : vector<1x1x16xf32> to vector<16xf32>
        %get3A_902 = arith.constant 1 : i32
        %get3A_903 = arith.index_cast %get3A_902 : i32 to index
        %get3A_904 = arith.index_cast %add3A_337 : i32 to index
        %get3A_905 = arith.constant 64 : index
        %get3A_906 = tpu.vector_load %arg7[%get3A_903, %get3A_904, %get3A_905] {strides = array<i32>} : memref<2x32x128xf32, #tpu.memory_space<vmem>>, vector<1x1x16xf32>,
        %get3A_907 = vector.shape_cast %get3A_906 : vector<1x1x16xf32> to vector<16xf32>
        %get3A_908 = arith.constant 4 : i32
        %get3A_909 = arith.index_cast %get3A_908 : i32 to index
        %get3A_910 = arith.index_cast %add3A_337 : i32 to index
        %get3A_911 = arith.constant 80 : index
        %get3A_912 = tpu.vector_load %arg5[%get3A_909, %get3A_910, %get3A_911] {strides = array<i32>} : memref<8x32x128xf32, #tpu.memory_space<vmem>>, vector<1x1x16xf32>,
        %get3A_913 = vector.shape_cast %get3A_912 : vector<1x1x16xf32> to vector<16xf32>
        %get3A_914 = arith.constant 5 : i32
        %get3A_915 = arith.index_cast %get3A_914 : i32 to index
        %get3A_916 = arith.index_cast %add3A_337 : i32 to index
        %get3A_917 = arith.constant 80 : index
        %get3A_918 = tpu.vector_load %arg5[%get3A_915, %get3A_916, %get3A_917] {strides = array<i32>} : memref<8x32x128xf32, #tpu.memory_space<vmem>>, vector<1x1x16xf32>,
        %get3A_919 = vector.shape_cast %get3A_918 : vector<1x1x16xf32> to vector<16xf32>
        %get3A_920 = arith.constant 6 : i32
        %get3A_921 = arith.index_cast %get3A_920 : i32 to index
        %get3A_922 = arith.index_cast %add3A_337 : i32 to index
        %get3A_923 = arith.constant 80 : index
        %get3A_924 = tpu.vector_load %arg5[%get3A_921, %get3A_922, %get3A_923] {strides = array<i32>} : memref<8x32x128xf32, #tpu.memory_space<vmem>>, vector<1x1x16xf32>,
        %get3A_925 = vector.shape_cast %get3A_924 : vector<1x1x16xf32> to vector<16xf32>
        %get3A_926 = arith.constant 7 : i32
        %get3A_927 = arith.index_cast %get3A_926 : i32 to index
        %get3A_928 = arith.index_cast %add3A_337 : i32 to index
        %get3A_929 = arith.constant 80 : index
        %get3A_930 = tpu.vector_load %arg5[%get3A_927, %get3A_928, %get3A_929] {strides = array<i32>} : memref<8x32x128xf32, #tpu.memory_space<vmem>>, vector<1x1x16xf32>,
        %get3A_931 = vector.shape_cast %get3A_930 : vector<1x1x16xf32> to vector<16xf32>
        %get3A_932 = arith.constant 1 : i32
        %get3A_933 = arith.index_cast %get3A_932 : i32 to index
        %get3A_934 = arith.index_cast %add3A_337 : i32 to index
        %get3A_935 = arith.constant 80 : index
        %get3A_936 = tpu.vector_load %arg7[%get3A_933, %get3A_934, %get3A_935] {strides = array<i32>} : memref<2x32x128xf32, #tpu.memory_space<vmem>>, vector<1x1x16xf32>,
        %get3A_937 = vector.shape_cast %get3A_936 : vector<1x1x16xf32> to vector<16xf32>
        %get3A_938 = arith.constant 4 : i32
        %get3A_939 = arith.index_cast %get3A_938 : i32 to index
        %get3A_940 = arith.index_cast %add3A_337 : i32 to index
        %get3A_941 = arith.constant 96 : index
        %get3A_942 = tpu.vector_load %arg5[%get3A_939, %get3A_940, %get3A_941] {strides = array<i32>} : memref<8x32x128xf32, #tpu.memory_space<vmem>>, vector<1x1x16xf32>,
        %get3A_943 = vector.shape_cast %get3A_942 : vector<1x1x16xf32> to vector<16xf32>
        %get3A_944 = arith.constant 5 : i32
        %get3A_945 = arith.index_cast %get3A_944 : i32 to index
        %get3A_946 = arith.index_cast %add3A_337 : i32 to index
        %get3A_947 = arith.constant 96 : index
        %get3A_948 = tpu.vector_load %arg5[%get3A_945, %get3A_946, %get3A_947] {strides = array<i32>} : memref<8x32x128xf32, #tpu.memory_space<vmem>>, vector<1x1x16xf32>,
        %get3A_949 = vector.shape_cast %get3A_948 : vector<1x1x16xf32> to vector<16xf32>
        %get3A_950 = arith.constant 6 : i32
        %get3A_951 = arith.index_cast %get3A_950 : i32 to index
        %get3A_952 = arith.index_cast %add3A_337 : i32 to index
        %get3A_953 = arith.constant 96 : index
        %get3A_954 = tpu.vector_load %arg5[%get3A_951, %get3A_952, %get3A_953] {strides = array<i32>} : memref<8x32x128xf32, #tpu.memory_space<vmem>>, vector<1x1x16xf32>,
        %get3A_955 = vector.shape_cast %get3A_954 : vector<1x1x16xf32> to vector<16xf32>
        %get3A_956 = arith.constant 7 : i32
        %get3A_957 = arith.index_cast %get3A_956 : i32 to index
        %get3A_958 = arith.index_cast %add3A_337 : i32 to index
        %get3A_959 = arith.constant 96 : index
        %get3A_960 = tpu.vector_load %arg5[%get3A_957, %get3A_958, %get3A_959] {strides = array<i32>} : memref<8x32x128xf32, #tpu.memory_space<vmem>>, vector<1x1x16xf32>,
        %get3A_961 = vector.shape_cast %get3A_960 : vector<1x1x16xf32> to vector<16xf32>
        %get3A_962 = arith.constant 1 : i32
        %get3A_963 = arith.index_cast %get3A_962 : i32 to index
        %get3A_964 = arith.index_cast %add3A_337 : i32 to index
        %get3A_965 = arith.constant 96 : index
        %get3A_966 = tpu.vector_load %arg7[%get3A_963, %get3A_964, %get3A_965] {strides = array<i32>} : memref<2x32x128xf32, #tpu.memory_space<vmem>>, vector<1x1x16xf32>,
        %get3A_967 = vector.shape_cast %get3A_966 : vector<1x1x16xf32> to vector<16xf32>
        %get3A_968 = arith.constant 4 : i32
        %get3A_969 = arith.index_cast %get3A_968 : i32 to index
        %get3A_970 = arith.index_cast %add3A_337 : i32 to index
        %get3A_971 = arith.constant 112 : index
        %get3A_972 = tpu.vector_load %arg5[%get3A_969, %get3A_970, %get3A_971] {strides = array<i32>} : memref<8x32x128xf32, #tpu.memory_space<vmem>>, vector<1x1x16xf32>,
        %get3A_973 = vector.shape_cast %get3A_972 : vector<1x1x16xf32> to vector<16xf32>
        %get3A_974 = arith.constant 5 : i32
        %get3A_975 = arith.index_cast %get3A_974 : i32 to index
        %get3A_976 = arith.index_cast %add3A_337 : i32 to index
        %get3A_977 = arith.constant 112 : index
        %get3A_978 = tpu.vector_load %arg5[%get3A_975, %get3A_976, %get3A_977] {strides = array<i32>} : memref<8x32x128xf32, #tpu.memory_space<vmem>>, vector<1x1x16xf32>,
        %get3A_979 = vector.shape_cast %get3A_978 : vector<1x1x16xf32> to vector<16xf32>
        %get3A_980 = arith.constant 6 : i32
        %get3A_981 = arith.index_cast %get3A_980 : i32 to index
        %get3A_982 = arith.index_cast %add3A_337 : i32 to index
        %get3A_983 = arith.constant 112 : index
        %get3A_984 = tpu.vector_load %arg5[%get3A_981, %get3A_982, %get3A_983] {strides = array<i32>} : memref<8x32x128xf32, #tpu.memory_space<vmem>>, vector<1x1x16xf32>,
        %get3A_985 = vector.shape_cast %get3A_984 : vector<1x1x16xf32> to vector<16xf32>
        %get3A_986 = arith.constant 7 : i32
        %get3A_987 = arith.index_cast %get3A_986 : i32 to index
        %get3A_988 = arith.index_cast %add3A_337 : i32 to index
        %get3A_989 = arith.constant 112 : index
        %get3A_990 = tpu.vector_load %arg5[%get3A_987, %get3A_988, %get3A_989] {strides = array<i32>} : memref<8x32x128xf32, #tpu.memory_space<vmem>>, vector<1x1x16xf32>,
        %get3A_991 = vector.shape_cast %get3A_990 : vector<1x1x16xf32> to vector<16xf32>
        %get3A_992 = arith.constant 1 : i32
        %get3A_993 = arith.index_cast %get3A_992 : i32 to index
        %get3A_994 = arith.index_cast %add3A_337 : i32 to index
        %get3A_995 = arith.constant 112 : index
        %get3A_996 = tpu.vector_load %arg7[%get3A_993, %get3A_994, %get3A_995] {strides = array<i32>} : memref<2x32x128xf32, #tpu.memory_space<vmem>>, vector<1x1x16xf32>,
        %get3A_997 = vector.shape_cast %get3A_996 : vector<1x1x16xf32> to vector<16xf32>
        %add3A_998 = arith.addf %get3A_883, %get3A_889 : vector<16xf32>
        %add3A_999 = arith.addf %get3A_895, %get3A_901 : vector<16xf32>
        %add3A_1000 = arith.addf %add3A_998, %add3A_999 : vector<16xf32>
        %add3A_1001 = arith.addf %add3A_1000, %get3A_907 : vector<16xf32>
        %mul3A_1002 = arith.constant 2.000000e-01 : f32
        %mul3A_1003 = vector.broadcast %mul3A_1002 : f32 to vector<16xf32>
        %mul3A_1004 = arith.mulf %add3A_1001, %mul3A_1003 : vector<16xf32>
        %add3A_1005 = arith.constant 64 : i32
        %add3A_1006 = arith.addi %mul3A_339, %add3A_1005 : i32
        %swap3A_1007 = arith.index_cast %add3A_701 : i32 to index
        %swap3A_1008 = arith.index_cast %add3A_1006 : i32 to index
        %swap3A_1009 = tpu.vector_load %arg8[%swap3A_1007, %swap3A_1008] {strides = array<i32>} : memref<32x1024xf32, #tpu.memory_space<vmem>>, vector<1x16xf32>,
        %swap3A_1010 = vector.shape_cast %swap3A_1009 : vector<1x16xf32> to vector<16xf32>
        %swap3A_1011 = vector.shape_cast %mul3A_1004 : vector<16xf32> to vector<1x16xf32>
        tpu.vector_store %arg8[%swap3A_1007, %swap3A_1008], %swap3A_1011 {strides = array<i32>} : memref<32x1024xf32, #tpu.memory_space<vmem>>, vector<1x16xf32>,
        %add3A_1012 = arith.addf %get3A_913, %get3A_919 : vector<16xf32>
        %add3A_1013 = arith.addf %get3A_925, %get3A_931 : vector<16xf32>
        %add3A_1014 = arith.addf %add3A_1012, %add3A_1013 : vector<16xf32>
        %add3A_1015 = arith.addf %add3A_1014, %get3A_937 : vector<16xf32>
        %mul3A_1016 = arith.constant 2.000000e-01 : f32
        %mul3A_1017 = vector.broadcast %mul3A_1016 : f32 to vector<16xf32>
        %mul3A_1018 = arith.mulf %add3A_1015, %mul3A_1017 : vector<16xf32>
        %add3A_1019 = arith.constant 80 : i32
        %add3A_1020 = arith.addi %mul3A_339, %add3A_1019 : i32
        %swap3A_1021 = arith.index_cast %add3A_701 : i32 to index
        %swap3A_1022 = arith.index_cast %add3A_1020 : i32 to index
        %swap3A_1023 = tpu.vector_load %arg8[%swap3A_1021, %swap3A_1022] {strides = array<i32>} : memref<32x1024xf32, #tpu.memory_space<vmem>>, vector<1x16xf32>,
        %swap3A_1024 = vector.shape_cast %swap3A_1023 : vector<1x16xf32> to vector<16xf32>
        %swap3A_1025 = vector.shape_cast %mul3A_1018 : vector<16xf32> to vector<1x16xf32>
        tpu.vector_store %arg8[%swap3A_1021, %swap3A_1022], %swap3A_1025 {strides = array<i32>} : memref<32x1024xf32, #tpu.memory_space<vmem>>, vector<1x16xf32>,
        %add3A_1026 = arith.addf %get3A_943, %get3A_949 : vector<16xf32>
        %add3A_1027 = arith.addf %get3A_955, %get3A_961 : vector<16xf32>
        %add3A_1028 = arith.addf %add3A_1026, %add3A_1027 : vector<16xf32>
        %add3A_1029 = arith.addf %add3A_1028, %get3A_967 : vector<16xf32>
        %mul3A_1030 = arith.constant 2.000000e-01 : f32
        %mul3A_1031 = vector.broadcast %mul3A_1030 : f32 to vector<16xf32>
        %mul3A_1032 = arith.mulf %add3A_1029, %mul3A_1031 : vector<16xf32>
        %add3A_1033 = arith.constant 96 : i32
        %add3A_1034 = arith.addi %mul3A_339, %add3A_1033 : i32
        %swap3A_1035 = arith.index_cast %add3A_701 : i32 to index
        %swap3A_1036 = arith.index_cast %add3A_1034 : i32 to index
        %swap3A_1037 = tpu.vector_load %arg8[%swap3A_1035, %swap3A_1036] {strides = array<i32>} : memref<32x1024xf32, #tpu.memory_space<vmem>>, vector<1x16xf32>,
        %swap3A_1038 = vector.shape_cast %swap3A_1037 : vector<1x16xf32> to vector<16xf32>
        %swap3A_1039 = vector.shape_cast %mul3A_1032 : vector<16xf32> to vector<1x16xf32>
        tpu.vector_store %arg8[%swap3A_1035, %swap3A_1036], %swap3A_1039 {strides = array<i32>} : memref<32x1024xf32, #tpu.memory_space<vmem>>, vector<1x16xf32>,
        %add3A_1040 = arith.addf %get3A_973, %get3A_979 : vector<16xf32>
        %add3A_1041 = arith.addf %get3A_985, %get3A_991 : vector<16xf32>
        %add3A_1042 = arith.addf %add3A_1040, %add3A_1041 : vector<16xf32>
        %add3A_1043 = arith.addf %add3A_1042, %get3A_997 : vector<16xf32>
        %mul3A_1044 = arith.constant 2.000000e-01 : f32
        %mul3A_1045 = vector.broadcast %mul3A_1044 : f32 to vector<16xf32>
        %mul3A_1046 = arith.mulf %add3A_1043, %mul3A_1045 : vector<16xf32>
        %add3A_1047 = arith.constant 112 : i32
        %add3A_1048 = arith.addi %mul3A_339, %add3A_1047 : i32
        %swap3A_1049 = arith.index_cast %add3A_701 : i32 to index
        %swap3A_1050 = arith.index_cast %add3A_1048 : i32 to index
        %swap3A_1051 = tpu.vector_load %arg8[%swap3A_1049, %swap3A_1050] {strides = array<i32>} : memref<32x1024xf32, #tpu.memory_space<vmem>>, vector<1x16xf32>,
        %swap3A_1052 = vector.shape_cast %swap3A_1051 : vector<1x16xf32> to vector<16xf32>
        %swap3A_1053 = vector.shape_cast %mul3A_1046 : vector<16xf32> to vector<1x16xf32>
        tpu.vector_store %arg8[%swap3A_1049, %swap3A_1050], %swap3A_1053 {strides = array<i32>} : memref<32x1024xf32, #tpu.memory_space<vmem>>, vector<1x16xf32>,
      }
      %scan3A_168 = arith.constant 32 : i32
      %add3A_169 = arith.constant 2 : i32
      %add3A_170 = arith.addi %add3A_143, %add3A_169 : i32
      %lt3A_171 = arith.constant 32 : i32
      %lt3A_172 = arith.cmpi slt, %add3A_170, %lt3A_171 : i32
      %convert_element_type3A_173 = arith.extui %lt3A_172 : i1 to i32
      %cond3A_174 = arith.constant 0 : i32
      %cond3A_175 = arith.cmpi ne, %convert_element_type3A_173, %cond3A_174 : i32
      scf.if %cond3A_175 {
        %add3A_303 = arith.constant 2 : i32
        %add3A_304 = arith.addi %add3A_143, %add3A_303 : i32
        %mul3A_305 = arith.constant 2 : i32
        %mul3A_306 = arith.muli %add3A_304, %mul3A_305 : i32
        %add3A_307 = arith.addi %mul3A_2, %mul3A_306 : i32
        %mul3A_308 = arith.constant 4 : i32
        %mul3A_309 = arith.muli %mul3A_308, %add3A_307 : i32
        %add3A_310 = arith.constant 1 : i32
        %add3A_311 = arith.addi %mul3A_309, %add3A_310 : i32
        %dma_start3A_312 = arith.constant 0 : i32
        %dma_start3A_313 = arith.constant 0 : i32
        %dma_start3A_314 = tpu.memref_slice %arg2[%add3A_311, %dma_start3A_312, %dma_start3A_313] : memref<8193x32x128xf32, #tpu.memory_space<hbm>> -> memref<8x32x128xf32, #tpu.memory_space<hbm>>
        %dma_start3A_315 = arith.constant 0 : i32
        %dma_start3A_316 = arith.constant 0 : i32
        %dma_start3A_317 = tpu.memref_slice %arg2[%add3A_311, %dma_start3A_315, %dma_start3A_316] : memref<8193x32x128xf32, #tpu.memory_space<hbm>> -> memref<8x32x128xf32, #tpu.memory_space<hbm>>
        tpu.enqueue_dma source(%dma_start3A_317 : memref<8x32x128xf32, #tpu.memory_space<hbm>>) target(%arg5 : memref<8x32x128xf32, #tpu.memory_space<vmem>>) target_semaphore(%arg10 : memref<!tpu.dma_semaphore, #tpu.memory_space<semaphore_mem>>)
        %dma_start3A_318 = arith.constant 0 : i32
        %dma_start3A_319 = arith.constant 0 : i32
        %dma_start3A_320 = tpu.memref_slice %arg2[%add3A_307, %dma_start3A_318, %dma_start3A_319] : memref<8193x32x128xf32, #tpu.memory_space<hbm>> -> memref<2x32x128xf32, #tpu.memory_space<hbm>>
        %dma_start3A_321 = arith.constant 0 : i32
        %dma_start3A_322 = arith.constant 0 : i32
        %dma_start3A_323 = tpu.memref_slice %arg2[%add3A_307, %dma_start3A_321, %dma_start3A_322] : memref<8193x32x128xf32, #tpu.memory_space<hbm>> -> memref<2x32x128xf32, #tpu.memory_space<hbm>>
        tpu.enqueue_dma source(%dma_start3A_323 : memref<2x32x128xf32, #tpu.memory_space<hbm>>) target(%arg7 : memref<2x32x128xf32, #tpu.memory_space<vmem>>) target_semaphore(%arg10 : memref<!tpu.dma_semaphore, #tpu.memory_space<semaphore_mem>>)
      } else {
      }
      %mul3A_176 = arith.constant 4 : i32
      %mul3A_177 = arith.muli %scan3A_102, %mul3A_176 : i32
      %add3A_178 = arith.constant 2 : i32
      %add3A_179 = arith.addi %mul3A_177, %add3A_178 : i32
      %mul3A_180 = arith.constant 2 : i32
      %mul3A_181 = arith.muli %add3A_179, %mul3A_180 : i32
      %add3A_182 = arith.addi %mul3A_2, %mul3A_181 : i32
      %mul3A_183 = arith.constant 4 : i32
      %mul3A_184 = arith.muli %mul3A_183, %add3A_182 : i32
      %add3A_185 = arith.constant 1 : i32
      %add3A_186 = arith.addi %mul3A_184, %add3A_185 : i32
      %dma_wait3A_187 = arith.constant 0 : i32
      %dma_wait3A_188 = arith.constant 0 : i32
      %dma_wait3A_189 = tpu.memref_slice %arg2[%add3A_186, %dma_wait3A_187, %dma_wait3A_188] : memref<8193x32x128xf32, #tpu.memory_space<hbm>> -> memref<8x32x128xf32, #tpu.memory_space<hbm>>
      %dma_wait3A_190 = arith.constant 0 : i32
      %dma_wait3A_191 = arith.constant 0 : i32
      %dma_wait3A_192 = tpu.memref_slice %arg2[%add3A_186, %dma_wait3A_190, %dma_wait3A_191] : memref<8193x32x128xf32, #tpu.memory_space<hbm>> -> memref<8x32x128xf32, #tpu.memory_space<hbm>>
      tpu.wait_dma2 semaphore(%arg9 : memref<!tpu.dma_semaphore, #tpu.memory_space<semaphore_mem>>) src(%dma_wait3A_192 : memref<8x32x128xf32, #tpu.memory_space<hbm>>) dst(%arg4 : memref<8x32x128xf32, #tpu.memory_space<vmem>>)
      %dma_wait3A_193 = arith.constant 0 : i32
      %dma_wait3A_194 = arith.constant 0 : i32
      %dma_wait3A_195 = tpu.memref_slice %arg2[%add3A_182, %dma_wait3A_193, %dma_wait3A_194] : memref<8193x32x128xf32, #tpu.memory_space<hbm>> -> memref<2x32x128xf32, #tpu.memory_space<hbm>>
      %dma_wait3A_196 = arith.constant 0 : i32
      %dma_wait3A_197 = arith.constant 0 : i32
      %dma_wait3A_198 = tpu.memref_slice %arg2[%add3A_182, %dma_wait3A_196, %dma_wait3A_197] : memref<8193x32x128xf32, #tpu.memory_space<hbm>> -> memref<2x32x128xf32, #tpu.memory_space<hbm>>
      tpu.wait_dma2 semaphore(%arg9 : memref<!tpu.dma_semaphore, #tpu.memory_space<semaphore_mem>>) src(%dma_wait3A_198 : memref<2x32x128xf32, #tpu.memory_space<hbm>>) dst(%arg6 : memref<2x32x128xf32, #tpu.memory_space<vmem>>)
      %scan3A_199 = arith.constant 0 : i32
      %scan3A_200 = arith.constant 0 : i32
      %scan3A_201 = arith.constant 32 : i32
      %scan3A_202 = arith.addi %scan3A_200, %scan3A_201 : i32
      %scan3A_203 = arith.constant 1 : i32
      scf.for %scan3A_303 = %scan3A_200 to %scan3A_202 step %scan3A_203  : i32 {
        %jit3A = arith.constant 8 : i32
        %div3A = arith.divsi %scan3A_303, %jit3A : i32
        %sign3A = arith.constant 0 : i32
        %sign3A_304 = arith.cmpi sgt, %scan3A_303, %sign3A : i32
        %sign3A_305 = arith.extui %sign3A_304 : i1 to i32
        %sign3A_306 = arith.constant 0 : i32
        %sign3A_307 = arith.cmpi slt, %scan3A_303, %sign3A_306 : i32
        %sign3A_308 = arith.extui %sign3A_307 : i1 to i32
        %sign3A_309 = arith.subi %sign3A_305, %sign3A_308 : i32
        %sign3A_310 = arith.constant 0 : i32
        %sign3A_311 = arith.cmpi sgt, %jit3A, %sign3A_310 : i32
        %sign3A_312 = arith.extui %sign3A_311 : i1 to i32
        %sign3A_313 = arith.constant 0 : i32
        %sign3A_314 = arith.cmpi slt, %jit3A, %sign3A_313 : i32
        %sign3A_315 = arith.extui %sign3A_314 : i1 to i32
        %sign3A_316 = arith.subi %sign3A_312, %sign3A_315 : i32
        %ne3A = arith.cmpi ne, %sign3A_309, %sign3A_316 : i32
        %rem3A = arith.remsi %scan3A_303, %jit3A : i32
        %ne3A_317 = arith.constant 0 : i32
        %ne3A_318 = arith.cmpi ne, %rem3A, %ne3A_317 : i32
        %and3A = arith.andi %ne3A, %ne3A_318 : i1
        %sub3A = arith.constant 1 : i32
        %sub3A_319 = arith.subi %div3A, %sub3A : i32
        %select_n3A = arith.select %and3A, %sub3A_319, %div3A : i32
        %jit3A_320 = arith.constant 8 : i32
        %eq3A = arith.constant 0 : i32
        %eq3A_321 = arith.cmpi eq, %jit3A_320, %eq3A : i32
        %jit3A_322 = arith.constant 1 : i32
        %select_n3A_323 = arith.select %eq3A_321, %jit3A_322, %jit3A_320 : i32
        %rem3A_324 = arith.remsi %scan3A_303, %select_n3A_323 : i32
        %ne3A_325 = arith.constant 0 : i32
        %ne3A_326 = arith.cmpi ne, %rem3A_324, %ne3A_325 : i32
        %lt3A_327 = arith.constant 0 : i32
        %lt3A_328 = arith.cmpi slt, %rem3A_324, %lt3A_327 : i32
        %lt3A_329 = arith.constant 0 : i32
        %lt3A_330 = arith.cmpi slt, %select_n3A_323, %lt3A_329 : i32
        %ne3A_331 = arith.xori %lt3A_328, %lt3A_330 : i1
        %and3A_332 = arith.andi %ne3A_331, %ne3A_326 : i1
        %add3A_333 = arith.addi %rem3A_324, %select_n3A_323 : i32
        %select_n3A_334 = arith.select %and3A_332, %add3A_333, %rem3A_324 : i32
        %mul3A_335 = arith.constant 4 : i32
        %mul3A_336 = arith.muli %select_n3A_334, %mul3A_335 : i32
        %add3A_337 = arith.addi %mul3A_336, %select_n3A : i32
        %mul3A_338 = arith.constant 128 : i32
        %mul3A_339 = arith.muli %select_n3A_334, %mul3A_338 : i32
        %mul3A_340 = arith.constant 8 : i32
        %mul3A_341 = arith.muli %select_n3A, %mul3A_340 : i32
        %add3A_342 = arith.constant 4 : i32
        %add3A_343 = arith.addi %mul3A_341, %add3A_342 : i32
        %add3A_344 = arith.constant 0 : i32
        %add3A_345 = arith.addi %add3A_343, %add3A_344 : i32
        %get3A = arith.constant 0 : i32
        %get3A_346 = arith.index_cast %get3A : i32 to index
        %get3A_347 = arith.index_cast %add3A_337 : i32 to index
        %get3A_348 = arith.constant 0 : index
        %get3A_349 = tpu.vector_load %arg4[%get3A_346, %get3A_347, %get3A_348] {strides = array<i32>} : memref<8x32x128xf32, #tpu.memory_space<vmem>>, vector<1x1x16xf32>,
        %get3A_350 = vector.shape_cast %get3A_349 : vector<1x1x16xf32> to vector<16xf32>
        %get3A_351 = arith.constant 1 : i32
        %get3A_352 = arith.index_cast %get3A_351 : i32 to index
        %get3A_353 = arith.index_cast %add3A_337 : i32 to index
        %get3A_354 = arith.constant 0 : index
        %get3A_355 = tpu.vector_load %arg4[%get3A_352, %get3A_353, %get3A_354] {strides = array<i32>} : memref<8x32x128xf32, #tpu.memory_space<vmem>>, vector<1x1x16xf32>,
        %get3A_356 = vector.shape_cast %get3A_355 : vector<1x1x16xf32> to vector<16xf32>
        %get3A_357 = arith.constant 2 : i32
        %get3A_358 = arith.index_cast %get3A_357 : i32 to index
        %get3A_359 = arith.index_cast %add3A_337 : i32 to index
        %get3A_360 = arith.constant 0 : index
        %get3A_361 = tpu.vector_load %arg4[%get3A_358, %get3A_359, %get3A_360] {strides = array<i32>} : memref<8x32x128xf32, #tpu.memory_space<vmem>>, vector<1x1x16xf32>,
        %get3A_362 = vector.shape_cast %get3A_361 : vector<1x1x16xf32> to vector<16xf32>
        %get3A_363 = arith.constant 3 : i32
        %get3A_364 = arith.index_cast %get3A_363 : i32 to index
        %get3A_365 = arith.index_cast %add3A_337 : i32 to index
        %get3A_366 = arith.constant 0 : index
        %get3A_367 = tpu.vector_load %arg4[%get3A_364, %get3A_365, %get3A_366] {strides = array<i32>} : memref<8x32x128xf32, #tpu.memory_space<vmem>>, vector<1x1x16xf32>,
        %get3A_368 = vector.shape_cast %get3A_367 : vector<1x1x16xf32> to vector<16xf32>
        %get3A_369 = arith.constant 0 : i32
        %get3A_370 = arith.index_cast %get3A_369 : i32 to index
        %get3A_371 = arith.index_cast %add3A_337 : i32 to index
        %get3A_372 = arith.constant 0 : index
        %get3A_373 = tpu.vector_load %arg6[%get3A_370, %get3A_371, %get3A_372] {strides = array<i32>} : memref<2x32x128xf32, #tpu.memory_space<vmem>>, vector<1x1x16xf32>,
        %get3A_374 = vector.shape_cast %get3A_373 : vector<1x1x16xf32> to vector<16xf32>
        %get3A_375 = arith.constant 0 : i32
        %get3A_376 = arith.index_cast %get3A_375 : i32 to index
        %get3A_377 = arith.index_cast %add3A_337 : i32 to index
        %get3A_378 = arith.constant 16 : index
        %get3A_379 = tpu.vector_load %arg4[%get3A_376, %get3A_377, %get3A_378] {strides = array<i32>} : memref<8x32x128xf32, #tpu.memory_space<vmem>>, vector<1x1x16xf32>,
        %get3A_380 = vector.shape_cast %get3A_379 : vector<1x1x16xf32> to vector<16xf32>
        %get3A_381 = arith.constant 1 : i32
        %get3A_382 = arith.index_cast %get3A_381 : i32 to index
        %get3A_383 = arith.index_cast %add3A_337 : i32 to index
        %get3A_384 = arith.constant 16 : index
        %get3A_385 = tpu.vector_load %arg4[%get3A_382, %get3A_383, %get3A_384] {strides = array<i32>} : memref<8x32x128xf32, #tpu.memory_space<vmem>>, vector<1x1x16xf32>,
        %get3A_386 = vector.shape_cast %get3A_385 : vector<1x1x16xf32> to vector<16xf32>
        %get3A_387 = arith.constant 2 : i32
        %get3A_388 = arith.index_cast %get3A_387 : i32 to index
        %get3A_389 = arith.index_cast %add3A_337 : i32 to index
        %get3A_390 = arith.constant 16 : index
        %get3A_391 = tpu.vector_load %arg4[%get3A_388, %get3A_389, %get3A_390] {strides = array<i32>} : memref<8x32x128xf32, #tpu.memory_space<vmem>>, vector<1x1x16xf32>,
        %get3A_392 = vector.shape_cast %get3A_391 : vector<1x1x16xf32> to vector<16xf32>
        %get3A_393 = arith.constant 3 : i32
        %get3A_394 = arith.index_cast %get3A_393 : i32 to index
        %get3A_395 = arith.index_cast %add3A_337 : i32 to index
        %get3A_396 = arith.constant 16 : index
        %get3A_397 = tpu.vector_load %arg4[%get3A_394, %get3A_395, %get3A_396] {strides = array<i32>} : memref<8x32x128xf32, #tpu.memory_space<vmem>>, vector<1x1x16xf32>,
        %get3A_398 = vector.shape_cast %get3A_397 : vector<1x1x16xf32> to vector<16xf32>
        %get3A_399 = arith.constant 0 : i32
        %get3A_400 = arith.index_cast %get3A_399 : i32 to index
        %get3A_401 = arith.index_cast %add3A_337 : i32 to index
        %get3A_402 = arith.constant 16 : index
        %get3A_403 = tpu.vector_load %arg6[%get3A_400, %get3A_401, %get3A_402] {strides = array<i32>} : memref<2x32x128xf32, #tpu.memory_space<vmem>>, vector<1x1x16xf32>,
        %get3A_404 = vector.shape_cast %get3A_403 : vector<1x1x16xf32> to vector<16xf32>
        %get3A_405 = arith.constant 0 : i32
        %get3A_406 = arith.index_cast %get3A_405 : i32 to index
        %get3A_407 = arith.index_cast %add3A_337 : i32 to index
        %get3A_408 = arith.constant 32 : index
        %get3A_409 = tpu.vector_load %arg4[%get3A_406, %get3A_407, %get3A_408] {strides = array<i32>} : memref<8x32x128xf32, #tpu.memory_space<vmem>>, vector<1x1x16xf32>,
        %get3A_410 = vector.shape_cast %get3A_409 : vector<1x1x16xf32> to vector<16xf32>
        %get3A_411 = arith.constant 1 : i32
        %get3A_412 = arith.index_cast %get3A_411 : i32 to index
        %get3A_413 = arith.index_cast %add3A_337 : i32 to index
        %get3A_414 = arith.constant 32 : index
        %get3A_415 = tpu.vector_load %arg4[%get3A_412, %get3A_413, %get3A_414] {strides = array<i32>} : memref<8x32x128xf32, #tpu.memory_space<vmem>>, vector<1x1x16xf32>,
        %get3A_416 = vector.shape_cast %get3A_415 : vector<1x1x16xf32> to vector<16xf32>
        %get3A_417 = arith.constant 2 : i32
        %get3A_418 = arith.index_cast %get3A_417 : i32 to index
        %get3A_419 = arith.index_cast %add3A_337 : i32 to index
        %get3A_420 = arith.constant 32 : index
        %get3A_421 = tpu.vector_load %arg4[%get3A_418, %get3A_419, %get3A_420] {strides = array<i32>} : memref<8x32x128xf32, #tpu.memory_space<vmem>>, vector<1x1x16xf32>,
        %get3A_422 = vector.shape_cast %get3A_421 : vector<1x1x16xf32> to vector<16xf32>
        %get3A_423 = arith.constant 3 : i32
        %get3A_424 = arith.index_cast %get3A_423 : i32 to index
        %get3A_425 = arith.index_cast %add3A_337 : i32 to index
        %get3A_426 = arith.constant 32 : index
        %get3A_427 = tpu.vector_load %arg4[%get3A_424, %get3A_425, %get3A_426] {strides = array<i32>} : memref<8x32x128xf32, #tpu.memory_space<vmem>>, vector<1x1x16xf32>,
        %get3A_428 = vector.shape_cast %get3A_427 : vector<1x1x16xf32> to vector<16xf32>
        %get3A_429 = arith.constant 0 : i32
        %get3A_430 = arith.index_cast %get3A_429 : i32 to index
        %get3A_431 = arith.index_cast %add3A_337 : i32 to index
        %get3A_432 = arith.constant 32 : index
        %get3A_433 = tpu.vector_load %arg6[%get3A_430, %get3A_431, %get3A_432] {strides = array<i32>} : memref<2x32x128xf32, #tpu.memory_space<vmem>>, vector<1x1x16xf32>,
        %get3A_434 = vector.shape_cast %get3A_433 : vector<1x1x16xf32> to vector<16xf32>
        %get3A_435 = arith.constant 0 : i32
        %get3A_436 = arith.index_cast %get3A_435 : i32 to index
        %get3A_437 = arith.index_cast %add3A_337 : i32 to index
        %get3A_438 = arith.constant 48 : index
        %get3A_439 = tpu.vector_load %arg4[%get3A_436, %get3A_437, %get3A_438] {strides = array<i32>} : memref<8x32x128xf32, #tpu.memory_space<vmem>>, vector<1x1x16xf32>,
        %get3A_440 = vector.shape_cast %get3A_439 : vector<1x1x16xf32> to vector<16xf32>
        %get3A_441 = arith.constant 1 : i32
        %get3A_442 = arith.index_cast %get3A_441 : i32 to index
        %get3A_443 = arith.index_cast %add3A_337 : i32 to index
        %get3A_444 = arith.constant 48 : index
        %get3A_445 = tpu.vector_load %arg4[%get3A_442, %get3A_443, %get3A_444] {strides = array<i32>} : memref<8x32x128xf32, #tpu.memory_space<vmem>>, vector<1x1x16xf32>,
        %get3A_446 = vector.shape_cast %get3A_445 : vector<1x1x16xf32> to vector<16xf32>
        %get3A_447 = arith.constant 2 : i32
        %get3A_448 = arith.index_cast %get3A_447 : i32 to index
        %get3A_449 = arith.index_cast %add3A_337 : i32 to index
        %get3A_450 = arith.constant 48 : index
        %get3A_451 = tpu.vector_load %arg4[%get3A_448, %get3A_449, %get3A_450] {strides = array<i32>} : memref<8x32x128xf32, #tpu.memory_space<vmem>>, vector<1x1x16xf32>,
        %get3A_452 = vector.shape_cast %get3A_451 : vector<1x1x16xf32> to vector<16xf32>
        %get3A_453 = arith.constant 3 : i32
        %get3A_454 = arith.index_cast %get3A_453 : i32 to index
        %get3A_455 = arith.index_cast %add3A_337 : i32 to index
        %get3A_456 = arith.constant 48 : index
        %get3A_457 = tpu.vector_load %arg4[%get3A_454, %get3A_455, %get3A_456] {strides = array<i32>} : memref<8x32x128xf32, #tpu.memory_space<vmem>>, vector<1x1x16xf32>,
        %get3A_458 = vector.shape_cast %get3A_457 : vector<1x1x16xf32> to vector<16xf32>
        %get3A_459 = arith.constant 0 : i32
        %get3A_460 = arith.index_cast %get3A_459 : i32 to index
        %get3A_461 = arith.index_cast %add3A_337 : i32 to index
        %get3A_462 = arith.constant 48 : index
        %get3A_463 = tpu.vector_load %arg6[%get3A_460, %get3A_461, %get3A_462] {strides = array<i32>} : memref<2x32x128xf32, #tpu.memory_space<vmem>>, vector<1x1x16xf32>,
        %get3A_464 = vector.shape_cast %get3A_463 : vector<1x1x16xf32> to vector<16xf32>
        %add3A_465 = arith.addf %get3A_350, %get3A_356 : vector<16xf32>
        %add3A_466 = arith.addf %get3A_362, %get3A_368 : vector<16xf32>
        %add3A_467 = arith.addf %add3A_465, %add3A_466 : vector<16xf32>
        %add3A_468 = arith.addf %add3A_467, %get3A_374 : vector<16xf32>
        %mul3A_469 = arith.constant 2.000000e-01 : f32
        %mul3A_470 = vector.broadcast %mul3A_469 : f32 to vector<16xf32>
        %mul3A_471 = arith.mulf %add3A_468, %mul3A_470 : vector<16xf32>
        %add3A_472 = arith.constant 0 : i32
        %add3A_473 = arith.addi %mul3A_339, %add3A_472 : i32
        %swap3A = arith.index_cast %add3A_345 : i32 to index
        %swap3A_474 = arith.index_cast %add3A_473 : i32 to index
        %swap3A_475 = tpu.vector_load %arg8[%swap3A, %swap3A_474] {strides = array<i32>} : memref<32x1024xf32, #tpu.memory_space<vmem>>, vector<1x16xf32>,
        %swap3A_476 = vector.shape_cast %swap3A_475 : vector<1x16xf32> to vector<16xf32>
        %swap3A_477 = vector.shape_cast %mul3A_471 : vector<16xf32> to vector<1x16xf32>
        tpu.vector_store %arg8[%swap3A, %swap3A_474], %swap3A_477 {strides = array<i32>} : memref<32x1024xf32, #tpu.memory_space<vmem>>, vector<1x16xf32>,
        %add3A_478 = arith.addf %get3A_380, %get3A_386 : vector<16xf32>
        %add3A_479 = arith.addf %get3A_392, %get3A_398 : vector<16xf32>
        %add3A_480 = arith.addf %add3A_478, %add3A_479 : vector<16xf32>
        %add3A_481 = arith.addf %add3A_480, %get3A_404 : vector<16xf32>
        %mul3A_482 = arith.constant 2.000000e-01 : f32
        %mul3A_483 = vector.broadcast %mul3A_482 : f32 to vector<16xf32>
        %mul3A_484 = arith.mulf %add3A_481, %mul3A_483 : vector<16xf32>
        %add3A_485 = arith.constant 16 : i32
        %add3A_486 = arith.addi %mul3A_339, %add3A_485 : i32
        %swap3A_487 = arith.index_cast %add3A_345 : i32 to index
        %swap3A_488 = arith.index_cast %add3A_486 : i32 to index
        %swap3A_489 = tpu.vector_load %arg8[%swap3A_487, %swap3A_488] {strides = array<i32>} : memref<32x1024xf32, #tpu.memory_space<vmem>>, vector<1x16xf32>,
        %swap3A_490 = vector.shape_cast %swap3A_489 : vector<1x16xf32> to vector<16xf32>
        %swap3A_491 = vector.shape_cast %mul3A_484 : vector<16xf32> to vector<1x16xf32>
        tpu.vector_store %arg8[%swap3A_487, %swap3A_488], %swap3A_491 {strides = array<i32>} : memref<32x1024xf32, #tpu.memory_space<vmem>>, vector<1x16xf32>,
        %add3A_492 = arith.addf %get3A_410, %get3A_416 : vector<16xf32>
        %add3A_493 = arith.addf %get3A_422, %get3A_428 : vector<16xf32>
        %add3A_494 = arith.addf %add3A_492, %add3A_493 : vector<16xf32>
        %add3A_495 = arith.addf %add3A_494, %get3A_434 : vector<16xf32>
        %mul3A_496 = arith.constant 2.000000e-01 : f32
        %mul3A_497 = vector.broadcast %mul3A_496 : f32 to vector<16xf32>
        %mul3A_498 = arith.mulf %add3A_495, %mul3A_497 : vector<16xf32>
        %add3A_499 = arith.constant 32 : i32
        %add3A_500 = arith.addi %mul3A_339, %add3A_499 : i32
        %swap3A_501 = arith.index_cast %add3A_345 : i32 to index
        %swap3A_502 = arith.index_cast %add3A_500 : i32 to index
        %swap3A_503 = tpu.vector_load %arg8[%swap3A_501, %swap3A_502] {strides = array<i32>} : memref<32x1024xf32, #tpu.memory_space<vmem>>, vector<1x16xf32>,
        %swap3A_504 = vector.shape_cast %swap3A_503 : vector<1x16xf32> to vector<16xf32>
        %swap3A_505 = vector.shape_cast %mul3A_498 : vector<16xf32> to vector<1x16xf32>
        tpu.vector_store %arg8[%swap3A_501, %swap3A_502], %swap3A_505 {strides = array<i32>} : memref<32x1024xf32, #tpu.memory_space<vmem>>, vector<1x16xf32>,
        %add3A_506 = arith.addf %get3A_440, %get3A_446 : vector<16xf32>
        %add3A_507 = arith.addf %get3A_452, %get3A_458 : vector<16xf32>
        %add3A_508 = arith.addf %add3A_506, %add3A_507 : vector<16xf32>
        %add3A_509 = arith.addf %add3A_508, %get3A_464 : vector<16xf32>
        %mul3A_510 = arith.constant 2.000000e-01 : f32
        %mul3A_511 = vector.broadcast %mul3A_510 : f32 to vector<16xf32>
        %mul3A_512 = arith.mulf %add3A_509, %mul3A_511 : vector<16xf32>
        %add3A_513 = arith.constant 48 : i32
        %add3A_514 = arith.addi %mul3A_339, %add3A_513 : i32
        %swap3A_515 = arith.index_cast %add3A_345 : i32 to index
        %swap3A_516 = arith.index_cast %add3A_514 : i32 to index
        %swap3A_517 = tpu.vector_load %arg8[%swap3A_515, %swap3A_516] {strides = array<i32>} : memref<32x1024xf32, #tpu.memory_space<vmem>>, vector<1x16xf32>,
        %swap3A_518 = vector.shape_cast %swap3A_517 : vector<1x16xf32> to vector<16xf32>
        %swap3A_519 = vector.shape_cast %mul3A_512 : vector<16xf32> to vector<1x16xf32>
        tpu.vector_store %arg8[%swap3A_515, %swap3A_516], %swap3A_519 {strides = array<i32>} : memref<32x1024xf32, #tpu.memory_space<vmem>>, vector<1x16xf32>,
        %get3A_520 = arith.constant 0 : i32
        %get3A_521 = arith.index_cast %get3A_520 : i32 to index
        %get3A_522 = arith.index_cast %add3A_337 : i32 to index
        %get3A_523 = arith.constant 64 : index
        %get3A_524 = tpu.vector_load %arg4[%get3A_521, %get3A_522, %get3A_523] {strides = array<i32>} : memref<8x32x128xf32, #tpu.memory_space<vmem>>, vector<1x1x16xf32>,
        %get3A_525 = vector.shape_cast %get3A_524 : vector<1x1x16xf32> to vector<16xf32>
        %get3A_526 = arith.constant 1 : i32
        %get3A_527 = arith.index_cast %get3A_526 : i32 to index
        %get3A_528 = arith.index_cast %add3A_337 : i32 to index
        %get3A_529 = arith.constant 64 : index
        %get3A_530 = tpu.vector_load %arg4[%get3A_527, %get3A_528, %get3A_529] {strides = array<i32>} : memref<8x32x128xf32, #tpu.memory_space<vmem>>, vector<1x1x16xf32>,
        %get3A_531 = vector.shape_cast %get3A_530 : vector<1x1x16xf32> to vector<16xf32>
        %get3A_532 = arith.constant 2 : i32
        %get3A_533 = arith.index_cast %get3A_532 : i32 to index
        %get3A_534 = arith.index_cast %add3A_337 : i32 to index
        %get3A_535 = arith.constant 64 : index
        %get3A_536 = tpu.vector_load %arg4[%get3A_533, %get3A_534, %get3A_535] {strides = array<i32>} : memref<8x32x128xf32, #tpu.memory_space<vmem>>, vector<1x1x16xf32>,
        %get3A_537 = vector.shape_cast %get3A_536 : vector<1x1x16xf32> to vector<16xf32>
        %get3A_538 = arith.constant 3 : i32
        %get3A_539 = arith.index_cast %get3A_538 : i32 to index
        %get3A_540 = arith.index_cast %add3A_337 : i32 to index
        %get3A_541 = arith.constant 64 : index
        %get3A_542 = tpu.vector_load %arg4[%get3A_539, %get3A_540, %get3A_541] {strides = array<i32>} : memref<8x32x128xf32, #tpu.memory_space<vmem>>, vector<1x1x16xf32>,
        %get3A_543 = vector.shape_cast %get3A_542 : vector<1x1x16xf32> to vector<16xf32>
        %get3A_544 = arith.constant 0 : i32
        %get3A_545 = arith.index_cast %get3A_544 : i32 to index
        %get3A_546 = arith.index_cast %add3A_337 : i32 to index
        %get3A_547 = arith.constant 64 : index
        %get3A_548 = tpu.vector_load %arg6[%get3A_545, %get3A_546, %get3A_547] {strides = array<i32>} : memref<2x32x128xf32, #tpu.memory_space<vmem>>, vector<1x1x16xf32>,
        %get3A_549 = vector.shape_cast %get3A_548 : vector<1x1x16xf32> to vector<16xf32>
        %get3A_550 = arith.constant 0 : i32
        %get3A_551 = arith.index_cast %get3A_550 : i32 to index
        %get3A_552 = arith.index_cast %add3A_337 : i32 to index
        %get3A_553 = arith.constant 80 : index
        %get3A_554 = tpu.vector_load %arg4[%get3A_551, %get3A_552, %get3A_553] {strides = array<i32>} : memref<8x32x128xf32, #tpu.memory_space<vmem>>, vector<1x1x16xf32>,
        %get3A_555 = vector.shape_cast %get3A_554 : vector<1x1x16xf32> to vector<16xf32>
        %get3A_556 = arith.constant 1 : i32
        %get3A_557 = arith.index_cast %get3A_556 : i32 to index
        %get3A_558 = arith.index_cast %add3A_337 : i32 to index
        %get3A_559 = arith.constant 80 : index
        %get3A_560 = tpu.vector_load %arg4[%get3A_557, %get3A_558, %get3A_559] {strides = array<i32>} : memref<8x32x128xf32, #tpu.memory_space<vmem>>, vector<1x1x16xf32>,
        %get3A_561 = vector.shape_cast %get3A_560 : vector<1x1x16xf32> to vector<16xf32>
        %get3A_562 = arith.constant 2 : i32
        %get3A_563 = arith.index_cast %get3A_562 : i32 to index
        %get3A_564 = arith.index_cast %add3A_337 : i32 to index
        %get3A_565 = arith.constant 80 : index
        %get3A_566 = tpu.vector_load %arg4[%get3A_563, %get3A_564, %get3A_565] {strides = array<i32>} : memref<8x32x128xf32, #tpu.memory_space<vmem>>, vector<1x1x16xf32>,
        %get3A_567 = vector.shape_cast %get3A_566 : vector<1x1x16xf32> to vector<16xf32>
        %get3A_568 = arith.constant 3 : i32
        %get3A_569 = arith.index_cast %get3A_568 : i32 to index
        %get3A_570 = arith.index_cast %add3A_337 : i32 to index
        %get3A_571 = arith.constant 80 : index
        %get3A_572 = tpu.vector_load %arg4[%get3A_569, %get3A_570, %get3A_571] {strides = array<i32>} : memref<8x32x128xf32, #tpu.memory_space<vmem>>, vector<1x1x16xf32>,
        %get3A_573 = vector.shape_cast %get3A_572 : vector<1x1x16xf32> to vector<16xf32>
        %get3A_574 = arith.constant 0 : i32
        %get3A_575 = arith.index_cast %get3A_574 : i32 to index
        %get3A_576 = arith.index_cast %add3A_337 : i32 to index
        %get3A_577 = arith.constant 80 : index
        %get3A_578 = tpu.vector_load %arg6[%get3A_575, %get3A_576, %get3A_577] {strides = array<i32>} : memref<2x32x128xf32, #tpu.memory_space<vmem>>, vector<1x1x16xf32>,
        %get3A_579 = vector.shape_cast %get3A_578 : vector<1x1x16xf32> to vector<16xf32>
        %get3A_580 = arith.constant 0 : i32
        %get3A_581 = arith.index_cast %get3A_580 : i32 to index
        %get3A_582 = arith.index_cast %add3A_337 : i32 to index
        %get3A_583 = arith.constant 96 : index
        %get3A_584 = tpu.vector_load %arg4[%get3A_581, %get3A_582, %get3A_583] {strides = array<i32>} : memref<8x32x128xf32, #tpu.memory_space<vmem>>, vector<1x1x16xf32>,
        %get3A_585 = vector.shape_cast %get3A_584 : vector<1x1x16xf32> to vector<16xf32>
        %get3A_586 = arith.constant 1 : i32
        %get3A_587 = arith.index_cast %get3A_586 : i32 to index
        %get3A_588 = arith.index_cast %add3A_337 : i32 to index
        %get3A_589 = arith.constant 96 : index
        %get3A_590 = tpu.vector_load %arg4[%get3A_587, %get3A_588, %get3A_589] {strides = array<i32>} : memref<8x32x128xf32, #tpu.memory_space<vmem>>, vector<1x1x16xf32>,
        %get3A_591 = vector.shape_cast %get3A_590 : vector<1x1x16xf32> to vector<16xf32>
        %get3A_592 = arith.constant 2 : i32
        %get3A_593 = arith.index_cast %get3A_592 : i32 to index
        %get3A_594 = arith.index_cast %add3A_337 : i32 to index
        %get3A_595 = arith.constant 96 : index
        %get3A_596 = tpu.vector_load %arg4[%get3A_593, %get3A_594, %get3A_595] {strides = array<i32>} : memref<8x32x128xf32, #tpu.memory_space<vmem>>, vector<1x1x16xf32>,
        %get3A_597 = vector.shape_cast %get3A_596 : vector<1x1x16xf32> to vector<16xf32>
        %get3A_598 = arith.constant 3 : i32
        %get3A_599 = arith.index_cast %get3A_598 : i32 to index
        %get3A_600 = arith.index_cast %add3A_337 : i32 to index
        %get3A_601 = arith.constant 96 : index
        %get3A_602 = tpu.vector_load %arg4[%get3A_599, %get3A_600, %get3A_601] {strides = array<i32>} : memref<8x32x128xf32, #tpu.memory_space<vmem>>, vector<1x1x16xf32>,
        %get3A_603 = vector.shape_cast %get3A_602 : vector<1x1x16xf32> to vector<16xf32>
        %get3A_604 = arith.constant 0 : i32
        %get3A_605 = arith.index_cast %get3A_604 : i32 to index
        %get3A_606 = arith.index_cast %add3A_337 : i32 to index
        %get3A_607 = arith.constant 96 : index
        %get3A_608 = tpu.vector_load %arg6[%get3A_605, %get3A_606, %get3A_607] {strides = array<i32>} : memref<2x32x128xf32, #tpu.memory_space<vmem>>, vector<1x1x16xf32>,
        %get3A_609 = vector.shape_cast %get3A_608 : vector<1x1x16xf32> to vector<16xf32>
        %get3A_610 = arith.constant 0 : i32
        %get3A_611 = arith.index_cast %get3A_610 : i32 to index
        %get3A_612 = arith.index_cast %add3A_337 : i32 to index
        %get3A_613 = arith.constant 112 : index
        %get3A_614 = tpu.vector_load %arg4[%get3A_611, %get3A_612, %get3A_613] {strides = array<i32>} : memref<8x32x128xf32, #tpu.memory_space<vmem>>, vector<1x1x16xf32>,
        %get3A_615 = vector.shape_cast %get3A_614 : vector<1x1x16xf32> to vector<16xf32>
        %get3A_616 = arith.constant 1 : i32
        %get3A_617 = arith.index_cast %get3A_616 : i32 to index
        %get3A_618 = arith.index_cast %add3A_337 : i32 to index
        %get3A_619 = arith.constant 112 : index
        %get3A_620 = tpu.vector_load %arg4[%get3A_617, %get3A_618, %get3A_619] {strides = array<i32>} : memref<8x32x128xf32, #tpu.memory_space<vmem>>, vector<1x1x16xf32>,
        %get3A_621 = vector.shape_cast %get3A_620 : vector<1x1x16xf32> to vector<16xf32>
        %get3A_622 = arith.constant 2 : i32
        %get3A_623 = arith.index_cast %get3A_622 : i32 to index
        %get3A_624 = arith.index_cast %add3A_337 : i32 to index
        %get3A_625 = arith.constant 112 : index
        %get3A_626 = tpu.vector_load %arg4[%get3A_623, %get3A_624, %get3A_625] {strides = array<i32>} : memref<8x32x128xf32, #tpu.memory_space<vmem>>, vector<1x1x16xf32>,
        %get3A_627 = vector.shape_cast %get3A_626 : vector<1x1x16xf32> to vector<16xf32>
        %get3A_628 = arith.constant 3 : i32
        %get3A_629 = arith.index_cast %get3A_628 : i32 to index
        %get3A_630 = arith.index_cast %add3A_337 : i32 to index
        %get3A_631 = arith.constant 112 : index
        %get3A_632 = tpu.vector_load %arg4[%get3A_629, %get3A_630, %get3A_631] {strides = array<i32>} : memref<8x32x128xf32, #tpu.memory_space<vmem>>, vector<1x1x16xf32>,
        %get3A_633 = vector.shape_cast %get3A_632 : vector<1x1x16xf32> to vector<16xf32>
        %get3A_634 = arith.constant 0 : i32
        %get3A_635 = arith.index_cast %get3A_634 : i32 to index
        %get3A_636 = arith.index_cast %add3A_337 : i32 to index
        %get3A_637 = arith.constant 112 : index
        %get3A_638 = tpu.vector_load %arg6[%get3A_635, %get3A_636, %get3A_637] {strides = array<i32>} : memref<2x32x128xf32, #tpu.memory_space<vmem>>, vector<1x1x16xf32>,
        %get3A_639 = vector.shape_cast %get3A_638 : vector<1x1x16xf32> to vector<16xf32>
        %add3A_640 = arith.addf %get3A_525, %get3A_531 : vector<16xf32>
        %add3A_641 = arith.addf %get3A_537, %get3A_543 : vector<16xf32>
        %add3A_642 = arith.addf %add3A_640, %add3A_641 : vector<16xf32>
        %add3A_643 = arith.addf %add3A_642, %get3A_549 : vector<16xf32>
        %mul3A_644 = arith.constant 2.000000e-01 : f32
        %mul3A_645 = vector.broadcast %mul3A_644 : f32 to vector<16xf32>
        %mul3A_646 = arith.mulf %add3A_643, %mul3A_645 : vector<16xf32>
        %add3A_647 = arith.constant 64 : i32
        %add3A_648 = arith.addi %mul3A_339, %add3A_647 : i32
        %swap3A_649 = arith.index_cast %add3A_345 : i32 to index
        %swap3A_650 = arith.index_cast %add3A_648 : i32 to index
        %swap3A_651 = tpu.vector_load %arg8[%swap3A_649, %swap3A_650] {strides = array<i32>} : memref<32x1024xf32, #tpu.memory_space<vmem>>, vector<1x16xf32>,
        %swap3A_652 = vector.shape_cast %swap3A_651 : vector<1x16xf32> to vector<16xf32>
        %swap3A_653 = vector.shape_cast %mul3A_646 : vector<16xf32> to vector<1x16xf32>
        tpu.vector_store %arg8[%swap3A_649, %swap3A_650], %swap3A_653 {strides = array<i32>} : memref<32x1024xf32, #tpu.memory_space<vmem>>, vector<1x16xf32>,
        %add3A_654 = arith.addf %get3A_555, %get3A_561 : vector<16xf32>
        %add3A_655 = arith.addf %get3A_567, %get3A_573 : vector<16xf32>
        %add3A_656 = arith.addf %add3A_654, %add3A_655 : vector<16xf32>
        %add3A_657 = arith.addf %add3A_656, %get3A_579 : vector<16xf32>
        %mul3A_658 = arith.constant 2.000000e-01 : f32
        %mul3A_659 = vector.broadcast %mul3A_658 : f32 to vector<16xf32>
        %mul3A_660 = arith.mulf %add3A_657, %mul3A_659 : vector<16xf32>
        %add3A_661 = arith.constant 80 : i32
        %add3A_662 = arith.addi %mul3A_339, %add3A_661 : i32
        %swap3A_663 = arith.index_cast %add3A_345 : i32 to index
        %swap3A_664 = arith.index_cast %add3A_662 : i32 to index
        %swap3A_665 = tpu.vector_load %arg8[%swap3A_663, %swap3A_664] {strides = array<i32>} : memref<32x1024xf32, #tpu.memory_space<vmem>>, vector<1x16xf32>,
        %swap3A_666 = vector.shape_cast %swap3A_665 : vector<1x16xf32> to vector<16xf32>
        %swap3A_667 = vector.shape_cast %mul3A_660 : vector<16xf32> to vector<1x16xf32>
        tpu.vector_store %arg8[%swap3A_663, %swap3A_664], %swap3A_667 {strides = array<i32>} : memref<32x1024xf32, #tpu.memory_space<vmem>>, vector<1x16xf32>,
        %add3A_668 = arith.addf %get3A_585, %get3A_591 : vector<16xf32>
        %add3A_669 = arith.addf %get3A_597, %get3A_603 : vector<16xf32>
        %add3A_670 = arith.addf %add3A_668, %add3A_669 : vector<16xf32>
        %add3A_671 = arith.addf %add3A_670, %get3A_609 : vector<16xf32>
        %mul3A_672 = arith.constant 2.000000e-01 : f32
        %mul3A_673 = vector.broadcast %mul3A_672 : f32 to vector<16xf32>
        %mul3A_674 = arith.mulf %add3A_671, %mul3A_673 : vector<16xf32>
        %add3A_675 = arith.constant 96 : i32
        %add3A_676 = arith.addi %mul3A_339, %add3A_675 : i32
        %swap3A_677 = arith.index_cast %add3A_345 : i32 to index
        %swap3A_678 = arith.index_cast %add3A_676 : i32 to index
        %swap3A_679 = tpu.vector_load %arg8[%swap3A_677, %swap3A_678] {strides = array<i32>} : memref<32x1024xf32, #tpu.memory_space<vmem>>, vector<1x16xf32>,
        %swap3A_680 = vector.shape_cast %swap3A_679 : vector<1x16xf32> to vector<16xf32>
        %swap3A_681 = vector.shape_cast %mul3A_674 : vector<16xf32> to vector<1x16xf32>
        tpu.vector_store %arg8[%swap3A_677, %swap3A_678], %swap3A_681 {strides = array<i32>} : memref<32x1024xf32, #tpu.memory_space<vmem>>, vector<1x16xf32>,
        %add3A_682 = arith.addf %get3A_615, %get3A_621 : vector<16xf32>
        %add3A_683 = arith.addf %get3A_627, %get3A_633 : vector<16xf32>
        %add3A_684 = arith.addf %add3A_682, %add3A_683 : vector<16xf32>
        %add3A_685 = arith.addf %add3A_684, %get3A_639 : vector<16xf32>
        %mul3A_686 = arith.constant 2.000000e-01 : f32
        %mul3A_687 = vector.broadcast %mul3A_686 : f32 to vector<16xf32>
        %mul3A_688 = arith.mulf %add3A_685, %mul3A_687 : vector<16xf32>
        %add3A_689 = arith.constant 112 : i32
        %add3A_690 = arith.addi %mul3A_339, %add3A_689 : i32
        %swap3A_691 = arith.index_cast %add3A_345 : i32 to index
        %swap3A_692 = arith.index_cast %add3A_690 : i32 to index
        %swap3A_693 = tpu.vector_load %arg8[%swap3A_691, %swap3A_692] {strides = array<i32>} : memref<32x1024xf32, #tpu.memory_space<vmem>>, vector<1x16xf32>,
        %swap3A_694 = vector.shape_cast %swap3A_693 : vector<1x16xf32> to vector<16xf32>
        %swap3A_695 = vector.shape_cast %mul3A_688 : vector<16xf32> to vector<1x16xf32>
        tpu.vector_store %arg8[%swap3A_691, %swap3A_692], %swap3A_695 {strides = array<i32>} : memref<32x1024xf32, #tpu.memory_space<vmem>>, vector<1x16xf32>,
        %mul3A_696 = arith.constant 8 : i32
        %mul3A_697 = arith.muli %select_n3A, %mul3A_696 : i32
        %add3A_698 = arith.constant 4 : i32
        %add3A_699 = arith.addi %mul3A_697, %add3A_698 : i32
        %add3A_700 = arith.constant 1 : i32
        %add3A_701 = arith.addi %add3A_699, %add3A_700 : i32
        %get3A_702 = arith.constant 4 : i32
        %get3A_703 = arith.index_cast %get3A_702 : i32 to index
        %get3A_704 = arith.index_cast %add3A_337 : i32 to index
        %get3A_705 = arith.constant 0 : index
        %get3A_706 = tpu.vector_load %arg4[%get3A_703, %get3A_704, %get3A_705] {strides = array<i32>} : memref<8x32x128xf32, #tpu.memory_space<vmem>>, vector<1x1x16xf32>,
        %get3A_707 = vector.shape_cast %get3A_706 : vector<1x1x16xf32> to vector<16xf32>
        %get3A_708 = arith.constant 5 : i32
        %get3A_709 = arith.index_cast %get3A_708 : i32 to index
        %get3A_710 = arith.index_cast %add3A_337 : i32 to index
        %get3A_711 = arith.constant 0 : index
        %get3A_712 = tpu.vector_load %arg4[%get3A_709, %get3A_710, %get3A_711] {strides = array<i32>} : memref<8x32x128xf32, #tpu.memory_space<vmem>>, vector<1x1x16xf32>,
        %get3A_713 = vector.shape_cast %get3A_712 : vector<1x1x16xf32> to vector<16xf32>
        %get3A_714 = arith.constant 6 : i32
        %get3A_715 = arith.index_cast %get3A_714 : i32 to index
        %get3A_716 = arith.index_cast %add3A_337 : i32 to index
        %get3A_717 = arith.constant 0 : index
        %get3A_718 = tpu.vector_load %arg4[%get3A_715, %get3A_716, %get3A_717] {strides = array<i32>} : memref<8x32x128xf32, #tpu.memory_space<vmem>>, vector<1x1x16xf32>,
        %get3A_719 = vector.shape_cast %get3A_718 : vector<1x1x16xf32> to vector<16xf32>
        %get3A_720 = arith.constant 7 : i32
        %get3A_721 = arith.index_cast %get3A_720 : i32 to index
        %get3A_722 = arith.index_cast %add3A_337 : i32 to index
        %get3A_723 = arith.constant 0 : index
        %get3A_724 = tpu.vector_load %arg4[%get3A_721, %get3A_722, %get3A_723] {strides = array<i32>} : memref<8x32x128xf32, #tpu.memory_space<vmem>>, vector<1x1x16xf32>,
        %get3A_725 = vector.shape_cast %get3A_724 : vector<1x1x16xf32> to vector<16xf32>
        %get3A_726 = arith.constant 1 : i32
        %get3A_727 = arith.index_cast %get3A_726 : i32 to index
        %get3A_728 = arith.index_cast %add3A_337 : i32 to index
        %get3A_729 = arith.constant 0 : index
        %get3A_730 = tpu.vector_load %arg6[%get3A_727, %get3A_728, %get3A_729] {strides = array<i32>} : memref<2x32x128xf32, #tpu.memory_space<vmem>>, vector<1x1x16xf32>,
        %get3A_731 = vector.shape_cast %get3A_730 : vector<1x1x16xf32> to vector<16xf32>
        %get3A_732 = arith.constant 4 : i32
        %get3A_733 = arith.index_cast %get3A_732 : i32 to index
        %get3A_734 = arith.index_cast %add3A_337 : i32 to index
        %get3A_735 = arith.constant 16 : index
        %get3A_736 = tpu.vector_load %arg4[%get3A_733, %get3A_734, %get3A_735] {strides = array<i32>} : memref<8x32x128xf32, #tpu.memory_space<vmem>>, vector<1x1x16xf32>,
        %get3A_737 = vector.shape_cast %get3A_736 : vector<1x1x16xf32> to vector<16xf32>
        %get3A_738 = arith.constant 5 : i32
        %get3A_739 = arith.index_cast %get3A_738 : i32 to index
        %get3A_740 = arith.index_cast %add3A_337 : i32 to index
        %get3A_741 = arith.constant 16 : index
        %get3A_742 = tpu.vector_load %arg4[%get3A_739, %get3A_740, %get3A_741] {strides = array<i32>} : memref<8x32x128xf32, #tpu.memory_space<vmem>>, vector<1x1x16xf32>,
        %get3A_743 = vector.shape_cast %get3A_742 : vector<1x1x16xf32> to vector<16xf32>
        %get3A_744 = arith.constant 6 : i32
        %get3A_745 = arith.index_cast %get3A_744 : i32 to index
        %get3A_746 = arith.index_cast %add3A_337 : i32 to index
        %get3A_747 = arith.constant 16 : index
        %get3A_748 = tpu.vector_load %arg4[%get3A_745, %get3A_746, %get3A_747] {strides = array<i32>} : memref<8x32x128xf32, #tpu.memory_space<vmem>>, vector<1x1x16xf32>,
        %get3A_749 = vector.shape_cast %get3A_748 : vector<1x1x16xf32> to vector<16xf32>
        %get3A_750 = arith.constant 7 : i32
        %get3A_751 = arith.index_cast %get3A_750 : i32 to index
        %get3A_752 = arith.index_cast %add3A_337 : i32 to index
        %get3A_753 = arith.constant 16 : index
        %get3A_754 = tpu.vector_load %arg4[%get3A_751, %get3A_752, %get3A_753] {strides = array<i32>} : memref<8x32x128xf32, #tpu.memory_space<vmem>>, vector<1x1x16xf32>,
        %get3A_755 = vector.shape_cast %get3A_754 : vector<1x1x16xf32> to vector<16xf32>
        %get3A_756 = arith.constant 1 : i32
        %get3A_757 = arith.index_cast %get3A_756 : i32 to index
        %get3A_758 = arith.index_cast %add3A_337 : i32 to index
        %get3A_759 = arith.constant 16 : index
        %get3A_760 = tpu.vector_load %arg6[%get3A_757, %get3A_758, %get3A_759] {strides = array<i32>} : memref<2x32x128xf32, #tpu.memory_space<vmem>>, vector<1x1x16xf32>,
        %get3A_761 = vector.shape_cast %get3A_760 : vector<1x1x16xf32> to vector<16xf32>
        %get3A_762 = arith.constant 4 : i32
        %get3A_763 = arith.index_cast %get3A_762 : i32 to index
        %get3A_764 = arith.index_cast %add3A_337 : i32 to index
        %get3A_765 = arith.constant 32 : index
        %get3A_766 = tpu.vector_load %arg4[%get3A_763, %get3A_764, %get3A_765] {strides = array<i32>} : memref<8x32x128xf32, #tpu.memory_space<vmem>>, vector<1x1x16xf32>,
        %get3A_767 = vector.shape_cast %get3A_766 : vector<1x1x16xf32> to vector<16xf32>
        %get3A_768 = arith.constant 5 : i32
        %get3A_769 = arith.index_cast %get3A_768 : i32 to index
        %get3A_770 = arith.index_cast %add3A_337 : i32 to index
        %get3A_771 = arith.constant 32 : index
        %get3A_772 = tpu.vector_load %arg4[%get3A_769, %get3A_770, %get3A_771] {strides = array<i32>} : memref<8x32x128xf32, #tpu.memory_space<vmem>>, vector<1x1x16xf32>,
        %get3A_773 = vector.shape_cast %get3A_772 : vector<1x1x16xf32> to vector<16xf32>
        %get3A_774 = arith.constant 6 : i32
        %get3A_775 = arith.index_cast %get3A_774 : i32 to index
        %get3A_776 = arith.index_cast %add3A_337 : i32 to index
        %get3A_777 = arith.constant 32 : index
        %get3A_778 = tpu.vector_load %arg4[%get3A_775, %get3A_776, %get3A_777] {strides = array<i32>} : memref<8x32x128xf32, #tpu.memory_space<vmem>>, vector<1x1x16xf32>,
        %get3A_779 = vector.shape_cast %get3A_778 : vector<1x1x16xf32> to vector<16xf32>
        %get3A_780 = arith.constant 7 : i32
        %get3A_781 = arith.index_cast %get3A_780 : i32 to index
        %get3A_782 = arith.index_cast %add3A_337 : i32 to index
        %get3A_783 = arith.constant 32 : index
        %get3A_784 = tpu.vector_load %arg4[%get3A_781, %get3A_782, %get3A_783] {strides = array<i32>} : memref<8x32x128xf32, #tpu.memory_space<vmem>>, vector<1x1x16xf32>,
        %get3A_785 = vector.shape_cast %get3A_784 : vector<1x1x16xf32> to vector<16xf32>
        %get3A_786 = arith.constant 1 : i32
        %get3A_787 = arith.index_cast %get3A_786 : i32 to index
        %get3A_788 = arith.index_cast %add3A_337 : i32 to index
        %get3A_789 = arith.constant 32 : index
        %get3A_790 = tpu.vector_load %arg6[%get3A_787, %get3A_788, %get3A_789] {strides = array<i32>} : memref<2x32x128xf32, #tpu.memory_space<vmem>>, vector<1x1x16xf32>,
        %get3A_791 = vector.shape_cast %get3A_790 : vector<1x1x16xf32> to vector<16xf32>
        %get3A_792 = arith.constant 4 : i32
        %get3A_793 = arith.index_cast %get3A_792 : i32 to index
        %get3A_794 = arith.index_cast %add3A_337 : i32 to index
        %get3A_795 = arith.constant 48 : index
        %get3A_796 = tpu.vector_load %arg4[%get3A_793, %get3A_794, %get3A_795] {strides = array<i32>} : memref<8x32x128xf32, #tpu.memory_space<vmem>>, vector<1x1x16xf32>,
        %get3A_797 = vector.shape_cast %get3A_796 : vector<1x1x16xf32> to vector<16xf32>
        %get3A_798 = arith.constant 5 : i32
        %get3A_799 = arith.index_cast %get3A_798 : i32 to index
        %get3A_800 = arith.index_cast %add3A_337 : i32 to index
        %get3A_801 = arith.constant 48 : index
        %get3A_802 = tpu.vector_load %arg4[%get3A_799, %get3A_800, %get3A_801] {strides = array<i32>} : memref<8x32x128xf32, #tpu.memory_space<vmem>>, vector<1x1x16xf32>,
        %get3A_803 = vector.shape_cast %get3A_802 : vector<1x1x16xf32> to vector<16xf32>
        %get3A_804 = arith.constant 6 : i32
        %get3A_805 = arith.index_cast %get3A_804 : i32 to index
        %get3A_806 = arith.index_cast %add3A_337 : i32 to index
        %get3A_807 = arith.constant 48 : index
        %get3A_808 = tpu.vector_load %arg4[%get3A_805, %get3A_806, %get3A_807] {strides = array<i32>} : memref<8x32x128xf32, #tpu.memory_space<vmem>>, vector<1x1x16xf32>,
        %get3A_809 = vector.shape_cast %get3A_808 : vector<1x1x16xf32> to vector<16xf32>
        %get3A_810 = arith.constant 7 : i32
        %get3A_811 = arith.index_cast %get3A_810 : i32 to index
        %get3A_812 = arith.index_cast %add3A_337 : i32 to index
        %get3A_813 = arith.constant 48 : index
        %get3A_814 = tpu.vector_load %arg4[%get3A_811, %get3A_812, %get3A_813] {strides = array<i32>} : memref<8x32x128xf32, #tpu.memory_space<vmem>>, vector<1x1x16xf32>,
        %get3A_815 = vector.shape_cast %get3A_814 : vector<1x1x16xf32> to vector<16xf32>
        %get3A_816 = arith.constant 1 : i32
        %get3A_817 = arith.index_cast %get3A_816 : i32 to index
        %get3A_818 = arith.index_cast %add3A_337 : i32 to index
        %get3A_819 = arith.constant 48 : index
        %get3A_820 = tpu.vector_load %arg6[%get3A_817, %get3A_818, %get3A_819] {strides = array<i32>} : memref<2x32x128xf32, #tpu.memory_space<vmem>>, vector<1x1x16xf32>,
        %get3A_821 = vector.shape_cast %get3A_820 : vector<1x1x16xf32> to vector<16xf32>
        %add3A_822 = arith.addf %get3A_707, %get3A_713 : vector<16xf32>
        %add3A_823 = arith.addf %get3A_719, %get3A_725 : vector<16xf32>
        %add3A_824 = arith.addf %add3A_822, %add3A_823 : vector<16xf32>
        %add3A_825 = arith.addf %add3A_824, %get3A_731 : vector<16xf32>
        %mul3A_826 = arith.constant 2.000000e-01 : f32
        %mul3A_827 = vector.broadcast %mul3A_826 : f32 to vector<16xf32>
        %mul3A_828 = arith.mulf %add3A_825, %mul3A_827 : vector<16xf32>
        %add3A_829 = arith.constant 0 : i32
        %add3A_830 = arith.addi %mul3A_339, %add3A_829 : i32
        %swap3A_831 = arith.index_cast %add3A_701 : i32 to index
        %swap3A_832 = arith.index_cast %add3A_830 : i32 to index
        %swap3A_833 = tpu.vector_load %arg8[%swap3A_831, %swap3A_832] {strides = array<i32>} : memref<32x1024xf32, #tpu.memory_space<vmem>>, vector<1x16xf32>,
        %swap3A_834 = vector.shape_cast %swap3A_833 : vector<1x16xf32> to vector<16xf32>
        %swap3A_835 = vector.shape_cast %mul3A_828 : vector<16xf32> to vector<1x16xf32>
        tpu.vector_store %arg8[%swap3A_831, %swap3A_832], %swap3A_835 {strides = array<i32>} : memref<32x1024xf32, #tpu.memory_space<vmem>>, vector<1x16xf32>,
        %add3A_836 = arith.addf %get3A_737, %get3A_743 : vector<16xf32>
        %add3A_837 = arith.addf %get3A_749, %get3A_755 : vector<16xf32>
        %add3A_838 = arith.addf %add3A_836, %add3A_837 : vector<16xf32>
        %add3A_839 = arith.addf %add3A_838, %get3A_761 : vector<16xf32>
        %mul3A_840 = arith.constant 2.000000e-01 : f32
        %mul3A_841 = vector.broadcast %mul3A_840 : f32 to vector<16xf32>
        %mul3A_842 = arith.mulf %add3A_839, %mul3A_841 : vector<16xf32>
        %add3A_843 = arith.constant 16 : i32
        %add3A_844 = arith.addi %mul3A_339, %add3A_843 : i32
        %swap3A_845 = arith.index_cast %add3A_701 : i32 to index
        %swap3A_846 = arith.index_cast %add3A_844 : i32 to index
        %swap3A_847 = tpu.vector_load %arg8[%swap3A_845, %swap3A_846] {strides = array<i32>} : memref<32x1024xf32, #tpu.memory_space<vmem>>, vector<1x16xf32>,
        %swap3A_848 = vector.shape_cast %swap3A_847 : vector<1x16xf32> to vector<16xf32>
        %swap3A_849 = vector.shape_cast %mul3A_842 : vector<16xf32> to vector<1x16xf32>
        tpu.vector_store %arg8[%swap3A_845, %swap3A_846], %swap3A_849 {strides = array<i32>} : memref<32x1024xf32, #tpu.memory_space<vmem>>, vector<1x16xf32>,
        %add3A_850 = arith.addf %get3A_767, %get3A_773 : vector<16xf32>
        %add3A_851 = arith.addf %get3A_779, %get3A_785 : vector<16xf32>
        %add3A_852 = arith.addf %add3A_850, %add3A_851 : vector<16xf32>
        %add3A_853 = arith.addf %add3A_852, %get3A_791 : vector<16xf32>
        %mul3A_854 = arith.constant 2.000000e-01 : f32
        %mul3A_855 = vector.broadcast %mul3A_854 : f32 to vector<16xf32>
        %mul3A_856 = arith.mulf %add3A_853, %mul3A_855 : vector<16xf32>
        %add3A_857 = arith.constant 32 : i32
        %add3A_858 = arith.addi %mul3A_339, %add3A_857 : i32
        %swap3A_859 = arith.index_cast %add3A_701 : i32 to index
        %swap3A_860 = arith.index_cast %add3A_858 : i32 to index
        %swap3A_861 = tpu.vector_load %arg8[%swap3A_859, %swap3A_860] {strides = array<i32>} : memref<32x1024xf32, #tpu.memory_space<vmem>>, vector<1x16xf32>,
        %swap3A_862 = vector.shape_cast %swap3A_861 : vector<1x16xf32> to vector<16xf32>
        %swap3A_863 = vector.shape_cast %mul3A_856 : vector<16xf32> to vector<1x16xf32>
        tpu.vector_store %arg8[%swap3A_859, %swap3A_860], %swap3A_863 {strides = array<i32>} : memref<32x1024xf32, #tpu.memory_space<vmem>>, vector<1x16xf32>,
        %add3A_864 = arith.addf %get3A_797, %get3A_803 : vector<16xf32>
        %add3A_865 = arith.addf %get3A_809, %get3A_815 : vector<16xf32>
        %add3A_866 = arith.addf %add3A_864, %add3A_865 : vector<16xf32>
        %add3A_867 = arith.addf %add3A_866, %get3A_821 : vector<16xf32>
        %mul3A_868 = arith.constant 2.000000e-01 : f32
        %mul3A_869 = vector.broadcast %mul3A_868 : f32 to vector<16xf32>
        %mul3A_870 = arith.mulf %add3A_867, %mul3A_869 : vector<16xf32>
        %add3A_871 = arith.constant 48 : i32
        %add3A_872 = arith.addi %mul3A_339, %add3A_871 : i32
        %swap3A_873 = arith.index_cast %add3A_701 : i32 to index
        %swap3A_874 = arith.index_cast %add3A_872 : i32 to index
        %swap3A_875 = tpu.vector_load %arg8[%swap3A_873, %swap3A_874] {strides = array<i32>} : memref<32x1024xf32, #tpu.memory_space<vmem>>, vector<1x16xf32>,
        %swap3A_876 = vector.shape_cast %swap3A_875 : vector<1x16xf32> to vector<16xf32>
        %swap3A_877 = vector.shape_cast %mul3A_870 : vector<16xf32> to vector<1x16xf32>
        tpu.vector_store %arg8[%swap3A_873, %swap3A_874], %swap3A_877 {strides = array<i32>} : memref<32x1024xf32, #tpu.memory_space<vmem>>, vector<1x16xf32>,
        %get3A_878 = arith.constant 4 : i32
        %get3A_879 = arith.index_cast %get3A_878 : i32 to index
        %get3A_880 = arith.index_cast %add3A_337 : i32 to index
        %get3A_881 = arith.constant 64 : index
        %get3A_882 = tpu.vector_load %arg4[%get3A_879, %get3A_880, %get3A_881] {strides = array<i32>} : memref<8x32x128xf32, #tpu.memory_space<vmem>>, vector<1x1x16xf32>,
        %get3A_883 = vector.shape_cast %get3A_882 : vector<1x1x16xf32> to vector<16xf32>
        %get3A_884 = arith.constant 5 : i32
        %get3A_885 = arith.index_cast %get3A_884 : i32 to index
        %get3A_886 = arith.index_cast %add3A_337 : i32 to index
        %get3A_887 = arith.constant 64 : index
        %get3A_888 = tpu.vector_load %arg4[%get3A_885, %get3A_886, %get3A_887] {strides = array<i32>} : memref<8x32x128xf32, #tpu.memory_space<vmem>>, vector<1x1x16xf32>,
        %get3A_889 = vector.shape_cast %get3A_888 : vector<1x1x16xf32> to vector<16xf32>
        %get3A_890 = arith.constant 6 : i32
        %get3A_891 = arith.index_cast %get3A_890 : i32 to index
        %get3A_892 = arith.index_cast %add3A_337 : i32 to index
        %get3A_893 = arith.constant 64 : index
        %get3A_894 = tpu.vector_load %arg4[%get3A_891, %get3A_892, %get3A_893] {strides = array<i32>} : memref<8x32x128xf32, #tpu.memory_space<vmem>>, vector<1x1x16xf32>,
        %get3A_895 = vector.shape_cast %get3A_894 : vector<1x1x16xf32> to vector<16xf32>
        %get3A_896 = arith.constant 7 : i32
        %get3A_897 = arith.index_cast %get3A_896 : i32 to index
        %get3A_898 = arith.index_cast %add3A_337 : i32 to index
        %get3A_899 = arith.constant 64 : index
        %get3A_900 = tpu.vector_load %arg4[%get3A_897, %get3A_898, %get3A_899] {strides = array<i32>} : memref<8x32x128xf32, #tpu.memory_space<vmem>>, vector<1x1x16xf32>,
        %get3A_901 = vector.shape_cast %get3A_900 : vector<1x1x16xf32> to vector<16xf32>
        %get3A_902 = arith.constant 1 : i32
        %get3A_903 = arith.index_cast %get3A_902 : i32 to index
        %get3A_904 = arith.index_cast %add3A_337 : i32 to index
        %get3A_905 = arith.constant 64 : index
        %get3A_906 = tpu.vector_load %arg6[%get3A_903, %get3A_904, %get3A_905] {strides = array<i32>} : memref<2x32x128xf32, #tpu.memory_space<vmem>>, vector<1x1x16xf32>,
        %get3A_907 = vector.shape_cast %get3A_906 : vector<1x1x16xf32> to vector<16xf32>
        %get3A_908 = arith.constant 4 : i32
        %get3A_909 = arith.index_cast %get3A_908 : i32 to index
        %get3A_910 = arith.index_cast %add3A_337 : i32 to index
        %get3A_911 = arith.constant 80 : index
        %get3A_912 = tpu.vector_load %arg4[%get3A_909, %get3A_910, %get3A_911] {strides = array<i32>} : memref<8x32x128xf32, #tpu.memory_space<vmem>>, vector<1x1x16xf32>,
        %get3A_913 = vector.shape_cast %get3A_912 : vector<1x1x16xf32> to vector<16xf32>
        %get3A_914 = arith.constant 5 : i32
        %get3A_915 = arith.index_cast %get3A_914 : i32 to index
        %get3A_916 = arith.index_cast %add3A_337 : i32 to index
        %get3A_917 = arith.constant 80 : index
        %get3A_918 = tpu.vector_load %arg4[%get3A_915, %get3A_916, %get3A_917] {strides = array<i32>} : memref<8x32x128xf32, #tpu.memory_space<vmem>>, vector<1x1x16xf32>,
        %get3A_919 = vector.shape_cast %get3A_918 : vector<1x1x16xf32> to vector<16xf32>
        %get3A_920 = arith.constant 6 : i32
        %get3A_921 = arith.index_cast %get3A_920 : i32 to index
        %get3A_922 = arith.index_cast %add3A_337 : i32 to index
        %get3A_923 = arith.constant 80 : index
        %get3A_924 = tpu.vector_load %arg4[%get3A_921, %get3A_922, %get3A_923] {strides = array<i32>} : memref<8x32x128xf32, #tpu.memory_space<vmem>>, vector<1x1x16xf32>,
        %get3A_925 = vector.shape_cast %get3A_924 : vector<1x1x16xf32> to vector<16xf32>
        %get3A_926 = arith.constant 7 : i32
        %get3A_927 = arith.index_cast %get3A_926 : i32 to index
        %get3A_928 = arith.index_cast %add3A_337 : i32 to index
        %get3A_929 = arith.constant 80 : index
        %get3A_930 = tpu.vector_load %arg4[%get3A_927, %get3A_928, %get3A_929] {strides = array<i32>} : memref<8x32x128xf32, #tpu.memory_space<vmem>>, vector<1x1x16xf32>,
        %get3A_931 = vector.shape_cast %get3A_930 : vector<1x1x16xf32> to vector<16xf32>
        %get3A_932 = arith.constant 1 : i32
        %get3A_933 = arith.index_cast %get3A_932 : i32 to index
        %get3A_934 = arith.index_cast %add3A_337 : i32 to index
        %get3A_935 = arith.constant 80 : index
        %get3A_936 = tpu.vector_load %arg6[%get3A_933, %get3A_934, %get3A_935] {strides = array<i32>} : memref<2x32x128xf32, #tpu.memory_space<vmem>>, vector<1x1x16xf32>,
        %get3A_937 = vector.shape_cast %get3A_936 : vector<1x1x16xf32> to vector<16xf32>
        %get3A_938 = arith.constant 4 : i32
        %get3A_939 = arith.index_cast %get3A_938 : i32 to index
        %get3A_940 = arith.index_cast %add3A_337 : i32 to index
        %get3A_941 = arith.constant 96 : index
        %get3A_942 = tpu.vector_load %arg4[%get3A_939, %get3A_940, %get3A_941] {strides = array<i32>} : memref<8x32x128xf32, #tpu.memory_space<vmem>>, vector<1x1x16xf32>,
        %get3A_943 = vector.shape_cast %get3A_942 : vector<1x1x16xf32> to vector<16xf32>
        %get3A_944 = arith.constant 5 : i32
        %get3A_945 = arith.index_cast %get3A_944 : i32 to index
        %get3A_946 = arith.index_cast %add3A_337 : i32 to index
        %get3A_947 = arith.constant 96 : index
        %get3A_948 = tpu.vector_load %arg4[%get3A_945, %get3A_946, %get3A_947] {strides = array<i32>} : memref<8x32x128xf32, #tpu.memory_space<vmem>>, vector<1x1x16xf32>,
        %get3A_949 = vector.shape_cast %get3A_948 : vector<1x1x16xf32> to vector<16xf32>
        %get3A_950 = arith.constant 6 : i32
        %get3A_951 = arith.index_cast %get3A_950 : i32 to index
        %get3A_952 = arith.index_cast %add3A_337 : i32 to index
        %get3A_953 = arith.constant 96 : index
        %get3A_954 = tpu.vector_load %arg4[%get3A_951, %get3A_952, %get3A_953] {strides = array<i32>} : memref<8x32x128xf32, #tpu.memory_space<vmem>>, vector<1x1x16xf32>,
        %get3A_955 = vector.shape_cast %get3A_954 : vector<1x1x16xf32> to vector<16xf32>
        %get3A_956 = arith.constant 7 : i32
        %get3A_957 = arith.index_cast %get3A_956 : i32 to index
        %get3A_958 = arith.index_cast %add3A_337 : i32 to index
        %get3A_959 = arith.constant 96 : index
        %get3A_960 = tpu.vector_load %arg4[%get3A_957, %get3A_958, %get3A_959] {strides = array<i32>} : memref<8x32x128xf32, #tpu.memory_space<vmem>>, vector<1x1x16xf32>,
        %get3A_961 = vector.shape_cast %get3A_960 : vector<1x1x16xf32> to vector<16xf32>
        %get3A_962 = arith.constant 1 : i32
        %get3A_963 = arith.index_cast %get3A_962 : i32 to index
        %get3A_964 = arith.index_cast %add3A_337 : i32 to index
        %get3A_965 = arith.constant 96 : index
        %get3A_966 = tpu.vector_load %arg6[%get3A_963, %get3A_964, %get3A_965] {strides = array<i32>} : memref<2x32x128xf32, #tpu.memory_space<vmem>>, vector<1x1x16xf32>,
        %get3A_967 = vector.shape_cast %get3A_966 : vector<1x1x16xf32> to vector<16xf32>
        %get3A_968 = arith.constant 4 : i32
        %get3A_969 = arith.index_cast %get3A_968 : i32 to index
        %get3A_970 = arith.index_cast %add3A_337 : i32 to index
        %get3A_971 = arith.constant 112 : index
        %get3A_972 = tpu.vector_load %arg4[%get3A_969, %get3A_970, %get3A_971] {strides = array<i32>} : memref<8x32x128xf32, #tpu.memory_space<vmem>>, vector<1x1x16xf32>,
        %get3A_973 = vector.shape_cast %get3A_972 : vector<1x1x16xf32> to vector<16xf32>
        %get3A_974 = arith.constant 5 : i32
        %get3A_975 = arith.index_cast %get3A_974 : i32 to index
        %get3A_976 = arith.index_cast %add3A_337 : i32 to index
        %get3A_977 = arith.constant 112 : index
        %get3A_978 = tpu.vector_load %arg4[%get3A_975, %get3A_976, %get3A_977] {strides = array<i32>} : memref<8x32x128xf32, #tpu.memory_space<vmem>>, vector<1x1x16xf32>,
        %get3A_979 = vector.shape_cast %get3A_978 : vector<1x1x16xf32> to vector<16xf32>
        %get3A_980 = arith.constant 6 : i32
        %get3A_981 = arith.index_cast %get3A_980 : i32 to index
        %get3A_982 = arith.index_cast %add3A_337 : i32 to index
        %get3A_983 = arith.constant 112 : index
        %get3A_984 = tpu.vector_load %arg4[%get3A_981, %get3A_982, %get3A_983] {strides = array<i32>} : memref<8x32x128xf32, #tpu.memory_space<vmem>>, vector<1x1x16xf32>,
        %get3A_985 = vector.shape_cast %get3A_984 : vector<1x1x16xf32> to vector<16xf32>
        %get3A_986 = arith.constant 7 : i32
        %get3A_987 = arith.index_cast %get3A_986 : i32 to index
        %get3A_988 = arith.index_cast %add3A_337 : i32 to index
        %get3A_989 = arith.constant 112 : index
        %get3A_990 = tpu.vector_load %arg4[%get3A_987, %get3A_988, %get3A_989] {strides = array<i32>} : memref<8x32x128xf32, #tpu.memory_space<vmem>>, vector<1x1x16xf32>,
        %get3A_991 = vector.shape_cast %get3A_990 : vector<1x1x16xf32> to vector<16xf32>
        %get3A_992 = arith.constant 1 : i32
        %get3A_993 = arith.index_cast %get3A_992 : i32 to index
        %get3A_994 = arith.index_cast %add3A_337 : i32 to index
        %get3A_995 = arith.constant 112 : index
        %get3A_996 = tpu.vector_load %arg6[%get3A_993, %get3A_994, %get3A_995] {strides = array<i32>} : memref<2x32x128xf32, #tpu.memory_space<vmem>>, vector<1x1x16xf32>,
        %get3A_997 = vector.shape_cast %get3A_996 : vector<1x1x16xf32> to vector<16xf32>
        %add3A_998 = arith.addf %get3A_883, %get3A_889 : vector<16xf32>
        %add3A_999 = arith.addf %get3A_895, %get3A_901 : vector<16xf32>
        %add3A_1000 = arith.addf %add3A_998, %add3A_999 : vector<16xf32>
        %add3A_1001 = arith.addf %add3A_1000, %get3A_907 : vector<16xf32>
        %mul3A_1002 = arith.constant 2.000000e-01 : f32
        %mul3A_1003 = vector.broadcast %mul3A_1002 : f32 to vector<16xf32>
        %mul3A_1004 = arith.mulf %add3A_1001, %mul3A_1003 : vector<16xf32>
        %add3A_1005 = arith.constant 64 : i32
        %add3A_1006 = arith.addi %mul3A_339, %add3A_1005 : i32
        %swap3A_1007 = arith.index_cast %add3A_701 : i32 to index
        %swap3A_1008 = arith.index_cast %add3A_1006 : i32 to index
        %swap3A_1009 = tpu.vector_load %arg8[%swap3A_1007, %swap3A_1008] {strides = array<i32>} : memref<32x1024xf32, #tpu.memory_space<vmem>>, vector<1x16xf32>,
        %swap3A_1010 = vector.shape_cast %swap3A_1009 : vector<1x16xf32> to vector<16xf32>
        %swap3A_1011 = vector.shape_cast %mul3A_1004 : vector<16xf32> to vector<1x16xf32>
        tpu.vector_store %arg8[%swap3A_1007, %swap3A_1008], %swap3A_1011 {strides = array<i32>} : memref<32x1024xf32, #tpu.memory_space<vmem>>, vector<1x16xf32>,
        %add3A_1012 = arith.addf %get3A_913, %get3A_919 : vector<16xf32>
        %add3A_1013 = arith.addf %get3A_925, %get3A_931 : vector<16xf32>
        %add3A_1014 = arith.addf %add3A_1012, %add3A_1013 : vector<16xf32>
        %add3A_1015 = arith.addf %add3A_1014, %get3A_937 : vector<16xf32>
        %mul3A_1016 = arith.constant 2.000000e-01 : f32
        %mul3A_1017 = vector.broadcast %mul3A_1016 : f32 to vector<16xf32>
        %mul3A_1018 = arith.mulf %add3A_1015, %mul3A_1017 : vector<16xf32>
        %add3A_1019 = arith.constant 80 : i32
        %add3A_1020 = arith.addi %mul3A_339, %add3A_1019 : i32
        %swap3A_1021 = arith.index_cast %add3A_701 : i32 to index
        %swap3A_1022 = arith.index_cast %add3A_1020 : i32 to index
        %swap3A_1023 = tpu.vector_load %arg8[%swap3A_1021, %swap3A_1022] {strides = array<i32>} : memref<32x1024xf32, #tpu.memory_space<vmem>>, vector<1x16xf32>,
        %swap3A_1024 = vector.shape_cast %swap3A_1023 : vector<1x16xf32> to vector<16xf32>
        %swap3A_1025 = vector.shape_cast %mul3A_1018 : vector<16xf32> to vector<1x16xf32>
        tpu.vector_store %arg8[%swap3A_1021, %swap3A_1022], %swap3A_1025 {strides = array<i32>} : memref<32x1024xf32, #tpu.memory_space<vmem>>, vector<1x16xf32>,
        %add3A_1026 = arith.addf %get3A_943, %get3A_949 : vector<16xf32>
        %add3A_1027 = arith.addf %get3A_955, %get3A_961 : vector<16xf32>
        %add3A_1028 = arith.addf %add3A_1026, %add3A_1027 : vector<16xf32>
        %add3A_1029 = arith.addf %add3A_1028, %get3A_967 : vector<16xf32>
        %mul3A_1030 = arith.constant 2.000000e-01 : f32
        %mul3A_1031 = vector.broadcast %mul3A_1030 : f32 to vector<16xf32>
        %mul3A_1032 = arith.mulf %add3A_1029, %mul3A_1031 : vector<16xf32>
        %add3A_1033 = arith.constant 96 : i32
        %add3A_1034 = arith.addi %mul3A_339, %add3A_1033 : i32
        %swap3A_1035 = arith.index_cast %add3A_701 : i32 to index
        %swap3A_1036 = arith.index_cast %add3A_1034 : i32 to index
        %swap3A_1037 = tpu.vector_load %arg8[%swap3A_1035, %swap3A_1036] {strides = array<i32>} : memref<32x1024xf32, #tpu.memory_space<vmem>>, vector<1x16xf32>,
        %swap3A_1038 = vector.shape_cast %swap3A_1037 : vector<1x16xf32> to vector<16xf32>
        %swap3A_1039 = vector.shape_cast %mul3A_1032 : vector<16xf32> to vector<1x16xf32>
        tpu.vector_store %arg8[%swap3A_1035, %swap3A_1036], %swap3A_1039 {strides = array<i32>} : memref<32x1024xf32, #tpu.memory_space<vmem>>, vector<1x16xf32>,
        %add3A_1040 = arith.addf %get3A_973, %get3A_979 : vector<16xf32>
        %add3A_1041 = arith.addf %get3A_985, %get3A_991 : vector<16xf32>
        %add3A_1042 = arith.addf %add3A_1040, %add3A_1041 : vector<16xf32>
        %add3A_1043 = arith.addf %add3A_1042, %get3A_997 : vector<16xf32>
        %mul3A_1044 = arith.constant 2.000000e-01 : f32
        %mul3A_1045 = vector.broadcast %mul3A_1044 : f32 to vector<16xf32>
        %mul3A_1046 = arith.mulf %add3A_1043, %mul3A_1045 : vector<16xf32>
        %add3A_1047 = arith.constant 112 : i32
        %add3A_1048 = arith.addi %mul3A_339, %add3A_1047 : i32
        %swap3A_1049 = arith.index_cast %add3A_701 : i32 to index
        %swap3A_1050 = arith.index_cast %add3A_1048 : i32 to index
        %swap3A_1051 = tpu.vector_load %arg8[%swap3A_1049, %swap3A_1050] {strides = array<i32>} : memref<32x1024xf32, #tpu.memory_space<vmem>>, vector<1x16xf32>,
        %swap3A_1052 = vector.shape_cast %swap3A_1051 : vector<1x16xf32> to vector<16xf32>
        %swap3A_1053 = vector.shape_cast %mul3A_1046 : vector<16xf32> to vector<1x16xf32>
        tpu.vector_store %arg8[%swap3A_1049, %swap3A_1050], %swap3A_1053 {strides = array<i32>} : memref<32x1024xf32, #tpu.memory_space<vmem>>, vector<1x16xf32>,
      }
      %scan3A_204 = arith.constant 32 : i32
      %add3A_205 = arith.constant 2 : i32
      %add3A_206 = arith.addi %add3A_179, %add3A_205 : i32
      %lt3A_207 = arith.constant 32 : i32
      %lt3A_208 = arith.cmpi slt, %add3A_206, %lt3A_207 : i32
      %convert_element_type3A_209 = arith.extui %lt3A_208 : i1 to i32
      %cond3A_210 = arith.constant 0 : i32
      %cond3A_211 = arith.cmpi ne, %convert_element_type3A_209, %cond3A_210 : i32
      scf.if %cond3A_211 {
        %add3A_303 = arith.constant 2 : i32
        %add3A_304 = arith.addi %add3A_179, %add3A_303 : i32
        %mul3A_305 = arith.constant 2 : i32
        %mul3A_306 = arith.muli %add3A_304, %mul3A_305 : i32
        %add3A_307 = arith.addi %mul3A_2, %mul3A_306 : i32
        %mul3A_308 = arith.constant 4 : i32
        %mul3A_309 = arith.muli %mul3A_308, %add3A_307 : i32
        %add3A_310 = arith.constant 1 : i32
        %add3A_311 = arith.addi %mul3A_309, %add3A_310 : i32
        %dma_start3A_312 = arith.constant 0 : i32
        %dma_start3A_313 = arith.constant 0 : i32
        %dma_start3A_314 = tpu.memref_slice %arg2[%add3A_311, %dma_start3A_312, %dma_start3A_313] : memref<8193x32x128xf32, #tpu.memory_space<hbm>> -> memref<8x32x128xf32, #tpu.memory_space<hbm>>
        %dma_start3A_315 = arith.constant 0 : i32
        %dma_start3A_316 = arith.constant 0 : i32
        %dma_start3A_317 = tpu.memref_slice %arg2[%add3A_311, %dma_start3A_315, %dma_start3A_316] : memref<8193x32x128xf32, #tpu.memory_space<hbm>> -> memref<8x32x128xf32, #tpu.memory_space<hbm>>
        tpu.enqueue_dma source(%dma_start3A_317 : memref<8x32x128xf32, #tpu.memory_space<hbm>>) target(%arg4 : memref<8x32x128xf32, #tpu.memory_space<vmem>>) target_semaphore(%arg9 : memref<!tpu.dma_semaphore, #tpu.memory_space<semaphore_mem>>)
        %dma_start3A_318 = arith.constant 0 : i32
        %dma_start3A_319 = arith.constant 0 : i32
        %dma_start3A_320 = tpu.memref_slice %arg2[%add3A_307, %dma_start3A_318, %dma_start3A_319] : memref<8193x32x128xf32, #tpu.memory_space<hbm>> -> memref<2x32x128xf32, #tpu.memory_space<hbm>>
        %dma_start3A_321 = arith.constant 0 : i32
        %dma_start3A_322 = arith.constant 0 : i32
        %dma_start3A_323 = tpu.memref_slice %arg2[%add3A_307, %dma_start3A_321, %dma_start3A_322] : memref<8193x32x128xf32, #tpu.memory_space<hbm>> -> memref<2x32x128xf32, #tpu.memory_space<hbm>>
        tpu.enqueue_dma source(%dma_start3A_323 : memref<2x32x128xf32, #tpu.memory_space<hbm>>) target(%arg6 : memref<2x32x128xf32, #tpu.memory_space<vmem>>) target_semaphore(%arg9 : memref<!tpu.dma_semaphore, #tpu.memory_space<semaphore_mem>>)
      } else {
      }
      %mul3A_212 = arith.constant 4 : i32
      %mul3A_213 = arith.muli %scan3A_102, %mul3A_212 : i32
      %add3A_214 = arith.constant 3 : i32
      %add3A_215 = arith.addi %mul3A_213, %add3A_214 : i32
      %mul3A_216 = arith.constant 2 : i32
      %mul3A_217 = arith.muli %add3A_215, %mul3A_216 : i32
      %add3A_218 = arith.addi %mul3A_2, %mul3A_217 : i32
      %mul3A_219 = arith.constant 4 : i32
      %mul3A_220 = arith.muli %mul3A_219, %add3A_218 : i32
      %add3A_221 = arith.constant 1 : i32
      %add3A_222 = arith.addi %mul3A_220, %add3A_221 : i32
      %dma_wait3A_223 = arith.constant 0 : i32
      %dma_wait3A_224 = arith.constant 0 : i32
      %dma_wait3A_225 = tpu.memref_slice %arg2[%add3A_222, %dma_wait3A_223, %dma_wait3A_224] : memref<8193x32x128xf32, #tpu.memory_space<hbm>> -> memref<8x32x128xf32, #tpu.memory_space<hbm>>
      %dma_wait3A_226 = arith.constant 0 : i32
      %dma_wait3A_227 = arith.constant 0 : i32
      %dma_wait3A_228 = tpu.memref_slice %arg2[%add3A_222, %dma_wait3A_226, %dma_wait3A_227] : memref<8193x32x128xf32, #tpu.memory_space<hbm>> -> memref<8x32x128xf32, #tpu.memory_space<hbm>>
      tpu.wait_dma2 semaphore(%arg10 : memref<!tpu.dma_semaphore, #tpu.memory_space<semaphore_mem>>) src(%dma_wait3A_228 : memref<8x32x128xf32, #tpu.memory_space<hbm>>) dst(%arg5 : memref<8x32x128xf32, #tpu.memory_space<vmem>>)
      %dma_wait3A_229 = arith.constant 0 : i32
      %dma_wait3A_230 = arith.constant 0 : i32
      %dma_wait3A_231 = tpu.memref_slice %arg2[%add3A_218, %dma_wait3A_229, %dma_wait3A_230] : memref<8193x32x128xf32, #tpu.memory_space<hbm>> -> memref<2x32x128xf32, #tpu.memory_space<hbm>>
      %dma_wait3A_232 = arith.constant 0 : i32
      %dma_wait3A_233 = arith.constant 0 : i32
      %dma_wait3A_234 = tpu.memref_slice %arg2[%add3A_218, %dma_wait3A_232, %dma_wait3A_233] : memref<8193x32x128xf32, #tpu.memory_space<hbm>> -> memref<2x32x128xf32, #tpu.memory_space<hbm>>
      tpu.wait_dma2 semaphore(%arg10 : memref<!tpu.dma_semaphore, #tpu.memory_space<semaphore_mem>>) src(%dma_wait3A_234 : memref<2x32x128xf32, #tpu.memory_space<hbm>>) dst(%arg7 : memref<2x32x128xf32, #tpu.memory_space<vmem>>)
      %scan3A_235 = arith.constant 0 : i32
      %scan3A_236 = arith.constant 0 : i32
      %scan3A_237 = arith.constant 32 : i32
      %scan3A_238 = arith.addi %scan3A_236, %scan3A_237 : i32
      %scan3A_239 = arith.constant 1 : i32
      scf.for %scan3A_303 = %scan3A_236 to %scan3A_238 step %scan3A_239  : i32 {
        %jit3A = arith.constant 8 : i32
        %div3A = arith.divsi %scan3A_303, %jit3A : i32
        %sign3A = arith.constant 0 : i32
        %sign3A_304 = arith.cmpi sgt, %scan3A_303, %sign3A : i32
        %sign3A_305 = arith.extui %sign3A_304 : i1 to i32
        %sign3A_306 = arith.constant 0 : i32
        %sign3A_307 = arith.cmpi slt, %scan3A_303, %sign3A_306 : i32
        %sign3A_308 = arith.extui %sign3A_307 : i1 to i32
        %sign3A_309 = arith.subi %sign3A_305, %sign3A_308 : i32
        %sign3A_310 = arith.constant 0 : i32
        %sign3A_311 = arith.cmpi sgt, %jit3A, %sign3A_310 : i32
        %sign3A_312 = arith.extui %sign3A_311 : i1 to i32
        %sign3A_313 = arith.constant 0 : i32
        %sign3A_314 = arith.cmpi slt, %jit3A, %sign3A_313 : i32
        %sign3A_315 = arith.extui %sign3A_314 : i1 to i32
        %sign3A_316 = arith.subi %sign3A_312, %sign3A_315 : i32
        %ne3A = arith.cmpi ne, %sign3A_309, %sign3A_316 : i32
        %rem3A = arith.remsi %scan3A_303, %jit3A : i32
        %ne3A_317 = arith.constant 0 : i32
        %ne3A_318 = arith.cmpi ne, %rem3A, %ne3A_317 : i32
        %and3A = arith.andi %ne3A, %ne3A_318 : i1
        %sub3A = arith.constant 1 : i32
        %sub3A_319 = arith.subi %div3A, %sub3A : i32
        %select_n3A = arith.select %and3A, %sub3A_319, %div3A : i32
        %jit3A_320 = arith.constant 8 : i32
        %eq3A = arith.constant 0 : i32
        %eq3A_321 = arith.cmpi eq, %jit3A_320, %eq3A : i32
        %jit3A_322 = arith.constant 1 : i32
        %select_n3A_323 = arith.select %eq3A_321, %jit3A_322, %jit3A_320 : i32
        %rem3A_324 = arith.remsi %scan3A_303, %select_n3A_323 : i32
        %ne3A_325 = arith.constant 0 : i32
        %ne3A_326 = arith.cmpi ne, %rem3A_324, %ne3A_325 : i32
        %lt3A_327 = arith.constant 0 : i32
        %lt3A_328 = arith.cmpi slt, %rem3A_324, %lt3A_327 : i32
        %lt3A_329 = arith.constant 0 : i32
        %lt3A_330 = arith.cmpi slt, %select_n3A_323, %lt3A_329 : i32
        %ne3A_331 = arith.xori %lt3A_328, %lt3A_330 : i1
        %and3A_332 = arith.andi %ne3A_331, %ne3A_326 : i1
        %add3A_333 = arith.addi %rem3A_324, %select_n3A_323 : i32
        %select_n3A_334 = arith.select %and3A_332, %add3A_333, %rem3A_324 : i32
        %mul3A_335 = arith.constant 4 : i32
        %mul3A_336 = arith.muli %select_n3A_334, %mul3A_335 : i32
        %add3A_337 = arith.addi %mul3A_336, %select_n3A : i32
        %mul3A_338 = arith.constant 128 : i32
        %mul3A_339 = arith.muli %select_n3A_334, %mul3A_338 : i32
        %mul3A_340 = arith.constant 8 : i32
        %mul3A_341 = arith.muli %select_n3A, %mul3A_340 : i32
        %add3A_342 = arith.constant 6 : i32
        %add3A_343 = arith.addi %mul3A_341, %add3A_342 : i32
        %add3A_344 = arith.constant 0 : i32
        %add3A_345 = arith.addi %add3A_343, %add3A_344 : i32
        %get3A = arith.constant 0 : i32
        %get3A_346 = arith.index_cast %get3A : i32 to index
        %get3A_347 = arith.index_cast %add3A_337 : i32 to index
        %get3A_348 = arith.constant 0 : index
        %get3A_349 = tpu.vector_load %arg5[%get3A_346, %get3A_347, %get3A_348] {strides = array<i32>} : memref<8x32x128xf32, #tpu.memory_space<vmem>>, vector<1x1x16xf32>,
        %get3A_350 = vector.shape_cast %get3A_349 : vector<1x1x16xf32> to vector<16xf32>
        %get3A_351 = arith.constant 1 : i32
        %get3A_352 = arith.index_cast %get3A_351 : i32 to index
        %get3A_353 = arith.index_cast %add3A_337 : i32 to index
        %get3A_354 = arith.constant 0 : index
        %get3A_355 = tpu.vector_load %arg5[%get3A_352, %get3A_353, %get3A_354] {strides = array<i32>} : memref<8x32x128xf32, #tpu.memory_space<vmem>>, vector<1x1x16xf32>,
        %get3A_356 = vector.shape_cast %get3A_355 : vector<1x1x16xf32> to vector<16xf32>
        %get3A_357 = arith.constant 2 : i32
        %get3A_358 = arith.index_cast %get3A_357 : i32 to index
        %get3A_359 = arith.index_cast %add3A_337 : i32 to index
        %get3A_360 = arith.constant 0 : index
        %get3A_361 = tpu.vector_load %arg5[%get3A_358, %get3A_359, %get3A_360] {strides = array<i32>} : memref<8x32x128xf32, #tpu.memory_space<vmem>>, vector<1x1x16xf32>,
        %get3A_362 = vector.shape_cast %get3A_361 : vector<1x1x16xf32> to vector<16xf32>
        %get3A_363 = arith.constant 3 : i32
        %get3A_364 = arith.index_cast %get3A_363 : i32 to index
        %get3A_365 = arith.index_cast %add3A_337 : i32 to index
        %get3A_366 = arith.constant 0 : index
        %get3A_367 = tpu.vector_load %arg5[%get3A_364, %get3A_365, %get3A_366] {strides = array<i32>} : memref<8x32x128xf32, #tpu.memory_space<vmem>>, vector<1x1x16xf32>,
        %get3A_368 = vector.shape_cast %get3A_367 : vector<1x1x16xf32> to vector<16xf32>
        %get3A_369 = arith.constant 0 : i32
        %get3A_370 = arith.index_cast %get3A_369 : i32 to index
        %get3A_371 = arith.index_cast %add3A_337 : i32 to index
        %get3A_372 = arith.constant 0 : index
        %get3A_373 = tpu.vector_load %arg7[%get3A_370, %get3A_371, %get3A_372] {strides = array<i32>} : memref<2x32x128xf32, #tpu.memory_space<vmem>>, vector<1x1x16xf32>,
        %get3A_374 = vector.shape_cast %get3A_373 : vector<1x1x16xf32> to vector<16xf32>
        %get3A_375 = arith.constant 0 : i32
        %get3A_376 = arith.index_cast %get3A_375 : i32 to index
        %get3A_377 = arith.index_cast %add3A_337 : i32 to index
        %get3A_378 = arith.constant 16 : index
        %get3A_379 = tpu.vector_load %arg5[%get3A_376, %get3A_377, %get3A_378] {strides = array<i32>} : memref<8x32x128xf32, #tpu.memory_space<vmem>>, vector<1x1x16xf32>,
        %get3A_380 = vector.shape_cast %get3A_379 : vector<1x1x16xf32> to vector<16xf32>
        %get3A_381 = arith.constant 1 : i32
        %get3A_382 = arith.index_cast %get3A_381 : i32 to index
        %get3A_383 = arith.index_cast %add3A_337 : i32 to index
        %get3A_384 = arith.constant 16 : index
        %get3A_385 = tpu.vector_load %arg5[%get3A_382, %get3A_383, %get3A_384] {strides = array<i32>} : memref<8x32x128xf32, #tpu.memory_space<vmem>>, vector<1x1x16xf32>,
        %get3A_386 = vector.shape_cast %get3A_385 : vector<1x1x16xf32> to vector<16xf32>
        %get3A_387 = arith.constant 2 : i32
        %get3A_388 = arith.index_cast %get3A_387 : i32 to index
        %get3A_389 = arith.index_cast %add3A_337 : i32 to index
        %get3A_390 = arith.constant 16 : index
        %get3A_391 = tpu.vector_load %arg5[%get3A_388, %get3A_389, %get3A_390] {strides = array<i32>} : memref<8x32x128xf32, #tpu.memory_space<vmem>>, vector<1x1x16xf32>,
        %get3A_392 = vector.shape_cast %get3A_391 : vector<1x1x16xf32> to vector<16xf32>
        %get3A_393 = arith.constant 3 : i32
        %get3A_394 = arith.index_cast %get3A_393 : i32 to index
        %get3A_395 = arith.index_cast %add3A_337 : i32 to index
        %get3A_396 = arith.constant 16 : index
        %get3A_397 = tpu.vector_load %arg5[%get3A_394, %get3A_395, %get3A_396] {strides = array<i32>} : memref<8x32x128xf32, #tpu.memory_space<vmem>>, vector<1x1x16xf32>,
        %get3A_398 = vector.shape_cast %get3A_397 : vector<1x1x16xf32> to vector<16xf32>
        %get3A_399 = arith.constant 0 : i32
        %get3A_400 = arith.index_cast %get3A_399 : i32 to index
        %get3A_401 = arith.index_cast %add3A_337 : i32 to index
        %get3A_402 = arith.constant 16 : index
        %get3A_403 = tpu.vector_load %arg7[%get3A_400, %get3A_401, %get3A_402] {strides = array<i32>} : memref<2x32x128xf32, #tpu.memory_space<vmem>>, vector<1x1x16xf32>,
        %get3A_404 = vector.shape_cast %get3A_403 : vector<1x1x16xf32> to vector<16xf32>
        %get3A_405 = arith.constant 0 : i32
        %get3A_406 = arith.index_cast %get3A_405 : i32 to index
        %get3A_407 = arith.index_cast %add3A_337 : i32 to index
        %get3A_408 = arith.constant 32 : index
        %get3A_409 = tpu.vector_load %arg5[%get3A_406, %get3A_407, %get3A_408] {strides = array<i32>} : memref<8x32x128xf32, #tpu.memory_space<vmem>>, vector<1x1x16xf32>,
        %get3A_410 = vector.shape_cast %get3A_409 : vector<1x1x16xf32> to vector<16xf32>
        %get3A_411 = arith.constant 1 : i32
        %get3A_412 = arith.index_cast %get3A_411 : i32 to index
        %get3A_413 = arith.index_cast %add3A_337 : i32 to index
        %get3A_414 = arith.constant 32 : index
        %get3A_415 = tpu.vector_load %arg5[%get3A_412, %get3A_413, %get3A_414] {strides = array<i32>} : memref<8x32x128xf32, #tpu.memory_space<vmem>>, vector<1x1x16xf32>,
        %get3A_416 = vector.shape_cast %get3A_415 : vector<1x1x16xf32> to vector<16xf32>
        %get3A_417 = arith.constant 2 : i32
        %get3A_418 = arith.index_cast %get3A_417 : i32 to index
        %get3A_419 = arith.index_cast %add3A_337 : i32 to index
        %get3A_420 = arith.constant 32 : index
        %get3A_421 = tpu.vector_load %arg5[%get3A_418, %get3A_419, %get3A_420] {strides = array<i32>} : memref<8x32x128xf32, #tpu.memory_space<vmem>>, vector<1x1x16xf32>,
        %get3A_422 = vector.shape_cast %get3A_421 : vector<1x1x16xf32> to vector<16xf32>
        %get3A_423 = arith.constant 3 : i32
        %get3A_424 = arith.index_cast %get3A_423 : i32 to index
        %get3A_425 = arith.index_cast %add3A_337 : i32 to index
        %get3A_426 = arith.constant 32 : index
        %get3A_427 = tpu.vector_load %arg5[%get3A_424, %get3A_425, %get3A_426] {strides = array<i32>} : memref<8x32x128xf32, #tpu.memory_space<vmem>>, vector<1x1x16xf32>,
        %get3A_428 = vector.shape_cast %get3A_427 : vector<1x1x16xf32> to vector<16xf32>
        %get3A_429 = arith.constant 0 : i32
        %get3A_430 = arith.index_cast %get3A_429 : i32 to index
        %get3A_431 = arith.index_cast %add3A_337 : i32 to index
        %get3A_432 = arith.constant 32 : index
        %get3A_433 = tpu.vector_load %arg7[%get3A_430, %get3A_431, %get3A_432] {strides = array<i32>} : memref<2x32x128xf32, #tpu.memory_space<vmem>>, vector<1x1x16xf32>,
        %get3A_434 = vector.shape_cast %get3A_433 : vector<1x1x16xf32> to vector<16xf32>
        %get3A_435 = arith.constant 0 : i32
        %get3A_436 = arith.index_cast %get3A_435 : i32 to index
        %get3A_437 = arith.index_cast %add3A_337 : i32 to index
        %get3A_438 = arith.constant 48 : index
        %get3A_439 = tpu.vector_load %arg5[%get3A_436, %get3A_437, %get3A_438] {strides = array<i32>} : memref<8x32x128xf32, #tpu.memory_space<vmem>>, vector<1x1x16xf32>,
        %get3A_440 = vector.shape_cast %get3A_439 : vector<1x1x16xf32> to vector<16xf32>
        %get3A_441 = arith.constant 1 : i32
        %get3A_442 = arith.index_cast %get3A_441 : i32 to index
        %get3A_443 = arith.index_cast %add3A_337 : i32 to index
        %get3A_444 = arith.constant 48 : index
        %get3A_445 = tpu.vector_load %arg5[%get3A_442, %get3A_443, %get3A_444] {strides = array<i32>} : memref<8x32x128xf32, #tpu.memory_space<vmem>>, vector<1x1x16xf32>,
        %get3A_446 = vector.shape_cast %get3A_445 : vector<1x1x16xf32> to vector<16xf32>
        %get3A_447 = arith.constant 2 : i32
        %get3A_448 = arith.index_cast %get3A_447 : i32 to index
        %get3A_449 = arith.index_cast %add3A_337 : i32 to index
        %get3A_450 = arith.constant 48 : index
        %get3A_451 = tpu.vector_load %arg5[%get3A_448, %get3A_449, %get3A_450] {strides = array<i32>} : memref<8x32x128xf32, #tpu.memory_space<vmem>>, vector<1x1x16xf32>,
        %get3A_452 = vector.shape_cast %get3A_451 : vector<1x1x16xf32> to vector<16xf32>
        %get3A_453 = arith.constant 3 : i32
        %get3A_454 = arith.index_cast %get3A_453 : i32 to index
        %get3A_455 = arith.index_cast %add3A_337 : i32 to index
        %get3A_456 = arith.constant 48 : index
        %get3A_457 = tpu.vector_load %arg5[%get3A_454, %get3A_455, %get3A_456] {strides = array<i32>} : memref<8x32x128xf32, #tpu.memory_space<vmem>>, vector<1x1x16xf32>,
        %get3A_458 = vector.shape_cast %get3A_457 : vector<1x1x16xf32> to vector<16xf32>
        %get3A_459 = arith.constant 0 : i32
        %get3A_460 = arith.index_cast %get3A_459 : i32 to index
        %get3A_461 = arith.index_cast %add3A_337 : i32 to index
        %get3A_462 = arith.constant 48 : index
        %get3A_463 = tpu.vector_load %arg7[%get3A_460, %get3A_461, %get3A_462] {strides = array<i32>} : memref<2x32x128xf32, #tpu.memory_space<vmem>>, vector<1x1x16xf32>,
        %get3A_464 = vector.shape_cast %get3A_463 : vector<1x1x16xf32> to vector<16xf32>
        %add3A_465 = arith.addf %get3A_350, %get3A_356 : vector<16xf32>
        %add3A_466 = arith.addf %get3A_362, %get3A_368 : vector<16xf32>
        %add3A_467 = arith.addf %add3A_465, %add3A_466 : vector<16xf32>
        %add3A_468 = arith.addf %add3A_467, %get3A_374 : vector<16xf32>
        %mul3A_469 = arith.constant 2.000000e-01 : f32
        %mul3A_470 = vector.broadcast %mul3A_469 : f32 to vector<16xf32>
        %mul3A_471 = arith.mulf %add3A_468, %mul3A_470 : vector<16xf32>
        %add3A_472 = arith.constant 0 : i32
        %add3A_473 = arith.addi %mul3A_339, %add3A_472 : i32
        %swap3A = arith.index_cast %add3A_345 : i32 to index
        %swap3A_474 = arith.index_cast %add3A_473 : i32 to index
        %swap3A_475 = tpu.vector_load %arg8[%swap3A, %swap3A_474] {strides = array<i32>} : memref<32x1024xf32, #tpu.memory_space<vmem>>, vector<1x16xf32>,
        %swap3A_476 = vector.shape_cast %swap3A_475 : vector<1x16xf32> to vector<16xf32>
        %swap3A_477 = vector.shape_cast %mul3A_471 : vector<16xf32> to vector<1x16xf32>
        tpu.vector_store %arg8[%swap3A, %swap3A_474], %swap3A_477 {strides = array<i32>} : memref<32x1024xf32, #tpu.memory_space<vmem>>, vector<1x16xf32>,
        %add3A_478 = arith.addf %get3A_380, %get3A_386 : vector<16xf32>
        %add3A_479 = arith.addf %get3A_392, %get3A_398 : vector<16xf32>
        %add3A_480 = arith.addf %add3A_478, %add3A_479 : vector<16xf32>
        %add3A_481 = arith.addf %add3A_480, %get3A_404 : vector<16xf32>
        %mul3A_482 = arith.constant 2.000000e-01 : f32
        %mul3A_483 = vector.broadcast %mul3A_482 : f32 to vector<16xf32>
        %mul3A_484 = arith.mulf %add3A_481, %mul3A_483 : vector<16xf32>
        %add3A_485 = arith.constant 16 : i32
        %add3A_486 = arith.addi %mul3A_339, %add3A_485 : i32
        %swap3A_487 = arith.index_cast %add3A_345 : i32 to index
        %swap3A_488 = arith.index_cast %add3A_486 : i32 to index
        %swap3A_489 = tpu.vector_load %arg8[%swap3A_487, %swap3A_488] {strides = array<i32>} : memref<32x1024xf32, #tpu.memory_space<vmem>>, vector<1x16xf32>,
        %swap3A_490 = vector.shape_cast %swap3A_489 : vector<1x16xf32> to vector<16xf32>
        %swap3A_491 = vector.shape_cast %mul3A_484 : vector<16xf32> to vector<1x16xf32>
        tpu.vector_store %arg8[%swap3A_487, %swap3A_488], %swap3A_491 {strides = array<i32>} : memref<32x1024xf32, #tpu.memory_space<vmem>>, vector<1x16xf32>,
        %add3A_492 = arith.addf %get3A_410, %get3A_416 : vector<16xf32>
        %add3A_493 = arith.addf %get3A_422, %get3A_428 : vector<16xf32>
        %add3A_494 = arith.addf %add3A_492, %add3A_493 : vector<16xf32>
        %add3A_495 = arith.addf %add3A_494, %get3A_434 : vector<16xf32>
        %mul3A_496 = arith.constant 2.000000e-01 : f32
        %mul3A_497 = vector.broadcast %mul3A_496 : f32 to vector<16xf32>
        %mul3A_498 = arith.mulf %add3A_495, %mul3A_497 : vector<16xf32>
        %add3A_499 = arith.constant 32 : i32
        %add3A_500 = arith.addi %mul3A_339, %add3A_499 : i32
        %swap3A_501 = arith.index_cast %add3A_345 : i32 to index
        %swap3A_502 = arith.index_cast %add3A_500 : i32 to index
        %swap3A_503 = tpu.vector_load %arg8[%swap3A_501, %swap3A_502] {strides = array<i32>} : memref<32x1024xf32, #tpu.memory_space<vmem>>, vector<1x16xf32>,
        %swap3A_504 = vector.shape_cast %swap3A_503 : vector<1x16xf32> to vector<16xf32>
        %swap3A_505 = vector.shape_cast %mul3A_498 : vector<16xf32> to vector<1x16xf32>
        tpu.vector_store %arg8[%swap3A_501, %swap3A_502], %swap3A_505 {strides = array<i32>} : memref<32x1024xf32, #tpu.memory_space<vmem>>, vector<1x16xf32>,
        %add3A_506 = arith.addf %get3A_440, %get3A_446 : vector<16xf32>
        %add3A_507 = arith.addf %get3A_452, %get3A_458 : vector<16xf32>
        %add3A_508 = arith.addf %add3A_506, %add3A_507 : vector<16xf32>
        %add3A_509 = arith.addf %add3A_508, %get3A_464 : vector<16xf32>
        %mul3A_510 = arith.constant 2.000000e-01 : f32
        %mul3A_511 = vector.broadcast %mul3A_510 : f32 to vector<16xf32>
        %mul3A_512 = arith.mulf %add3A_509, %mul3A_511 : vector<16xf32>
        %add3A_513 = arith.constant 48 : i32
        %add3A_514 = arith.addi %mul3A_339, %add3A_513 : i32
        %swap3A_515 = arith.index_cast %add3A_345 : i32 to index
        %swap3A_516 = arith.index_cast %add3A_514 : i32 to index
        %swap3A_517 = tpu.vector_load %arg8[%swap3A_515, %swap3A_516] {strides = array<i32>} : memref<32x1024xf32, #tpu.memory_space<vmem>>, vector<1x16xf32>,
        %swap3A_518 = vector.shape_cast %swap3A_517 : vector<1x16xf32> to vector<16xf32>
        %swap3A_519 = vector.shape_cast %mul3A_512 : vector<16xf32> to vector<1x16xf32>
        tpu.vector_store %arg8[%swap3A_515, %swap3A_516], %swap3A_519 {strides = array<i32>} : memref<32x1024xf32, #tpu.memory_space<vmem>>, vector<1x16xf32>,
        %get3A_520 = arith.constant 0 : i32
        %get3A_521 = arith.index_cast %get3A_520 : i32 to index
        %get3A_522 = arith.index_cast %add3A_337 : i32 to index
        %get3A_523 = arith.constant 64 : index
        %get3A_524 = tpu.vector_load %arg5[%get3A_521, %get3A_522, %get3A_523] {strides = array<i32>} : memref<8x32x128xf32, #tpu.memory_space<vmem>>, vector<1x1x16xf32>,
        %get3A_525 = vector.shape_cast %get3A_524 : vector<1x1x16xf32> to vector<16xf32>
        %get3A_526 = arith.constant 1 : i32
        %get3A_527 = arith.index_cast %get3A_526 : i32 to index
        %get3A_528 = arith.index_cast %add3A_337 : i32 to index
        %get3A_529 = arith.constant 64 : index
        %get3A_530 = tpu.vector_load %arg5[%get3A_527, %get3A_528, %get3A_529] {strides = array<i32>} : memref<8x32x128xf32, #tpu.memory_space<vmem>>, vector<1x1x16xf32>,
        %get3A_531 = vector.shape_cast %get3A_530 : vector<1x1x16xf32> to vector<16xf32>
        %get3A_532 = arith.constant 2 : i32
        %get3A_533 = arith.index_cast %get3A_532 : i32 to index
        %get3A_534 = arith.index_cast %add3A_337 : i32 to index
        %get3A_535 = arith.constant 64 : index
        %get3A_536 = tpu.vector_load %arg5[%get3A_533, %get3A_534, %get3A_535] {strides = array<i32>} : memref<8x32x128xf32, #tpu.memory_space<vmem>>, vector<1x1x16xf32>,
        %get3A_537 = vector.shape_cast %get3A_536 : vector<1x1x16xf32> to vector<16xf32>
        %get3A_538 = arith.constant 3 : i32
        %get3A_539 = arith.index_cast %get3A_538 : i32 to index
        %get3A_540 = arith.index_cast %add3A_337 : i32 to index
        %get3A_541 = arith.constant 64 : index
        %get3A_542 = tpu.vector_load %arg5[%get3A_539, %get3A_540, %get3A_541] {strides = array<i32>} : memref<8x32x128xf32, #tpu.memory_space<vmem>>, vector<1x1x16xf32>,
        %get3A_543 = vector.shape_cast %get3A_542 : vector<1x1x16xf32> to vector<16xf32>
        %get3A_544 = arith.constant 0 : i32
        %get3A_545 = arith.index_cast %get3A_544 : i32 to index
        %get3A_546 = arith.index_cast %add3A_337 : i32 to index
        %get3A_547 = arith.constant 64 : index
        %get3A_548 = tpu.vector_load %arg7[%get3A_545, %get3A_546, %get3A_547] {strides = array<i32>} : memref<2x32x128xf32, #tpu.memory_space<vmem>>, vector<1x1x16xf32>,
        %get3A_549 = vector.shape_cast %get3A_548 : vector<1x1x16xf32> to vector<16xf32>
        %get3A_550 = arith.constant 0 : i32
        %get3A_551 = arith.index_cast %get3A_550 : i32 to index
        %get3A_552 = arith.index_cast %add3A_337 : i32 to index
        %get3A_553 = arith.constant 80 : index
        %get3A_554 = tpu.vector_load %arg5[%get3A_551, %get3A_552, %get3A_553] {strides = array<i32>} : memref<8x32x128xf32, #tpu.memory_space<vmem>>, vector<1x1x16xf32>,
        %get3A_555 = vector.shape_cast %get3A_554 : vector<1x1x16xf32> to vector<16xf32>
        %get3A_556 = arith.constant 1 : i32
        %get3A_557 = arith.index_cast %get3A_556 : i32 to index
        %get3A_558 = arith.index_cast %add3A_337 : i32 to index
        %get3A_559 = arith.constant 80 : index
        %get3A_560 = tpu.vector_load %arg5[%get3A_557, %get3A_558, %get3A_559] {strides = array<i32>} : memref<8x32x128xf32, #tpu.memory_space<vmem>>, vector<1x1x16xf32>,
        %get3A_561 = vector.shape_cast %get3A_560 : vector<1x1x16xf32> to vector<16xf32>
        %get3A_562 = arith.constant 2 : i32
        %get3A_563 = arith.index_cast %get3A_562 : i32 to index
        %get3A_564 = arith.index_cast %add3A_337 : i32 to index
        %get3A_565 = arith.constant 80 : index
        %get3A_566 = tpu.vector_load %arg5[%get3A_563, %get3A_564, %get3A_565] {strides = array<i32>} : memref<8x32x128xf32, #tpu.memory_space<vmem>>, vector<1x1x16xf32>,
        %get3A_567 = vector.shape_cast %get3A_566 : vector<1x1x16xf32> to vector<16xf32>
        %get3A_568 = arith.constant 3 : i32
        %get3A_569 = arith.index_cast %get3A_568 : i32 to index
        %get3A_570 = arith.index_cast %add3A_337 : i32 to index
        %get3A_571 = arith.constant 80 : index
        %get3A_572 = tpu.vector_load %arg5[%get3A_569, %get3A_570, %get3A_571] {strides = array<i32>} : memref<8x32x128xf32, #tpu.memory_space<vmem>>, vector<1x1x16xf32>,
        %get3A_573 = vector.shape_cast %get3A_572 : vector<1x1x16xf32> to vector<16xf32>
        %get3A_574 = arith.constant 0 : i32
        %get3A_575 = arith.index_cast %get3A_574 : i32 to index
        %get3A_576 = arith.index_cast %add3A_337 : i32 to index
        %get3A_577 = arith.constant 80 : index
        %get3A_578 = tpu.vector_load %arg7[%get3A_575, %get3A_576, %get3A_577] {strides = array<i32>} : memref<2x32x128xf32, #tpu.memory_space<vmem>>, vector<1x1x16xf32>,
        %get3A_579 = vector.shape_cast %get3A_578 : vector<1x1x16xf32> to vector<16xf32>
        %get3A_580 = arith.constant 0 : i32
        %get3A_581 = arith.index_cast %get3A_580 : i32 to index
        %get3A_582 = arith.index_cast %add3A_337 : i32 to index
        %get3A_583 = arith.constant 96 : index
        %get3A_584 = tpu.vector_load %arg5[%get3A_581, %get3A_582, %get3A_583] {strides = array<i32>} : memref<8x32x128xf32, #tpu.memory_space<vmem>>, vector<1x1x16xf32>,
        %get3A_585 = vector.shape_cast %get3A_584 : vector<1x1x16xf32> to vector<16xf32>
        %get3A_586 = arith.constant 1 : i32
        %get3A_587 = arith.index_cast %get3A_586 : i32 to index
        %get3A_588 = arith.index_cast %add3A_337 : i32 to index
        %get3A_589 = arith.constant 96 : index
        %get3A_590 = tpu.vector_load %arg5[%get3A_587, %get3A_588, %get3A_589] {strides = array<i32>} : memref<8x32x128xf32, #tpu.memory_space<vmem>>, vector<1x1x16xf32>,
        %get3A_591 = vector.shape_cast %get3A_590 : vector<1x1x16xf32> to vector<16xf32>
        %get3A_592 = arith.constant 2 : i32
        %get3A_593 = arith.index_cast %get3A_592 : i32 to index
        %get3A_594 = arith.index_cast %add3A_337 : i32 to index
        %get3A_595 = arith.constant 96 : index
        %get3A_596 = tpu.vector_load %arg5[%get3A_593, %get3A_594, %get3A_595] {strides = array<i32>} : memref<8x32x128xf32, #tpu.memory_space<vmem>>, vector<1x1x16xf32>,
        %get3A_597 = vector.shape_cast %get3A_596 : vector<1x1x16xf32> to vector<16xf32>
        %get3A_598 = arith.constant 3 : i32
        %get3A_599 = arith.index_cast %get3A_598 : i32 to index
        %get3A_600 = arith.index_cast %add3A_337 : i32 to index
        %get3A_601 = arith.constant 96 : index
        %get3A_602 = tpu.vector_load %arg5[%get3A_599, %get3A_600, %get3A_601] {strides = array<i32>} : memref<8x32x128xf32, #tpu.memory_space<vmem>>, vector<1x1x16xf32>,
        %get3A_603 = vector.shape_cast %get3A_602 : vector<1x1x16xf32> to vector<16xf32>
        %get3A_604 = arith.constant 0 : i32
        %get3A_605 = arith.index_cast %get3A_604 : i32 to index
        %get3A_606 = arith.index_cast %add3A_337 : i32 to index
        %get3A_607 = arith.constant 96 : index
        %get3A_608 = tpu.vector_load %arg7[%get3A_605, %get3A_606, %get3A_607] {strides = array<i32>} : memref<2x32x128xf32, #tpu.memory_space<vmem>>, vector<1x1x16xf32>,
        %get3A_609 = vector.shape_cast %get3A_608 : vector<1x1x16xf32> to vector<16xf32>
        %get3A_610 = arith.constant 0 : i32
        %get3A_611 = arith.index_cast %get3A_610 : i32 to index
        %get3A_612 = arith.index_cast %add3A_337 : i32 to index
        %get3A_613 = arith.constant 112 : index
        %get3A_614 = tpu.vector_load %arg5[%get3A_611, %get3A_612, %get3A_613] {strides = array<i32>} : memref<8x32x128xf32, #tpu.memory_space<vmem>>, vector<1x1x16xf32>,
        %get3A_615 = vector.shape_cast %get3A_614 : vector<1x1x16xf32> to vector<16xf32>
        %get3A_616 = arith.constant 1 : i32
        %get3A_617 = arith.index_cast %get3A_616 : i32 to index
        %get3A_618 = arith.index_cast %add3A_337 : i32 to index
        %get3A_619 = arith.constant 112 : index
        %get3A_620 = tpu.vector_load %arg5[%get3A_617, %get3A_618, %get3A_619] {strides = array<i32>} : memref<8x32x128xf32, #tpu.memory_space<vmem>>, vector<1x1x16xf32>,
        %get3A_621 = vector.shape_cast %get3A_620 : vector<1x1x16xf32> to vector<16xf32>
        %get3A_622 = arith.constant 2 : i32
        %get3A_623 = arith.index_cast %get3A_622 : i32 to index
        %get3A_624 = arith.index_cast %add3A_337 : i32 to index
        %get3A_625 = arith.constant 112 : index
        %get3A_626 = tpu.vector_load %arg5[%get3A_623, %get3A_624, %get3A_625] {strides = array<i32>} : memref<8x32x128xf32, #tpu.memory_space<vmem>>, vector<1x1x16xf32>,
        %get3A_627 = vector.shape_cast %get3A_626 : vector<1x1x16xf32> to vector<16xf32>
        %get3A_628 = arith.constant 3 : i32
        %get3A_629 = arith.index_cast %get3A_628 : i32 to index
        %get3A_630 = arith.index_cast %add3A_337 : i32 to index
        %get3A_631 = arith.constant 112 : index
        %get3A_632 = tpu.vector_load %arg5[%get3A_629, %get3A_630, %get3A_631] {strides = array<i32>} : memref<8x32x128xf32, #tpu.memory_space<vmem>>, vector<1x1x16xf32>,
        %get3A_633 = vector.shape_cast %get3A_632 : vector<1x1x16xf32> to vector<16xf32>
        %get3A_634 = arith.constant 0 : i32
        %get3A_635 = arith.index_cast %get3A_634 : i32 to index
        %get3A_636 = arith.index_cast %add3A_337 : i32 to index
        %get3A_637 = arith.constant 112 : index
        %get3A_638 = tpu.vector_load %arg7[%get3A_635, %get3A_636, %get3A_637] {strides = array<i32>} : memref<2x32x128xf32, #tpu.memory_space<vmem>>, vector<1x1x16xf32>,
        %get3A_639 = vector.shape_cast %get3A_638 : vector<1x1x16xf32> to vector<16xf32>
        %add3A_640 = arith.addf %get3A_525, %get3A_531 : vector<16xf32>
        %add3A_641 = arith.addf %get3A_537, %get3A_543 : vector<16xf32>
        %add3A_642 = arith.addf %add3A_640, %add3A_641 : vector<16xf32>
        %add3A_643 = arith.addf %add3A_642, %get3A_549 : vector<16xf32>
        %mul3A_644 = arith.constant 2.000000e-01 : f32
        %mul3A_645 = vector.broadcast %mul3A_644 : f32 to vector<16xf32>
        %mul3A_646 = arith.mulf %add3A_643, %mul3A_645 : vector<16xf32>
        %add3A_647 = arith.constant 64 : i32
        %add3A_648 = arith.addi %mul3A_339, %add3A_647 : i32
        %swap3A_649 = arith.index_cast %add3A_345 : i32 to index
        %swap3A_650 = arith.index_cast %add3A_648 : i32 to index
        %swap3A_651 = tpu.vector_load %arg8[%swap3A_649, %swap3A_650] {strides = array<i32>} : memref<32x1024xf32, #tpu.memory_space<vmem>>, vector<1x16xf32>,
        %swap3A_652 = vector.shape_cast %swap3A_651 : vector<1x16xf32> to vector<16xf32>
        %swap3A_653 = vector.shape_cast %mul3A_646 : vector<16xf32> to vector<1x16xf32>
        tpu.vector_store %arg8[%swap3A_649, %swap3A_650], %swap3A_653 {strides = array<i32>} : memref<32x1024xf32, #tpu.memory_space<vmem>>, vector<1x16xf32>,
        %add3A_654 = arith.addf %get3A_555, %get3A_561 : vector<16xf32>
        %add3A_655 = arith.addf %get3A_567, %get3A_573 : vector<16xf32>
        %add3A_656 = arith.addf %add3A_654, %add3A_655 : vector<16xf32>
        %add3A_657 = arith.addf %add3A_656, %get3A_579 : vector<16xf32>
        %mul3A_658 = arith.constant 2.000000e-01 : f32
        %mul3A_659 = vector.broadcast %mul3A_658 : f32 to vector<16xf32>
        %mul3A_660 = arith.mulf %add3A_657, %mul3A_659 : vector<16xf32>
        %add3A_661 = arith.constant 80 : i32
        %add3A_662 = arith.addi %mul3A_339, %add3A_661 : i32
        %swap3A_663 = arith.index_cast %add3A_345 : i32 to index
        %swap3A_664 = arith.index_cast %add3A_662 : i32 to index
        %swap3A_665 = tpu.vector_load %arg8[%swap3A_663, %swap3A_664] {strides = array<i32>} : memref<32x1024xf32, #tpu.memory_space<vmem>>, vector<1x16xf32>,
        %swap3A_666 = vector.shape_cast %swap3A_665 : vector<1x16xf32> to vector<16xf32>
        %swap3A_667 = vector.shape_cast %mul3A_660 : vector<16xf32> to vector<1x16xf32>
        tpu.vector_store %arg8[%swap3A_663, %swap3A_664], %swap3A_667 {strides = array<i32>} : memref<32x1024xf32, #tpu.memory_space<vmem>>, vector<1x16xf32>,
        %add3A_668 = arith.addf %get3A_585, %get3A_591 : vector<16xf32>
        %add3A_669 = arith.addf %get3A_597, %get3A_603 : vector<16xf32>
        %add3A_670 = arith.addf %add3A_668, %add3A_669 : vector<16xf32>
        %add3A_671 = arith.addf %add3A_670, %get3A_609 : vector<16xf32>
        %mul3A_672 = arith.constant 2.000000e-01 : f32
        %mul3A_673 = vector.broadcast %mul3A_672 : f32 to vector<16xf32>
        %mul3A_674 = arith.mulf %add3A_671, %mul3A_673 : vector<16xf32>
        %add3A_675 = arith.constant 96 : i32
        %add3A_676 = arith.addi %mul3A_339, %add3A_675 : i32
        %swap3A_677 = arith.index_cast %add3A_345 : i32 to index
        %swap3A_678 = arith.index_cast %add3A_676 : i32 to index
        %swap3A_679 = tpu.vector_load %arg8[%swap3A_677, %swap3A_678] {strides = array<i32>} : memref<32x1024xf32, #tpu.memory_space<vmem>>, vector<1x16xf32>,
        %swap3A_680 = vector.shape_cast %swap3A_679 : vector<1x16xf32> to vector<16xf32>
        %swap3A_681 = vector.shape_cast %mul3A_674 : vector<16xf32> to vector<1x16xf32>
        tpu.vector_store %arg8[%swap3A_677, %swap3A_678], %swap3A_681 {strides = array<i32>} : memref<32x1024xf32, #tpu.memory_space<vmem>>, vector<1x16xf32>,
        %add3A_682 = arith.addf %get3A_615, %get3A_621 : vector<16xf32>
        %add3A_683 = arith.addf %get3A_627, %get3A_633 : vector<16xf32>
        %add3A_684 = arith.addf %add3A_682, %add3A_683 : vector<16xf32>
        %add3A_685 = arith.addf %add3A_684, %get3A_639 : vector<16xf32>
        %mul3A_686 = arith.constant 2.000000e-01 : f32
        %mul3A_687 = vector.broadcast %mul3A_686 : f32 to vector<16xf32>
        %mul3A_688 = arith.mulf %add3A_685, %mul3A_687 : vector<16xf32>
        %add3A_689 = arith.constant 112 : i32
        %add3A_690 = arith.addi %mul3A_339, %add3A_689 : i32
        %swap3A_691 = arith.index_cast %add3A_345 : i32 to index
        %swap3A_692 = arith.index_cast %add3A_690 : i32 to index
        %swap3A_693 = tpu.vector_load %arg8[%swap3A_691, %swap3A_692] {strides = array<i32>} : memref<32x1024xf32, #tpu.memory_space<vmem>>, vector<1x16xf32>,
        %swap3A_694 = vector.shape_cast %swap3A_693 : vector<1x16xf32> to vector<16xf32>
        %swap3A_695 = vector.shape_cast %mul3A_688 : vector<16xf32> to vector<1x16xf32>
        tpu.vector_store %arg8[%swap3A_691, %swap3A_692], %swap3A_695 {strides = array<i32>} : memref<32x1024xf32, #tpu.memory_space<vmem>>, vector<1x16xf32>,
        %mul3A_696 = arith.constant 8 : i32
        %mul3A_697 = arith.muli %select_n3A, %mul3A_696 : i32
        %add3A_698 = arith.constant 6 : i32
        %add3A_699 = arith.addi %mul3A_697, %add3A_698 : i32
        %add3A_700 = arith.constant 1 : i32
        %add3A_701 = arith.addi %add3A_699, %add3A_700 : i32
        %get3A_702 = arith.constant 4 : i32
        %get3A_703 = arith.index_cast %get3A_702 : i32 to index
        %get3A_704 = arith.index_cast %add3A_337 : i32 to index
        %get3A_705 = arith.constant 0 : index
        %get3A_706 = tpu.vector_load %arg5[%get3A_703, %get3A_704, %get3A_705] {strides = array<i32>} : memref<8x32x128xf32, #tpu.memory_space<vmem>>, vector<1x1x16xf32>,
        %get3A_707 = vector.shape_cast %get3A_706 : vector<1x1x16xf32> to vector<16xf32>
        %get3A_708 = arith.constant 5 : i32
        %get3A_709 = arith.index_cast %get3A_708 : i32 to index
        %get3A_710 = arith.index_cast %add3A_337 : i32 to index
        %get3A_711 = arith.constant 0 : index
        %get3A_712 = tpu.vector_load %arg5[%get3A_709, %get3A_710, %get3A_711] {strides = array<i32>} : memref<8x32x128xf32, #tpu.memory_space<vmem>>, vector<1x1x16xf32>,
        %get3A_713 = vector.shape_cast %get3A_712 : vector<1x1x16xf32> to vector<16xf32>
        %get3A_714 = arith.constant 6 : i32
        %get3A_715 = arith.index_cast %get3A_714 : i32 to index
        %get3A_716 = arith.index_cast %add3A_337 : i32 to index
        %get3A_717 = arith.constant 0 : index
        %get3A_718 = tpu.vector_load %arg5[%get3A_715, %get3A_716, %get3A_717] {strides = array<i32>} : memref<8x32x128xf32, #tpu.memory_space<vmem>>, vector<1x1x16xf32>,
        %get3A_719 = vector.shape_cast %get3A_718 : vector<1x1x16xf32> to vector<16xf32>
        %get3A_720 = arith.constant 7 : i32
        %get3A_721 = arith.index_cast %get3A_720 : i32 to index
        %get3A_722 = arith.index_cast %add3A_337 : i32 to index
        %get3A_723 = arith.constant 0 : index
        %get3A_724 = tpu.vector_load %arg5[%get3A_721, %get3A_722, %get3A_723] {strides = array<i32>} : memref<8x32x128xf32, #tpu.memory_space<vmem>>, vector<1x1x16xf32>,
        %get3A_725 = vector.shape_cast %get3A_724 : vector<1x1x16xf32> to vector<16xf32>
        %get3A_726 = arith.constant 1 : i32
        %get3A_727 = arith.index_cast %get3A_726 : i32 to index
        %get3A_728 = arith.index_cast %add3A_337 : i32 to index
        %get3A_729 = arith.constant 0 : index
        %get3A_730 = tpu.vector_load %arg7[%get3A_727, %get3A_728, %get3A_729] {strides = array<i32>} : memref<2x32x128xf32, #tpu.memory_space<vmem>>, vector<1x1x16xf32>,
        %get3A_731 = vector.shape_cast %get3A_730 : vector<1x1x16xf32> to vector<16xf32>
        %get3A_732 = arith.constant 4 : i32
        %get3A_733 = arith.index_cast %get3A_732 : i32 to index
        %get3A_734 = arith.index_cast %add3A_337 : i32 to index
        %get3A_735 = arith.constant 16 : index
        %get3A_736 = tpu.vector_load %arg5[%get3A_733, %get3A_734, %get3A_735] {strides = array<i32>} : memref<8x32x128xf32, #tpu.memory_space<vmem>>, vector<1x1x16xf32>,
        %get3A_737 = vector.shape_cast %get3A_736 : vector<1x1x16xf32> to vector<16xf32>
        %get3A_738 = arith.constant 5 : i32
        %get3A_739 = arith.index_cast %get3A_738 : i32 to index
        %get3A_740 = arith.index_cast %add3A_337 : i32 to index
        %get3A_741 = arith.constant 16 : index
        %get3A_742 = tpu.vector_load %arg5[%get3A_739, %get3A_740, %get3A_741] {strides = array<i32>} : memref<8x32x128xf32, #tpu.memory_space<vmem>>, vector<1x1x16xf32>,
        %get3A_743 = vector.shape_cast %get3A_742 : vector<1x1x16xf32> to vector<16xf32>
        %get3A_744 = arith.constant 6 : i32
        %get3A_745 = arith.index_cast %get3A_744 : i32 to index
        %get3A_746 = arith.index_cast %add3A_337 : i32 to index
        %get3A_747 = arith.constant 16 : index
        %get3A_748 = tpu.vector_load %arg5[%get3A_745, %get3A_746, %get3A_747] {strides = array<i32>} : memref<8x32x128xf32, #tpu.memory_space<vmem>>, vector<1x1x16xf32>,
        %get3A_749 = vector.shape_cast %get3A_748 : vector<1x1x16xf32> to vector<16xf32>
        %get3A_750 = arith.constant 7 : i32
        %get3A_751 = arith.index_cast %get3A_750 : i32 to index
        %get3A_752 = arith.index_cast %add3A_337 : i32 to index
        %get3A_753 = arith.constant 16 : index
        %get3A_754 = tpu.vector_load %arg5[%get3A_751, %get3A_752, %get3A_753] {strides = array<i32>} : memref<8x32x128xf32, #tpu.memory_space<vmem>>, vector<1x1x16xf32>,
        %get3A_755 = vector.shape_cast %get3A_754 : vector<1x1x16xf32> to vector<16xf32>
        %get3A_756 = arith.constant 1 : i32
        %get3A_757 = arith.index_cast %get3A_756 : i32 to index
        %get3A_758 = arith.index_cast %add3A_337 : i32 to index
        %get3A_759 = arith.constant 16 : index
        %get3A_760 = tpu.vector_load %arg7[%get3A_757, %get3A_758, %get3A_759] {strides = array<i32>} : memref<2x32x128xf32, #tpu.memory_space<vmem>>, vector<1x1x16xf32>,
        %get3A_761 = vector.shape_cast %get3A_760 : vector<1x1x16xf32> to vector<16xf32>
        %get3A_762 = arith.constant 4 : i32
        %get3A_763 = arith.index_cast %get3A_762 : i32 to index
        %get3A_764 = arith.index_cast %add3A_337 : i32 to index
        %get3A_765 = arith.constant 32 : index
        %get3A_766 = tpu.vector_load %arg5[%get3A_763, %get3A_764, %get3A_765] {strides = array<i32>} : memref<8x32x128xf32, #tpu.memory_space<vmem>>, vector<1x1x16xf32>,
        %get3A_767 = vector.shape_cast %get3A_766 : vector<1x1x16xf32> to vector<16xf32>
        %get3A_768 = arith.constant 5 : i32
        %get3A_769 = arith.index_cast %get3A_768 : i32 to index
        %get3A_770 = arith.index_cast %add3A_337 : i32 to index
        %get3A_771 = arith.constant 32 : index
        %get3A_772 = tpu.vector_load %arg5[%get3A_769, %get3A_770, %get3A_771] {strides = array<i32>} : memref<8x32x128xf32, #tpu.memory_space<vmem>>, vector<1x1x16xf32>,
        %get3A_773 = vector.shape_cast %get3A_772 : vector<1x1x16xf32> to vector<16xf32>
        %get3A_774 = arith.constant 6 : i32
        %get3A_775 = arith.index_cast %get3A_774 : i32 to index
        %get3A_776 = arith.index_cast %add3A_337 : i32 to index
        %get3A_777 = arith.constant 32 : index
        %get3A_778 = tpu.vector_load %arg5[%get3A_775, %get3A_776, %get3A_777] {strides = array<i32>} : memref<8x32x128xf32, #tpu.memory_space<vmem>>, vector<1x1x16xf32>,
        %get3A_779 = vector.shape_cast %get3A_778 : vector<1x1x16xf32> to vector<16xf32>
        %get3A_780 = arith.constant 7 : i32
        %get3A_781 = arith.index_cast %get3A_780 : i32 to index
        %get3A_782 = arith.index_cast %add3A_337 : i32 to index
        %get3A_783 = arith.constant 32 : index
        %get3A_784 = tpu.vector_load %arg5[%get3A_781, %get3A_782, %get3A_783] {strides = array<i32>} : memref<8x32x128xf32, #tpu.memory_space<vmem>>, vector<1x1x16xf32>,
        %get3A_785 = vector.shape_cast %get3A_784 : vector<1x1x16xf32> to vector<16xf32>
        %get3A_786 = arith.constant 1 : i32
        %get3A_787 = arith.index_cast %get3A_786 : i32 to index
        %get3A_788 = arith.index_cast %add3A_337 : i32 to index
        %get3A_789 = arith.constant 32 : index
        %get3A_790 = tpu.vector_load %arg7[%get3A_787, %get3A_788, %get3A_789] {strides = array<i32>} : memref<2x32x128xf32, #tpu.memory_space<vmem>>, vector<1x1x16xf32>,
        %get3A_791 = vector.shape_cast %get3A_790 : vector<1x1x16xf32> to vector<16xf32>
        %get3A_792 = arith.constant 4 : i32
        %get3A_793 = arith.index_cast %get3A_792 : i32 to index
        %get3A_794 = arith.index_cast %add3A_337 : i32 to index
        %get3A_795 = arith.constant 48 : index
        %get3A_796 = tpu.vector_load %arg5[%get3A_793, %get3A_794, %get3A_795] {strides = array<i32>} : memref<8x32x128xf32, #tpu.memory_space<vmem>>, vector<1x1x16xf32>,
        %get3A_797 = vector.shape_cast %get3A_796 : vector<1x1x16xf32> to vector<16xf32>
        %get3A_798 = arith.constant 5 : i32
        %get3A_799 = arith.index_cast %get3A_798 : i32 to index
        %get3A_800 = arith.index_cast %add3A_337 : i32 to index
        %get3A_801 = arith.constant 48 : index
        %get3A_802 = tpu.vector_load %arg5[%get3A_799, %get3A_800, %get3A_801] {strides = array<i32>} : memref<8x32x128xf32, #tpu.memory_space<vmem>>, vector<1x1x16xf32>,
        %get3A_803 = vector.shape_cast %get3A_802 : vector<1x1x16xf32> to vector<16xf32>
        %get3A_804 = arith.constant 6 : i32
        %get3A_805 = arith.index_cast %get3A_804 : i32 to index
        %get3A_806 = arith.index_cast %add3A_337 : i32 to index
        %get3A_807 = arith.constant 48 : index
        %get3A_808 = tpu.vector_load %arg5[%get3A_805, %get3A_806, %get3A_807] {strides = array<i32>} : memref<8x32x128xf32, #tpu.memory_space<vmem>>, vector<1x1x16xf32>,
        %get3A_809 = vector.shape_cast %get3A_808 : vector<1x1x16xf32> to vector<16xf32>
        %get3A_810 = arith.constant 7 : i32
        %get3A_811 = arith.index_cast %get3A_810 : i32 to index
        %get3A_812 = arith.index_cast %add3A_337 : i32 to index
        %get3A_813 = arith.constant 48 : index
        %get3A_814 = tpu.vector_load %arg5[%get3A_811, %get3A_812, %get3A_813] {strides = array<i32>} : memref<8x32x128xf32, #tpu.memory_space<vmem>>, vector<1x1x16xf32>,
        %get3A_815 = vector.shape_cast %get3A_814 : vector<1x1x16xf32> to vector<16xf32>
        %get3A_816 = arith.constant 1 : i32
        %get3A_817 = arith.index_cast %get3A_816 : i32 to index
        %get3A_818 = arith.index_cast %add3A_337 : i32 to index
        %get3A_819 = arith.constant 48 : index
        %get3A_820 = tpu.vector_load %arg7[%get3A_817, %get3A_818, %get3A_819] {strides = array<i32>} : memref<2x32x128xf32, #tpu.memory_space<vmem>>, vector<1x1x16xf32>,
        %get3A_821 = vector.shape_cast %get3A_820 : vector<1x1x16xf32> to vector<16xf32>
        %add3A_822 = arith.addf %get3A_707, %get3A_713 : vector<16xf32>
        %add3A_823 = arith.addf %get3A_719, %get3A_725 : vector<16xf32>
        %add3A_824 = arith.addf %add3A_822, %add3A_823 : vector<16xf32>
        %add3A_825 = arith.addf %add3A_824, %get3A_731 : vector<16xf32>
        %mul3A_826 = arith.constant 2.000000e-01 : f32
        %mul3A_827 = vector.broadcast %mul3A_826 : f32 to vector<16xf32>
        %mul3A_828 = arith.mulf %add3A_825, %mul3A_827 : vector<16xf32>
        %add3A_829 = arith.constant 0 : i32
        %add3A_830 = arith.addi %mul3A_339, %add3A_829 : i32
        %swap3A_831 = arith.index_cast %add3A_701 : i32 to index
        %swap3A_832 = arith.index_cast %add3A_830 : i32 to index
        %swap3A_833 = tpu.vector_load %arg8[%swap3A_831, %swap3A_832] {strides = array<i32>} : memref<32x1024xf32, #tpu.memory_space<vmem>>, vector<1x16xf32>,
        %swap3A_834 = vector.shape_cast %swap3A_833 : vector<1x16xf32> to vector<16xf32>
        %swap3A_835 = vector.shape_cast %mul3A_828 : vector<16xf32> to vector<1x16xf32>
        tpu.vector_store %arg8[%swap3A_831, %swap3A_832], %swap3A_835 {strides = array<i32>} : memref<32x1024xf32, #tpu.memory_space<vmem>>, vector<1x16xf32>,
        %add3A_836 = arith.addf %get3A_737, %get3A_743 : vector<16xf32>
        %add3A_837 = arith.addf %get3A_749, %get3A_755 : vector<16xf32>
        %add3A_838 = arith.addf %add3A_836, %add3A_837 : vector<16xf32>
        %add3A_839 = arith.addf %add3A_838, %get3A_761 : vector<16xf32>
        %mul3A_840 = arith.constant 2.000000e-01 : f32
        %mul3A_841 = vector.broadcast %mul3A_840 : f32 to vector<16xf32>
        %mul3A_842 = arith.mulf %add3A_839, %mul3A_841 : vector<16xf32>
        %add3A_843 = arith.constant 16 : i32
        %add3A_844 = arith.addi %mul3A_339, %add3A_843 : i32
        %swap3A_845 = arith.index_cast %add3A_701 : i32 to index
        %swap3A_846 = arith.index_cast %add3A_844 : i32 to index
        %swap3A_847 = tpu.vector_load %arg8[%swap3A_845, %swap3A_846] {strides = array<i32>} : memref<32x1024xf32, #tpu.memory_space<vmem>>, vector<1x16xf32>,
        %swap3A_848 = vector.shape_cast %swap3A_847 : vector<1x16xf32> to vector<16xf32>
        %swap3A_849 = vector.shape_cast %mul3A_842 : vector<16xf32> to vector<1x16xf32>
        tpu.vector_store %arg8[%swap3A_845, %swap3A_846], %swap3A_849 {strides = array<i32>} : memref<32x1024xf32, #tpu.memory_space<vmem>>, vector<1x16xf32>,
        %add3A_850 = arith.addf %get3A_767, %get3A_773 : vector<16xf32>
        %add3A_851 = arith.addf %get3A_779, %get3A_785 : vector<16xf32>
        %add3A_852 = arith.addf %add3A_850, %add3A_851 : vector<16xf32>
        %add3A_853 = arith.addf %add3A_852, %get3A_791 : vector<16xf32>
        %mul3A_854 = arith.constant 2.000000e-01 : f32
        %mul3A_855 = vector.broadcast %mul3A_854 : f32 to vector<16xf32>
        %mul3A_856 = arith.mulf %add3A_853, %mul3A_855 : vector<16xf32>
        %add3A_857 = arith.constant 32 : i32
        %add3A_858 = arith.addi %mul3A_339, %add3A_857 : i32
        %swap3A_859 = arith.index_cast %add3A_701 : i32 to index
        %swap3A_860 = arith.index_cast %add3A_858 : i32 to index
        %swap3A_861 = tpu.vector_load %arg8[%swap3A_859, %swap3A_860] {strides = array<i32>} : memref<32x1024xf32, #tpu.memory_space<vmem>>, vector<1x16xf32>,
        %swap3A_862 = vector.shape_cast %swap3A_861 : vector<1x16xf32> to vector<16xf32>
        %swap3A_863 = vector.shape_cast %mul3A_856 : vector<16xf32> to vector<1x16xf32>
        tpu.vector_store %arg8[%swap3A_859, %swap3A_860], %swap3A_863 {strides = array<i32>} : memref<32x1024xf32, #tpu.memory_space<vmem>>, vector<1x16xf32>,
        %add3A_864 = arith.addf %get3A_797, %get3A_803 : vector<16xf32>
        %add3A_865 = arith.addf %get3A_809, %get3A_815 : vector<16xf32>
        %add3A_866 = arith.addf %add3A_864, %add3A_865 : vector<16xf32>
        %add3A_867 = arith.addf %add3A_866, %get3A_821 : vector<16xf32>
        %mul3A_868 = arith.constant 2.000000e-01 : f32
        %mul3A_869 = vector.broadcast %mul3A_868 : f32 to vector<16xf32>
        %mul3A_870 = arith.mulf %add3A_867, %mul3A_869 : vector<16xf32>
        %add3A_871 = arith.constant 48 : i32
        %add3A_872 = arith.addi %mul3A_339, %add3A_871 : i32
        %swap3A_873 = arith.index_cast %add3A_701 : i32 to index
        %swap3A_874 = arith.index_cast %add3A_872 : i32 to index
        %swap3A_875 = tpu.vector_load %arg8[%swap3A_873, %swap3A_874] {strides = array<i32>} : memref<32x1024xf32, #tpu.memory_space<vmem>>, vector<1x16xf32>,
        %swap3A_876 = vector.shape_cast %swap3A_875 : vector<1x16xf32> to vector<16xf32>
        %swap3A_877 = vector.shape_cast %mul3A_870 : vector<16xf32> to vector<1x16xf32>
        tpu.vector_store %arg8[%swap3A_873, %swap3A_874], %swap3A_877 {strides = array<i32>} : memref<32x1024xf32, #tpu.memory_space<vmem>>, vector<1x16xf32>,
        %get3A_878 = arith.constant 4 : i32
        %get3A_879 = arith.index_cast %get3A_878 : i32 to index
        %get3A_880 = arith.index_cast %add3A_337 : i32 to index
        %get3A_881 = arith.constant 64 : index
        %get3A_882 = tpu.vector_load %arg5[%get3A_879, %get3A_880, %get3A_881] {strides = array<i32>} : memref<8x32x128xf32, #tpu.memory_space<vmem>>, vector<1x1x16xf32>,
        %get3A_883 = vector.shape_cast %get3A_882 : vector<1x1x16xf32> to vector<16xf32>
        %get3A_884 = arith.constant 5 : i32
        %get3A_885 = arith.index_cast %get3A_884 : i32 to index
        %get3A_886 = arith.index_cast %add3A_337 : i32 to index
        %get3A_887 = arith.constant 64 : index
        %get3A_888 = tpu.vector_load %arg5[%get3A_885, %get3A_886, %get3A_887] {strides = array<i32>} : memref<8x32x128xf32, #tpu.memory_space<vmem>>, vector<1x1x16xf32>,
        %get3A_889 = vector.shape_cast %get3A_888 : vector<1x1x16xf32> to vector<16xf32>
        %get3A_890 = arith.constant 6 : i32
        %get3A_891 = arith.index_cast %get3A_890 : i32 to index
        %get3A_892 = arith.index_cast %add3A_337 : i32 to index
        %get3A_893 = arith.constant 64 : index
        %get3A_894 = tpu.vector_load %arg5[%get3A_891, %get3A_892, %get3A_893] {strides = array<i32>} : memref<8x32x128xf32, #tpu.memory_space<vmem>>, vector<1x1x16xf32>,
        %get3A_895 = vector.shape_cast %get3A_894 : vector<1x1x16xf32> to vector<16xf32>
        %get3A_896 = arith.constant 7 : i32
        %get3A_897 = arith.index_cast %get3A_896 : i32 to index
        %get3A_898 = arith.index_cast %add3A_337 : i32 to index
        %get3A_899 = arith.constant 64 : index
        %get3A_900 = tpu.vector_load %arg5[%get3A_897, %get3A_898, %get3A_899] {strides = array<i32>} : memref<8x32x128xf32, #tpu.memory_space<vmem>>, vector<1x1x16xf32>,
        %get3A_901 = vector.shape_cast %get3A_900 : vector<1x1x16xf32> to vector<16xf32>
        %get3A_902 = arith.constant 1 : i32
        %get3A_903 = arith.index_cast %get3A_902 : i32 to index
        %get3A_904 = arith.index_cast %add3A_337 : i32 to index
        %get3A_905 = arith.constant 64 : index
        %get3A_906 = tpu.vector_load %arg7[%get3A_903, %get3A_904, %get3A_905] {strides = array<i32>} : memref<2x32x128xf32, #tpu.memory_space<vmem>>, vector<1x1x16xf32>,
        %get3A_907 = vector.shape_cast %get3A_906 : vector<1x1x16xf32> to vector<16xf32>
        %get3A_908 = arith.constant 4 : i32
        %get3A_909 = arith.index_cast %get3A_908 : i32 to index
        %get3A_910 = arith.index_cast %add3A_337 : i32 to index
        %get3A_911 = arith.constant 80 : index
        %get3A_912 = tpu.vector_load %arg5[%get3A_909, %get3A_910, %get3A_911] {strides = array<i32>} : memref<8x32x128xf32, #tpu.memory_space<vmem>>, vector<1x1x16xf32>,
        %get3A_913 = vector.shape_cast %get3A_912 : vector<1x1x16xf32> to vector<16xf32>
        %get3A_914 = arith.constant 5 : i32
        %get3A_915 = arith.index_cast %get3A_914 : i32 to index
        %get3A_916 = arith.index_cast %add3A_337 : i32 to index
        %get3A_917 = arith.constant 80 : index
        %get3A_918 = tpu.vector_load %arg5[%get3A_915, %get3A_916, %get3A_917] {strides = array<i32>} : memref<8x32x128xf32, #tpu.memory_space<vmem>>, vector<1x1x16xf32>,
        %get3A_919 = vector.shape_cast %get3A_918 : vector<1x1x16xf32> to vector<16xf32>
        %get3A_920 = arith.constant 6 : i32
        %get3A_921 = arith.index_cast %get3A_920 : i32 to index
        %get3A_922 = arith.index_cast %add3A_337 : i32 to index
        %get3A_923 = arith.constant 80 : index
        %get3A_924 = tpu.vector_load %arg5[%get3A_921, %get3A_922, %get3A_923] {strides = array<i32>} : memref<8x32x128xf32, #tpu.memory_space<vmem>>, vector<1x1x16xf32>,
        %get3A_925 = vector.shape_cast %get3A_924 : vector<1x1x16xf32> to vector<16xf32>
        %get3A_926 = arith.constant 7 : i32
        %get3A_927 = arith.index_cast %get3A_926 : i32 to index
        %get3A_928 = arith.index_cast %add3A_337 : i32 to index
        %get3A_929 = arith.constant 80 : index
        %get3A_930 = tpu.vector_load %arg5[%get3A_927, %get3A_928, %get3A_929] {strides = array<i32>} : memref<8x32x128xf32, #tpu.memory_space<vmem>>, vector<1x1x16xf32>,
        %get3A_931 = vector.shape_cast %get3A_930 : vector<1x1x16xf32> to vector<16xf32>
        %get3A_932 = arith.constant 1 : i32
        %get3A_933 = arith.index_cast %get3A_932 : i32 to index
        %get3A_934 = arith.index_cast %add3A_337 : i32 to index
        %get3A_935 = arith.constant 80 : index
        %get3A_936 = tpu.vector_load %arg7[%get3A_933, %get3A_934, %get3A_935] {strides = array<i32>} : memref<2x32x128xf32, #tpu.memory_space<vmem>>, vector<1x1x16xf32>,
        %get3A_937 = vector.shape_cast %get3A_936 : vector<1x1x16xf32> to vector<16xf32>
        %get3A_938 = arith.constant 4 : i32
        %get3A_939 = arith.index_cast %get3A_938 : i32 to index
        %get3A_940 = arith.index_cast %add3A_337 : i32 to index
        %get3A_941 = arith.constant 96 : index
        %get3A_942 = tpu.vector_load %arg5[%get3A_939, %get3A_940, %get3A_941] {strides = array<i32>} : memref<8x32x128xf32, #tpu.memory_space<vmem>>, vector<1x1x16xf32>,
        %get3A_943 = vector.shape_cast %get3A_942 : vector<1x1x16xf32> to vector<16xf32>
        %get3A_944 = arith.constant 5 : i32
        %get3A_945 = arith.index_cast %get3A_944 : i32 to index
        %get3A_946 = arith.index_cast %add3A_337 : i32 to index
        %get3A_947 = arith.constant 96 : index
        %get3A_948 = tpu.vector_load %arg5[%get3A_945, %get3A_946, %get3A_947] {strides = array<i32>} : memref<8x32x128xf32, #tpu.memory_space<vmem>>, vector<1x1x16xf32>,
        %get3A_949 = vector.shape_cast %get3A_948 : vector<1x1x16xf32> to vector<16xf32>
        %get3A_950 = arith.constant 6 : i32
        %get3A_951 = arith.index_cast %get3A_950 : i32 to index
        %get3A_952 = arith.index_cast %add3A_337 : i32 to index
        %get3A_953 = arith.constant 96 : index
        %get3A_954 = tpu.vector_load %arg5[%get3A_951, %get3A_952, %get3A_953] {strides = array<i32>} : memref<8x32x128xf32, #tpu.memory_space<vmem>>, vector<1x1x16xf32>,
        %get3A_955 = vector.shape_cast %get3A_954 : vector<1x1x16xf32> to vector<16xf32>
        %get3A_956 = arith.constant 7 : i32
        %get3A_957 = arith.index_cast %get3A_956 : i32 to index
        %get3A_958 = arith.index_cast %add3A_337 : i32 to index
        %get3A_959 = arith.constant 96 : index
        %get3A_960 = tpu.vector_load %arg5[%get3A_957, %get3A_958, %get3A_959] {strides = array<i32>} : memref<8x32x128xf32, #tpu.memory_space<vmem>>, vector<1x1x16xf32>,
        %get3A_961 = vector.shape_cast %get3A_960 : vector<1x1x16xf32> to vector<16xf32>
        %get3A_962 = arith.constant 1 : i32
        %get3A_963 = arith.index_cast %get3A_962 : i32 to index
        %get3A_964 = arith.index_cast %add3A_337 : i32 to index
        %get3A_965 = arith.constant 96 : index
        %get3A_966 = tpu.vector_load %arg7[%get3A_963, %get3A_964, %get3A_965] {strides = array<i32>} : memref<2x32x128xf32, #tpu.memory_space<vmem>>, vector<1x1x16xf32>,
        %get3A_967 = vector.shape_cast %get3A_966 : vector<1x1x16xf32> to vector<16xf32>
        %get3A_968 = arith.constant 4 : i32
        %get3A_969 = arith.index_cast %get3A_968 : i32 to index
        %get3A_970 = arith.index_cast %add3A_337 : i32 to index
        %get3A_971 = arith.constant 112 : index
        %get3A_972 = tpu.vector_load %arg5[%get3A_969, %get3A_970, %get3A_971] {strides = array<i32>} : memref<8x32x128xf32, #tpu.memory_space<vmem>>, vector<1x1x16xf32>,
        %get3A_973 = vector.shape_cast %get3A_972 : vector<1x1x16xf32> to vector<16xf32>
        %get3A_974 = arith.constant 5 : i32
        %get3A_975 = arith.index_cast %get3A_974 : i32 to index
        %get3A_976 = arith.index_cast %add3A_337 : i32 to index
        %get3A_977 = arith.constant 112 : index
        %get3A_978 = tpu.vector_load %arg5[%get3A_975, %get3A_976, %get3A_977] {strides = array<i32>} : memref<8x32x128xf32, #tpu.memory_space<vmem>>, vector<1x1x16xf32>,
        %get3A_979 = vector.shape_cast %get3A_978 : vector<1x1x16xf32> to vector<16xf32>
        %get3A_980 = arith.constant 6 : i32
        %get3A_981 = arith.index_cast %get3A_980 : i32 to index
        %get3A_982 = arith.index_cast %add3A_337 : i32 to index
        %get3A_983 = arith.constant 112 : index
        %get3A_984 = tpu.vector_load %arg5[%get3A_981, %get3A_982, %get3A_983] {strides = array<i32>} : memref<8x32x128xf32, #tpu.memory_space<vmem>>, vector<1x1x16xf32>,
        %get3A_985 = vector.shape_cast %get3A_984 : vector<1x1x16xf32> to vector<16xf32>
        %get3A_986 = arith.constant 7 : i32
        %get3A_987 = arith.index_cast %get3A_986 : i32 to index
        %get3A_988 = arith.index_cast %add3A_337 : i32 to index
        %get3A_989 = arith.constant 112 : index
        %get3A_990 = tpu.vector_load %arg5[%get3A_987, %get3A_988, %get3A_989] {strides = array<i32>} : memref<8x32x128xf32, #tpu.memory_space<vmem>>, vector<1x1x16xf32>,
        %get3A_991 = vector.shape_cast %get3A_990 : vector<1x1x16xf32> to vector<16xf32>
        %get3A_992 = arith.constant 1 : i32
        %get3A_993 = arith.index_cast %get3A_992 : i32 to index
        %get3A_994 = arith.index_cast %add3A_337 : i32 to index
        %get3A_995 = arith.constant 112 : index
        %get3A_996 = tpu.vector_load %arg7[%get3A_993, %get3A_994, %get3A_995] {strides = array<i32>} : memref<2x32x128xf32, #tpu.memory_space<vmem>>, vector<1x1x16xf32>,
        %get3A_997 = vector.shape_cast %get3A_996 : vector<1x1x16xf32> to vector<16xf32>
        %add3A_998 = arith.addf %get3A_883, %get3A_889 : vector<16xf32>
        %add3A_999 = arith.addf %get3A_895, %get3A_901 : vector<16xf32>
        %add3A_1000 = arith.addf %add3A_998, %add3A_999 : vector<16xf32>
        %add3A_1001 = arith.addf %add3A_1000, %get3A_907 : vector<16xf32>
        %mul3A_1002 = arith.constant 2.000000e-01 : f32
        %mul3A_1003 = vector.broadcast %mul3A_1002 : f32 to vector<16xf32>
        %mul3A_1004 = arith.mulf %add3A_1001, %mul3A_1003 : vector<16xf32>
        %add3A_1005 = arith.constant 64 : i32
        %add3A_1006 = arith.addi %mul3A_339, %add3A_1005 : i32
        %swap3A_1007 = arith.index_cast %add3A_701 : i32 to index
        %swap3A_1008 = arith.index_cast %add3A_1006 : i32 to index
        %swap3A_1009 = tpu.vector_load %arg8[%swap3A_1007, %swap3A_1008] {strides = array<i32>} : memref<32x1024xf32, #tpu.memory_space<vmem>>, vector<1x16xf32>,
        %swap3A_1010 = vector.shape_cast %swap3A_1009 : vector<1x16xf32> to vector<16xf32>
        %swap3A_1011 = vector.shape_cast %mul3A_1004 : vector<16xf32> to vector<1x16xf32>
        tpu.vector_store %arg8[%swap3A_1007, %swap3A_1008], %swap3A_1011 {strides = array<i32>} : memref<32x1024xf32, #tpu.memory_space<vmem>>, vector<1x16xf32>,
        %add3A_1012 = arith.addf %get3A_913, %get3A_919 : vector<16xf32>
        %add3A_1013 = arith.addf %get3A_925, %get3A_931 : vector<16xf32>
        %add3A_1014 = arith.addf %add3A_1012, %add3A_1013 : vector<16xf32>
        %add3A_1015 = arith.addf %add3A_1014, %get3A_937 : vector<16xf32>
        %mul3A_1016 = arith.constant 2.000000e-01 : f32
        %mul3A_1017 = vector.broadcast %mul3A_1016 : f32 to vector<16xf32>
        %mul3A_1018 = arith.mulf %add3A_1015, %mul3A_1017 : vector<16xf32>
        %add3A_1019 = arith.constant 80 : i32
        %add3A_1020 = arith.addi %mul3A_339, %add3A_1019 : i32
        %swap3A_1021 = arith.index_cast %add3A_701 : i32 to index
        %swap3A_1022 = arith.index_cast %add3A_1020 : i32 to index
        %swap3A_1023 = tpu.vector_load %arg8[%swap3A_1021, %swap3A_1022] {strides = array<i32>} : memref<32x1024xf32, #tpu.memory_space<vmem>>, vector<1x16xf32>,
        %swap3A_1024 = vector.shape_cast %swap3A_1023 : vector<1x16xf32> to vector<16xf32>
        %swap3A_1025 = vector.shape_cast %mul3A_1018 : vector<16xf32> to vector<1x16xf32>
        tpu.vector_store %arg8[%swap3A_1021, %swap3A_1022], %swap3A_1025 {strides = array<i32>} : memref<32x1024xf32, #tpu.memory_space<vmem>>, vector<1x16xf32>,
        %add3A_1026 = arith.addf %get3A_943, %get3A_949 : vector<16xf32>
        %add3A_1027 = arith.addf %get3A_955, %get3A_961 : vector<16xf32>
        %add3A_1028 = arith.addf %add3A_1026, %add3A_1027 : vector<16xf32>
        %add3A_1029 = arith.addf %add3A_1028, %get3A_967 : vector<16xf32>
        %mul3A_1030 = arith.constant 2.000000e-01 : f32
        %mul3A_1031 = vector.broadcast %mul3A_1030 : f32 to vector<16xf32>
        %mul3A_1032 = arith.mulf %add3A_1029, %mul3A_1031 : vector<16xf32>
        %add3A_1033 = arith.constant 96 : i32
        %add3A_1034 = arith.addi %mul3A_339, %add3A_1033 : i32
        %swap3A_1035 = arith.index_cast %add3A_701 : i32 to index
        %swap3A_1036 = arith.index_cast %add3A_1034 : i32 to index
        %swap3A_1037 = tpu.vector_load %arg8[%swap3A_1035, %swap3A_1036] {strides = array<i32>} : memref<32x1024xf32, #tpu.memory_space<vmem>>, vector<1x16xf32>,
        %swap3A_1038 = vector.shape_cast %swap3A_1037 : vector<1x16xf32> to vector<16xf32>
        %swap3A_1039 = vector.shape_cast %mul3A_1032 : vector<16xf32> to vector<1x16xf32>
        tpu.vector_store %arg8[%swap3A_1035, %swap3A_1036], %swap3A_1039 {strides = array<i32>} : memref<32x1024xf32, #tpu.memory_space<vmem>>, vector<1x16xf32>,
        %add3A_1040 = arith.addf %get3A_973, %get3A_979 : vector<16xf32>
        %add3A_1041 = arith.addf %get3A_985, %get3A_991 : vector<16xf32>
        %add3A_1042 = arith.addf %add3A_1040, %add3A_1041 : vector<16xf32>
        %add3A_1043 = arith.addf %add3A_1042, %get3A_997 : vector<16xf32>
        %mul3A_1044 = arith.constant 2.000000e-01 : f32
        %mul3A_1045 = vector.broadcast %mul3A_1044 : f32 to vector<16xf32>
        %mul3A_1046 = arith.mulf %add3A_1043, %mul3A_1045 : vector<16xf32>
        %add3A_1047 = arith.constant 112 : i32
        %add3A_1048 = arith.addi %mul3A_339, %add3A_1047 : i32
        %swap3A_1049 = arith.index_cast %add3A_701 : i32 to index
        %swap3A_1050 = arith.index_cast %add3A_1048 : i32 to index
        %swap3A_1051 = tpu.vector_load %arg8[%swap3A_1049, %swap3A_1050] {strides = array<i32>} : memref<32x1024xf32, #tpu.memory_space<vmem>>, vector<1x16xf32>,
        %swap3A_1052 = vector.shape_cast %swap3A_1051 : vector<1x16xf32> to vector<16xf32>
        %swap3A_1053 = vector.shape_cast %mul3A_1046 : vector<16xf32> to vector<1x16xf32>
        tpu.vector_store %arg8[%swap3A_1049, %swap3A_1050], %swap3A_1053 {strides = array<i32>} : memref<32x1024xf32, #tpu.memory_space<vmem>>, vector<1x16xf32>,
      }
      %scan3A_240 = arith.constant 32 : i32
      %add3A_241 = arith.constant 2 : i32
      %add3A_242 = arith.addi %add3A_215, %add3A_241 : i32
      %lt3A_243 = arith.constant 32 : i32
      %lt3A_244 = arith.cmpi slt, %add3A_242, %lt3A_243 : i32
      %convert_element_type3A_245 = arith.extui %lt3A_244 : i1 to i32
      %cond3A_246 = arith.constant 0 : i32
      %cond3A_247 = arith.cmpi ne, %convert_element_type3A_245, %cond3A_246 : i32
      scf.if %cond3A_247 {
        %add3A_303 = arith.constant 2 : i32
        %add3A_304 = arith.addi %add3A_215, %add3A_303 : i32
        %mul3A_305 = arith.constant 2 : i32
        %mul3A_306 = arith.muli %add3A_304, %mul3A_305 : i32
        %add3A_307 = arith.addi %mul3A_2, %mul3A_306 : i32
        %mul3A_308 = arith.constant 4 : i32
        %mul3A_309 = arith.muli %mul3A_308, %add3A_307 : i32
        %add3A_310 = arith.constant 1 : i32
        %add3A_311 = arith.addi %mul3A_309, %add3A_310 : i32
        %dma_start3A_312 = arith.constant 0 : i32
        %dma_start3A_313 = arith.constant 0 : i32
        %dma_start3A_314 = tpu.memref_slice %arg2[%add3A_311, %dma_start3A_312, %dma_start3A_313] : memref<8193x32x128xf32, #tpu.memory_space<hbm>> -> memref<8x32x128xf32, #tpu.memory_space<hbm>>
        %dma_start3A_315 = arith.constant 0 : i32
        %dma_start3A_316 = arith.constant 0 : i32
        %dma_start3A_317 = tpu.memref_slice %arg2[%add3A_311, %dma_start3A_315, %dma_start3A_316] : memref<8193x32x128xf32, #tpu.memory_space<hbm>> -> memref<8x32x128xf32, #tpu.memory_space<hbm>>
        tpu.enqueue_dma source(%dma_start3A_317 : memref<8x32x128xf32, #tpu.memory_space<hbm>>) target(%arg5 : memref<8x32x128xf32, #tpu.memory_space<vmem>>) target_semaphore(%arg10 : memref<!tpu.dma_semaphore, #tpu.memory_space<semaphore_mem>>)
        %dma_start3A_318 = arith.constant 0 : i32
        %dma_start3A_319 = arith.constant 0 : i32
        %dma_start3A_320 = tpu.memref_slice %arg2[%add3A_307, %dma_start3A_318, %dma_start3A_319] : memref<8193x32x128xf32, #tpu.memory_space<hbm>> -> memref<2x32x128xf32, #tpu.memory_space<hbm>>
        %dma_start3A_321 = arith.constant 0 : i32
        %dma_start3A_322 = arith.constant 0 : i32
        %dma_start3A_323 = tpu.memref_slice %arg2[%add3A_307, %dma_start3A_321, %dma_start3A_322] : memref<8193x32x128xf32, #tpu.memory_space<hbm>> -> memref<2x32x128xf32, #tpu.memory_space<hbm>>
        tpu.enqueue_dma source(%dma_start3A_323 : memref<2x32x128xf32, #tpu.memory_space<hbm>>) target(%arg7 : memref<2x32x128xf32, #tpu.memory_space<vmem>>) target_semaphore(%arg10 : memref<!tpu.dma_semaphore, #tpu.memory_space<semaphore_mem>>)
      } else {
      }
      %mul3A_248 = arith.constant 8 : i32
      %mul3A_249 = arith.muli %scan3A_102, %mul3A_248 : i32
      %add3A_250 = arith.addi %mul3A_2, %mul3A_249 : i32
      %dma_start3A_251 = arith.constant 0 : i32
      %dma_start3A_252 = arith.constant 0 : i32
      %dma_start3A_253 = arith.constant 0 : i32
      %dma_start3A_254 = tpu.memref_slice %arg8[%dma_start3A_252, %dma_start3A_253] : memref<32x1024xf32, #tpu.memory_space<vmem>> -> memref<8x1024xf32, #tpu.memory_space<vmem>>
      %dma_start3A_255 = arith.constant 0 : i32
      %dma_start3A_256 = tpu.memref_slice %arg3[%dma_start3A_251, %add3A_250, %dma_start3A_255] : memref<4x2048x1024xf32, #tpu.memory_space<hbm>> -> memref<1x8x1024xf32, #tpu.memory_space<hbm>>
      %dma_start3A_257 = tpu.memref_squeeze %dma_start3A_256 : memref<1x8x1024xf32, #tpu.memory_space<hbm>> -> memref<8x1024xf32, #tpu.memory_space<hbm>>
      %dma_start3A_258 = arith.constant 0 : i32
      %dma_start3A_259 = tpu.memref_slice %arg3[%dma_start3A_251, %add3A_250, %dma_start3A_258] : memref<4x2048x1024xf32, #tpu.memory_space<hbm>> -> memref<1x8x1024xf32, #tpu.memory_space<hbm>>
      %dma_start3A_260 = tpu.memref_squeeze %dma_start3A_259 : memref<1x8x1024xf32, #tpu.memory_space<hbm>> -> memref<8x1024xf32, #tpu.memory_space<hbm>>
      %dma_start3A_261 = arith.constant 0 : i32
      %dma_start3A_262 = arith.constant 0 : i32
      %dma_start3A_263 = tpu.memref_slice %arg8[%dma_start3A_261, %dma_start3A_262] : memref<32x1024xf32, #tpu.memory_space<vmem>> -> memref<8x1024xf32, #tpu.memory_space<vmem>>
      tpu.enqueue_dma source(%dma_start3A_263 : memref<8x1024xf32, #tpu.memory_space<vmem>>) target(%dma_start3A_260 : memref<8x1024xf32, #tpu.memory_space<hbm>>) target_semaphore(%arg11 : memref<!tpu.dma_semaphore, #tpu.memory_space<semaphore_mem>>)
      %dma_start3A_264 = arith.constant 1 : i32
      %dma_start3A_265 = arith.constant 8 : i32
      %dma_start3A_266 = arith.constant 0 : i32
      %dma_start3A_267 = tpu.memref_slice %arg8[%dma_start3A_265, %dma_start3A_266] : memref<32x1024xf32, #tpu.memory_space<vmem>> -> memref<8x1024xf32, #tpu.memory_space<vmem>>
      %dma_start3A_268 = arith.constant 0 : i32
      %dma_start3A_269 = tpu.memref_slice %arg3[%dma_start3A_264, %add3A_250, %dma_start3A_268] : memref<4x2048x1024xf32, #tpu.memory_space<hbm>> -> memref<1x8x1024xf32, #tpu.memory_space<hbm>>
      %dma_start3A_270 = tpu.memref_squeeze %dma_start3A_269 : memref<1x8x1024xf32, #tpu.memory_space<hbm>> -> memref<8x1024xf32, #tpu.memory_space<hbm>>
      %dma_start3A_271 = arith.constant 0 : i32
      %dma_start3A_272 = tpu.memref_slice %arg3[%dma_start3A_264, %add3A_250, %dma_start3A_271] : memref<4x2048x1024xf32, #tpu.memory_space<hbm>> -> memref<1x8x1024xf32, #tpu.memory_space<hbm>>
      %dma_start3A_273 = tpu.memref_squeeze %dma_start3A_272 : memref<1x8x1024xf32, #tpu.memory_space<hbm>> -> memref<8x1024xf32, #tpu.memory_space<hbm>>
      %dma_start3A_274 = arith.constant 8 : i32
      %dma_start3A_275 = arith.constant 0 : i32
      %dma_start3A_276 = tpu.memref_slice %arg8[%dma_start3A_274, %dma_start3A_275] : memref<32x1024xf32, #tpu.memory_space<vmem>> -> memref<8x1024xf32, #tpu.memory_space<vmem>>
      tpu.enqueue_dma source(%dma_start3A_276 : memref<8x1024xf32, #tpu.memory_space<vmem>>) target(%dma_start3A_273 : memref<8x1024xf32, #tpu.memory_space<hbm>>) target_semaphore(%arg11 : memref<!tpu.dma_semaphore, #tpu.memory_space<semaphore_mem>>)
      %dma_start3A_277 = arith.constant 2 : i32
      %dma_start3A_278 = arith.constant 16 : i32
      %dma_start3A_279 = arith.constant 0 : i32
      %dma_start3A_280 = tpu.memref_slice %arg8[%dma_start3A_278, %dma_start3A_279] : memref<32x1024xf32, #tpu.memory_space<vmem>> -> memref<8x1024xf32, #tpu.memory_space<vmem>>
      %dma_start3A_281 = arith.constant 0 : i32
      %dma_start3A_282 = tpu.memref_slice %arg3[%dma_start3A_277, %add3A_250, %dma_start3A_281] : memref<4x2048x1024xf32, #tpu.memory_space<hbm>> -> memref<1x8x1024xf32, #tpu.memory_space<hbm>>
      %dma_start3A_283 = tpu.memref_squeeze %dma_start3A_282 : memref<1x8x1024xf32, #tpu.memory_space<hbm>> -> memref<8x1024xf32, #tpu.memory_space<hbm>>
      %dma_start3A_284 = arith.constant 0 : i32
      %dma_start3A_285 = tpu.memref_slice %arg3[%dma_start3A_277, %add3A_250, %dma_start3A_284] : memref<4x2048x1024xf32, #tpu.memory_space<hbm>> -> memref<1x8x1024xf32, #tpu.memory_space<hbm>>
      %dma_start3A_286 = tpu.memref_squeeze %dma_start3A_285 : memref<1x8x1024xf32, #tpu.memory_space<hbm>> -> memref<8x1024xf32, #tpu.memory_space<hbm>>
      %dma_start3A_287 = arith.constant 16 : i32
      %dma_start3A_288 = arith.constant 0 : i32
      %dma_start3A_289 = tpu.memref_slice %arg8[%dma_start3A_287, %dma_start3A_288] : memref<32x1024xf32, #tpu.memory_space<vmem>> -> memref<8x1024xf32, #tpu.memory_space<vmem>>
      tpu.enqueue_dma source(%dma_start3A_289 : memref<8x1024xf32, #tpu.memory_space<vmem>>) target(%dma_start3A_286 : memref<8x1024xf32, #tpu.memory_space<hbm>>) target_semaphore(%arg11 : memref<!tpu.dma_semaphore, #tpu.memory_space<semaphore_mem>>)
      %dma_start3A_290 = arith.constant 3 : i32
      %dma_start3A_291 = arith.constant 24 : i32
      %dma_start3A_292 = arith.constant 0 : i32
      %dma_start3A_293 = tpu.memref_slice %arg8[%dma_start3A_291, %dma_start3A_292] : memref<32x1024xf32, #tpu.memory_space<vmem>> -> memref<8x1024xf32, #tpu.memory_space<vmem>>
      %dma_start3A_294 = arith.constant 0 : i32
      %dma_start3A_295 = tpu.memref_slice %arg3[%dma_start3A_290, %add3A_250, %dma_start3A_294] : memref<4x2048x1024xf32, #tpu.memory_space<hbm>> -> memref<1x8x1024xf32, #tpu.memory_space<hbm>>
      %dma_start3A_296 = tpu.memref_squeeze %dma_start3A_295 : memref<1x8x1024xf32, #tpu.memory_space<hbm>> -> memref<8x1024xf32, #tpu.memory_space<hbm>>
      %dma_start3A_297 = arith.constant 0 : i32
      %dma_start3A_298 = tpu.memref_slice %arg3[%dma_start3A_290, %add3A_250, %dma_start3A_297] : memref<4x2048x1024xf32, #tpu.memory_space<hbm>> -> memref<1x8x1024xf32, #tpu.memory_space<hbm>>
      %dma_start3A_299 = tpu.memref_squeeze %dma_start3A_298 : memref<1x8x1024xf32, #tpu.memory_space<hbm>> -> memref<8x1024xf32, #tpu.memory_space<hbm>>
      %dma_start3A_300 = arith.constant 24 : i32
      %dma_start3A_301 = arith.constant 0 : i32
      %dma_start3A_302 = tpu.memref_slice %arg8[%dma_start3A_300, %dma_start3A_301] : memref<32x1024xf32, #tpu.memory_space<vmem>> -> memref<8x1024xf32, #tpu.memory_space<vmem>>
      tpu.enqueue_dma source(%dma_start3A_302 : memref<8x1024xf32, #tpu.memory_space<vmem>>) target(%dma_start3A_299 : memref<8x1024xf32, #tpu.memory_space<hbm>>) target_semaphore(%arg11 : memref<!tpu.dma_semaphore, #tpu.memory_space<semaphore_mem>>)
    }
    %scan3A_46 = arith.constant 8 : i32
    %mul3A_47 = arith.constant 7 : i32
    %mul3A_48 = arith.constant 8 : i32
    %mul3A_49 = arith.muli %mul3A_47, %mul3A_48 : i32
    %add3A_50 = arith.addi %mul3A_2, %mul3A_49 : i32
    %dma_wait3A = arith.constant 0 : i32
    %dma_wait3A_51 = arith.constant 0 : i32
    %dma_wait3A_52 = arith.constant 0 : i32
    %dma_wait3A_53 = tpu.memref_slice %arg8[%dma_wait3A_51, %dma_wait3A_52] : memref<32x1024xf32, #tpu.memory_space<vmem>> -> memref<8x1024xf32, #tpu.memory_space<vmem>>
    %dma_wait3A_54 = arith.constant 0 : i32
    %dma_wait3A_55 = tpu.memref_slice %arg3[%dma_wait3A, %add3A_50, %dma_wait3A_54] : memref<4x2048x1024xf32, #tpu.memory_space<hbm>> -> memref<1x8x1024xf32, #tpu.memory_space<hbm>>
    %dma_wait3A_56 = tpu.memref_squeeze %dma_wait3A_55 : memref<1x8x1024xf32, #tpu.memory_space<hbm>> -> memref<8x1024xf32, #tpu.memory_space<hbm>>
    %dma_wait3A_57 = arith.constant 0 : i32
    %dma_wait3A_58 = tpu.memref_slice %arg3[%dma_wait3A, %add3A_50, %dma_wait3A_57] : memref<4x2048x1024xf32, #tpu.memory_space<hbm>> -> memref<1x8x1024xf32, #tpu.memory_space<hbm>>
    %dma_wait3A_59 = tpu.memref_squeeze %dma_wait3A_58 : memref<1x8x1024xf32, #tpu.memory_space<hbm>> -> memref<8x1024xf32, #tpu.memory_space<hbm>>
    %dma_wait3A_60 = arith.constant 0 : i32
    %dma_wait3A_61 = arith.constant 0 : i32
    %dma_wait3A_62 = tpu.memref_slice %arg8[%dma_wait3A_60, %dma_wait3A_61] : memref<32x1024xf32, #tpu.memory_space<vmem>> -> memref<8x1024xf32, #tpu.memory_space<vmem>>
    tpu.wait_dma2 semaphore(%arg11 : memref<!tpu.dma_semaphore, #tpu.memory_space<semaphore_mem>>) src(%dma_wait3A_62 : memref<8x1024xf32, #tpu.memory_space<vmem>>) dst(%dma_wait3A_59 : memref<8x1024xf32, #tpu.memory_space<hbm>>)
    %dma_wait3A_63 = arith.constant 1 : i32
    %dma_wait3A_64 = arith.constant 8 : i32
    %dma_wait3A_65 = arith.constant 0 : i32
    %dma_wait3A_66 = tpu.memref_slice %arg8[%dma_wait3A_64, %dma_wait3A_65] : memref<32x1024xf32, #tpu.memory_space<vmem>> -> memref<8x1024xf32, #tpu.memory_space<vmem>>
    %dma_wait3A_67 = arith.constant 0 : i32
    %dma_wait3A_68 = tpu.memref_slice %arg3[%dma_wait3A_63, %add3A_50, %dma_wait3A_67] : memref<4x2048x1024xf32, #tpu.memory_space<hbm>> -> memref<1x8x1024xf32, #tpu.memory_space<hbm>>
    %dma_wait3A_69 = tpu.memref_squeeze %dma_wait3A_68 : memref<1x8x1024xf32, #tpu.memory_space<hbm>> -> memref<8x1024xf32, #tpu.memory_space<hbm>>
    %dma_wait3A_70 = arith.constant 0 : i32
    %dma_wait3A_71 = tpu.memref_slice %arg3[%dma_wait3A_63, %add3A_50, %dma_wait3A_70] : memref<4x2048x1024xf32, #tpu.memory_space<hbm>> -> memref<1x8x1024xf32, #tpu.memory_space<hbm>>
    %dma_wait3A_72 = tpu.memref_squeeze %dma_wait3A_71 : memref<1x8x1024xf32, #tpu.memory_space<hbm>> -> memref<8x1024xf32, #tpu.memory_space<hbm>>
    %dma_wait3A_73 = arith.constant 8 : i32
    %dma_wait3A_74 = arith.constant 0 : i32
    %dma_wait3A_75 = tpu.memref_slice %arg8[%dma_wait3A_73, %dma_wait3A_74] : memref<32x1024xf32, #tpu.memory_space<vmem>> -> memref<8x1024xf32, #tpu.memory_space<vmem>>
    tpu.wait_dma2 semaphore(%arg11 : memref<!tpu.dma_semaphore, #tpu.memory_space<semaphore_mem>>) src(%dma_wait3A_75 : memref<8x1024xf32, #tpu.memory_space<vmem>>) dst(%dma_wait3A_72 : memref<8x1024xf32, #tpu.memory_space<hbm>>)
    %dma_wait3A_76 = arith.constant 2 : i32
    %dma_wait3A_77 = arith.constant 16 : i32
    %dma_wait3A_78 = arith.constant 0 : i32
    %dma_wait3A_79 = tpu.memref_slice %arg8[%dma_wait3A_77, %dma_wait3A_78] : memref<32x1024xf32, #tpu.memory_space<vmem>> -> memref<8x1024xf32, #tpu.memory_space<vmem>>
    %dma_wait3A_80 = arith.constant 0 : i32
    %dma_wait3A_81 = tpu.memref_slice %arg3[%dma_wait3A_76, %add3A_50, %dma_wait3A_80] : memref<4x2048x1024xf32, #tpu.memory_space<hbm>> -> memref<1x8x1024xf32, #tpu.memory_space<hbm>>
    %dma_wait3A_82 = tpu.memref_squeeze %dma_wait3A_81 : memref<1x8x1024xf32, #tpu.memory_space<hbm>> -> memref<8x1024xf32, #tpu.memory_space<hbm>>
    %dma_wait3A_83 = arith.constant 0 : i32
    %dma_wait3A_84 = tpu.memref_slice %arg3[%dma_wait3A_76, %add3A_50, %dma_wait3A_83] : memref<4x2048x1024xf32, #tpu.memory_space<hbm>> -> memref<1x8x1024xf32, #tpu.memory_space<hbm>>
    %dma_wait3A_85 = tpu.memref_squeeze %dma_wait3A_84 : memref<1x8x1024xf32, #tpu.memory_space<hbm>> -> memref<8x1024xf32, #tpu.memory_space<hbm>>
    %dma_wait3A_86 = arith.constant 16 : i32
    %dma_wait3A_87 = arith.constant 0 : i32
    %dma_wait3A_88 = tpu.memref_slice %arg8[%dma_wait3A_86, %dma_wait3A_87] : memref<32x1024xf32, #tpu.memory_space<vmem>> -> memref<8x1024xf32, #tpu.memory_space<vmem>>
    tpu.wait_dma2 semaphore(%arg11 : memref<!tpu.dma_semaphore, #tpu.memory_space<semaphore_mem>>) src(%dma_wait3A_88 : memref<8x1024xf32, #tpu.memory_space<vmem>>) dst(%dma_wait3A_85 : memref<8x1024xf32, #tpu.memory_space<hbm>>)
    %dma_wait3A_89 = arith.constant 3 : i32
    %dma_wait3A_90 = arith.constant 24 : i32
    %dma_wait3A_91 = arith.constant 0 : i32
    %dma_wait3A_92 = tpu.memref_slice %arg8[%dma_wait3A_90, %dma_wait3A_91] : memref<32x1024xf32, #tpu.memory_space<vmem>> -> memref<8x1024xf32, #tpu.memory_space<vmem>>
    %dma_wait3A_93 = arith.constant 0 : i32
    %dma_wait3A_94 = tpu.memref_slice %arg3[%dma_wait3A_89, %add3A_50, %dma_wait3A_93] : memref<4x2048x1024xf32, #tpu.memory_space<hbm>> -> memref<1x8x1024xf32, #tpu.memory_space<hbm>>
    %dma_wait3A_95 = tpu.memref_squeeze %dma_wait3A_94 : memref<1x8x1024xf32, #tpu.memory_space<hbm>> -> memref<8x1024xf32, #tpu.memory_space<hbm>>
    %dma_wait3A_96 = arith.constant 0 : i32
    %dma_wait3A_97 = tpu.memref_slice %arg3[%dma_wait3A_89, %add3A_50, %dma_wait3A_96] : memref<4x2048x1024xf32, #tpu.memory_space<hbm>> -> memref<1x8x1024xf32, #tpu.memory_space<hbm>>
    %dma_wait3A_98 = tpu.memref_squeeze %dma_wait3A_97 : memref<1x8x1024xf32, #tpu.memory_space<hbm>> -> memref<8x1024xf32, #tpu.memory_space<hbm>>
    %dma_wait3A_99 = arith.constant 24 : i32
    %dma_wait3A_100 = arith.constant 0 : i32
    %dma_wait3A_101 = tpu.memref_slice %arg8[%dma_wait3A_99, %dma_wait3A_100] : memref<32x1024xf32, #tpu.memory_space<vmem>> -> memref<8x1024xf32, #tpu.memory_space<vmem>>
    tpu.wait_dma2 semaphore(%arg11 : memref<!tpu.dma_semaphore, #tpu.memory_space<semaphore_mem>>) src(%dma_wait3A_101 : memref<8x1024xf32, #tpu.memory_space<vmem>>) dst(%dma_wait3A_98 : memref<8x1024xf32, #tpu.memory_space<hbm>>)
    return
  }
}

</mosaic_0001>

<sc_bundles>
// kernel: _run.3.cloned.1.call-start
scs
__scs_entry_jumppad:
0x0: {  	(pc) =	sbr.rel $0x88, $3  }
0x1: {  	(tag) =	ssettag $0x0;
	lr =	simm.s32 $0x1  }
0x2: {  	[smem:$0x3FA0] =	sst lr;
	_ =	strace $0xD0000000  }
0x3: {  	_ = 	snop  }
0x4: {  	_ = 	snop  }
0x5: {  	_ = 	snop  }
0x6: {  	_ = 	snop  }
0x7: {  	_ = 	snop  }
__scs_overlays_trampoline_lowered:
0x8: {  	[smem:$0x3FAF] =	sst s0  }
0x9: {  	[smem:$0x3FB0] =	sst s1  }
0xa: {  	[smem:$0x3FB1] =	sst s2  }
0xb: {  	[smem:$0x3FB2] =	sst s3  }
0xc: {  	[smem:$0x3FB3] =	sst s4  }
0xd: {  	[smem:$0x3FB4] =	sst s5  }
0xe: {  	[smem:$0x3FB5] =	sst s6  }
0xf: {  	[smem:$0x3FB6] =	sst s7  }
0x10: {  	[smem:$0x3FB7] =	sst s8  }
0x11: {  	[smem:$0x3FB8] =	sst s9;
	s0 =	simm.s32 @!p0 $0x0  }
0x12: {  	s1 =	sld [smem:$0x3F9E];
	s0 =	simm.s32 @p0 $0x1  }
0x13: {  	[smem:$0x3FB9] =	sst s0;
	s0 =	simm.s32 @!p1 $0x0  }
0x14: {  	s2 =	sld [smem:$0x3F9D];
	s0 =	simm.s32 @p1 $0x1  }
0x15: {  	[smem:$0x3FBA] =	sst s0;
	s0 =	simm.s32 @!p2 $0x0  }
0x16: {  	s3 =	sld [smem:$0x3FDB];
	s0 =	simm.s32 @p2 $0x1  }
0x17: {  	s4 =	simm.s32 $0x1BF5;
	[smem:$0x3FBC] =	sst s0  }
0x18: {  	s0 =	sld [smem:$0x3F9F];
	_ =	swait.ge [sflag:s4], $0x0  }
0x19: {  	s7 =	sld [smem:$0x3FA0]  }
0x1a: {  	s8 =	sadd.s32 $0xFFFFE003, lr  }
0x1b: {  	s9 =	sadd.s32 $0xFFFFFEF7, lr;
	s5 =	simm.s32 $0xFFFFFFFF;
	p2 =	slt.u32 s8, $0xFFFFF086  }
0x1c: {  	p1 =	slt.u32 s9, $0xF7A;
	s5 =	simm.s32 @!p2 $0x0  }
0x1d: {  	s5 =	simm.s32 @p1 $0x1;
	p0 =	seq.s32 s7, s2  }
0x1e: {  	s7 =	smul.u32 @!p0 $0xF7A, s2;
	p2 =	seq.s32 @!p0 s5, $0x0  }
0x1f: {  	s9 =	smul.u32 $0xF7A, s1;
	s8 =	simm.s32 @!p0 $0x1BF5;
	p2 =	por !p2, p0  }
0x20: {  	[sflag:s8] =	ssyncset.s32 @!p0 $0xFFFFF086;
	s6 =	sadd.s32 @!p0 s3, s7;
	s7 =	simm.s32 @!p0 $0x108  }
0x21: {  	s3 =	sadd.s32 s3, s9;
	s6 =	sadd.s32 @!p0 $0x88, s6;
	s7 =	simm.s32 @p2 $0x1082  }
0x22: {  	[simem:s7], [sflag:s8] =	dma.local @!p0 [hbm:s6], $0xF7A  }
0x23: {  	s9 =	sor.u32 $0xD0000000, s2;
	s6 =	simm.s32 $0x108;
	_ =	swait.ge @!p0 [sflag:s8], $0x0  }
0x24: {  	s3 =	sadd.s32 $0x88, s3;
	s6 =	simm.s32 @!p1 $0x1082;
	[sflag:s4] =	ssyncset.s32 $0xFFFFF086  }
0x25: {  	[simem:s6], [sflag:s4] =	dma.local [hbm:s3], $0xF7A  }
0x26: {  	[smem:$0x3FA0] =	sst s1;
	(tag) =	ssettag s2;
	_ =	strace s9  }
0x27: {  	s1 =	sld [smem:$0x3FB0]  }
0x28: {  	s2 =	sld [smem:$0x3FB1]  }
0x29: {  	s4 =	sld [smem:$0x3FB3]  }
0x2a: {  	p0 =	seq.s32 s5, $0x0;
	s5 =	sld [smem:$0x3FB4]  }
0x2b: {  	s6 =	sld [smem:$0x3FB5]  }
0x2c: {  	s7 =	sld [smem:$0x3FB6]  }
0x2d: {  	s3 =	simm.s32 $0x108;
	s8 =	sld [smem:$0x3FB7]  }
0x2e: {  	s3 =	simm.s32 @!p0 $0x1082;
	s9 =	sld [smem:$0x3FB8]  }
0x2f: {  	lr =	sadd.s32 s0, s3;
	s0 =	sld [smem:$0x3FAF]  }
0x30: {  	s3 =	sld [smem:$0x3FB2]  }
0x31: {  	[smem:$0x3FBB] =	sst s10  }
0x32: {  	s10 =	sld [smem:$0x3FB9];
	_ =	sdelay $0x3  }
0x33: {  	p0 =	seq.s32 s10, $0x1;
	s10 =	sld [smem:$0x3FBB];
	_ =	sdelay $0x3  }
0x34: {  	[smem:$0x3FBB] =	sst s10  }
0x35: {  	s10 =	sld [smem:$0x3FBA];
	_ =	sdelay $0x3  }
0x36: {  	p1 =	seq.s32 s10, $0x1;
	s10 =	sld [smem:$0x3FBB];
	_ =	sdelay $0x3  }
0x37: {  	[smem:$0x3FBB] =	sst s10  }
0x38: {  	s10 =	sld [smem:$0x3FBC]  }
0x39: {  	_ = 	snop;
	(pc) =	sbr.ind lr, $3  }
0x3a: {  	_ = 	snop  }
0x3b: {  	_ = 	snop  }
0x3c: {  	p2 =	seq.s32 s10, $0x1;
	s10 =	sld [smem:$0x3FBB]  }
0x3d: {  	_ =	shalt  }
0x3e: {  	_ =	shalt  }
0x3f: {  	_ =	shalt  }
0x40: {  	_ =	shalt  }
0x41: {  	_ =	shalt  }
0x42: {  	_ =	shalt  }
0x43: {  	_ =	shalt  }
0x44: {  	_ =	shalt  }
0x45: {  	_ =	shalt  }
0x46: {  	_ =	shalt  }
0x47: {  	_ =	shalt  }
0x48: {  	_ =	shalt  }
0x49: {  	_ =	shalt  }
0x4a: {  	_ =	shalt  }
0x4b: {  	_ =	shalt  }
0x4c: {  	_ =	shalt  }
0x4d: {  	_ =	shalt  }
0x4e: {  	_ =	shalt  }
0x4f: {  	_ =	shalt  }
0x50: {  	_ =	shalt  }
0x51: {  	_ =	shalt  }
0x52: {  	_ =	shalt  }
0x53: {  	_ =	shalt  }
0x54: {  	_ =	shalt  }
0x55: {  	_ =	shalt  }
0x56: {  	_ =	shalt  }
0x57: {  	_ =	shalt  }
0x58: {  	_ =	shalt  }
0x59: {  	_ =	shalt  }
0x5a: {  	_ =	shalt  }
0x5b: {  	_ =	shalt  }
0x5c: {  	_ =	shalt  }
0x5d: {  	_ =	shalt  }
0x5e: {  	_ =	shalt  }
0x5f: {  	_ =	shalt  }
0x60: {  	_ =	shalt  }
0x61: {  	_ =	shalt  }
0x62: {  	_ =	shalt  }
0x63: {  	_ =	shalt  }
0x64: {  	_ =	shalt  }
0x65: {  	_ =	shalt  }
0x66: {  	_ =	shalt  }
0x67: {  	_ =	shalt  }
0x68: {  	_ =	shalt  }
0x69: {  	_ =	shalt  }
0x6a: {  	_ =	shalt  }
0x6b: {  	_ =	shalt  }
0x6c: {  	_ =	shalt  }
0x6d: {  	_ =	shalt  }
0x6e: {  	_ =	shalt  }
0x6f: {  	_ =	shalt  }
0x70: {  	_ =	shalt  }
0x71: {  	_ =	shalt  }
0x72: {  	_ =	shalt  }
0x73: {  	_ =	shalt  }
0x74: {  	_ =	shalt  }
0x75: {  	_ =	shalt  }
0x76: {  	_ =	shalt  }
0x77: {  	_ =	shalt  }
0x78: {  	_ =	shalt  }
0x79: {  	_ =	shalt  }
0x7a: {  	_ =	shalt  }
0x7b: {  	_ =	shalt  }
0x7c: {  	_ =	shalt  }
0x7d: {  	_ =	shalt  }
0x7e: {  	_ =	shalt  }
0x7f: {  	_ =	shalt  }
0x80: {  	_ =	shalt  }
0x81: {  	_ =	shalt  }
0x82: {  	_ =	shalt  }
0x83: {  	_ =	shalt  }
0x84: {  	_ =	shalt  }
0x85: {  	_ =	shalt  }
0x86: {  	_ =	shalt  }
0x87: {  	_ =	shalt  }
.Lfunc_end0:
.L_simem_size_0:
called_computation_lowered:
.L_overlay_start_0:
0x88: {  	s2 =	sld [smem:$0x3FD9]  }
0x89: {  	s3 =	sld [smem:$0x3FFE];
	_ =	sdelay $0x1  }
0x8a: {  	s1 =	srdreg.scid  }
0x8b: {  	s0 =	sand.u32 $0x1, s1  }
0x8c: {  	s18 =	sshll.u32 s0, $0xA;
	s2 =	sadd.s32 s3, s2  }
0x8d: {  	s2 =	sadd.s32 s2, s18  }
0x8e: {  	[smem:$0x3FC7] =	sst s2  }
0x8f: {  	_ = 	snop  }
0x90: {  	s2 =	sld [smem:$0x3FC9]  }
0x91: {  	s19 =	sld [smem:$0x3FD0];
	(tm) =	ssettm $0x1  }
0x92: {  	s4 =	sld [smem:$0x3FFB];
	_ =	sdelay $0x3  }
0x93: {  	_ =	strace s4  }
0x94: {  	s4 =	sld [smem:$0x3FFC];
	_ =	sdelay $0x3  }
0x95: {  	_ =	strace s4  }
0x96: {  	s4 =	sld [smem:$0x3FFD];
	_ =	sdelay $0x3  }
0x97: {  	_ =	strace s4  }
0x98: {  	_ =	strace $0x8FFFFFFF  }
0x99: {  	s20 =	sld [smem:$0x3FDB];
	_ =	sdelay $0x1  }
0x9a: {  	s5 =	simm.s32 $_scs_section_size  }
0x9b: {  	s6 =	simm.s32 $_size__tile_overlayer_lowered;
	s7 =	simm.s32 $_tile_overlayer_lowered  }
0x9c: {  	s23 =	simm.s32 $0x1BFF;
	s22 =	sshll.u32 s7, $0x1;
	s4 =	sadd.s32 s5, s20  }
0x9d: {  	s8 =	simm.s32 $0x0;
	s21 =	sshll.u32 s6, $0x1;
	s6 =	sadd.s32 s22, s4  }
0x9e: {  	[timem:s8], [sflag:s23] =	dma.local [hbm:s6], s21  }
0x9f: {  	_ =	swait.ge [sflag:s23], s21  }
0xa0: {  	s5 =	ssub.s32 $0x0, s21;
	[sflag:s23] =	ssyncset.done $0x0  }
0xa1: {  	[sflag:s23] =	ssyncadd.s32 s5;
	_ =	sdelay $0x1  }
0xa2: {  	s24 =	simm.s32 $0x1B8B  }
0xa3: {  	_ =	swait.ge [sflag:s24], $0x1  }
0xa4: {  	[sflag:s24] =	ssyncset.done $0x0  }
0xa5: {  	s25 =	simm.s32 $0x1B8E;
	[sflag:s24] =	ssyncadd.s32 $0xFFFFFFFF  }
0xa6: {  	s26 =	simm.s32 $execute0_lowered;
	[smem:$0x3FD2] =	sst s25  }
0xa7: {  	s5 =	sshll.u32 s26, $0x1;
	_ =	strace $0x80000046;
	[dreg:$0x1] =	wrdreg $0xFFFFFFFF  }
0xa8: {  	s28 =	simm.s32 $_size_execute0_lowered;
	s4 =	sadd.s32 s4, s5;
	[dreg:$0x0] =	wrdreg $0x0  }
0xa9: {  	s5 =	sshll.u32 s28, $0x1;
	[dreg:$0x2] =	wrdreg s4  }
0xaa: {  	[dreg:$0x3] =	wrdreg s5  }
0xab: {  	[dreg:$0x4] =	wrdreg $0xC0  }
0xac: {  	_ =	task [dreg:s8], $0x5FFFF  }
0xad: {  	[dreg:$0x1] =	wrdreg $0xFFFFFFFF  }
0xae: {  	[dreg:$0x0] =	wrdreg $0x60  }
0xaf: {  	[dreg:$0x2] =	wrdreg s2  }
0xb0: {  	[dreg:$0x3] =	wrdreg s19  }
0xb1: {  	[dreg:$0x4] =	wrdreg $0x9  }
0xb2: {  	_ =	task.clear_ibuf [dreg:s8], $0x5FFFF;
	_ =	strace $0x90000046  }
0xb3: {  	s29 =	simm.s32 $0x9;
	_ =	strace $0x80000048  }
0xb4: {  	_ =	swait.ge [sflag:s29], $0x1  }
0xb5: {  	[sflag:s29] =	ssyncadd.s32 $0xFFFFFFFF  }
0xb6: {  	_ =	strace $0x90000048  }
0xb7: {  	_ =	sfence  }
0xb8: {  	s30 =	sld [smem:$0x0];
	_ =	sdelay $0x2  }
0xb9: {  	s31 =	sshll.u32 s1, $0xD;
	s1 =	sshrl.u32 s1, $0x2  }
0xba: {  	s3 =	sand.u32 $0x4000, s31;
	s1 =	sadd.s32 s1, s30  }
0xbb: {  	s0 =	sor.u32 s3, s0;
	s1 =	sshll.u32 s1, $0x11  }
0xbc: {  	s0 =	sor.u32 s1, s0  }
0xbd: {  	s0 =	sadd.s32 $0x8F2B, s0  }
0xbe: {  	[sflag:s0] =	ssyncadd.remote.s32 $0x1  }
0xbf: {  	_ =	sfence.sel $0xFFFF  }
0xc0: {  	[dreg:$0x0] =	wrdreg $0xFFFFFFFF;
	(pc) =	sbr.abs _section_cstart, $3  }
0xc1: {  	[dreg:$0x1] =	wrdreg $0xFFFFFFFF  }
0xc2: {  	_ =	task.clear_ibuf [dreg:s8], $0x2FFFF;
	_ =	strace $0x9FFFFFFF  }
0xc3: {  	(tm) =	ssettm $0x7FFFFFFF  }
tec
execute0_lowered:
.L_overlay_start_1:
0x0: {  	(tag) =	ssettag $0x1  }
0x1: {  	s1 =	rddreg [dreg:$0x0]  }
0x2: {  	s3 =	rddreg [dreg:$0x1];
	s0 =	srdreg.scid  }
0x3: {  	s4 =	simm.s32 $0x0;
	s5 =	stileid.u32;
	s18 =	simm.s32 $0x10000  }
0x4: {  	s19 =	simm.s32 $0x8000;
	s20 =	simm.s32 $0x12000;
	s21 =	simm.s32 $0x1  }
0x5: {  	s22 =	simm.s32 $0x2;
	s23 =	simm.s32 $0x14000;
	s24 =	simm.s32 $0x16000  }
0x6: {  	s28 =	simm.s32 $0x3;
	s29 =	simm.s32 $0x0;
	s0 =	sand.u32 $0x1, s0  }
0x7: {  	[smem:$0x7FF] =	sst s4;
	s5 =	sshll.u32 s5, $0x1;
	s6 =	sadd.s32 $0x200, s1  }
0x8: {  	s14 =	sadd.s32 $0x40000, s3;
	s15 =	sadd.s32 $0x80000, s3;
	s16 =	sadd.s32 $0xC0000, s3  }
0x9: {  	s2 =	ssub.s32 $0x2, s0;
	_ =	strace $0x80000047;
	s0 =	sor.u32 s0, s5  }
0xa: {  	s7 =	sshrl.u32 s2, $0x1;
	s5 =	sshll.u32 s0, $0x6;
	s8 =	sshll.u32 s0, $0x11  }
0xb: {  	s30 =	sshll.u32 s0, $0xF;
	s13 =	sshll.u32 s0, $0xD;
	s2 =	ssub.s32 s2, s7  }
0xc: {  	s25 =	sadd.s32 s8, s6;
	s26 =	sor.u32 $0x2, s5;
	s8 =	sadd.s32 s1, s30  }
0xd: {  	s11 =	sor.u32 $0x8, s5;
	s12 =	sor.u32 $0xA, s5;
	[dreg:$0x3] =	wrdreg s25  }
0xe: {  	s9 =	sshll.u32 s26, $0xB;
	s7 =	sshll.u32 s26, $0x9;
	[dreg:$0x4] =	wrdreg s8  }
0xf: {  	s17 =	smax.u32 s2, $0x1;
	s25 =	simm.s32 $0x18000;
	s31 =	sadd.s32 s9, s6  }
0x10: {  	s26 =	simm.s32 $0x1A000;
	s10 =	sadd.s32 s1, s7;
	[dreg:$0x5] =	wrdreg s31  }
.LBB2_1:
0x11: {  	s0 =	rddreg [dreg:$0x3]  }
0x12: {  	[tilespmem:s4], [sflag:$0x1] =	stream.linear.gather [hbm4b:s0+s4], $0x8000, $0x38;
	[tilespmem:$0x1C000] =	vst v63  }
0x13: {  	s9 =	rddreg [dreg:$0x4]  }
0x14: {  	[tilespmem:s18], [sflag:$0x1] =	stream.linear.gather [hbm4b:s9+s4], $0x2000, $0x38;
	[tilespmem:$0x1C000] =	vst v63  }
0x15: {  	s31 =	rddreg [dreg:$0x5]  }
0x16: {  	[tilespmem:s19], [sflag:$0x2] =	stream.linear.gather [hbm4b:s31+s4], $0x8000, $0x38;
	[tilespmem:$0x1C000] =	vst v63  }
0x17: {  	s30 =	simm.s32 $0x0  }
0x18: {  	[tilespmem:s20], [sflag:$0x2] =	stream.linear.gather [hbm4b:s10+s4], $0x2000, $0x38;
	[tilespmem:$0x1C000] =	vst v63  }
.LBB2_2:
0x19: {  	p0 =	seq.s32 s30, $0x0  }
0x1a: {  	s0 =	simm.s32 @!p0 $0x3  }
0x1b: {  	_ =	swait.ge @!p0 [sflag:s0], $0x2000  }
0x1c: {  	[sflag:s0] =	ssyncset.done @!p0 $0x0  }
0x1d: {  	[sflag:s0] =	ssyncadd.s32 @!p0 $0xFFFFE000  }
0x1e: {  	_ =	swait.ge @!p0 [sflag:s0], $0x2000  }
0x1f: {  	[sflag:s0] =	ssyncset.done @!p0 $0x0  }
0x20: {  	[sflag:s0] =	ssyncadd.s32 @!p0 $0xFFFFE000  }
0x21: {  	_ =	swait.ge @!p0 [sflag:s0], $0x2000  }
0x22: {  	[sflag:s0] =	ssyncset.done @!p0 $0x0  }
0x23: {  	[sflag:s0] =	ssyncadd.s32 @!p0 $0xFFFFE000  }
0x24: {  	_ =	swait.ge @!p0 [sflag:s0], $0x2000  }
0x25: {  	[sflag:s0] =	ssyncset.done @!p0 $0x0  }
0x26: {  	[sflag:s0] =	ssyncadd.s32 @!p0 $0xFFFFE000  }
0x27: {  	_ =	swait.ge [sflag:s21], $0x8000  }
0x28: {  	[sflag:s21] =	ssyncset.done $0x0  }
0x29: {  	[sflag:s21] =	ssyncadd.s32 $0xFFFF8000  }
0x2a: {  	_ =	swait.ge [sflag:s21], $0x2000  }
0x2b: {  	[sflag:s21] =	ssyncset.done $0x0  }
0x2c: {  	s0 =	simm.s32 $0x0;
	[sflag:s21] =	ssyncadd.s32 $0xFFFFE000  }
.LBB2_3:
0x2d: {  	s7 =	sand.u32 $0x7, s0;
	s2 =	sshll.u32 s0, $0x4  }
0x2e: {  	s8 =	sshll.u32 s7, $0x9;
	s2 =	sand.u32 $0xFFFFFF80, s2  }
0x2f: {  	s2 =	sadd.s32 s2, s8  }
0x30: {  	v0 =	vld [tilespmem:s2+$0x0]  }
0x31: {  	v2 =	vld [tilespmem:s2+$0x2000]  }
0x32: {  	v3 =	vld [tilespmem:s2+$0x3000]  }
0x33: {  	v4 =	vld [tilespmem:s2+$0x10]  }
0x34: {  	v6 =	vld [tilespmem:s2+$0x2010]  }
0x35: {  	v7 =	vld [tilespmem:s2+$0x3010]  }
0x36: {  	v8 =	vld [tilespmem:s2+$0x20]  }
0x37: {  	v10 =	vld [tilespmem:s2+$0x2020]  }
0x38: {  	v11 =	vld [tilespmem:s2+$0x3020]  }
0x39: {  	v12 =	vld [tilespmem:s2+$0x30]  }
0x3a: {  	v14 =	vld [tilespmem:s2+$0x2030]  }
0x3b: {  	s8 =	sor.u32 $0x1000, s2;
	v15 =	vld [tilespmem:s2+$0x3030]  }
0x3c: {  	s9 =	sor.u32 $0x1010, s2;
	v1 =	vld [tilespmem:s8+$0x0]  }
0x3d: {  	s31 =	sor.u32 $0x1020, s2;
	v5 =	vld [tilespmem:s9+$0x0]  }
0x3e: {  	v9 =	vld [tilespmem:s31+$0x0];
	s9 =	sor.u32 $0x1030, s2  }
0x3f: {  	v13 =	vld [tilespmem:s9+$0x0]  }
0x40: {  	v55 =	vld [tilespmem:s2+$0x10000];
	v54 =	vadd.f32 v3, v2;
	v57 =	vadd.f32 v7, v6  }
0x41: {  	v58 =	vld [tilespmem:s2+$0x10010];
	v63 =	vadd.f32 v11, v10;
	v0 =	vadd.f32 v1, v0  }
0x42: {  	v59 =	vld [tilespmem:s2+$0x10020];
	v15 =	vadd.f32 v15, v14;
	v56 =	vadd.f32 v5, v4  }
0x43: {  	v61 =	vld [tilespmem:s2+$0x10030];
	v62 =	vadd.f32 v9, v8;
	v0 =	vadd.f32 v54, v0  }
0x44: {  	v13 =	vadd.f32 v13, v12;
	v60 =	vadd.f32 v57, v56  }
0x45: {  	v16 =	vadd.f32 v63, v62;
	v0 =	vadd.f32 v0, v55  }
0x46: {  	s31 =	sshll.u32 s0, $0xA;
	v17 =	vadd.f32 v15, v13;
	v1 =	vadd.f32 v60, v58  }
0x47: {  	s7 =	sshll.u32 s7, $0xA;
	s8 =	sand.u32 $0x3FFFE000, s31;
	v2 =	vadd.f32 v16, v59;
	v0 =	vmul.f32 $2.000000030e-01, v0  }
0x48: {  	s8 =	sor.u32 s7, s8;
	v3 =	vadd.f32 v17, v61;
	v1 =	vmul.f32 $2.000000030e-01, v1  }
0x49: {  	s7 =	sadd.s32 $0x14000, s8;
	v18 =	vmul.f32 $2.000000030e-01, v2;
	[tilespmem:s8+$0x14000] =	vst v0  }
0x4a: {  	v19 =	vmul.f32 $2.000000030e-01, v3;
	[tilespmem:s7+$0x10] =	vst v1  }
0x4b: {  	[tilespmem:s7+$0x20] =	vst v18  }
0x4c: {  	[tilespmem:s7+$0x30] =	vst v19  }
0x4d: {  	s9 =	sor.u32 $0x1040, s2;
	v0 =	vld [tilespmem:s2+$0x40]  }
0x4e: {  	v1 =	vld [tilespmem:s9+$0x0]  }
0x4f: {  	v20 =	vld [tilespmem:s2+$0x2040]  }
0x50: {  	v21 =	vld [tilespmem:s2+$0x3040]  }
0x51: {  	s31 =	sor.u32 $0x1050, s2;
	v22 =	vld [tilespmem:s2+$0x50]  }
0x52: {  	v23 =	vld [tilespmem:s31+$0x0]  }
0x53: {  	v24 =	vld [tilespmem:s2+$0x2050]  }
0x54: {  	v25 =	vld [tilespmem:s2+$0x3050]  }
0x55: {  	v26 =	vld [tilespmem:s2+$0x60]  }
0x56: {  	v28 =	vld [tilespmem:s2+$0x2060]  }
0x57: {  	v29 =	vld [tilespmem:s2+$0x3060]  }
0x58: {  	v30 =	vld [tilespmem:s2+$0x70]  }
0x59: {  	v32 =	vld [tilespmem:s2+$0x2070]  }
0x5a: {  	s9 =	sor.u32 $0x1060, s2;
	v33 =	vld [tilespmem:s2+$0x3070]  }
0x5b: {  	s31 =	sor.u32 $0x1070, s2;
	v27 =	vld [tilespmem:s9+$0x0]  }
0x5c: {  	v31 =	vld [tilespmem:s31+$0x0]  }
0x5d: {  	v35 =	vld [tilespmem:s2+$0x10040];
	v0 =	vadd.f32 v1, v0;
	v34 =	vadd.f32 v21, v20  }
0x5e: {  	v38 =	vld [tilespmem:s2+$0x10050];
	v36 =	vadd.f32 v23, v22;
	v37 =	vadd.f32 v25, v24  }
0x5f: {  	v39 =	vld [tilespmem:s2+$0x10060];
	v43 =	vadd.f32 v29, v28;
	v45 =	vadd.f32 v33, v32  }
0x60: {  	v41 =	vld [tilespmem:s2+$0x10070];
	v42 =	vadd.f32 v27, v26;
	v0 =	vadd.f32 v34, v0  }
0x61: {  	v44 =	vadd.f32 v31, v30;
	v40 =	vadd.f32 v37, v36  }
0x62: {  	v46 =	vadd.f32 v43, v42;
	v0 =	vadd.f32 v0, v35  }
0x63: {  	v47 =	vadd.f32 v45, v44;
	v1 =	vadd.f32 v40, v38  }
0x64: {  	v2 =	vadd.f32 v46, v39;
	v0 =	vmul.f32 $2.000000030e-01, v0  }
0x65: {  	v3 =	vadd.f32 v47, v41;
	v1 =	vmul.f32 $2.000000030e-01, v1  }
0x66: {  	v48 =	vmul.f32 $2.000000030e-01, v2;
	[tilespmem:s7+$0x40] =	vst v0  }
0x67: {  	v49 =	vmul.f32 $2.000000030e-01, v3;
	[tilespmem:s7+$0x50] =	vst v1  }
0x68: {  	[tilespmem:s7+$0x60] =	vst v48  }
0x69: {  	[tilespmem:s7+$0x70] =	vst v49  }
0x6a: {  	v0 =	vld [tilespmem:s2+$0x4000]  }
0x6b: {  	v1 =	vld [tilespmem:s2+$0x5000]  }
0x6c: {  	v50 =	vld [tilespmem:s2+$0x6000]  }
0x6d: {  	v51 =	vld [tilespmem:s2+$0x7000]  }
0x6e: {  	v52 =	vld [tilespmem:s2+$0x4010]  }
0x6f: {  	v53 =	vld [tilespmem:s2+$0x5010]  }
0x70: {  	v54 =	vld [tilespmem:s2+$0x6010]  }
0x71: {  	v55 =	vld [tilespmem:s2+$0x7010]  }
0x72: {  	v56 =	vld [tilespmem:s2+$0x4020]  }
0x73: {  	v57 =	vld [tilespmem:s2+$0x5020]  }
0x74: {  	v58 =	vld [tilespmem:s2+$0x6020]  }
0x75: {  	v59 =	vld [tilespmem:s2+$0x7020]  }
0x76: {  	v60 =	vld [tilespmem:s2+$0x4030]  }
0x77: {  	v61 =	vld [tilespmem:s2+$0x5030]  }
0x78: {  	v62 =	vld [tilespmem:s2+$0x6030]  }
0x79: {  	v63 =	vld [tilespmem:s2+$0x7030]  }
0x7a: {  	v19 =	vld [tilespmem:s2+$0x11000];
	v0 =	vadd.f32 v1, v0;
	v18 =	vadd.f32 v51, v50  }
0x7b: {  	v22 =	vld [tilespmem:s2+$0x11010];
	v20 =	vadd.f32 v53, v52;
	v21 =	vadd.f32 v55, v54  }
0x7c: {  	v23 =	vld [tilespmem:s2+$0x11020];
	v26 =	vadd.f32 v57, v56;
	v27 =	vadd.f32 v59, v58  }
0x7d: {  	v25 =	vld [tilespmem:s2+$0x11030];
	v28 =	vadd.f32 v61, v60;
	v0 =	vadd.f32 v18, v0  }
0x7e: {  	v29 =	vadd.f32 v63, v62;
	v24 =	vadd.f32 v21, v20  }
0x7f: {  	v30 =	vadd.f32 v27, v26;
	v0 =	vadd.f32 v0, v19  }
0x80: {  	v31 =	vadd.f32 v29, v28;
	v1 =	vadd.f32 v24, v22  }
0x81: {  	v2 =	vadd.f32 v30, v23;
	v0 =	vmul.f32 $2.000000030e-01, v0  }
0x82: {  	v3 =	vadd.f32 v31, v25;
	v1 =	vmul.f32 $2.000000030e-01, v1  }
0x83: {  	v32 =	vmul.f32 $2.000000030e-01, v2;
	[tilespmem:s7+$0x80] =	vst v0  }
0x84: {  	v33 =	vmul.f32 $2.000000030e-01, v3;
	[tilespmem:s7+$0x90] =	vst v1  }
0x85: {  	[tilespmem:s7+$0xA0] =	vst v32  }
0x86: {  	[tilespmem:s7+$0xB0] =	vst v33  }
0x87: {  	v0 =	vld [tilespmem:s2+$0x4040]  }
0x88: {  	v1 =	vld [tilespmem:s2+$0x5040]  }
0x89: {  	v34 =	vld [tilespmem:s2+$0x6040]  }
0x8a: {  	v35 =	vld [tilespmem:s2+$0x7040]  }
0x8b: {  	v36 =	vld [tilespmem:s2+$0x4050]  }
0x8c: {  	v37 =	vld [tilespmem:s2+$0x5050]  }
0x8d: {  	v38 =	vld [tilespmem:s2+$0x6050]  }
0x8e: {  	v39 =	vld [tilespmem:s2+$0x7050]  }
0x8f: {  	v40 =	vld [tilespmem:s2+$0x4060]  }
0x90: {  	v41 =	vld [tilespmem:s2+$0x5060]  }
0x91: {  	v42 =	vld [tilespmem:s2+$0x6060]  }
0x92: {  	v43 =	vld [tilespmem:s2+$0x7060]  }
0x93: {  	v44 =	vld [tilespmem:s2+$0x4070]  }
0x94: {  	v45 =	vld [tilespmem:s2+$0x5070]  }
0x95: {  	v46 =	vld [tilespmem:s2+$0x6070]  }
0x96: {  	v47 =	vld [tilespmem:s2+$0x7070]  }
0x97: {  	v49 =	vld [tilespmem:s2+$0x11040];
	v0 =	vadd.f32 v1, v0;
	v48 =	vadd.f32 v35, v34  }
0x98: {  	v52 =	vld [tilespmem:s2+$0x11050];
	v50 =	vadd.f32 v37, v36;
	v51 =	vadd.f32 v39, v38  }
0x99: {  	v53 =	vld [tilespmem:s2+$0x11060];
	v56 =	vadd.f32 v41, v40;
	v57 =	vadd.f32 v43, v42  }
0x9a: {  	v55 =	vld [tilespmem:s2+$0x11070];
	v58 =	vadd.f32 v45, v44;
	v0 =	vadd.f32 v48, v0  }
0x9b: {  	v59 =	vadd.f32 v47, v46;
	v54 =	vadd.f32 v51, v50  }
0x9c: {  	v60 =	vadd.f32 v57, v56;
	v0 =	vadd.f32 v0, v49  }
0x9d: {  	v61 =	vadd.f32 v59, v58;
	v1 =	vadd.f32 v54, v52  }
0x9e: {  	p0 =	sne.s32 s0, $0x1F;
	v2 =	vadd.f32 v60, v53;
	v0 =	vmul.f32 $2.000000030e-01, v0  }
.Ltmp0:
0x9f: {  	v3 =	vadd.f32 v61, v55;
	v1 =	vmul.f32 $2.000000030e-01, v1;
	(pc) =	sbr.rel @p0 .LBB2_3-.Ltmp0, $4  }
0xa0: {  	v62 =	vmul.f32 $2.000000030e-01, v2;
	[tilespmem:s7+$0xC0] =	vst v0  }
0xa1: {  	v63 =	vmul.f32 $2.000000030e-01, v3;
	[tilespmem:s7+$0xD0] =	vst v1  }
0xa2: {  	[tilespmem:s7+$0xE0] =	vst v62  }
0xa3: {  	s0 =	sadd.s32 $0x1, s0;
	[tilespmem:s7+$0xF0] =	vst v63  }
0xa4: {  	s31 =	sshll.u32 s30, $0x3  }
0xa5: {  	s0 =	sor.u32 s31, s5  }
0xa6: {  	s7 =	sor.u32 $0x4, s0  }
0xa7: {  	s2 =	sshll.u32 s7, $0xB  }
0xa8: {  	s7 =	sshll.u32 s7, $0x9;
	s2 =	sand.u32 $0x1FFFE000, s2  }
0xa9: {  	s7 =	sand.u32 $0x1FFFF800, s7;
	s8 =	sadd.s32 s2, s6;
	s2 =	simm.s32 $0x0  }
0xaa: {  	[tilespmem:s2], [sflag:$0x1] =	stream.linear.gather [hbm4b:s8+s2], $0x8000, $0x38;
	[tilespmem:$0x1C000] =	vst v63  }
0xab: {  	s7 =	sadd.s32 s1, s7  }
0xac: {  	[tilespmem:s18], [sflag:$0x1] =	stream.linear.gather [hbm4b:s7+s2], $0x2000, $0x38;
	[tilespmem:$0x1C000] =	vst v63  }
0xad: {  	_ =	swait.ge [sflag:s22], $0x8000  }
0xae: {  	[sflag:s22] =	ssyncset.done $0x0  }
0xaf: {  	[sflag:s22] =	ssyncadd.s32 $0xFFFF8000  }
0xb0: {  	_ =	swait.ge [sflag:s22], $0x2000  }
0xb1: {  	[sflag:s22] =	ssyncset.done $0x0  }
0xb2: {  	[sflag:s22] =	ssyncadd.s32 $0xFFFFE000  }
.LBB2_5:
0xb3: {  	s8 =	sand.u32 $0x7, s2;
	s7 =	sshll.u32 s2, $0x4  }
0xb4: {  	s9 =	sshll.u32 s8, $0x9;
	s7 =	sand.u32 $0xFFFFFF80, s7  }
0xb5: {  	s7 =	sadd.s32 s7, s9  }
0xb6: {  	v0 =	vld [tilespmem:s7+$0x8000]  }
0xb7: {  	v1 =	vld [tilespmem:s7+$0x9000]  }
0xb8: {  	v2 =	vld [tilespmem:s7+$0xA000]  }
0xb9: {  	v3 =	vld [tilespmem:s7+$0xB000]  }
0xba: {  	v4 =	vld [tilespmem:s7+$0x8010]  }
0xbb: {  	v5 =	vld [tilespmem:s7+$0x9010]  }
0xbc: {  	v6 =	vld [tilespmem:s7+$0xA010]  }
0xbd: {  	v7 =	vld [tilespmem:s7+$0xB010]  }
0xbe: {  	v8 =	vld [tilespmem:s7+$0x8020]  }
0xbf: {  	v9 =	vld [tilespmem:s7+$0x9020]  }
0xc0: {  	v10 =	vld [tilespmem:s7+$0xA020]  }
0xc1: {  	v11 =	vld [tilespmem:s7+$0xB020]  }
0xc2: {  	v12 =	vld [tilespmem:s7+$0x8030]  }
0xc3: {  	v13 =	vld [tilespmem:s7+$0x9030]  }
0xc4: {  	v14 =	vld [tilespmem:s7+$0xA030]  }
0xc5: {  	v15 =	vld [tilespmem:s7+$0xB030]  }
0xc6: {  	v55 =	vld [tilespmem:s7+$0x12000];
	v0 =	vadd.f32 v1, v0;
	v54 =	vadd.f32 v3, v2  }
0xc7: {  	v58 =	vld [tilespmem:s7+$0x12010];
	v56 =	vadd.f32 v5, v4;
	v57 =	vadd.f32 v7, v6  }
0xc8: {  	v59 =	vld [tilespmem:s7+$0x12020];
	v62 =	vadd.f32 v9, v8;
	v63 =	vadd.f32 v11, v10  }
0xc9: {  	v61 =	vld [tilespmem:s7+$0x12030];
	v13 =	vadd.f32 v13, v12;
	v0 =	vadd.f32 v54, v0  }
0xca: {  	v15 =	vadd.f32 v15, v14;
	v60 =	vadd.f32 v57, v56  }
0xcb: {  	s9 =	sshll.u32 s2, $0xA;
	v16 =	vadd.f32 v63, v62;
	v0 =	vadd.f32 v0, v55  }
0xcc: {  	s8 =	sshll.u32 s8, $0xA;
	s9 =	sand.u32 $0x3FFFE000, s9;
	v17 =	vadd.f32 v15, v13;
	v1 =	vadd.f32 v60, v58  }
0xcd: {  	s8 =	sor.u32 s8, s9;
	v2 =	vadd.f32 v16, v59;
	v0 =	vmul.f32 $2.000000030e-01, v0  }
0xce: {  	s8 =	sadd.s32 $0x14000, s8;
	v3 =	vadd.f32 v17, v61;
	v1 =	vmul.f32 $2.000000030e-01, v1  }
0xcf: {  	v18 =	vmul.f32 $2.000000030e-01, v2;
	[tilespmem:s8+$0x100] =	vst v0  }
0xd0: {  	v19 =	vmul.f32 $2.000000030e-01, v3;
	[tilespmem:s8+$0x110] =	vst v1  }
0xd1: {  	[tilespmem:s8+$0x120] =	vst v18  }
0xd2: {  	[tilespmem:s8+$0x130] =	vst v19  }
0xd3: {  	v0 =	vld [tilespmem:s7+$0x8040]  }
0xd4: {  	v1 =	vld [tilespmem:s7+$0x9040]  }
0xd5: {  	v20 =	vld [tilespmem:s7+$0xA040]  }
0xd6: {  	v21 =	vld [tilespmem:s7+$0xB040]  }
0xd7: {  	v22 =	vld [tilespmem:s7+$0x8050]  }
0xd8: {  	v23 =	vld [tilespmem:s7+$0x9050]  }
0xd9: {  	v24 =	vld [tilespmem:s7+$0xA050]  }
0xda: {  	v25 =	vld [tilespmem:s7+$0xB050]  }
0xdb: {  	v26 =	vld [tilespmem:s7+$0x8060]  }
0xdc: {  	v27 =	vld [tilespmem:s7+$0x9060]  }
0xdd: {  	v28 =	vld [tilespmem:s7+$0xA060]  }
0xde: {  	v29 =	vld [tilespmem:s7+$0xB060]  }
0xdf: {  	v30 =	vld [tilespmem:s7+$0x8070]  }
0xe0: {  	v31 =	vld [tilespmem:s7+$0x9070]  }
0xe1: {  	v32 =	vld [tilespmem:s7+$0xA070]  }
0xe2: {  	v33 =	vld [tilespmem:s7+$0xB070]  }
0xe3: {  	v35 =	vld [tilespmem:s7+$0x12040];
	v0 =	vadd.f32 v1, v0;
	v34 =	vadd.f32 v21, v20  }
0xe4: {  	v38 =	vld [tilespmem:s7+$0x12050];
	v36 =	vadd.f32 v23, v22;
	v37 =	vadd.f32 v25, v24  }
0xe5: {  	v39 =	vld [tilespmem:s7+$0x12060];
	v42 =	vadd.f32 v27, v26;
	v43 =	vadd.f32 v29, v28  }
0xe6: {  	v41 =	vld [tilespmem:s7+$0x12070];
	v44 =	vadd.f32 v31, v30;
	v0 =	vadd.f32 v34, v0  }
0xe7: {  	v45 =	vadd.f32 v33, v32;
	v40 =	vadd.f32 v37, v36  }
0xe8: {  	v46 =	vadd.f32 v43, v42;
	v0 =	vadd.f32 v0, v35  }
0xe9: {  	v47 =	vadd.f32 v45, v44;
	v1 =	vadd.f32 v40, v38  }
0xea: {  	v2 =	vadd.f32 v46, v39;
	v0 =	vmul.f32 $2.000000030e-01, v0  }
0xeb: {  	v3 =	vadd.f32 v47, v41;
	v1 =	vmul.f32 $2.000000030e-01, v1  }
0xec: {  	v48 =	vmul.f32 $2.000000030e-01, v2;
	[tilespmem:s8+$0x140] =	vst v0  }
0xed: {  	v49 =	vmul.f32 $2.000000030e-01, v3;
	[tilespmem:s8+$0x150] =	vst v1  }
0xee: {  	[tilespmem:s8+$0x160] =	vst v48  }
0xef: {  	[tilespmem:s8+$0x170] =	vst v49  }
0xf0: {  	v0 =	vld [tilespmem:s7+$0xC000]  }
0xf1: {  	v1 =	vld [tilespmem:s7+$0xD000]  }
0xf2: {  	v50 =	vld [tilespmem:s7+$0xE000]  }
0xf3: {  	v51 =	vld [tilespmem:s7+$0xF000]  }
0xf4: {  	v52 =	vld [tilespmem:s7+$0xC010]  }
0xf5: {  	v53 =	vld [tilespmem:s7+$0xD010]  }
0xf6: {  	v54 =	vld [tilespmem:s7+$0xE010]  }
0xf7: {  	v55 =	vld [tilespmem:s7+$0xF010]  }
0xf8: {  	v56 =	vld [tilespmem:s7+$0xC020]  }
0xf9: {  	v57 =	vld [tilespmem:s7+$0xD020]  }
0xfa: {  	v58 =	vld [tilespmem:s7+$0xE020]  }
0xfb: {  	v59 =	vld [tilespmem:s7+$0xF020]  }
0xfc: {  	v60 =	vld [tilespmem:s7+$0xC030]  }
0xfd: {  	v61 =	vld [tilespmem:s7+$0xD030]  }
0xfe: {  	v62 =	vld [tilespmem:s7+$0xE030]  }
0xff: {  	v63 =	vld [tilespmem:s7+$0xF030]  }
0x100: {  	v19 =	vld [tilespmem:s7+$0x13000];
	v0 =	vadd.f32 v1, v0;
	v18 =	vadd.f32 v51, v50  }
0x101: {  	v22 =	vld [tilespmem:s7+$0x13010];
	v20 =	vadd.f32 v53, v52;
	v21 =	vadd.f32 v55, v54  }
0x102: {  	v23 =	vld [tilespmem:s7+$0x13020];
	v26 =	vadd.f32 v57, v56;
	v27 =	vadd.f32 v59, v58  }
0x103: {  	v25 =	vld [tilespmem:s7+$0x13030];
	v28 =	vadd.f32 v61, v60;
	v0 =	vadd.f32 v18, v0  }
0x104: {  	v29 =	vadd.f32 v63, v62;
	v24 =	vadd.f32 v21, v20  }
0x105: {  	v30 =	vadd.f32 v27, v26;
	v0 =	vadd.f32 v0, v19  }
0x106: {  	v31 =	vadd.f32 v29, v28;
	v1 =	vadd.f32 v24, v22  }
0x107: {  	v2 =	vadd.f32 v30, v23;
	v0 =	vmul.f32 $2.000000030e-01, v0  }
0x108: {  	v3 =	vadd.f32 v31, v25;
	v1 =	vmul.f32 $2.000000030e-01, v1  }
0x109: {  	v32 =	vmul.f32 $2.000000030e-01, v2;
	[tilespmem:s8+$0x180] =	vst v0  }
0x10a: {  	v33 =	vmul.f32 $2.000000030e-01, v3;
	[tilespmem:s8+$0x190] =	vst v1  }
0x10b: {  	[tilespmem:s8+$0x1A0] =	vst v32  }
0x10c: {  	[tilespmem:s8+$0x1B0] =	vst v33  }
0x10d: {  	v0 =	vld [tilespmem:s7+$0xC040]  }
0x10e: {  	v1 =	vld [tilespmem:s7+$0xD040]  }
0x10f: {  	v34 =	vld [tilespmem:s7+$0xE040]  }
0x110: {  	v35 =	vld [tilespmem:s7+$0xF040]  }
0x111: {  	v36 =	vld [tilespmem:s7+$0xC050]  }
0x112: {  	v37 =	vld [tilespmem:s7+$0xD050]  }
0x113: {  	v38 =	vld [tilespmem:s7+$0xE050]  }
0x114: {  	v39 =	vld [tilespmem:s7+$0xF050]  }
0x115: {  	v40 =	vld [tilespmem:s7+$0xC060]  }
0x116: {  	v41 =	vld [tilespmem:s7+$0xD060]  }
0x117: {  	v42 =	vld [tilespmem:s7+$0xE060]  }
0x118: {  	v43 =	vld [tilespmem:s7+$0xF060]  }
0x119: {  	v44 =	vld [tilespmem:s7+$0xC070]  }
0x11a: {  	v45 =	vld [tilespmem:s7+$0xD070]  }
0x11b: {  	v46 =	vld [tilespmem:s7+$0xE070]  }
0x11c: {  	v47 =	vld [tilespmem:s7+$0xF070]  }
0x11d: {  	v49 =	vld [tilespmem:s7+$0x13040];
	v0 =	vadd.f32 v1, v0;
	v48 =	vadd.f32 v35, v34  }
0x11e: {  	v52 =	vld [tilespmem:s7+$0x13050];
	v50 =	vadd.f32 v37, v36;
	v51 =	vadd.f32 v39, v38  }
0x11f: {  	v53 =	vld [tilespmem:s7+$0x13060];
	v56 =	vadd.f32 v41, v40;
	v57 =	vadd.f32 v43, v42  }
0x120: {  	v55 =	vld [tilespmem:s7+$0x13070];
	v58 =	vadd.f32 v45, v44;
	v0 =	vadd.f32 v48, v0  }
0x121: {  	v59 =	vadd.f32 v47, v46;
	v54 =	vadd.f32 v51, v50  }
0x122: {  	v60 =	vadd.f32 v57, v56;
	v0 =	vadd.f32 v0, v49  }
0x123: {  	v61 =	vadd.f32 v59, v58;
	v1 =	vadd.f32 v54, v52  }
0x124: {  	p0 =	sne.s32 s2, $0x1F;
	v2 =	vadd.f32 v60, v53;
	v0 =	vmul.f32 $2.000000030e-01, v0  }
.Ltmp1:
0x125: {  	v3 =	vadd.f32 v61, v55;
	v1 =	vmul.f32 $2.000000030e-01, v1;
	(pc) =	sbr.rel @p0 .LBB2_5-.Ltmp1, $4  }
0x126: {  	v62 =	vmul.f32 $2.000000030e-01, v2;
	[tilespmem:s8+$0x1C0] =	vst v0  }
0x127: {  	v63 =	vmul.f32 $2.000000030e-01, v3;
	[tilespmem:s8+$0x1D0] =	vst v1  }
0x128: {  	[tilespmem:s8+$0x1E0] =	vst v62  }
0x129: {  	s2 =	sadd.s32 $0x1, s2;
	[tilespmem:s8+$0x1F0] =	vst v63  }
0x12a: {  	s2 =	sor.u32 $0x6, s0  }
0x12b: {  	s0 =	sshll.u32 s2, $0xB  }
0x12c: {  	s2 =	sshll.u32 s2, $0x9;
	s0 =	sand.u32 $0x1FFFF000, s0  }
0x12d: {  	s2 =	sand.u32 $0x1FFFFC00, s2;
	s7 =	sadd.s32 s0, s6;
	s0 =	simm.s32 $0x0  }
0x12e: {  	[tilespmem:s19], [sflag:$0x2] =	stream.linear.gather [hbm4b:s7+s0], $0x8000, $0x38;
	[tilespmem:$0x1C000] =	vst v63  }
0x12f: {  	s2 =	sadd.s32 s1, s2  }
0x130: {  	[tilespmem:s20], [sflag:$0x2] =	stream.linear.gather [hbm4b:s2+s0], $0x2000, $0x38;
	[tilespmem:$0x1C000] =	vst v63  }
0x131: {  	_ =	swait.ge [sflag:s21], $0x8000  }
0x132: {  	[sflag:s21] =	ssyncset.done $0x0  }
0x133: {  	[sflag:s21] =	ssyncadd.s32 $0xFFFF8000  }
0x134: {  	_ =	swait.ge [sflag:s21], $0x2000  }
0x135: {  	[sflag:s21] =	ssyncset.done $0x0  }
0x136: {  	[sflag:s21] =	ssyncadd.s32 $0xFFFFE000  }
.LBB2_7:
0x137: {  	s7 =	sand.u32 $0x7, s0;
	s2 =	sshll.u32 s0, $0x4  }
0x138: {  	s8 =	sshll.u32 s7, $0x9;
	s2 =	sand.u32 $0xFFFFFF80, s2  }
0x139: {  	s2 =	sadd.s32 s2, s8  }
0x13a: {  	v0 =	vld [tilespmem:s2+$0x0]  }
0x13b: {  	v2 =	vld [tilespmem:s2+$0x2000]  }
0x13c: {  	v3 =	vld [tilespmem:s2+$0x3000]  }
0x13d: {  	v4 =	vld [tilespmem:s2+$0x10]  }
0x13e: {  	v6 =	vld [tilespmem:s2+$0x2010]  }
0x13f: {  	v7 =	vld [tilespmem:s2+$0x3010]  }
0x140: {  	v8 =	vld [tilespmem:s2+$0x20]  }
0x141: {  	v10 =	vld [tilespmem:s2+$0x2020]  }
0x142: {  	v11 =	vld [tilespmem:s2+$0x3020]  }
0x143: {  	v12 =	vld [tilespmem:s2+$0x30]  }
0x144: {  	v14 =	vld [tilespmem:s2+$0x2030]  }
0x145: {  	s8 =	sor.u32 $0x1000, s2;
	v15 =	vld [tilespmem:s2+$0x3030]  }
0x146: {  	s9 =	sor.u32 $0x1010, s2;
	v1 =	vld [tilespmem:s8+$0x0]  }
0x147: {  	v5 =	vld [tilespmem:s9+$0x0];
	s9 =	sor.u32 $0x1020, s2  }
0x148: {  	v9 =	vld [tilespmem:s9+$0x0];
	s9 =	sor.u32 $0x1030, s2  }
0x149: {  	v13 =	vld [tilespmem:s9+$0x0]  }
0x14a: {  	v55 =	vld [tilespmem:s2+$0x10000];
	v54 =	vadd.f32 v3, v2;
	v57 =	vadd.f32 v7, v6  }
0x14b: {  	v58 =	vld [tilespmem:s2+$0x10010];
	v63 =	vadd.f32 v11, v10;
	v0 =	vadd.f32 v1, v0  }
0x14c: {  	v59 =	vld [tilespmem:s2+$0x10020];
	v15 =	vadd.f32 v15, v14;
	v56 =	vadd.f32 v5, v4  }
0x14d: {  	v61 =	vld [tilespmem:s2+$0x10030];
	v62 =	vadd.f32 v9, v8;
	v0 =	vadd.f32 v54, v0  }
0x14e: {  	v60 =	vadd.f32 v57, v56;
	v13 =	vadd.f32 v13, v12  }
0x14f: {  	s9 =	sshll.u32 s0, $0xA;
	v16 =	vadd.f32 v63, v62;
	v0 =	vadd.f32 v0, v55  }
0x150: {  	s7 =	sshll.u32 s7, $0xA;
	s8 =	sand.u32 $0x3FFFE000, s9;
	v1 =	vadd.f32 v60, v58;
	v17 =	vadd.f32 v15, v13  }
0x151: {  	s7 =	sor.u32 s7, s8;
	v2 =	vadd.f32 v16, v59;
	v0 =	vmul.f32 $2.000000030e-01, v0  }
0x152: {  	s7 =	sadd.s32 $0x14000, s7;
	v1 =	vmul.f32 $2.000000030e-01, v1;
	v3 =	vadd.f32 v17, v61  }
0x153: {  	v18 =	vmul.f32 $2.000000030e-01, v2;
	[tilespmem:s7+$0x200] =	vst v0  }
0x154: {  	[tilespmem:s7+$0x210] =	vst v1;
	v19 =	vmul.f32 $2.000000030e-01, v3  }
0x155: {  	[tilespmem:s7+$0x220] =	vst v18  }
0x156: {  	[tilespmem:s7+$0x230] =	vst v19  }
0x157: {  	s9 =	sor.u32 $0x1040, s2;
	v0 =	vld [tilespmem:s2+$0x40]  }
0x158: {  	v1 =	vld [tilespmem:s9+$0x0]  }
0x159: {  	v20 =	vld [tilespmem:s2+$0x2040]  }
0x15a: {  	v21 =	vld [tilespmem:s2+$0x3040]  }
0x15b: {  	v22 =	vld [tilespmem:s2+$0x50]  }
0x15c: {  	v24 =	vld [tilespmem:s2+$0x2050]  }
0x15d: {  	v25 =	vld [tilespmem:s2+$0x3050]  }
0x15e: {  	v26 =	vld [tilespmem:s2+$0x60]  }
0x15f: {  	v28 =	vld [tilespmem:s2+$0x2060]  }
0x160: {  	v29 =	vld [tilespmem:s2+$0x3060]  }
0x161: {  	v30 =	vld [tilespmem:s2+$0x70]  }
0x162: {  	v32 =	vld [tilespmem:s2+$0x2070]  }
0x163: {  	s9 =	sor.u32 $0x1050, s2;
	v33 =	vld [tilespmem:s2+$0x3070]  }
0x164: {  	v23 =	vld [tilespmem:s9+$0x0];
	s9 =	sor.u32 $0x1060, s2  }
0x165: {  	v27 =	vld [tilespmem:s9+$0x0];
	s9 =	sor.u32 $0x1070, s2  }
0x166: {  	v31 =	vld [tilespmem:s9+$0x0]  }
0x167: {  	v35 =	vld [tilespmem:s2+$0x10040];
	v0 =	vadd.f32 v1, v0;
	v34 =	vadd.f32 v21, v20  }
0x168: {  	v38 =	vld [tilespmem:s2+$0x10050];
	v37 =	vadd.f32 v25, v24;
	v43 =	vadd.f32 v29, v28  }
0x169: {  	v39 =	vld [tilespmem:s2+$0x10060];
	v45 =	vadd.f32 v33, v32;
	v36 =	vadd.f32 v23, v22  }
0x16a: {  	v41 =	vld [tilespmem:s2+$0x10070];
	v0 =	vadd.f32 v34, v0;
	v42 =	vadd.f32 v27, v26  }
0x16b: {  	v40 =	vadd.f32 v37, v36;
	v44 =	vadd.f32 v31, v30  }
0x16c: {  	v0 =	vadd.f32 v0, v35;
	v46 =	vadd.f32 v43, v42  }
0x16d: {  	v1 =	vadd.f32 v40, v38;
	v47 =	vadd.f32 v45, v44  }
0x16e: {  	v0 =	vmul.f32 $2.000000030e-01, v0;
	v2 =	vadd.f32 v46, v39  }
0x16f: {  	v1 =	vmul.f32 $2.000000030e-01, v1;
	v3 =	vadd.f32 v47, v41  }
0x170: {  	[tilespmem:s7+$0x240] =	vst v0;
	v48 =	vmul.f32 $2.000000030e-01, v2  }
0x171: {  	[tilespmem:s7+$0x250] =	vst v1;
	v49 =	vmul.f32 $2.000000030e-01, v3  }
0x172: {  	[tilespmem:s7+$0x260] =	vst v48  }
0x173: {  	[tilespmem:s7+$0x270] =	vst v49  }
0x174: {  	v0 =	vld [tilespmem:s2+$0x4000]  }
0x175: {  	v1 =	vld [tilespmem:s2+$0x5000]  }
0x176: {  	v50 =	vld [tilespmem:s2+$0x6000]  }
0x177: {  	v51 =	vld [tilespmem:s2+$0x7000]  }
0x178: {  	v52 =	vld [tilespmem:s2+$0x4010]  }
0x179: {  	v53 =	vld [tilespmem:s2+$0x5010]  }
0x17a: {  	v54 =	vld [tilespmem:s2+$0x6010]  }
0x17b: {  	v55 =	vld [tilespmem:s2+$0x7010]  }
0x17c: {  	v56 =	vld [tilespmem:s2+$0x4020]  }
0x17d: {  	v57 =	vld [tilespmem:s2+$0x5020]  }
0x17e: {  	v58 =	vld [tilespmem:s2+$0x6020]  }
0x17f: {  	v59 =	vld [tilespmem:s2+$0x7020]  }
0x180: {  	v60 =	vld [tilespmem:s2+$0x4030]  }
0x181: {  	v61 =	vld [tilespmem:s2+$0x5030]  }
0x182: {  	v62 =	vld [tilespmem:s2+$0x6030]  }
0x183: {  	v63 =	vld [tilespmem:s2+$0x7030]  }
0x184: {  	v19 =	vld [tilespmem:s2+$0x11000];
	v0 =	vadd.f32 v1, v0;
	v18 =	vadd.f32 v51, v50  }
0x185: {  	v22 =	vld [tilespmem:s2+$0x11010];
	v20 =	vadd.f32 v53, v52;
	v21 =	vadd.f32 v55, v54  }
0x186: {  	v23 =	vld [tilespmem:s2+$0x11020];
	v26 =	vadd.f32 v57, v56;
	v27 =	vadd.f32 v59, v58  }
0x187: {  	v25 =	vld [tilespmem:s2+$0x11030];
	v28 =	vadd.f32 v61, v60;
	v0 =	vadd.f32 v18, v0  }
0x188: {  	v29 =	vadd.f32 v63, v62;
	v24 =	vadd.f32 v21, v20  }
0x189: {  	v30 =	vadd.f32 v27, v26;
	v0 =	vadd.f32 v0, v19  }
0x18a: {  	v31 =	vadd.f32 v29, v28;
	v1 =	vadd.f32 v24, v22  }
0x18b: {  	v2 =	vadd.f32 v30, v23;
	v0 =	vmul.f32 $2.000000030e-01, v0  }
0x18c: {  	v3 =	vadd.f32 v31, v25;
	v1 =	vmul.f32 $2.000000030e-01, v1  }
0x18d: {  	v32 =	vmul.f32 $2.000000030e-01, v2;
	[tilespmem:s7+$0x280] =	vst v0  }
0x18e: {  	v33 =	vmul.f32 $2.000000030e-01, v3;
	[tilespmem:s7+$0x290] =	vst v1  }
0x18f: {  	[tilespmem:s7+$0x2A0] =	vst v32  }
0x190: {  	[tilespmem:s7+$0x2B0] =	vst v33  }
0x191: {  	v0 =	vld [tilespmem:s2+$0x4040]  }
0x192: {  	v1 =	vld [tilespmem:s2+$0x5040]  }
0x193: {  	v34 =	vld [tilespmem:s2+$0x6040]  }
0x194: {  	v35 =	vld [tilespmem:s2+$0x7040]  }
0x195: {  	v36 =	vld [tilespmem:s2+$0x4050]  }
0x196: {  	v37 =	vld [tilespmem:s2+$0x5050]  }
0x197: {  	v38 =	vld [tilespmem:s2+$0x6050]  }
0x198: {  	v39 =	vld [tilespmem:s2+$0x7050]  }
0x199: {  	v40 =	vld [tilespmem:s2+$0x4060]  }
0x19a: {  	v41 =	vld [tilespmem:s2+$0x5060]  }
0x19b: {  	v42 =	vld [tilespmem:s2+$0x6060]  }
0x19c: {  	v43 =	vld [tilespmem:s2+$0x7060]  }
0x19d: {  	v44 =	vld [tilespmem:s2+$0x4070]  }
0x19e: {  	v45 =	vld [tilespmem:s2+$0x5070]  }
0x19f: {  	v46 =	vld [tilespmem:s2+$0x6070]  }
0x1a0: {  	v47 =	vld [tilespmem:s2+$0x7070]  }
0x1a1: {  	v49 =	vld [tilespmem:s2+$0x11040];
	v0 =	vadd.f32 v1, v0;
	v48 =	vadd.f32 v35, v34  }
0x1a2: {  	v52 =	vld [tilespmem:s2+$0x11050];
	v50 =	vadd.f32 v37, v36;
	v51 =	vadd.f32 v39, v38  }
0x1a3: {  	v53 =	vld [tilespmem:s2+$0x11060];
	v56 =	vadd.f32 v41, v40;
	v57 =	vadd.f32 v43, v42  }
0x1a4: {  	v55 =	vld [tilespmem:s2+$0x11070];
	v58 =	vadd.f32 v45, v44;
	v0 =	vadd.f32 v48, v0  }
0x1a5: {  	v59 =	vadd.f32 v47, v46;
	v54 =	vadd.f32 v51, v50  }
0x1a6: {  	v60 =	vadd.f32 v57, v56;
	v0 =	vadd.f32 v0, v49  }
0x1a7: {  	v61 =	vadd.f32 v59, v58;
	v1 =	vadd.f32 v54, v52  }
0x1a8: {  	p0 =	sne.s32 s0, $0x1F;
	v2 =	vadd.f32 v60, v53;
	v0 =	vmul.f32 $2.000000030e-01, v0  }
.Ltmp2:
0x1a9: {  	v3 =	vadd.f32 v61, v55;
	v1 =	vmul.f32 $2.000000030e-01, v1;
	(pc) =	sbr.rel @p0 .LBB2_7-.Ltmp2, $4  }
0x1aa: {  	v62 =	vmul.f32 $2.000000030e-01, v2;
	[tilespmem:s7+$0x2C0] =	vst v0  }
0x1ab: {  	v63 =	vmul.f32 $2.000000030e-01, v3;
	[tilespmem:s7+$0x2D0] =	vst v1  }
0x1ac: {  	[tilespmem:s7+$0x2E0] =	vst v62  }
0x1ad: {  	s0 =	sadd.s32 $0x1, s0;
	[tilespmem:s7+$0x2F0] =	vst v63  }
0x1ae: {  	p0 =	seq.s32 s30, $0x7  }
0x1af: {  	s0 =	sadd.s32 @!p0 s31, s11  }
0x1b0: {  	s2 =	sshll.u32 @!p0 s0, $0xB  }
0x1b1: {  	s0 =	sshll.u32 @!p0 s0, $0x9;
	s2 =	sand.u32 @!p0 $0x1FFFC000, s2  }
0x1b2: {  	s7 =	simm.s32 @!p0 $0x0;
	s0 =	sand.u32 @!p0 $0x1FFFF000, s0;
	s2 =	sadd.s32 @!p0 s2, s6  }
0x1b3: {  	[tilespmem:s7], [sflag:$0x1] =	stream.linear.gather @!p0 [hbm4b:s2+s7], $0x8000, $0x38;
	[tilespmem:$0x1C000] =	vst v63  }
0x1b4: {  	s0 =	sadd.s32 @!p0 s1, s0;
	s2 =	simm.s32 @!p0 $0x10000  }
0x1b5: {  	[tilespmem:s2], [sflag:$0x1] =	stream.linear.gather @!p0 [hbm4b:s0+s7], $0x2000, $0x38;
	[tilespmem:$0x1C000] =	vst v63  }
0x1b6: {  	_ =	swait.ge [sflag:s22], $0x8000  }
0x1b7: {  	[sflag:s22] =	ssyncset.done $0x0  }
0x1b8: {  	[sflag:s22] =	ssyncadd.s32 $0xFFFF8000  }
0x1b9: {  	_ =	swait.ge [sflag:s22], $0x2000  }
0x1ba: {  	[sflag:s22] =	ssyncset.done $0x0  }
0x1bb: {  	s0 =	simm.s32 $0x0;
	[sflag:s22] =	ssyncadd.s32 $0xFFFFE000  }
.LBB2_9:
0x1bc: {  	s7 =	sand.u32 $0x7, s0;
	s2 =	sshll.u32 s0, $0x4  }
0x1bd: {  	s8 =	sshll.u32 s7, $0x9;
	s2 =	sand.u32 $0xFFFFFF80, s2  }
0x1be: {  	s2 =	sadd.s32 s2, s8  }
0x1bf: {  	v0 =	vld [tilespmem:s2+$0x8000]  }
0x1c0: {  	v1 =	vld [tilespmem:s2+$0x9000]  }
0x1c1: {  	v2 =	vld [tilespmem:s2+$0xA000]  }
0x1c2: {  	v3 =	vld [tilespmem:s2+$0xB000]  }
0x1c3: {  	v4 =	vld [tilespmem:s2+$0x8010]  }
0x1c4: {  	v5 =	vld [tilespmem:s2+$0x9010]  }
0x1c5: {  	v6 =	vld [tilespmem:s2+$0xA010]  }
0x1c6: {  	v7 =	vld [tilespmem:s2+$0xB010]  }
0x1c7: {  	v8 =	vld [tilespmem:s2+$0x8020]  }
0x1c8: {  	v9 =	vld [tilespmem:s2+$0x9020]  }
0x1c9: {  	v10 =	vld [tilespmem:s2+$0xA020]  }
0x1ca: {  	v11 =	vld [tilespmem:s2+$0xB020]  }
0x1cb: {  	v12 =	vld [tilespmem:s2+$0x8030]  }
0x1cc: {  	v13 =	vld [tilespmem:s2+$0x9030]  }
0x1cd: {  	v14 =	vld [tilespmem:s2+$0xA030]  }
0x1ce: {  	v15 =	vld [tilespmem:s2+$0xB030]  }
0x1cf: {  	v55 =	vld [tilespmem:s2+$0x12000];
	v0 =	vadd.f32 v1, v0;
	v54 =	vadd.f32 v3, v2  }
0x1d0: {  	v58 =	vld [tilespmem:s2+$0x12010];
	v56 =	vadd.f32 v5, v4;
	v57 =	vadd.f32 v7, v6  }
0x1d1: {  	v59 =	vld [tilespmem:s2+$0x12020];
	v62 =	vadd.f32 v9, v8;
	v63 =	vadd.f32 v11, v10  }
0x1d2: {  	v61 =	vld [tilespmem:s2+$0x12030];
	v13 =	vadd.f32 v13, v12;
	v0 =	vadd.f32 v54, v0  }
0x1d3: {  	v15 =	vadd.f32 v15, v14;
	v60 =	vadd.f32 v57, v56  }
0x1d4: {  	s9 =	sshll.u32 s0, $0xA;
	v16 =	vadd.f32 v63, v62;
	v0 =	vadd.f32 v0, v55  }
0x1d5: {  	s7 =	sshll.u32 s7, $0xA;
	s8 =	sand.u32 $0x3FFFE000, s9;
	v17 =	vadd.f32 v15, v13;
	v1 =	vadd.f32 v60, v58  }
0x1d6: {  	s7 =	sor.u32 s7, s8;
	v2 =	vadd.f32 v16, v59;
	v0 =	vmul.f32 $2.000000030e-01, v0  }
0x1d7: {  	s7 =	sadd.s32 $0x14000, s7;
	v3 =	vadd.f32 v17, v61;
	v1 =	vmul.f32 $2.000000030e-01, v1  }
0x1d8: {  	v18 =	vmul.f32 $2.000000030e-01, v2;
	[tilespmem:s7+$0x300] =	vst v0  }
0x1d9: {  	v19 =	vmul.f32 $2.000000030e-01, v3;
	[tilespmem:s7+$0x310] =	vst v1  }
0x1da: {  	[tilespmem:s7+$0x320] =	vst v18  }
0x1db: {  	[tilespmem:s7+$0x330] =	vst v19  }
0x1dc: {  	v0 =	vld [tilespmem:s2+$0x8040]  }
0x1dd: {  	v1 =	vld [tilespmem:s2+$0x9040]  }
0x1de: {  	v20 =	vld [tilespmem:s2+$0xA040]  }
0x1df: {  	v21 =	vld [tilespmem:s2+$0xB040]  }
0x1e0: {  	v22 =	vld [tilespmem:s2+$0x8050]  }
0x1e1: {  	v23 =	vld [tilespmem:s2+$0x9050]  }
0x1e2: {  	v24 =	vld [tilespmem:s2+$0xA050]  }
0x1e3: {  	v25 =	vld [tilespmem:s2+$0xB050]  }
0x1e4: {  	v26 =	vld [tilespmem:s2+$0x8060]  }
0x1e5: {  	v27 =	vld [tilespmem:s2+$0x9060]  }
0x1e6: {  	v28 =	vld [tilespmem:s2+$0xA060]  }
0x1e7: {  	v29 =	vld [tilespmem:s2+$0xB060]  }
0x1e8: {  	v30 =	vld [tilespmem:s2+$0x8070]  }
0x1e9: {  	v31 =	vld [tilespmem:s2+$0x9070]  }
0x1ea: {  	v32 =	vld [tilespmem:s2+$0xA070]  }
0x1eb: {  	v33 =	vld [tilespmem:s2+$0xB070]  }
0x1ec: {  	v35 =	vld [tilespmem:s2+$0x12040];
	v0 =	vadd.f32 v1, v0;
	v34 =	vadd.f32 v21, v20  }
0x1ed: {  	v38 =	vld [tilespmem:s2+$0x12050];
	v36 =	vadd.f32 v23, v22;
	v37 =	vadd.f32 v25, v24  }
0x1ee: {  	v39 =	vld [tilespmem:s2+$0x12060];
	v42 =	vadd.f32 v27, v26;
	v43 =	vadd.f32 v29, v28  }
0x1ef: {  	v41 =	vld [tilespmem:s2+$0x12070];
	v44 =	vadd.f32 v31, v30;
	v0 =	vadd.f32 v34, v0  }
0x1f0: {  	v45 =	vadd.f32 v33, v32;
	v40 =	vadd.f32 v37, v36  }
0x1f1: {  	v46 =	vadd.f32 v43, v42;
	v0 =	vadd.f32 v0, v35  }
0x1f2: {  	v47 =	vadd.f32 v45, v44;
	v1 =	vadd.f32 v40, v38  }
0x1f3: {  	v2 =	vadd.f32 v46, v39;
	v0 =	vmul.f32 $2.000000030e-01, v0  }
0x1f4: {  	v3 =	vadd.f32 v47, v41;
	v1 =	vmul.f32 $2.000000030e-01, v1  }
0x1f5: {  	v48 =	vmul.f32 $2.000000030e-01, v2;
	[tilespmem:s7+$0x340] =	vst v0  }
0x1f6: {  	v49 =	vmul.f32 $2.000000030e-01, v3;
	[tilespmem:s7+$0x350] =	vst v1  }
0x1f7: {  	[tilespmem:s7+$0x360] =	vst v48  }
0x1f8: {  	[tilespmem:s7+$0x370] =	vst v49  }
0x1f9: {  	v0 =	vld [tilespmem:s2+$0xC000]  }
0x1fa: {  	v1 =	vld [tilespmem:s2+$0xD000]  }
0x1fb: {  	v50 =	vld [tilespmem:s2+$0xE000]  }
0x1fc: {  	v51 =	vld [tilespmem:s2+$0xF000]  }
0x1fd: {  	v52 =	vld [tilespmem:s2+$0xC010]  }
0x1fe: {  	v53 =	vld [tilespmem:s2+$0xD010]  }
0x1ff: {  	v54 =	vld [tilespmem:s2+$0xE010]  }
0x200: {  	v55 =	vld [tilespmem:s2+$0xF010]  }
0x201: {  	v56 =	vld [tilespmem:s2+$0xC020]  }
0x202: {  	v57 =	vld [tilespmem:s2+$0xD020]  }
0x203: {  	v58 =	vld [tilespmem:s2+$0xE020]  }
0x204: {  	v59 =	vld [tilespmem:s2+$0xF020]  }
0x205: {  	v60 =	vld [tilespmem:s2+$0xC030]  }
0x206: {  	v61 =	vld [tilespmem:s2+$0xD030]  }
0x207: {  	v62 =	vld [tilespmem:s2+$0xE030]  }
0x208: {  	v63 =	vld [tilespmem:s2+$0xF030]  }
0x209: {  	v19 =	vld [tilespmem:s2+$0x13000];
	v0 =	vadd.f32 v1, v0;
	v18 =	vadd.f32 v51, v50  }
0x20a: {  	v22 =	vld [tilespmem:s2+$0x13010];
	v20 =	vadd.f32 v53, v52;
	v21 =	vadd.f32 v55, v54  }
0x20b: {  	v23 =	vld [tilespmem:s2+$0x13020];
	v26 =	vadd.f32 v57, v56;
	v27 =	vadd.f32 v59, v58  }
0x20c: {  	v25 =	vld [tilespmem:s2+$0x13030];
	v28 =	vadd.f32 v61, v60;
	v0 =	vadd.f32 v18, v0  }
0x20d: {  	v29 =	vadd.f32 v63, v62;
	v24 =	vadd.f32 v21, v20  }
0x20e: {  	v30 =	vadd.f32 v27, v26;
	v0 =	vadd.f32 v0, v19  }
0x20f: {  	v31 =	vadd.f32 v29, v28;
	v1 =	vadd.f32 v24, v22  }
0x210: {  	v2 =	vadd.f32 v30, v23;
	v0 =	vmul.f32 $2.000000030e-01, v0  }
0x211: {  	v3 =	vadd.f32 v31, v25;
	v1 =	vmul.f32 $2.000000030e-01, v1  }
0x212: {  	v32 =	vmul.f32 $2.000000030e-01, v2;
	[tilespmem:s7+$0x380] =	vst v0  }
0x213: {  	v33 =	vmul.f32 $2.000000030e-01, v3;
	[tilespmem:s7+$0x390] =	vst v1  }
0x214: {  	[tilespmem:s7+$0x3A0] =	vst v32  }
0x215: {  	[tilespmem:s7+$0x3B0] =	vst v33  }
0x216: {  	v0 =	vld [tilespmem:s2+$0xC040]  }
0x217: {  	v1 =	vld [tilespmem:s2+$0xD040]  }
0x218: {  	v34 =	vld [tilespmem:s2+$0xE040]  }
0x219: {  	v35 =	vld [tilespmem:s2+$0xF040]  }
0x21a: {  	v36 =	vld [tilespmem:s2+$0xC050]  }
0x21b: {  	v37 =	vld [tilespmem:s2+$0xD050]  }
0x21c: {  	v38 =	vld [tilespmem:s2+$0xE050]  }
0x21d: {  	v39 =	vld [tilespmem:s2+$0xF050]  }
0x21e: {  	v40 =	vld [tilespmem:s2+$0xC060]  }
0x21f: {  	v41 =	vld [tilespmem:s2+$0xD060]  }
0x220: {  	v42 =	vld [tilespmem:s2+$0xE060]  }
0x221: {  	v43 =	vld [tilespmem:s2+$0xF060]  }
0x222: {  	v44 =	vld [tilespmem:s2+$0xC070]  }
0x223: {  	v45 =	vld [tilespmem:s2+$0xD070]  }
0x224: {  	v46 =	vld [tilespmem:s2+$0xE070]  }
0x225: {  	v47 =	vld [tilespmem:s2+$0xF070]  }
0x226: {  	v49 =	vld [tilespmem:s2+$0x13040];
	v0 =	vadd.f32 v1, v0;
	v48 =	vadd.f32 v35, v34  }
0x227: {  	v52 =	vld [tilespmem:s2+$0x13050];
	v50 =	vadd.f32 v37, v36;
	v51 =	vadd.f32 v39, v38  }
0x228: {  	v53 =	vld [tilespmem:s2+$0x13060];
	v56 =	vadd.f32 v41, v40;
	v57 =	vadd.f32 v43, v42  }
0x229: {  	v55 =	vld [tilespmem:s2+$0x13070];
	v58 =	vadd.f32 v45, v44;
	v0 =	vadd.f32 v48, v0  }
0x22a: {  	v59 =	vadd.f32 v47, v46;
	v54 =	vadd.f32 v51, v50  }
0x22b: {  	v60 =	vadd.f32 v57, v56;
	v0 =	vadd.f32 v0, v49  }
0x22c: {  	v61 =	vadd.f32 v59, v58;
	v1 =	vadd.f32 v54, v52  }
0x22d: {  	p1 =	sne.s32 s0, $0x1F;
	v2 =	vadd.f32 v60, v53;
	v0 =	vmul.f32 $2.000000030e-01, v0  }
.Ltmp3:
0x22e: {  	v3 =	vadd.f32 v61, v55;
	v1 =	vmul.f32 $2.000000030e-01, v1;
	(pc) =	sbr.rel @p1 .LBB2_9-.Ltmp3, $4  }
0x22f: {  	v62 =	vmul.f32 $2.000000030e-01, v2;
	[tilespmem:s7+$0x3C0] =	vst v0  }
0x230: {  	v63 =	vmul.f32 $2.000000030e-01, v3;
	[tilespmem:s7+$0x3D0] =	vst v1  }
0x231: {  	[tilespmem:s7+$0x3E0] =	vst v62  }
0x232: {  	s0 =	sadd.s32 $0x1, s0;
	[tilespmem:s7+$0x3F0] =	vst v63  }
0x233: {  	s0 =	sadd.s32 @!p0 s31, s12  }
0x234: {  	s2 =	sshll.u32 @!p0 s0, $0xB  }
0x235: {  	s7 =	simm.s32 @!p0 $0x0;
	s0 =	sshll.u32 @!p0 s0, $0x9;
	s2 =	sand.u32 @!p0 $0x1FFFD000, s2  }
0x236: {  	s8 =	simm.s32 @!p0 $0x8000;
	s0 =	sand.u32 @!p0 $0x1FFFF400, s0;
	s2 =	sadd.s32 @!p0 s2, s6  }
0x237: {  	[tilespmem:s8], [sflag:$0x2] =	stream.linear.gather @!p0 [hbm4b:s2+s7], $0x8000, $0x38;
	[tilespmem:$0x1C000] =	vst v63  }
0x238: {  	s0 =	sadd.s32 @!p0 s1, s0;
	s2 =	simm.s32 @!p0 $0x12000  }
0x239: {  	[tilespmem:s2], [sflag:$0x2] =	stream.linear.gather @!p0 [hbm4b:s0+s7], $0x2000, $0x38;
	[tilespmem:$0x1C000] =	vst v63  }
0x23a: {  	s7 =	sshll.u32 s30, $0xA  }
0x23b: {  	s0 =	sadd.s32 s13, s7  }
0x23c: {  	s30 =	sadd.s32 $0x1, s30;
	s8 =	sadd.s32 s3, s0  }
0x23d: {  	[hbm4b:s8+s4] =	stream.linear.scatter [tilespmem:s23], [sflag:$0x3], $0x2000, $0x38;
	[tilespmem:$0x1C000] =	vst v63  }
0x23e: {  	p0 =	sne.s32 s30, $0x8;
	s9 =	sadd.s32 s0, s14  }
0x23f: {  	[hbm4b:s9+s4] =	stream.linear.scatter [tilespmem:s24], [sflag:$0x3], $0x2000, $0x38;
	[tilespmem:$0x1C000] =	vst v63  }
.Ltmp4:
0x240: {  	_ = 	snop;
	(pc) =	sbr.rel @p0 .LBB2_2-.Ltmp4, $4  }
0x241: {  	s31 =	sadd.s32 s0, s15  }
0x242: {  	[hbm4b:s31+s4] =	stream.linear.scatter [tilespmem:s25], [sflag:$0x3], $0x2000, $0x38;
	[tilespmem:$0x1C000] =	vst v63  }
0x243: {  	s0 =	sadd.s32 s0, s16  }
0x244: {  	[hbm4b:s0+s4] =	stream.linear.scatter [tilespmem:s26], [sflag:$0x3], $0x2000, $0x38;
	[tilespmem:$0x1C000] =	vst v63  }
0x245: {  	_ =	swait.ge [sflag:s28], $0x2000  }
0x246: {  	[sflag:s28] =	ssyncset.done $0x0  }
0x247: {  	[sflag:s28] =	ssyncadd.s32 $0xFFFFE000  }
0x248: {  	_ =	swait.ge [sflag:s28], $0x2000  }
0x249: {  	[sflag:s28] =	ssyncset.done $0x0  }
0x24a: {  	s29 =	sadd.s32 $0x1, s29;
	[sflag:s28] =	ssyncadd.s32 $0xFFFFE000  }
0x24b: {  	p0 =	sne.s32 s29, s17;
	_ =	swait.ge [sflag:s28], $0x2000  }
.Ltmp5:
0x24c: {  	[sflag:s28] =	ssyncset.done $0x0;
	(pc) =	sbr.rel @p0 .LBB2_1-.Ltmp5, $4  }
0x24d: {  	[sflag:s28] =	ssyncadd.s32 $0xFFFFE000  }
0x24e: {  	_ =	swait.ge [sflag:s28], $0x2000  }
0x24f: {  	[sflag:s28] =	ssyncset.done $0x0  }
0x250: {  	[sflag:s28] =	ssyncadd.s32 $0xFFFFE000  }
0x251: {  	_ =	sfence.sel $0x180000  }
0x252: {  	[bflag:$0x0] =	sbarrier.arrive $0xFFFF  }
0x253: {  	_ =	strace $0x90000047  }
0x254: {  	s0 =	stileid.u32;
	[bflag:$0x2] =	sbarrier.arrive $0xFFFF  }
0x255: {  	p0 =	sne.s32 s0, $0x0;
	s0 =	rddreg [dreg:$0x2]  }
0x256: {  	s0 =	sadd.s32 @!p0 $0x100000, s0  }
0x257: {  	[sflag:s0] =	ssyncadd.tile.s32 @!p0 $0x1;
	_ =	shalt  }
.Lfunc_end2:
_tile_overlayer_lowered:
.L_overlay_start_2:
0x258: {  	(tag) =	ssettag $0x2  }
0x259: {  	s0 =	rddreg [dreg:$0x0];
	s2 =	stileid.u32  }
0x25a: {  	s1 =	rddreg [dreg:$0x1];
	p0 =	sne.s32 s2, $0x0  }
0x25b: {  	s3 =	rddreg [dreg:$0x2];
	[bflag:$0x3] =	sbarrier.arrive $0xFFFF;
	s2 =	simm.s32 @!p0 $0x1C04  }
0x25c: {  	[timem:s3], [sflag:s2] =	dma.local @!p0 [hbm:s0], s1  }
0x25d: {  	s0 =	simm.s32 @!p0 $0x4  }
0x25e: {  	_ =	swait.ge @!p0 [sflag:s0], s1  }
0x25f: {  	s1 =	ssub.s32 @!p0 $0x0, s1;
	[sflag:s0] =	ssyncset.done @!p0 $0x0  }
0x260: {  	[sflag:s0] =	ssyncadd.s32 @!p0 s1  }
0x261: {  	[bflag:$0x3] =	sbarrier.arrive $0xFFFF  }
0x262: {  	_ =	shalt  }

</sc_bundles>
